<compile_context>
chip_gen: v7x
topology: tpu7x:2x2x1
jax: 0.10.2.dev20260603
libtpu: 0.0.44.dev20260713+nightly
codegen_flags: <defaults>
</compile_context>

<pallas_src>
import functools

import jax
import jax.numpy as jnp
from jax import lax
from jax.experimental import pallas as pl
from jax.experimental.pallas import tpu as pltpu
from jax.experimental.pallas import tpu_sc as plsc

LANES = 16
NC = 2
NS = 16
CHUNK = 32


def _bitrev4(x):
    return ((x & 1) << 3) | ((x & 2) << 1) | ((x & 4) >> 1) | ((x & 8) >> 3)


def _shuffle(a, idx):
    return lax.gather(
        a, idx[:, None],
        lax.GatherDimensionNumbers(
            offset_dims=(), collapsed_slice_dims=(0,), start_index_map=(0,)),
        slice_sizes=(1,),
        mode=lax.GatherScatterMode.PROMISE_IN_BOUNDS)


@functools.lru_cache(maxsize=None)
def _make_sc_kernel(B, V, D):
    NW = NC * NS
    bw = B // NW
    n_groups = bw // LANES
    n_chunks = bw // CHUNK
    groups_per_chunk = CHUNK // LANES

    mesh = plsc.VectorSubcoreMesh(core_axis_name="c", subcore_axis_name="s")

    @functools.partial(
        pl.kernel,
        mesh=mesh,
        out_type=jax.ShapeDtypeStruct((B,), jnp.float32),
        compiler_params=pltpu.CompilerParams(
            needs_layout_passes=False, use_tc_tiling_on_sc=True),
        scratch_types=[
            pltpu.VMEM((2 * bw,), jnp.int32),
            pltpu.VMEM((bw,), jnp.int32),
            pltpu.VMEM((bw,), jnp.int32),
            pltpu.VMEM((CHUNK, 32), jnp.float32),
            pltpu.VMEM((CHUNK, 32), jnp.float32),
            pltpu.VMEM((bw,), jnp.float32),
            pltpu.SemaphoreType.DMA,
        ],
    )
    def sc_kernel(data_hbm, uf_hbm, mf_hbm, out_hbm,
                  data_v, uidx_v, midx_v, urows_v, mrows_v, out_v, sem):
        wid = lax.axis_index("s") * NC + lax.axis_index("c")
        base = wid * bw

        pltpu.sync_copy(data_hbm.at[pl.ds(2 * base, 2 * bw)], data_v)

        iota = lax.iota(jnp.int32, LANES)
        iota2 = iota * 2
        for j in range(n_groups):
            u = plsc.load_gather(data_v, [iota2 + (2 * j * LANES)])
            m = plsc.load_gather(data_v, [iota2 + (2 * j * LANES + 1)])
            dst = pl.ds(j * LANES, LANES)
            uidx_v[dst] = u
            midx_v[dst] = m

        def chunk_body(c, carry):
            off = c * CHUNK
            copies = []
            for g in range(groups_per_chunk):
                uvec = uidx_v[pl.ds(off + g * LANES, LANES)]
                mvec = midx_v[pl.ds(off + g * LANES, LANES)]
                for t in range(LANES):
                    slot = g * LANES + t
                    copies.append(pltpu.async_copy(
                        uf_hbm.at[uvec[t]], urows_v.at[slot], sem))
                    copies.append(pltpu.async_copy(
                        mf_hbm.at[mvec[t]], mrows_v.at[slot], sem))
            for cp in copies:
                cp.wait()
            for g in range(groups_per_chunk):
                prods = [None] * LANES
                for t in range(LANES):
                    slot = g * LANES + t
                    p0 = (urows_v[slot, pl.ds(0, LANES)]
                          * mrows_v[slot, pl.ds(0, LANES)])
                    p1 = (urows_v[slot, pl.ds(LANES, LANES)]
                          * mrows_v[slot, pl.ds(LANES, LANES)])
                    prods[_bitrev4(t)] = p0 + p1
                k = LANES
                while len(prods) > 1:
                    k //= 2
                    kvec = jnp.full((LANES,), k, jnp.int32)
                    idx = lax.bitwise_xor(iota, kvec)
                    sel = lax.bitwise_and(iota, kvec) == jnp.zeros(
                        (LANES,), jnp.int32)
                    merged = []
                    for i in range(len(prods) // 2):
                        a = prods[2 * i]
                        b = prods[2 * i + 1]
                        a2 = a + _shuffle(a, idx)
                        b2 = b + _shuffle(b, idx)
                        merged.append(jnp.where(sel, a2, b2))
                    prods = merged
                out_v[pl.ds(off + g * LANES, LANES)] = prods[0]
            return carry

        lax.fori_loop(0, n_chunks, chunk_body, 0)
        pltpu.sync_copy(out_v, out_hbm.at[pl.ds(base, bw)])

    return sc_kernel


def kernel(data, user_factors, movie_factors):
    data_flat = data.astype(jnp.int32).reshape(-1)
    B = data.shape[0]
    V, D = user_factors.shape
    return _make_sc_kernel(B, V, D)(data_flat, user_factors, movie_factors)

# --- scband reference (transcript-rebuilt; emitter-appended) ---
"""Pipeline reference for scband-matrix-factorization-37271726194927 (READ-ONLY COPY).

The authoritative reference and input builder live on the scoring server;
editing this copy changes nothing except your own understanding.
"""

import jax, jax.numpy as jnp
import numpy as np

N_USERS = 1000000
N_MOVIES = 1000000
N_FACTORS = 32
BATCH = 16384

def setup_inputs(seed: int = 0) -> dict:
    key = jax.random.key(seed)
    k1, k2, k3 = jax.random.split(key, 3)
    data = jax.random.randint(k1, (BATCH, 2), 0, N_USERS, dtype=jnp.int64) if jax.config.jax_enable_x64 else jax.random.randint(k1, (BATCH, 2), 0, N_USERS).astype(jnp.int32)
    user_factors = jax.random.normal(k2, (N_USERS, N_FACTORS), dtype=jnp.float32)
    movie_factors = jax.random.normal(k3, (N_MOVIES, N_FACTORS), dtype=jnp.float32)
    return {"data": data, "user_factors": user_factors, "movie_factors": movie_factors}

def reference(data, user_factors, movie_factors):
    user = data[:, 0]
    movie = data[:, 1]
    u = jnp.take(user_factors, user, axis=0)
    m = jnp.take(movie_factors, movie, axis=0)
    return (u * m).sum(1)

if __name__ == "__main__":
    import jax
    _d = setup_inputs()
    print(jax.jit(kernel)(*tuple(_d.values())))

</pallas_src>

<mosaic_0001>
#map = affine_map<(d0, d1) -> (0)>
#map1 = affine_map<(d0, d1) -> (0, 0)>
module attributes {stable_mosaic.version = 14 : i64} {
  func.func @sc_kernel(%arg0: i32, %arg1: i32, %arg2: memref<32768xi32, #tpu.memory_space<hbm>>, %arg3: memref<1000000x32xf32, #tpu.memory_space<hbm>>, %arg4: memref<1000000x32xf32, #tpu.memory_space<hbm>>, %arg5: memref<16384xf32, #tpu.memory_space<hbm>>, %arg6: memref<1024xi32, #tpu.memory_space<vmem>>, %arg7: memref<512xi32, #tpu.memory_space<vmem>>, %arg8: memref<512xi32, #tpu.memory_space<vmem>>, %arg9: memref<32x32xf32, #tpu.memory_space<vmem>>, %arg10: memref<32x32xf32, #tpu.memory_space<vmem>>, %arg11: memref<512xf32, #tpu.memory_space<vmem>>, %arg12: memref<!tpu.dma_semaphore, #tpu.memory_space<semaphore_mem>>) attributes {dimension_semantics = [#tpu.dimension_semantics<core_parallel>, #tpu.dimension_semantics<subcore_parallel>], iteration_bounds = array<i64: 2, 16>, scalar_prefetch = 0 : i64, scratch_operands = 7 : i64, tpu.core_type = #tpu.core_type<sc_vector_subcore>, window_params = [{transform_indices = #map}, {transform_indices = #map1}, {transform_indices = #map1}, {transform_indices = #map}]} {
    %mul3A = arith.constant 2 : i32
    %mul3A_0 = arith.muli %arg1, %mul3A : i32
    %add3A = arith.addi %mul3A_0, %arg0 : i32
    %mul3A_1 = arith.constant 512 : i32
    %mul3A_2 = arith.muli %add3A, %mul3A_1 : i32
    %mul3A_3 = arith.constant 2 : i32
    %mul3A_4 = arith.muli %mul3A_3, %mul3A_2 : i32
    "tpu.region"() ({
      %run_scoped3A = tpu.sem_alloc : memref<!tpu.dma_semaphore, #tpu.memory_space<semaphore_mem>>
      %dma_start3A = tpu.memref_slice %arg2[%mul3A_4] : memref<32768xi32, #tpu.memory_space<hbm>> -> memref<1024xi32, #tpu.memory_space<hbm>>
      %dma_start3A_395 = tpu.memref_slice %arg2[%mul3A_4] : memref<32768xi32, #tpu.memory_space<hbm>> -> memref<1024xi32, #tpu.memory_space<hbm>>
      tpu.enqueue_dma source(%dma_start3A_395 : memref<1024xi32, #tpu.memory_space<hbm>>) target(%arg6 : memref<1024xi32, #tpu.memory_space<vmem>>) target_semaphore(%run_scoped3A : memref<!tpu.dma_semaphore, #tpu.memory_space<semaphore_mem>>)
      %dma_wait3A = tpu.memref_slice %arg2[%mul3A_4] : memref<32768xi32, #tpu.memory_space<hbm>> -> memref<1024xi32, #tpu.memory_space<hbm>>
      %dma_wait3A_396 = tpu.memref_slice %arg2[%mul3A_4] : memref<32768xi32, #tpu.memory_space<hbm>> -> memref<1024xi32, #tpu.memory_space<hbm>>
      tpu.wait_dma2 semaphore(%run_scoped3A : memref<!tpu.dma_semaphore, #tpu.memory_space<semaphore_mem>>) src(%dma_wait3A_396 : memref<1024xi32, #tpu.memory_space<hbm>>) dst(%arg6 : memref<1024xi32, #tpu.memory_space<vmem>>)
      tpu.yield
    }) : () -> ()
    %iota3A = tpu.iota {dimensions = array<i32: 0>} : vector<16xi32>
    %mul3A_5 = arith.constant 2 : i32
    %mul3A_6 = vector.broadcast %mul3A_5 : i32 to vector<16xi32>
    %mul3A_7 = arith.muli %iota3A, %mul3A_6 : vector<16xi32>
    %add3A_8 = arith.constant 0 : i32
    %add3A_9 = vector.broadcast %add3A_8 : i32 to vector<16xi32>
    %add3A_10 = arith.addi %mul3A_7, %add3A_9 : vector<16xi32>
    %gather3A = tpu.vector_load_idx %arg6[%add3A_10] : memref<1024xi32, #tpu.memory_space<vmem>>[vector<16xi32>], vector<16xi32>,
    %add3A_11 = arith.constant 1 : i32
    %add3A_12 = vector.broadcast %add3A_11 : i32 to vector<16xi32>
    %add3A_13 = arith.addi %mul3A_7, %add3A_12 : vector<16xi32>
    %gather3A_14 = tpu.vector_load_idx %arg6[%add3A_13] : memref<1024xi32, #tpu.memory_space<vmem>>[vector<16xi32>], vector<16xi32>,
    %swap3A = arith.constant 0 : index
    %swap3A_15 = tpu.vector_load %arg7[%swap3A] {strides = array<i32>} : memref<512xi32, #tpu.memory_space<vmem>>, vector<16xi32>,
    tpu.vector_store %arg7[%swap3A], %gather3A {strides = array<i32>} : memref<512xi32, #tpu.memory_space<vmem>>, vector<16xi32>,
    %swap3A_16 = arith.constant 0 : index
    %swap3A_17 = tpu.vector_load %arg8[%swap3A_16] {strides = array<i32>} : memref<512xi32, #tpu.memory_space<vmem>>, vector<16xi32>,
    tpu.vector_store %arg8[%swap3A_16], %gather3A_14 {strides = array<i32>} : memref<512xi32, #tpu.memory_space<vmem>>, vector<16xi32>,
    %add3A_18 = arith.constant 32 : i32
    %add3A_19 = vector.broadcast %add3A_18 : i32 to vector<16xi32>
    %add3A_20 = arith.addi %mul3A_7, %add3A_19 : vector<16xi32>
    %gather3A_21 = tpu.vector_load_idx %arg6[%add3A_20] : memref<1024xi32, #tpu.memory_space<vmem>>[vector<16xi32>], vector<16xi32>,
    %add3A_22 = arith.constant 33 : i32
    %add3A_23 = vector.broadcast %add3A_22 : i32 to vector<16xi32>
    %add3A_24 = arith.addi %mul3A_7, %add3A_23 : vector<16xi32>
    %gather3A_25 = tpu.vector_load_idx %arg6[%add3A_24] : memref<1024xi32, #tpu.memory_space<vmem>>[vector<16xi32>], vector<16xi32>,
    %swap3A_26 = arith.constant 16 : index
    %swap3A_27 = tpu.vector_load %arg7[%swap3A_26] {strides = array<i32>} : memref<512xi32, #tpu.memory_space<vmem>>, vector<16xi32>,
    tpu.vector_store %arg7[%swap3A_26], %gather3A_21 {strides = array<i32>} : memref<512xi32, #tpu.memory_space<vmem>>, vector<16xi32>,
    %swap3A_28 = arith.constant 16 : index
    %swap3A_29 = tpu.vector_load %arg8[%swap3A_28] {strides = array<i32>} : memref<512xi32, #tpu.memory_space<vmem>>, vector<16xi32>,
    tpu.vector_store %arg8[%swap3A_28], %gather3A_25 {strides = array<i32>} : memref<512xi32, #tpu.memory_space<vmem>>, vector<16xi32>,
    %add3A_30 = arith.constant 64 : i32
    %add3A_31 = vector.broadcast %add3A_30 : i32 to vector<16xi32>
    %add3A_32 = arith.addi %mul3A_7, %add3A_31 : vector<16xi32>
    %gather3A_33 = tpu.vector_load_idx %arg6[%add3A_32] : memref<1024xi32, #tpu.memory_space<vmem>>[vector<16xi32>], vector<16xi32>,
    %add3A_34 = arith.constant 65 : i32
    %add3A_35 = vector.broadcast %add3A_34 : i32 to vector<16xi32>
    %add3A_36 = arith.addi %mul3A_7, %add3A_35 : vector<16xi32>
    %gather3A_37 = tpu.vector_load_idx %arg6[%add3A_36] : memref<1024xi32, #tpu.memory_space<vmem>>[vector<16xi32>], vector<16xi32>,
    %swap3A_38 = arith.constant 32 : index
    %swap3A_39 = tpu.vector_load %arg7[%swap3A_38] {strides = array<i32>} : memref<512xi32, #tpu.memory_space<vmem>>, vector<16xi32>,
    tpu.vector_store %arg7[%swap3A_38], %gather3A_33 {strides = array<i32>} : memref<512xi32, #tpu.memory_space<vmem>>, vector<16xi32>,
    %swap3A_40 = arith.constant 32 : index
    %swap3A_41 = tpu.vector_load %arg8[%swap3A_40] {strides = array<i32>} : memref<512xi32, #tpu.memory_space<vmem>>, vector<16xi32>,
    tpu.vector_store %arg8[%swap3A_40], %gather3A_37 {strides = array<i32>} : memref<512xi32, #tpu.memory_space<vmem>>, vector<16xi32>,
    %add3A_42 = arith.constant 96 : i32
    %add3A_43 = vector.broadcast %add3A_42 : i32 to vector<16xi32>
    %add3A_44 = arith.addi %mul3A_7, %add3A_43 : vector<16xi32>
    %gather3A_45 = tpu.vector_load_idx %arg6[%add3A_44] : memref<1024xi32, #tpu.memory_space<vmem>>[vector<16xi32>], vector<16xi32>,
    %add3A_46 = arith.constant 97 : i32
    %add3A_47 = vector.broadcast %add3A_46 : i32 to vector<16xi32>
    %add3A_48 = arith.addi %mul3A_7, %add3A_47 : vector<16xi32>
    %gather3A_49 = tpu.vector_load_idx %arg6[%add3A_48] : memref<1024xi32, #tpu.memory_space<vmem>>[vector<16xi32>], vector<16xi32>,
    %swap3A_50 = arith.constant 48 : index
    %swap3A_51 = tpu.vector_load %arg7[%swap3A_50] {strides = array<i32>} : memref<512xi32, #tpu.memory_space<vmem>>, vector<16xi32>,
    tpu.vector_store %arg7[%swap3A_50], %gather3A_45 {strides = array<i32>} : memref<512xi32, #tpu.memory_space<vmem>>, vector<16xi32>,
    %swap3A_52 = arith.constant 48 : index
    %swap3A_53 = tpu.vector_load %arg8[%swap3A_52] {strides = array<i32>} : memref<512xi32, #tpu.memory_space<vmem>>, vector<16xi32>,
    tpu.vector_store %arg8[%swap3A_52], %gather3A_49 {strides = array<i32>} : memref<512xi32, #tpu.memory_space<vmem>>, vector<16xi32>,
    %add3A_54 = arith.constant 128 : i32
    %add3A_55 = vector.broadcast %add3A_54 : i32 to vector<16xi32>
    %add3A_56 = arith.addi %mul3A_7, %add3A_55 : vector<16xi32>
    %gather3A_57 = tpu.vector_load_idx %arg6[%add3A_56] : memref<1024xi32, #tpu.memory_space<vmem>>[vector<16xi32>], vector<16xi32>,
    %add3A_58 = arith.constant 129 : i32
    %add3A_59 = vector.broadcast %add3A_58 : i32 to vector<16xi32>
    %add3A_60 = arith.addi %mul3A_7, %add3A_59 : vector<16xi32>
    %gather3A_61 = tpu.vector_load_idx %arg6[%add3A_60] : memref<1024xi32, #tpu.memory_space<vmem>>[vector<16xi32>], vector<16xi32>,
    %swap3A_62 = arith.constant 64 : index
    %swap3A_63 = tpu.vector_load %arg7[%swap3A_62] {strides = array<i32>} : memref<512xi32, #tpu.memory_space<vmem>>, vector<16xi32>,
    tpu.vector_store %arg7[%swap3A_62], %gather3A_57 {strides = array<i32>} : memref<512xi32, #tpu.memory_space<vmem>>, vector<16xi32>,
    %swap3A_64 = arith.constant 64 : index
    %swap3A_65 = tpu.vector_load %arg8[%swap3A_64] {strides = array<i32>} : memref<512xi32, #tpu.memory_space<vmem>>, vector<16xi32>,
    tpu.vector_store %arg8[%swap3A_64], %gather3A_61 {strides = array<i32>} : memref<512xi32, #tpu.memory_space<vmem>>, vector<16xi32>,
    %add3A_66 = arith.constant 160 : i32
    %add3A_67 = vector.broadcast %add3A_66 : i32 to vector<16xi32>
    %add3A_68 = arith.addi %mul3A_7, %add3A_67 : vector<16xi32>
    %gather3A_69 = tpu.vector_load_idx %arg6[%add3A_68] : memref<1024xi32, #tpu.memory_space<vmem>>[vector<16xi32>], vector<16xi32>,
    %add3A_70 = arith.constant 161 : i32
    %add3A_71 = vector.broadcast %add3A_70 : i32 to vector<16xi32>
    %add3A_72 = arith.addi %mul3A_7, %add3A_71 : vector<16xi32>
    %gather3A_73 = tpu.vector_load_idx %arg6[%add3A_72] : memref<1024xi32, #tpu.memory_space<vmem>>[vector<16xi32>], vector<16xi32>,
    %swap3A_74 = arith.constant 80 : index
    %swap3A_75 = tpu.vector_load %arg7[%swap3A_74] {strides = array<i32>} : memref<512xi32, #tpu.memory_space<vmem>>, vector<16xi32>,
    tpu.vector_store %arg7[%swap3A_74], %gather3A_69 {strides = array<i32>} : memref<512xi32, #tpu.memory_space<vmem>>, vector<16xi32>,
    %swap3A_76 = arith.constant 80 : index
    %swap3A_77 = tpu.vector_load %arg8[%swap3A_76] {strides = array<i32>} : memref<512xi32, #tpu.memory_space<vmem>>, vector<16xi32>,
    tpu.vector_store %arg8[%swap3A_76], %gather3A_73 {strides = array<i32>} : memref<512xi32, #tpu.memory_space<vmem>>, vector<16xi32>,
    %add3A_78 = arith.constant 192 : i32
    %add3A_79 = vector.broadcast %add3A_78 : i32 to vector<16xi32>
    %add3A_80 = arith.addi %mul3A_7, %add3A_79 : vector<16xi32>
    %gather3A_81 = tpu.vector_load_idx %arg6[%add3A_80] : memref<1024xi32, #tpu.memory_space<vmem>>[vector<16xi32>], vector<16xi32>,
    %add3A_82 = arith.constant 193 : i32
    %add3A_83 = vector.broadcast %add3A_82 : i32 to vector<16xi32>
    %add3A_84 = arith.addi %mul3A_7, %add3A_83 : vector<16xi32>
    %gather3A_85 = tpu.vector_load_idx %arg6[%add3A_84] : memref<1024xi32, #tpu.memory_space<vmem>>[vector<16xi32>], vector<16xi32>,
    %swap3A_86 = arith.constant 96 : index
    %swap3A_87 = tpu.vector_load %arg7[%swap3A_86] {strides = array<i32>} : memref<512xi32, #tpu.memory_space<vmem>>, vector<16xi32>,
    tpu.vector_store %arg7[%swap3A_86], %gather3A_81 {strides = array<i32>} : memref<512xi32, #tpu.memory_space<vmem>>, vector<16xi32>,
    %swap3A_88 = arith.constant 96 : index
    %swap3A_89 = tpu.vector_load %arg8[%swap3A_88] {strides = array<i32>} : memref<512xi32, #tpu.memory_space<vmem>>, vector<16xi32>,
    tpu.vector_store %arg8[%swap3A_88], %gather3A_85 {strides = array<i32>} : memref<512xi32, #tpu.memory_space<vmem>>, vector<16xi32>,
    %add3A_90 = arith.constant 224 : i32
    %add3A_91 = vector.broadcast %add3A_90 : i32 to vector<16xi32>
    %add3A_92 = arith.addi %mul3A_7, %add3A_91 : vector<16xi32>
    %gather3A_93 = tpu.vector_load_idx %arg6[%add3A_92] : memref<1024xi32, #tpu.memory_space<vmem>>[vector<16xi32>], vector<16xi32>,
    %add3A_94 = arith.constant 225 : i32
    %add3A_95 = vector.broadcast %add3A_94 : i32 to vector<16xi32>
    %add3A_96 = arith.addi %mul3A_7, %add3A_95 : vector<16xi32>
    %gather3A_97 = tpu.vector_load_idx %arg6[%add3A_96] : memref<1024xi32, #tpu.memory_space<vmem>>[vector<16xi32>], vector<16xi32>,
    %swap3A_98 = arith.constant 112 : index
    %swap3A_99 = tpu.vector_load %arg7[%swap3A_98] {strides = array<i32>} : memref<512xi32, #tpu.memory_space<vmem>>, vector<16xi32>,
    tpu.vector_store %arg7[%swap3A_98], %gather3A_93 {strides = array<i32>} : memref<512xi32, #tpu.memory_space<vmem>>, vector<16xi32>,
    %swap3A_100 = arith.constant 112 : index
    %swap3A_101 = tpu.vector_load %arg8[%swap3A_100] {strides = array<i32>} : memref<512xi32, #tpu.memory_space<vmem>>, vector<16xi32>,
    tpu.vector_store %arg8[%swap3A_100], %gather3A_97 {strides = array<i32>} : memref<512xi32, #tpu.memory_space<vmem>>, vector<16xi32>,
    %add3A_102 = arith.constant 256 : i32
    %add3A_103 = vector.broadcast %add3A_102 : i32 to vector<16xi32>
    %add3A_104 = arith.addi %mul3A_7, %add3A_103 : vector<16xi32>
    %gather3A_105 = tpu.vector_load_idx %arg6[%add3A_104] : memref<1024xi32, #tpu.memory_space<vmem>>[vector<16xi32>], vector<16xi32>,
    %add3A_106 = arith.constant 257 : i32
    %add3A_107 = vector.broadcast %add3A_106 : i32 to vector<16xi32>
    %add3A_108 = arith.addi %mul3A_7, %add3A_107 : vector<16xi32>
    %gather3A_109 = tpu.vector_load_idx %arg6[%add3A_108] : memref<1024xi32, #tpu.memory_space<vmem>>[vector<16xi32>], vector<16xi32>,
    %swap3A_110 = arith.constant 128 : index
    %swap3A_111 = tpu.vector_load %arg7[%swap3A_110] {strides = array<i32>} : memref<512xi32, #tpu.memory_space<vmem>>, vector<16xi32>,
    tpu.vector_store %arg7[%swap3A_110], %gather3A_105 {strides = array<i32>} : memref<512xi32, #tpu.memory_space<vmem>>, vector<16xi32>,
    %swap3A_112 = arith.constant 128 : index
    %swap3A_113 = tpu.vector_load %arg8[%swap3A_112] {strides = array<i32>} : memref<512xi32, #tpu.memory_space<vmem>>, vector<16xi32>,
    tpu.vector_store %arg8[%swap3A_112], %gather3A_109 {strides = array<i32>} : memref<512xi32, #tpu.memory_space<vmem>>, vector<16xi32>,
    %add3A_114 = arith.constant 288 : i32
    %add3A_115 = vector.broadcast %add3A_114 : i32 to vector<16xi32>
    %add3A_116 = arith.addi %mul3A_7, %add3A_115 : vector<16xi32>
    %gather3A_117 = tpu.vector_load_idx %arg6[%add3A_116] : memref<1024xi32, #tpu.memory_space<vmem>>[vector<16xi32>], vector<16xi32>,
    %add3A_118 = arith.constant 289 : i32
    %add3A_119 = vector.broadcast %add3A_118 : i32 to vector<16xi32>
    %add3A_120 = arith.addi %mul3A_7, %add3A_119 : vector<16xi32>
    %gather3A_121 = tpu.vector_load_idx %arg6[%add3A_120] : memref<1024xi32, #tpu.memory_space<vmem>>[vector<16xi32>], vector<16xi32>,
    %swap3A_122 = arith.constant 144 : index
    %swap3A_123 = tpu.vector_load %arg7[%swap3A_122] {strides = array<i32>} : memref<512xi32, #tpu.memory_space<vmem>>, vector<16xi32>,
    tpu.vector_store %arg7[%swap3A_122], %gather3A_117 {strides = array<i32>} : memref<512xi32, #tpu.memory_space<vmem>>, vector<16xi32>,
    %swap3A_124 = arith.constant 144 : index
    %swap3A_125 = tpu.vector_load %arg8[%swap3A_124] {strides = array<i32>} : memref<512xi32, #tpu.memory_space<vmem>>, vector<16xi32>,
    tpu.vector_store %arg8[%swap3A_124], %gather3A_121 {strides = array<i32>} : memref<512xi32, #tpu.memory_space<vmem>>, vector<16xi32>,
    %add3A_126 = arith.constant 320 : i32
    %add3A_127 = vector.broadcast %add3A_126 : i32 to vector<16xi32>
    %add3A_128 = arith.addi %mul3A_7, %add3A_127 : vector<16xi32>
    %gather3A_129 = tpu.vector_load_idx %arg6[%add3A_128] : memref<1024xi32, #tpu.memory_space<vmem>>[vector<16xi32>], vector<16xi32>,
    %add3A_130 = arith.constant 321 : i32
    %add3A_131 = vector.broadcast %add3A_130 : i32 to vector<16xi32>
    %add3A_132 = arith.addi %mul3A_7, %add3A_131 : vector<16xi32>
    %gather3A_133 = tpu.vector_load_idx %arg6[%add3A_132] : memref<1024xi32, #tpu.memory_space<vmem>>[vector<16xi32>], vector<16xi32>,
    %swap3A_134 = arith.constant 160 : index
    %swap3A_135 = tpu.vector_load %arg7[%swap3A_134] {strides = array<i32>} : memref<512xi32, #tpu.memory_space<vmem>>, vector<16xi32>,
    tpu.vector_store %arg7[%swap3A_134], %gather3A_129 {strides = array<i32>} : memref<512xi32, #tpu.memory_space<vmem>>, vector<16xi32>,
    %swap3A_136 = arith.constant 160 : index
    %swap3A_137 = tpu.vector_load %arg8[%swap3A_136] {strides = array<i32>} : memref<512xi32, #tpu.memory_space<vmem>>, vector<16xi32>,
    tpu.vector_store %arg8[%swap3A_136], %gather3A_133 {strides = array<i32>} : memref<512xi32, #tpu.memory_space<vmem>>, vector<16xi32>,
    %add3A_138 = arith.constant 352 : i32
    %add3A_139 = vector.broadcast %add3A_138 : i32 to vector<16xi32>
    %add3A_140 = arith.addi %mul3A_7, %add3A_139 : vector<16xi32>
    %gather3A_141 = tpu.vector_load_idx %arg6[%add3A_140] : memref<1024xi32, #tpu.memory_space<vmem>>[vector<16xi32>], vector<16xi32>,
    %add3A_142 = arith.constant 353 : i32
    %add3A_143 = vector.broadcast %add3A_142 : i32 to vector<16xi32>
    %add3A_144 = arith.addi %mul3A_7, %add3A_143 : vector<16xi32>
    %gather3A_145 = tpu.vector_load_idx %arg6[%add3A_144] : memref<1024xi32, #tpu.memory_space<vmem>>[vector<16xi32>], vector<16xi32>,
    %swap3A_146 = arith.constant 176 : index
    %swap3A_147 = tpu.vector_load %arg7[%swap3A_146] {strides = array<i32>} : memref<512xi32, #tpu.memory_space<vmem>>, vector<16xi32>,
    tpu.vector_store %arg7[%swap3A_146], %gather3A_141 {strides = array<i32>} : memref<512xi32, #tpu.memory_space<vmem>>, vector<16xi32>,
    %swap3A_148 = arith.constant 176 : index
    %swap3A_149 = tpu.vector_load %arg8[%swap3A_148] {strides = array<i32>} : memref<512xi32, #tpu.memory_space<vmem>>, vector<16xi32>,
    tpu.vector_store %arg8[%swap3A_148], %gather3A_145 {strides = array<i32>} : memref<512xi32, #tpu.memory_space<vmem>>, vector<16xi32>,
    %add3A_150 = arith.constant 384 : i32
    %add3A_151 = vector.broadcast %add3A_150 : i32 to vector<16xi32>
    %add3A_152 = arith.addi %mul3A_7, %add3A_151 : vector<16xi32>
    %gather3A_153 = tpu.vector_load_idx %arg6[%add3A_152] : memref<1024xi32, #tpu.memory_space<vmem>>[vector<16xi32>], vector<16xi32>,
    %add3A_154 = arith.constant 385 : i32
    %add3A_155 = vector.broadcast %add3A_154 : i32 to vector<16xi32>
    %add3A_156 = arith.addi %mul3A_7, %add3A_155 : vector<16xi32>
    %gather3A_157 = tpu.vector_load_idx %arg6[%add3A_156] : memref<1024xi32, #tpu.memory_space<vmem>>[vector<16xi32>], vector<16xi32>,
    %swap3A_158 = arith.constant 192 : index
    %swap3A_159 = tpu.vector_load %arg7[%swap3A_158] {strides = array<i32>} : memref<512xi32, #tpu.memory_space<vmem>>, vector<16xi32>,
    tpu.vector_store %arg7[%swap3A_158], %gather3A_153 {strides = array<i32>} : memref<512xi32, #tpu.memory_space<vmem>>, vector<16xi32>,
    %swap3A_160 = arith.constant 192 : index
    %swap3A_161 = tpu.vector_load %arg8[%swap3A_160] {strides = array<i32>} : memref<512xi32, #tpu.memory_space<vmem>>, vector<16xi32>,
    tpu.vector_store %arg8[%swap3A_160], %gather3A_157 {strides = array<i32>} : memref<512xi32, #tpu.memory_space<vmem>>, vector<16xi32>,
    %add3A_162 = arith.constant 416 : i32
    %add3A_163 = vector.broadcast %add3A_162 : i32 to vector<16xi32>
    %add3A_164 = arith.addi %mul3A_7, %add3A_163 : vector<16xi32>
    %gather3A_165 = tpu.vector_load_idx %arg6[%add3A_164] : memref<1024xi32, #tpu.memory_space<vmem>>[vector<16xi32>], vector<16xi32>,
    %add3A_166 = arith.constant 417 : i32
    %add3A_167 = vector.broadcast %add3A_166 : i32 to vector<16xi32>
    %add3A_168 = arith.addi %mul3A_7, %add3A_167 : vector<16xi32>
    %gather3A_169 = tpu.vector_load_idx %arg6[%add3A_168] : memref<1024xi32, #tpu.memory_space<vmem>>[vector<16xi32>], vector<16xi32>,
    %swap3A_170 = arith.constant 208 : index
    %swap3A_171 = tpu.vector_load %arg7[%swap3A_170] {strides = array<i32>} : memref<512xi32, #tpu.memory_space<vmem>>, vector<16xi32>,
    tpu.vector_store %arg7[%swap3A_170], %gather3A_165 {strides = array<i32>} : memref<512xi32, #tpu.memory_space<vmem>>, vector<16xi32>,
    %swap3A_172 = arith.constant 208 : index
    %swap3A_173 = tpu.vector_load %arg8[%swap3A_172] {strides = array<i32>} : memref<512xi32, #tpu.memory_space<vmem>>, vector<16xi32>,
    tpu.vector_store %arg8[%swap3A_172], %gather3A_169 {strides = array<i32>} : memref<512xi32, #tpu.memory_space<vmem>>, vector<16xi32>,
    %add3A_174 = arith.constant 448 : i32
    %add3A_175 = vector.broadcast %add3A_174 : i32 to vector<16xi32>
    %add3A_176 = arith.addi %mul3A_7, %add3A_175 : vector<16xi32>
    %gather3A_177 = tpu.vector_load_idx %arg6[%add3A_176] : memref<1024xi32, #tpu.memory_space<vmem>>[vector<16xi32>], vector<16xi32>,
    %add3A_178 = arith.constant 449 : i32
    %add3A_179 = vector.broadcast %add3A_178 : i32 to vector<16xi32>
    %add3A_180 = arith.addi %mul3A_7, %add3A_179 : vector<16xi32>
    %gather3A_181 = tpu.vector_load_idx %arg6[%add3A_180] : memref<1024xi32, #tpu.memory_space<vmem>>[vector<16xi32>], vector<16xi32>,
    %swap3A_182 = arith.constant 224 : index
    %swap3A_183 = tpu.vector_load %arg7[%swap3A_182] {strides = array<i32>} : memref<512xi32, #tpu.memory_space<vmem>>, vector<16xi32>,
    tpu.vector_store %arg7[%swap3A_182], %gather3A_177 {strides = array<i32>} : memref<512xi32, #tpu.memory_space<vmem>>, vector<16xi32>,
    %swap3A_184 = arith.constant 224 : index
    %swap3A_185 = tpu.vector_load %arg8[%swap3A_184] {strides = array<i32>} : memref<512xi32, #tpu.memory_space<vmem>>, vector<16xi32>,
    tpu.vector_store %arg8[%swap3A_184], %gather3A_181 {strides = array<i32>} : memref<512xi32, #tpu.memory_space<vmem>>, vector<16xi32>,
    %add3A_186 = arith.constant 480 : i32
    %add3A_187 = vector.broadcast %add3A_186 : i32 to vector<16xi32>
    %add3A_188 = arith.addi %mul3A_7, %add3A_187 : vector<16xi32>
    %gather3A_189 = tpu.vector_load_idx %arg6[%add3A_188] : memref<1024xi32, #tpu.memory_space<vmem>>[vector<16xi32>], vector<16xi32>,
    %add3A_190 = arith.constant 481 : i32
    %add3A_191 = vector.broadcast %add3A_190 : i32 to vector<16xi32>
    %add3A_192 = arith.addi %mul3A_7, %add3A_191 : vector<16xi32>
    %gather3A_193 = tpu.vector_load_idx %arg6[%add3A_192] : memref<1024xi32, #tpu.memory_space<vmem>>[vector<16xi32>], vector<16xi32>,
    %swap3A_194 = arith.constant 240 : index
    %swap3A_195 = tpu.vector_load %arg7[%swap3A_194] {strides = array<i32>} : memref<512xi32, #tpu.memory_space<vmem>>, vector<16xi32>,
    tpu.vector_store %arg7[%swap3A_194], %gather3A_189 {strides = array<i32>} : memref<512xi32, #tpu.memory_space<vmem>>, vector<16xi32>,
    %swap3A_196 = arith.constant 240 : index
    %swap3A_197 = tpu.vector_load %arg8[%swap3A_196] {strides = array<i32>} : memref<512xi32, #tpu.memory_space<vmem>>, vector<16xi32>,
    tpu.vector_store %arg8[%swap3A_196], %gather3A_193 {strides = array<i32>} : memref<512xi32, #tpu.memory_space<vmem>>, vector<16xi32>,
    %add3A_198 = arith.constant 512 : i32
    %add3A_199 = vector.broadcast %add3A_198 : i32 to vector<16xi32>
    %add3A_200 = arith.addi %mul3A_7, %add3A_199 : vector<16xi32>
    %gather3A_201 = tpu.vector_load_idx %arg6[%add3A_200] : memref<1024xi32, #tpu.memory_space<vmem>>[vector<16xi32>], vector<16xi32>,
    %add3A_202 = arith.constant 513 : i32
    %add3A_203 = vector.broadcast %add3A_202 : i32 to vector<16xi32>
    %add3A_204 = arith.addi %mul3A_7, %add3A_203 : vector<16xi32>
    %gather3A_205 = tpu.vector_load_idx %arg6[%add3A_204] : memref<1024xi32, #tpu.memory_space<vmem>>[vector<16xi32>], vector<16xi32>,
    %swap3A_206 = arith.constant 256 : index
    %swap3A_207 = tpu.vector_load %arg7[%swap3A_206] {strides = array<i32>} : memref<512xi32, #tpu.memory_space<vmem>>, vector<16xi32>,
    tpu.vector_store %arg7[%swap3A_206], %gather3A_201 {strides = array<i32>} : memref<512xi32, #tpu.memory_space<vmem>>, vector<16xi32>,
    %swap3A_208 = arith.constant 256 : index
    %swap3A_209 = tpu.vector_load %arg8[%swap3A_208] {strides = array<i32>} : memref<512xi32, #tpu.memory_space<vmem>>, vector<16xi32>,
    tpu.vector_store %arg8[%swap3A_208], %gather3A_205 {strides = array<i32>} : memref<512xi32, #tpu.memory_space<vmem>>, vector<16xi32>,
    %add3A_210 = arith.constant 544 : i32
    %add3A_211 = vector.broadcast %add3A_210 : i32 to vector<16xi32>
    %add3A_212 = arith.addi %mul3A_7, %add3A_211 : vector<16xi32>
    %gather3A_213 = tpu.vector_load_idx %arg6[%add3A_212] : memref<1024xi32, #tpu.memory_space<vmem>>[vector<16xi32>], vector<16xi32>,
    %add3A_214 = arith.constant 545 : i32
    %add3A_215 = vector.broadcast %add3A_214 : i32 to vector<16xi32>
    %add3A_216 = arith.addi %mul3A_7, %add3A_215 : vector<16xi32>
    %gather3A_217 = tpu.vector_load_idx %arg6[%add3A_216] : memref<1024xi32, #tpu.memory_space<vmem>>[vector<16xi32>], vector<16xi32>,
    %swap3A_218 = arith.constant 272 : index
    %swap3A_219 = tpu.vector_load %arg7[%swap3A_218] {strides = array<i32>} : memref<512xi32, #tpu.memory_space<vmem>>, vector<16xi32>,
    tpu.vector_store %arg7[%swap3A_218], %gather3A_213 {strides = array<i32>} : memref<512xi32, #tpu.memory_space<vmem>>, vector<16xi32>,
    %swap3A_220 = arith.constant 272 : index
    %swap3A_221 = tpu.vector_load %arg8[%swap3A_220] {strides = array<i32>} : memref<512xi32, #tpu.memory_space<vmem>>, vector<16xi32>,
    tpu.vector_store %arg8[%swap3A_220], %gather3A_217 {strides = array<i32>} : memref<512xi32, #tpu.memory_space<vmem>>, vector<16xi32>,
    %add3A_222 = arith.constant 576 : i32
    %add3A_223 = vector.broadcast %add3A_222 : i32 to vector<16xi32>
    %add3A_224 = arith.addi %mul3A_7, %add3A_223 : vector<16xi32>
    %gather3A_225 = tpu.vector_load_idx %arg6[%add3A_224] : memref<1024xi32, #tpu.memory_space<vmem>>[vector<16xi32>], vector<16xi32>,
    %add3A_226 = arith.constant 577 : i32
    %add3A_227 = vector.broadcast %add3A_226 : i32 to vector<16xi32>
    %add3A_228 = arith.addi %mul3A_7, %add3A_227 : vector<16xi32>
    %gather3A_229 = tpu.vector_load_idx %arg6[%add3A_228] : memref<1024xi32, #tpu.memory_space<vmem>>[vector<16xi32>], vector<16xi32>,
    %swap3A_230 = arith.constant 288 : index
    %swap3A_231 = tpu.vector_load %arg7[%swap3A_230] {strides = array<i32>} : memref<512xi32, #tpu.memory_space<vmem>>, vector<16xi32>,
    tpu.vector_store %arg7[%swap3A_230], %gather3A_225 {strides = array<i32>} : memref<512xi32, #tpu.memory_space<vmem>>, vector<16xi32>,
    %swap3A_232 = arith.constant 288 : index
    %swap3A_233 = tpu.vector_load %arg8[%swap3A_232] {strides = array<i32>} : memref<512xi32, #tpu.memory_space<vmem>>, vector<16xi32>,
    tpu.vector_store %arg8[%swap3A_232], %gather3A_229 {strides = array<i32>} : memref<512xi32, #tpu.memory_space<vmem>>, vector<16xi32>,
    %add3A_234 = arith.constant 608 : i32
    %add3A_235 = vector.broadcast %add3A_234 : i32 to vector<16xi32>
    %add3A_236 = arith.addi %mul3A_7, %add3A_235 : vector<16xi32>
    %gather3A_237 = tpu.vector_load_idx %arg6[%add3A_236] : memref<1024xi32, #tpu.memory_space<vmem>>[vector<16xi32>], vector<16xi32>,
    %add3A_238 = arith.constant 609 : i32
    %add3A_239 = vector.broadcast %add3A_238 : i32 to vector<16xi32>
    %add3A_240 = arith.addi %mul3A_7, %add3A_239 : vector<16xi32>
    %gather3A_241 = tpu.vector_load_idx %arg6[%add3A_240] : memref<1024xi32, #tpu.memory_space<vmem>>[vector<16xi32>], vector<16xi32>,
    %swap3A_242 = arith.constant 304 : index
    %swap3A_243 = tpu.vector_load %arg7[%swap3A_242] {strides = array<i32>} : memref<512xi32, #tpu.memory_space<vmem>>, vector<16xi32>,
    tpu.vector_store %arg7[%swap3A_242], %gather3A_237 {strides = array<i32>} : memref<512xi32, #tpu.memory_space<vmem>>, vector<16xi32>,
    %swap3A_244 = arith.constant 304 : index
    %swap3A_245 = tpu.vector_load %arg8[%swap3A_244] {strides = array<i32>} : memref<512xi32, #tpu.memory_space<vmem>>, vector<16xi32>,
    tpu.vector_store %arg8[%swap3A_244], %gather3A_241 {strides = array<i32>} : memref<512xi32, #tpu.memory_space<vmem>>, vector<16xi32>,
    %add3A_246 = arith.constant 640 : i32
    %add3A_247 = vector.broadcast %add3A_246 : i32 to vector<16xi32>
    %add3A_248 = arith.addi %mul3A_7, %add3A_247 : vector<16xi32>
    %gather3A_249 = tpu.vector_load_idx %arg6[%add3A_248] : memref<1024xi32, #tpu.memory_space<vmem>>[vector<16xi32>], vector<16xi32>,
    %add3A_250 = arith.constant 641 : i32
    %add3A_251 = vector.broadcast %add3A_250 : i32 to vector<16xi32>
    %add3A_252 = arith.addi %mul3A_7, %add3A_251 : vector<16xi32>
    %gather3A_253 = tpu.vector_load_idx %arg6[%add3A_252] : memref<1024xi32, #tpu.memory_space<vmem>>[vector<16xi32>], vector<16xi32>,
    %swap3A_254 = arith.constant 320 : index
    %swap3A_255 = tpu.vector_load %arg7[%swap3A_254] {strides = array<i32>} : memref<512xi32, #tpu.memory_space<vmem>>, vector<16xi32>,
    tpu.vector_store %arg7[%swap3A_254], %gather3A_249 {strides = array<i32>} : memref<512xi32, #tpu.memory_space<vmem>>, vector<16xi32>,
    %swap3A_256 = arith.constant 320 : index
    %swap3A_257 = tpu.vector_load %arg8[%swap3A_256] {strides = array<i32>} : memref<512xi32, #tpu.memory_space<vmem>>, vector<16xi32>,
    tpu.vector_store %arg8[%swap3A_256], %gather3A_253 {strides = array<i32>} : memref<512xi32, #tpu.memory_space<vmem>>, vector<16xi32>,
    %add3A_258 = arith.constant 672 : i32
    %add3A_259 = vector.broadcast %add3A_258 : i32 to vector<16xi32>
    %add3A_260 = arith.addi %mul3A_7, %add3A_259 : vector<16xi32>
    %gather3A_261 = tpu.vector_load_idx %arg6[%add3A_260] : memref<1024xi32, #tpu.memory_space<vmem>>[vector<16xi32>], vector<16xi32>,
    %add3A_262 = arith.constant 673 : i32
    %add3A_263 = vector.broadcast %add3A_262 : i32 to vector<16xi32>
    %add3A_264 = arith.addi %mul3A_7, %add3A_263 : vector<16xi32>
    %gather3A_265 = tpu.vector_load_idx %arg6[%add3A_264] : memref<1024xi32, #tpu.memory_space<vmem>>[vector<16xi32>], vector<16xi32>,
    %swap3A_266 = arith.constant 336 : index
    %swap3A_267 = tpu.vector_load %arg7[%swap3A_266] {strides = array<i32>} : memref<512xi32, #tpu.memory_space<vmem>>, vector<16xi32>,
    tpu.vector_store %arg7[%swap3A_266], %gather3A_261 {strides = array<i32>} : memref<512xi32, #tpu.memory_space<vmem>>, vector<16xi32>,
    %swap3A_268 = arith.constant 336 : index
    %swap3A_269 = tpu.vector_load %arg8[%swap3A_268] {strides = array<i32>} : memref<512xi32, #tpu.memory_space<vmem>>, vector<16xi32>,
    tpu.vector_store %arg8[%swap3A_268], %gather3A_265 {strides = array<i32>} : memref<512xi32, #tpu.memory_space<vmem>>, vector<16xi32>,
    %add3A_270 = arith.constant 704 : i32
    %add3A_271 = vector.broadcast %add3A_270 : i32 to vector<16xi32>
    %add3A_272 = arith.addi %mul3A_7, %add3A_271 : vector<16xi32>
    %gather3A_273 = tpu.vector_load_idx %arg6[%add3A_272] : memref<1024xi32, #tpu.memory_space<vmem>>[vector<16xi32>], vector<16xi32>,
    %add3A_274 = arith.constant 705 : i32
    %add3A_275 = vector.broadcast %add3A_274 : i32 to vector<16xi32>
    %add3A_276 = arith.addi %mul3A_7, %add3A_275 : vector<16xi32>
    %gather3A_277 = tpu.vector_load_idx %arg6[%add3A_276] : memref<1024xi32, #tpu.memory_space<vmem>>[vector<16xi32>], vector<16xi32>,
    %swap3A_278 = arith.constant 352 : index
    %swap3A_279 = tpu.vector_load %arg7[%swap3A_278] {strides = array<i32>} : memref<512xi32, #tpu.memory_space<vmem>>, vector<16xi32>,
    tpu.vector_store %arg7[%swap3A_278], %gather3A_273 {strides = array<i32>} : memref<512xi32, #tpu.memory_space<vmem>>, vector<16xi32>,
    %swap3A_280 = arith.constant 352 : index
    %swap3A_281 = tpu.vector_load %arg8[%swap3A_280] {strides = array<i32>} : memref<512xi32, #tpu.memory_space<vmem>>, vector<16xi32>,
    tpu.vector_store %arg8[%swap3A_280], %gather3A_277 {strides = array<i32>} : memref<512xi32, #tpu.memory_space<vmem>>, vector<16xi32>,
    %add3A_282 = arith.constant 736 : i32
    %add3A_283 = vector.broadcast %add3A_282 : i32 to vector<16xi32>
    %add3A_284 = arith.addi %mul3A_7, %add3A_283 : vector<16xi32>
    %gather3A_285 = tpu.vector_load_idx %arg6[%add3A_284] : memref<1024xi32, #tpu.memory_space<vmem>>[vector<16xi32>], vector<16xi32>,
    %add3A_286 = arith.constant 737 : i32
    %add3A_287 = vector.broadcast %add3A_286 : i32 to vector<16xi32>
    %add3A_288 = arith.addi %mul3A_7, %add3A_287 : vector<16xi32>
    %gather3A_289 = tpu.vector_load_idx %arg6[%add3A_288] : memref<1024xi32, #tpu.memory_space<vmem>>[vector<16xi32>], vector<16xi32>,
    %swap3A_290 = arith.constant 368 : index
    %swap3A_291 = tpu.vector_load %arg7[%swap3A_290] {strides = array<i32>} : memref<512xi32, #tpu.memory_space<vmem>>, vector<16xi32>,
    tpu.vector_store %arg7[%swap3A_290], %gather3A_285 {strides = array<i32>} : memref<512xi32, #tpu.memory_space<vmem>>, vector<16xi32>,
    %swap3A_292 = arith.constant 368 : index
    %swap3A_293 = tpu.vector_load %arg8[%swap3A_292] {strides = array<i32>} : memref<512xi32, #tpu.memory_space<vmem>>, vector<16xi32>,
    tpu.vector_store %arg8[%swap3A_292], %gather3A_289 {strides = array<i32>} : memref<512xi32, #tpu.memory_space<vmem>>, vector<16xi32>,
    %add3A_294 = arith.constant 768 : i32
    %add3A_295 = vector.broadcast %add3A_294 : i32 to vector<16xi32>
    %add3A_296 = arith.addi %mul3A_7, %add3A_295 : vector<16xi32>
    %gather3A_297 = tpu.vector_load_idx %arg6[%add3A_296] : memref<1024xi32, #tpu.memory_space<vmem>>[vector<16xi32>], vector<16xi32>,
    %add3A_298 = arith.constant 769 : i32
    %add3A_299 = vector.broadcast %add3A_298 : i32 to vector<16xi32>
    %add3A_300 = arith.addi %mul3A_7, %add3A_299 : vector<16xi32>
    %gather3A_301 = tpu.vector_load_idx %arg6[%add3A_300] : memref<1024xi32, #tpu.memory_space<vmem>>[vector<16xi32>], vector<16xi32>,
    %swap3A_302 = arith.constant 384 : index
    %swap3A_303 = tpu.vector_load %arg7[%swap3A_302] {strides = array<i32>} : memref<512xi32, #tpu.memory_space<vmem>>, vector<16xi32>,
    tpu.vector_store %arg7[%swap3A_302], %gather3A_297 {strides = array<i32>} : memref<512xi32, #tpu.memory_space<vmem>>, vector<16xi32>,
    %swap3A_304 = arith.constant 384 : index
    %swap3A_305 = tpu.vector_load %arg8[%swap3A_304] {strides = array<i32>} : memref<512xi32, #tpu.memory_space<vmem>>, vector<16xi32>,
    tpu.vector_store %arg8[%swap3A_304], %gather3A_301 {strides = array<i32>} : memref<512xi32, #tpu.memory_space<vmem>>, vector<16xi32>,
    %add3A_306 = arith.constant 800 : i32
    %add3A_307 = vector.broadcast %add3A_306 : i32 to vector<16xi32>
    %add3A_308 = arith.addi %mul3A_7, %add3A_307 : vector<16xi32>
    %gather3A_309 = tpu.vector_load_idx %arg6[%add3A_308] : memref<1024xi32, #tpu.memory_space<vmem>>[vector<16xi32>], vector<16xi32>,
    %add3A_310 = arith.constant 801 : i32
    %add3A_311 = vector.broadcast %add3A_310 : i32 to vector<16xi32>
    %add3A_312 = arith.addi %mul3A_7, %add3A_311 : vector<16xi32>
    %gather3A_313 = tpu.vector_load_idx %arg6[%add3A_312] : memref<1024xi32, #tpu.memory_space<vmem>>[vector<16xi32>], vector<16xi32>,
    %swap3A_314 = arith.constant 400 : index
    %swap3A_315 = tpu.vector_load %arg7[%swap3A_314] {strides = array<i32>} : memref<512xi32, #tpu.memory_space<vmem>>, vector<16xi32>,
    tpu.vector_store %arg7[%swap3A_314], %gather3A_309 {strides = array<i32>} : memref<512xi32, #tpu.memory_space<vmem>>, vector<16xi32>,
    %swap3A_316 = arith.constant 400 : index
    %swap3A_317 = tpu.vector_load %arg8[%swap3A_316] {strides = array<i32>} : memref<512xi32, #tpu.memory_space<vmem>>, vector<16xi32>,
    tpu.vector_store %arg8[%swap3A_316], %gather3A_313 {strides = array<i32>} : memref<512xi32, #tpu.memory_space<vmem>>, vector<16xi32>,
    %add3A_318 = arith.constant 832 : i32
    %add3A_319 = vector.broadcast %add3A_318 : i32 to vector<16xi32>
    %add3A_320 = arith.addi %mul3A_7, %add3A_319 : vector<16xi32>
    %gather3A_321 = tpu.vector_load_idx %arg6[%add3A_320] : memref<1024xi32, #tpu.memory_space<vmem>>[vector<16xi32>], vector<16xi32>,
    %add3A_322 = arith.constant 833 : i32
    %add3A_323 = vector.broadcast %add3A_322 : i32 to vector<16xi32>
    %add3A_324 = arith.addi %mul3A_7, %add3A_323 : vector<16xi32>
    %gather3A_325 = tpu.vector_load_idx %arg6[%add3A_324] : memref<1024xi32, #tpu.memory_space<vmem>>[vector<16xi32>], vector<16xi32>,
    %swap3A_326 = arith.constant 416 : index
    %swap3A_327 = tpu.vector_load %arg7[%swap3A_326] {strides = array<i32>} : memref<512xi32, #tpu.memory_space<vmem>>, vector<16xi32>,
    tpu.vector_store %arg7[%swap3A_326], %gather3A_321 {strides = array<i32>} : memref<512xi32, #tpu.memory_space<vmem>>, vector<16xi32>,
    %swap3A_328 = arith.constant 416 : index
    %swap3A_329 = tpu.vector_load %arg8[%swap3A_328] {strides = array<i32>} : memref<512xi32, #tpu.memory_space<vmem>>, vector<16xi32>,
    tpu.vector_store %arg8[%swap3A_328], %gather3A_325 {strides = array<i32>} : memref<512xi32, #tpu.memory_space<vmem>>, vector<16xi32>,
    %add3A_330 = arith.constant 864 : i32
    %add3A_331 = vector.broadcast %add3A_330 : i32 to vector<16xi32>
    %add3A_332 = arith.addi %mul3A_7, %add3A_331 : vector<16xi32>
    %gather3A_333 = tpu.vector_load_idx %arg6[%add3A_332] : memref<1024xi32, #tpu.memory_space<vmem>>[vector<16xi32>], vector<16xi32>,
    %add3A_334 = arith.constant 865 : i32
    %add3A_335 = vector.broadcast %add3A_334 : i32 to vector<16xi32>
    %add3A_336 = arith.addi %mul3A_7, %add3A_335 : vector<16xi32>
    %gather3A_337 = tpu.vector_load_idx %arg6[%add3A_336] : memref<1024xi32, #tpu.memory_space<vmem>>[vector<16xi32>], vector<16xi32>,
    %swap3A_338 = arith.constant 432 : index
    %swap3A_339 = tpu.vector_load %arg7[%swap3A_338] {strides = array<i32>} : memref<512xi32, #tpu.memory_space<vmem>>, vector<16xi32>,
    tpu.vector_store %arg7[%swap3A_338], %gather3A_333 {strides = array<i32>} : memref<512xi32, #tpu.memory_space<vmem>>, vector<16xi32>,
    %swap3A_340 = arith.constant 432 : index
    %swap3A_341 = tpu.vector_load %arg8[%swap3A_340] {strides = array<i32>} : memref<512xi32, #tpu.memory_space<vmem>>, vector<16xi32>,
    tpu.vector_store %arg8[%swap3A_340], %gather3A_337 {strides = array<i32>} : memref<512xi32, #tpu.memory_space<vmem>>, vector<16xi32>,
    %add3A_342 = arith.constant 896 : i32
    %add3A_343 = vector.broadcast %add3A_342 : i32 to vector<16xi32>
    %add3A_344 = arith.addi %mul3A_7, %add3A_343 : vector<16xi32>
    %gather3A_345 = tpu.vector_load_idx %arg6[%add3A_344] : memref<1024xi32, #tpu.memory_space<vmem>>[vector<16xi32>], vector<16xi32>,
    %add3A_346 = arith.constant 897 : i32
    %add3A_347 = vector.broadcast %add3A_346 : i32 to vector<16xi32>
    %add3A_348 = arith.addi %mul3A_7, %add3A_347 : vector<16xi32>
    %gather3A_349 = tpu.vector_load_idx %arg6[%add3A_348] : memref<1024xi32, #tpu.memory_space<vmem>>[vector<16xi32>], vector<16xi32>,
    %swap3A_350 = arith.constant 448 : index
    %swap3A_351 = tpu.vector_load %arg7[%swap3A_350] {strides = array<i32>} : memref<512xi32, #tpu.memory_space<vmem>>, vector<16xi32>,
    tpu.vector_store %arg7[%swap3A_350], %gather3A_345 {strides = array<i32>} : memref<512xi32, #tpu.memory_space<vmem>>, vector<16xi32>,
    %swap3A_352 = arith.constant 448 : index
    %swap3A_353 = tpu.vector_load %arg8[%swap3A_352] {strides = array<i32>} : memref<512xi32, #tpu.memory_space<vmem>>, vector<16xi32>,
    tpu.vector_store %arg8[%swap3A_352], %gather3A_349 {strides = array<i32>} : memref<512xi32, #tpu.memory_space<vmem>>, vector<16xi32>,
    %add3A_354 = arith.constant 928 : i32
    %add3A_355 = vector.broadcast %add3A_354 : i32 to vector<16xi32>
    %add3A_356 = arith.addi %mul3A_7, %add3A_355 : vector<16xi32>
    %gather3A_357 = tpu.vector_load_idx %arg6[%add3A_356] : memref<1024xi32, #tpu.memory_space<vmem>>[vector<16xi32>], vector<16xi32>,
    %add3A_358 = arith.constant 929 : i32
    %add3A_359 = vector.broadcast %add3A_358 : i32 to vector<16xi32>
    %add3A_360 = arith.addi %mul3A_7, %add3A_359 : vector<16xi32>
    %gather3A_361 = tpu.vector_load_idx %arg6[%add3A_360] : memref<1024xi32, #tpu.memory_space<vmem>>[vector<16xi32>], vector<16xi32>,
    %swap3A_362 = arith.constant 464 : index
    %swap3A_363 = tpu.vector_load %arg7[%swap3A_362] {strides = array<i32>} : memref<512xi32, #tpu.memory_space<vmem>>, vector<16xi32>,
    tpu.vector_store %arg7[%swap3A_362], %gather3A_357 {strides = array<i32>} : memref<512xi32, #tpu.memory_space<vmem>>, vector<16xi32>,
    %swap3A_364 = arith.constant 464 : index
    %swap3A_365 = tpu.vector_load %arg8[%swap3A_364] {strides = array<i32>} : memref<512xi32, #tpu.memory_space<vmem>>, vector<16xi32>,
    tpu.vector_store %arg8[%swap3A_364], %gather3A_361 {strides = array<i32>} : memref<512xi32, #tpu.memory_space<vmem>>, vector<16xi32>,
    %add3A_366 = arith.constant 960 : i32
    %add3A_367 = vector.broadcast %add3A_366 : i32 to vector<16xi32>
    %add3A_368 = arith.addi %mul3A_7, %add3A_367 : vector<16xi32>
    %gather3A_369 = tpu.vector_load_idx %arg6[%add3A_368] : memref<1024xi32, #tpu.memory_space<vmem>>[vector<16xi32>], vector<16xi32>,
    %add3A_370 = arith.constant 961 : i32
    %add3A_371 = vector.broadcast %add3A_370 : i32 to vector<16xi32>
    %add3A_372 = arith.addi %mul3A_7, %add3A_371 : vector<16xi32>
    %gather3A_373 = tpu.vector_load_idx %arg6[%add3A_372] : memref<1024xi32, #tpu.memory_space<vmem>>[vector<16xi32>], vector<16xi32>,
    %swap3A_374 = arith.constant 480 : index
    %swap3A_375 = tpu.vector_load %arg7[%swap3A_374] {strides = array<i32>} : memref<512xi32, #tpu.memory_space<vmem>>, vector<16xi32>,
    tpu.vector_store %arg7[%swap3A_374], %gather3A_369 {strides = array<i32>} : memref<512xi32, #tpu.memory_space<vmem>>, vector<16xi32>,
    %swap3A_376 = arith.constant 480 : index
    %swap3A_377 = tpu.vector_load %arg8[%swap3A_376] {strides = array<i32>} : memref<512xi32, #tpu.memory_space<vmem>>, vector<16xi32>,
    tpu.vector_store %arg8[%swap3A_376], %gather3A_373 {strides = array<i32>} : memref<512xi32, #tpu.memory_space<vmem>>, vector<16xi32>,
    %add3A_378 = arith.constant 992 : i32
    %add3A_379 = vector.broadcast %add3A_378 : i32 to vector<16xi32>
    %add3A_380 = arith.addi %mul3A_7, %add3A_379 : vector<16xi32>
    %gather3A_381 = tpu.vector_load_idx %arg6[%add3A_380] : memref<1024xi32, #tpu.memory_space<vmem>>[vector<16xi32>], vector<16xi32>,
    %add3A_382 = arith.constant 993 : i32
    %add3A_383 = vector.broadcast %add3A_382 : i32 to vector<16xi32>
    %add3A_384 = arith.addi %mul3A_7, %add3A_383 : vector<16xi32>
    %gather3A_385 = tpu.vector_load_idx %arg6[%add3A_384] : memref<1024xi32, #tpu.memory_space<vmem>>[vector<16xi32>], vector<16xi32>,
    %swap3A_386 = arith.constant 496 : index
    %swap3A_387 = tpu.vector_load %arg7[%swap3A_386] {strides = array<i32>} : memref<512xi32, #tpu.memory_space<vmem>>, vector<16xi32>,
    tpu.vector_store %arg7[%swap3A_386], %gather3A_381 {strides = array<i32>} : memref<512xi32, #tpu.memory_space<vmem>>, vector<16xi32>,
    %swap3A_388 = arith.constant 496 : index
    %swap3A_389 = tpu.vector_load %arg8[%swap3A_388] {strides = array<i32>} : memref<512xi32, #tpu.memory_space<vmem>>, vector<16xi32>,
    tpu.vector_store %arg8[%swap3A_388], %gather3A_385 {strides = array<i32>} : memref<512xi32, #tpu.memory_space<vmem>>, vector<16xi32>,
    %scan3A = arith.constant 0 : i32
    %scan3A_390 = arith.constant 0 : i32
    %scan3A_391 = arith.constant 16 : i32
    %scan3A_392 = arith.addi %scan3A_390, %scan3A_391 : i32
    %scan3A_393 = arith.constant 1 : i32
    scf.for %scan3A_395 = %scan3A_390 to %scan3A_392 step %scan3A_393  : i32 {
      %mul3A_396 = arith.constant 32 : i32
      %mul3A_397 = arith.muli %scan3A_395, %mul3A_396 : i32
      %add3A_398 = arith.constant 0 : i32
      %add3A_399 = arith.addi %mul3A_397, %add3A_398 : i32
      %get3A = arith.index_cast %add3A_399 : i32 to index
      %get3A_400 = tpu.vector_load %arg7[%get3A] {strides = array<i32>} : memref<512xi32, #tpu.memory_space<vmem>>, vector<16xi32>,
      %add3A_401 = arith.constant 0 : i32
      %add3A_402 = arith.addi %mul3A_397, %add3A_401 : i32
      %get3A_403 = arith.index_cast %add3A_402 : i32 to index
      %get3A_404 = tpu.vector_load %arg8[%get3A_403] {strides = array<i32>} : memref<512xi32, #tpu.memory_space<vmem>>, vector<16xi32>,
      %slice3A = vector.extract_strided_slice %get3A_400 {offsets = [0], sizes = [1], strides = [1]} : vector<16xi32> to vector<1xi32>
      %squeeze3A = vector.extract %slice3A[0] : i32 from vector<1xi32>
      %dma_start3A = arith.constant 0 : i32
      %dma_start3A_405 = arith.constant 0 : i32
      %dma_start3A_406 = tpu.memref_slice %arg9[%dma_start3A, %dma_start3A_405] : memref<32x32xf32, #tpu.memory_space<vmem>> -> memref<1x32xf32, #tpu.memory_space<vmem>>
      %dma_start3A_407 = tpu.memref_squeeze %dma_start3A_406 : memref<1x32xf32, #tpu.memory_space<vmem>> -> memref<32xf32, #tpu.memory_space<vmem>>
      %dma_start3A_408 = arith.constant 0 : i32
      %dma_start3A_409 = tpu.memref_slice %arg3[%squeeze3A, %dma_start3A_408] : memref<1000000x32xf32, #tpu.memory_space<hbm>> -> memref<1x32xf32, #tpu.memory_space<hbm>>
      %dma_start3A_410 = tpu.memref_squeeze %dma_start3A_409 : memref<1x32xf32, #tpu.memory_space<hbm>> -> memref<32xf32, #tpu.memory_space<hbm>>
      %dma_start3A_411 = arith.constant 0 : i32
      %dma_start3A_412 = tpu.memref_slice %arg9[%dma_start3A, %dma_start3A_411] : memref<32x32xf32, #tpu.memory_space<vmem>> -> memref<1x32xf32, #tpu.memory_space<vmem>>
      %dma_start3A_413 = tpu.memref_squeeze %dma_start3A_412 : memref<1x32xf32, #tpu.memory_space<vmem>> -> memref<32xf32, #tpu.memory_space<vmem>>
      %dma_start3A_414 = arith.constant 0 : i32
      %dma_start3A_415 = tpu.memref_slice %arg3[%squeeze3A, %dma_start3A_414] : memref<1000000x32xf32, #tpu.memory_space<hbm>> -> memref<1x32xf32, #tpu.memory_space<hbm>>
      %dma_start3A_416 = tpu.memref_squeeze %dma_start3A_415 : memref<1x32xf32, #tpu.memory_space<hbm>> -> memref<32xf32, #tpu.memory_space<hbm>>
      tpu.enqueue_dma source(%dma_start3A_416 : memref<32xf32, #tpu.memory_space<hbm>>) target(%dma_start3A_413 : memref<32xf32, #tpu.memory_space<vmem>>) target_semaphore(%arg12 : memref<!tpu.dma_semaphore, #tpu.memory_space<semaphore_mem>>)
      %slice3A_417 = vector.extract_strided_slice %get3A_404 {offsets = [0], sizes = [1], strides = [1]} : vector<16xi32> to vector<1xi32>
      %squeeze3A_418 = vector.extract %slice3A_417[0] : i32 from vector<1xi32>
      %dma_start3A_419 = arith.constant 0 : i32
      %dma_start3A_420 = arith.constant 0 : i32
      %dma_start3A_421 = tpu.memref_slice %arg10[%dma_start3A_419, %dma_start3A_420] : memref<32x32xf32, #tpu.memory_space<vmem>> -> memref<1x32xf32, #tpu.memory_space<vmem>>
      %dma_start3A_422 = tpu.memref_squeeze %dma_start3A_421 : memref<1x32xf32, #tpu.memory_space<vmem>> -> memref<32xf32, #tpu.memory_space<vmem>>
      %dma_start3A_423 = arith.constant 0 : i32
      %dma_start3A_424 = tpu.memref_slice %arg4[%squeeze3A_418, %dma_start3A_423] : memref<1000000x32xf32, #tpu.memory_space<hbm>> -> memref<1x32xf32, #tpu.memory_space<hbm>>
      %dma_start3A_425 = tpu.memref_squeeze %dma_start3A_424 : memref<1x32xf32, #tpu.memory_space<hbm>> -> memref<32xf32, #tpu.memory_space<hbm>>
      %dma_start3A_426 = arith.constant 0 : i32
      %dma_start3A_427 = tpu.memref_slice %arg10[%dma_start3A_419, %dma_start3A_426] : memref<32x32xf32, #tpu.memory_space<vmem>> -> memref<1x32xf32, #tpu.memory_space<vmem>>
      %dma_start3A_428 = tpu.memref_squeeze %dma_start3A_427 : memref<1x32xf32, #tpu.memory_space<vmem>> -> memref<32xf32, #tpu.memory_space<vmem>>
      %dma_start3A_429 = arith.constant 0 : i32
      %dma_start3A_430 = tpu.memref_slice %arg4[%squeeze3A_418, %dma_start3A_429] : memref<1000000x32xf32, #tpu.memory_space<hbm>> -> memref<1x32xf32, #tpu.memory_space<hbm>>
      %dma_start3A_431 = tpu.memref_squeeze %dma_start3A_430 : memref<1x32xf32, #tpu.memory_space<hbm>> -> memref<32xf32, #tpu.memory_space<hbm>>
      tpu.enqueue_dma source(%dma_start3A_431 : memref<32xf32, #tpu.memory_space<hbm>>) target(%dma_start3A_428 : memref<32xf32, #tpu.memory_space<vmem>>) target_semaphore(%arg12 : memref<!tpu.dma_semaphore, #tpu.memory_space<semaphore_mem>>)
      %slice3A_432 = vector.extract_strided_slice %get3A_400 {offsets = [1], sizes = [1], strides = [1]} : vector<16xi32> to vector<1xi32>
      %squeeze3A_433 = vector.extract %slice3A_432[0] : i32 from vector<1xi32>
      %dma_start3A_434 = arith.constant 1 : i32
      %dma_start3A_435 = arith.constant 0 : i32
      %dma_start3A_436 = tpu.memref_slice %arg9[%dma_start3A_434, %dma_start3A_435] : memref<32x32xf32, #tpu.memory_space<vmem>> -> memref<1x32xf32, #tpu.memory_space<vmem>>
      %dma_start3A_437 = tpu.memref_squeeze %dma_start3A_436 : memref<1x32xf32, #tpu.memory_space<vmem>> -> memref<32xf32, #tpu.memory_space<vmem>>
      %dma_start3A_438 = arith.constant 0 : i32
      %dma_start3A_439 = tpu.memref_slice %arg3[%squeeze3A_433, %dma_start3A_438] : memref<1000000x32xf32, #tpu.memory_space<hbm>> -> memref<1x32xf32, #tpu.memory_space<hbm>>
      %dma_start3A_440 = tpu.memref_squeeze %dma_start3A_439 : memref<1x32xf32, #tpu.memory_space<hbm>> -> memref<32xf32, #tpu.memory_space<hbm>>
      %dma_start3A_441 = arith.constant 0 : i32
      %dma_start3A_442 = tpu.memref_slice %arg9[%dma_start3A_434, %dma_start3A_441] : memref<32x32xf32, #tpu.memory_space<vmem>> -> memref<1x32xf32, #tpu.memory_space<vmem>>
      %dma_start3A_443 = tpu.memref_squeeze %dma_start3A_442 : memref<1x32xf32, #tpu.memory_space<vmem>> -> memref<32xf32, #tpu.memory_space<vmem>>
      %dma_start3A_444 = arith.constant 0 : i32
      %dma_start3A_445 = tpu.memref_slice %arg3[%squeeze3A_433, %dma_start3A_444] : memref<1000000x32xf32, #tpu.memory_space<hbm>> -> memref<1x32xf32, #tpu.memory_space<hbm>>
      %dma_start3A_446 = tpu.memref_squeeze %dma_start3A_445 : memref<1x32xf32, #tpu.memory_space<hbm>> -> memref<32xf32, #tpu.memory_space<hbm>>
      tpu.enqueue_dma source(%dma_start3A_446 : memref<32xf32, #tpu.memory_space<hbm>>) target(%dma_start3A_443 : memref<32xf32, #tpu.memory_space<vmem>>) target_semaphore(%arg12 : memref<!tpu.dma_semaphore, #tpu.memory_space<semaphore_mem>>)
      %slice3A_447 = vector.extract_strided_slice %get3A_404 {offsets = [1], sizes = [1], strides = [1]} : vector<16xi32> to vector<1xi32>
      %squeeze3A_448 = vector.extract %slice3A_447[0] : i32 from vector<1xi32>
      %dma_start3A_449 = arith.constant 1 : i32
      %dma_start3A_450 = arith.constant 0 : i32
      %dma_start3A_451 = tpu.memref_slice %arg10[%dma_start3A_449, %dma_start3A_450] : memref<32x32xf32, #tpu.memory_space<vmem>> -> memref<1x32xf32, #tpu.memory_space<vmem>>
      %dma_start3A_452 = tpu.memref_squeeze %dma_start3A_451 : memref<1x32xf32, #tpu.memory_space<vmem>> -> memref<32xf32, #tpu.memory_space<vmem>>
      %dma_start3A_453 = arith.constant 0 : i32
      %dma_start3A_454 = tpu.memref_slice %arg4[%squeeze3A_448, %dma_start3A_453] : memref<1000000x32xf32, #tpu.memory_space<hbm>> -> memref<1x32xf32, #tpu.memory_space<hbm>>
      %dma_start3A_455 = tpu.memref_squeeze %dma_start3A_454 : memref<1x32xf32, #tpu.memory_space<hbm>> -> memref<32xf32, #tpu.memory_space<hbm>>
      %dma_start3A_456 = arith.constant 0 : i32
      %dma_start3A_457 = tpu.memref_slice %arg10[%dma_start3A_449, %dma_start3A_456] : memref<32x32xf32, #tpu.memory_space<vmem>> -> memref<1x32xf32, #tpu.memory_space<vmem>>
      %dma_start3A_458 = tpu.memref_squeeze %dma_start3A_457 : memref<1x32xf32, #tpu.memory_space<vmem>> -> memref<32xf32, #tpu.memory_space<vmem>>
      %dma_start3A_459 = arith.constant 0 : i32
      %dma_start3A_460 = tpu.memref_slice %arg4[%squeeze3A_448, %dma_start3A_459] : memref<1000000x32xf32, #tpu.memory_space<hbm>> -> memref<1x32xf32, #tpu.memory_space<hbm>>
      %dma_start3A_461 = tpu.memref_squeeze %dma_start3A_460 : memref<1x32xf32, #tpu.memory_space<hbm>> -> memref<32xf32, #tpu.memory_space<hbm>>
      tpu.enqueue_dma source(%dma_start3A_461 : memref<32xf32, #tpu.memory_space<hbm>>) target(%dma_start3A_458 : memref<32xf32, #tpu.memory_space<vmem>>) target_semaphore(%arg12 : memref<!tpu.dma_semaphore, #tpu.memory_space<semaphore_mem>>)
      %slice3A_462 = vector.extract_strided_slice %get3A_400 {offsets = [2], sizes = [1], strides = [1]} : vector<16xi32> to vector<1xi32>
      %squeeze3A_463 = vector.extract %slice3A_462[0] : i32 from vector<1xi32>
      %dma_start3A_464 = arith.constant 2 : i32
      %dma_start3A_465 = arith.constant 0 : i32
      %dma_start3A_466 = tpu.memref_slice %arg9[%dma_start3A_464, %dma_start3A_465] : memref<32x32xf32, #tpu.memory_space<vmem>> -> memref<1x32xf32, #tpu.memory_space<vmem>>
      %dma_start3A_467 = tpu.memref_squeeze %dma_start3A_466 : memref<1x32xf32, #tpu.memory_space<vmem>> -> memref<32xf32, #tpu.memory_space<vmem>>
      %dma_start3A_468 = arith.constant 0 : i32
      %dma_start3A_469 = tpu.memref_slice %arg3[%squeeze3A_463, %dma_start3A_468] : memref<1000000x32xf32, #tpu.memory_space<hbm>> -> memref<1x32xf32, #tpu.memory_space<hbm>>
      %dma_start3A_470 = tpu.memref_squeeze %dma_start3A_469 : memref<1x32xf32, #tpu.memory_space<hbm>> -> memref<32xf32, #tpu.memory_space<hbm>>
      %dma_start3A_471 = arith.constant 0 : i32
      %dma_start3A_472 = tpu.memref_slice %arg9[%dma_start3A_464, %dma_start3A_471] : memref<32x32xf32, #tpu.memory_space<vmem>> -> memref<1x32xf32, #tpu.memory_space<vmem>>
      %dma_start3A_473 = tpu.memref_squeeze %dma_start3A_472 : memref<1x32xf32, #tpu.memory_space<vmem>> -> memref<32xf32, #tpu.memory_space<vmem>>
      %dma_start3A_474 = arith.constant 0 : i32
      %dma_start3A_475 = tpu.memref_slice %arg3[%squeeze3A_463, %dma_start3A_474] : memref<1000000x32xf32, #tpu.memory_space<hbm>> -> memref<1x32xf32, #tpu.memory_space<hbm>>
      %dma_start3A_476 = tpu.memref_squeeze %dma_start3A_475 : memref<1x32xf32, #tpu.memory_space<hbm>> -> memref<32xf32, #tpu.memory_space<hbm>>
      tpu.enqueue_dma source(%dma_start3A_476 : memref<32xf32, #tpu.memory_space<hbm>>) target(%dma_start3A_473 : memref<32xf32, #tpu.memory_space<vmem>>) target_semaphore(%arg12 : memref<!tpu.dma_semaphore, #tpu.memory_space<semaphore_mem>>)
      %slice3A_477 = vector.extract_strided_slice %get3A_404 {offsets = [2], sizes = [1], strides = [1]} : vector<16xi32> to vector<1xi32>
      %squeeze3A_478 = vector.extract %slice3A_477[0] : i32 from vector<1xi32>
      %dma_start3A_479 = arith.constant 2 : i32
      %dma_start3A_480 = arith.constant 0 : i32
      %dma_start3A_481 = tpu.memref_slice %arg10[%dma_start3A_479, %dma_start3A_480] : memref<32x32xf32, #tpu.memory_space<vmem>> -> memref<1x32xf32, #tpu.memory_space<vmem>>
      %dma_start3A_482 = tpu.memref_squeeze %dma_start3A_481 : memref<1x32xf32, #tpu.memory_space<vmem>> -> memref<32xf32, #tpu.memory_space<vmem>>
      %dma_start3A_483 = arith.constant 0 : i32
      %dma_start3A_484 = tpu.memref_slice %arg4[%squeeze3A_478, %dma_start3A_483] : memref<1000000x32xf32, #tpu.memory_space<hbm>> -> memref<1x32xf32, #tpu.memory_space<hbm>>
      %dma_start3A_485 = tpu.memref_squeeze %dma_start3A_484 : memref<1x32xf32, #tpu.memory_space<hbm>> -> memref<32xf32, #tpu.memory_space<hbm>>
      %dma_start3A_486 = arith.constant 0 : i32
      %dma_start3A_487 = tpu.memref_slice %arg10[%dma_start3A_479, %dma_start3A_486] : memref<32x32xf32, #tpu.memory_space<vmem>> -> memref<1x32xf32, #tpu.memory_space<vmem>>
      %dma_start3A_488 = tpu.memref_squeeze %dma_start3A_487 : memref<1x32xf32, #tpu.memory_space<vmem>> -> memref<32xf32, #tpu.memory_space<vmem>>
      %dma_start3A_489 = arith.constant 0 : i32
      %dma_start3A_490 = tpu.memref_slice %arg4[%squeeze3A_478, %dma_start3A_489] : memref<1000000x32xf32, #tpu.memory_space<hbm>> -> memref<1x32xf32, #tpu.memory_space<hbm>>
      %dma_start3A_491 = tpu.memref_squeeze %dma_start3A_490 : memref<1x32xf32, #tpu.memory_space<hbm>> -> memref<32xf32, #tpu.memory_space<hbm>>
      tpu.enqueue_dma source(%dma_start3A_491 : memref<32xf32, #tpu.memory_space<hbm>>) target(%dma_start3A_488 : memref<32xf32, #tpu.memory_space<vmem>>) target_semaphore(%arg12 : memref<!tpu.dma_semaphore, #tpu.memory_space<semaphore_mem>>)
      %slice3A_492 = vector.extract_strided_slice %get3A_400 {offsets = [3], sizes = [1], strides = [1]} : vector<16xi32> to vector<1xi32>
      %squeeze3A_493 = vector.extract %slice3A_492[0] : i32 from vector<1xi32>
      %dma_start3A_494 = arith.constant 3 : i32
      %dma_start3A_495 = arith.constant 0 : i32
      %dma_start3A_496 = tpu.memref_slice %arg9[%dma_start3A_494, %dma_start3A_495] : memref<32x32xf32, #tpu.memory_space<vmem>> -> memref<1x32xf32, #tpu.memory_space<vmem>>
      %dma_start3A_497 = tpu.memref_squeeze %dma_start3A_496 : memref<1x32xf32, #tpu.memory_space<vmem>> -> memref<32xf32, #tpu.memory_space<vmem>>
      %dma_start3A_498 = arith.constant 0 : i32
      %dma_start3A_499 = tpu.memref_slice %arg3[%squeeze3A_493, %dma_start3A_498] : memref<1000000x32xf32, #tpu.memory_space<hbm>> -> memref<1x32xf32, #tpu.memory_space<hbm>>
      %dma_start3A_500 = tpu.memref_squeeze %dma_start3A_499 : memref<1x32xf32, #tpu.memory_space<hbm>> -> memref<32xf32, #tpu.memory_space<hbm>>
      %dma_start3A_501 = arith.constant 0 : i32
      %dma_start3A_502 = tpu.memref_slice %arg9[%dma_start3A_494, %dma_start3A_501] : memref<32x32xf32, #tpu.memory_space<vmem>> -> memref<1x32xf32, #tpu.memory_space<vmem>>
      %dma_start3A_503 = tpu.memref_squeeze %dma_start3A_502 : memref<1x32xf32, #tpu.memory_space<vmem>> -> memref<32xf32, #tpu.memory_space<vmem>>
      %dma_start3A_504 = arith.constant 0 : i32
      %dma_start3A_505 = tpu.memref_slice %arg3[%squeeze3A_493, %dma_start3A_504] : memref<1000000x32xf32, #tpu.memory_space<hbm>> -> memref<1x32xf32, #tpu.memory_space<hbm>>
      %dma_start3A_506 = tpu.memref_squeeze %dma_start3A_505 : memref<1x32xf32, #tpu.memory_space<hbm>> -> memref<32xf32, #tpu.memory_space<hbm>>
      tpu.enqueue_dma source(%dma_start3A_506 : memref<32xf32, #tpu.memory_space<hbm>>) target(%dma_start3A_503 : memref<32xf32, #tpu.memory_space<vmem>>) target_semaphore(%arg12 : memref<!tpu.dma_semaphore, #tpu.memory_space<semaphore_mem>>)
      %slice3A_507 = vector.extract_strided_slice %get3A_404 {offsets = [3], sizes = [1], strides = [1]} : vector<16xi32> to vector<1xi32>
      %squeeze3A_508 = vector.extract %slice3A_507[0] : i32 from vector<1xi32>
      %dma_start3A_509 = arith.constant 3 : i32
      %dma_start3A_510 = arith.constant 0 : i32
      %dma_start3A_511 = tpu.memref_slice %arg10[%dma_start3A_509, %dma_start3A_510] : memref<32x32xf32, #tpu.memory_space<vmem>> -> memref<1x32xf32, #tpu.memory_space<vmem>>
      %dma_start3A_512 = tpu.memref_squeeze %dma_start3A_511 : memref<1x32xf32, #tpu.memory_space<vmem>> -> memref<32xf32, #tpu.memory_space<vmem>>
      %dma_start3A_513 = arith.constant 0 : i32
      %dma_start3A_514 = tpu.memref_slice %arg4[%squeeze3A_508, %dma_start3A_513] : memref<1000000x32xf32, #tpu.memory_space<hbm>> -> memref<1x32xf32, #tpu.memory_space<hbm>>
      %dma_start3A_515 = tpu.memref_squeeze %dma_start3A_514 : memref<1x32xf32, #tpu.memory_space<hbm>> -> memref<32xf32, #tpu.memory_space<hbm>>
      %dma_start3A_516 = arith.constant 0 : i32
      %dma_start3A_517 = tpu.memref_slice %arg10[%dma_start3A_509, %dma_start3A_516] : memref<32x32xf32, #tpu.memory_space<vmem>> -> memref<1x32xf32, #tpu.memory_space<vmem>>
      %dma_start3A_518 = tpu.memref_squeeze %dma_start3A_517 : memref<1x32xf32, #tpu.memory_space<vmem>> -> memref<32xf32, #tpu.memory_space<vmem>>
      %dma_start3A_519 = arith.constant 0 : i32
      %dma_start3A_520 = tpu.memref_slice %arg4[%squeeze3A_508, %dma_start3A_519] : memref<1000000x32xf32, #tpu.memory_space<hbm>> -> memref<1x32xf32, #tpu.memory_space<hbm>>
      %dma_start3A_521 = tpu.memref_squeeze %dma_start3A_520 : memref<1x32xf32, #tpu.memory_space<hbm>> -> memref<32xf32, #tpu.memory_space<hbm>>
      tpu.enqueue_dma source(%dma_start3A_521 : memref<32xf32, #tpu.memory_space<hbm>>) target(%dma_start3A_518 : memref<32xf32, #tpu.memory_space<vmem>>) target_semaphore(%arg12 : memref<!tpu.dma_semaphore, #tpu.memory_space<semaphore_mem>>)
      %slice3A_522 = vector.extract_strided_slice %get3A_400 {offsets = [4], sizes = [1], strides = [1]} : vector<16xi32> to vector<1xi32>
      %squeeze3A_523 = vector.extract %slice3A_522[0] : i32 from vector<1xi32>
      %dma_start3A_524 = arith.constant 4 : i32
      %dma_start3A_525 = arith.constant 0 : i32
      %dma_start3A_526 = tpu.memref_slice %arg9[%dma_start3A_524, %dma_start3A_525] : memref<32x32xf32, #tpu.memory_space<vmem>> -> memref<1x32xf32, #tpu.memory_space<vmem>>
      %dma_start3A_527 = tpu.memref_squeeze %dma_start3A_526 : memref<1x32xf32, #tpu.memory_space<vmem>> -> memref<32xf32, #tpu.memory_space<vmem>>
      %dma_start3A_528 = arith.constant 0 : i32
      %dma_start3A_529 = tpu.memref_slice %arg3[%squeeze3A_523, %dma_start3A_528] : memref<1000000x32xf32, #tpu.memory_space<hbm>> -> memref<1x32xf32, #tpu.memory_space<hbm>>
      %dma_start3A_530 = tpu.memref_squeeze %dma_start3A_529 : memref<1x32xf32, #tpu.memory_space<hbm>> -> memref<32xf32, #tpu.memory_space<hbm>>
      %dma_start3A_531 = arith.constant 0 : i32
      %dma_start3A_532 = tpu.memref_slice %arg9[%dma_start3A_524, %dma_start3A_531] : memref<32x32xf32, #tpu.memory_space<vmem>> -> memref<1x32xf32, #tpu.memory_space<vmem>>
      %dma_start3A_533 = tpu.memref_squeeze %dma_start3A_532 : memref<1x32xf32, #tpu.memory_space<vmem>> -> memref<32xf32, #tpu.memory_space<vmem>>
      %dma_start3A_534 = arith.constant 0 : i32
      %dma_start3A_535 = tpu.memref_slice %arg3[%squeeze3A_523, %dma_start3A_534] : memref<1000000x32xf32, #tpu.memory_space<hbm>> -> memref<1x32xf32, #tpu.memory_space<hbm>>
      %dma_start3A_536 = tpu.memref_squeeze %dma_start3A_535 : memref<1x32xf32, #tpu.memory_space<hbm>> -> memref<32xf32, #tpu.memory_space<hbm>>
      tpu.enqueue_dma source(%dma_start3A_536 : memref<32xf32, #tpu.memory_space<hbm>>) target(%dma_start3A_533 : memref<32xf32, #tpu.memory_space<vmem>>) target_semaphore(%arg12 : memref<!tpu.dma_semaphore, #tpu.memory_space<semaphore_mem>>)
      %slice3A_537 = vector.extract_strided_slice %get3A_404 {offsets = [4], sizes = [1], strides = [1]} : vector<16xi32> to vector<1xi32>
      %squeeze3A_538 = vector.extract %slice3A_537[0] : i32 from vector<1xi32>
      %dma_start3A_539 = arith.constant 4 : i32
      %dma_start3A_540 = arith.constant 0 : i32
      %dma_start3A_541 = tpu.memref_slice %arg10[%dma_start3A_539, %dma_start3A_540] : memref<32x32xf32, #tpu.memory_space<vmem>> -> memref<1x32xf32, #tpu.memory_space<vmem>>
      %dma_start3A_542 = tpu.memref_squeeze %dma_start3A_541 : memref<1x32xf32, #tpu.memory_space<vmem>> -> memref<32xf32, #tpu.memory_space<vmem>>
      %dma_start3A_543 = arith.constant 0 : i32
      %dma_start3A_544 = tpu.memref_slice %arg4[%squeeze3A_538, %dma_start3A_543] : memref<1000000x32xf32, #tpu.memory_space<hbm>> -> memref<1x32xf32, #tpu.memory_space<hbm>>
      %dma_start3A_545 = tpu.memref_squeeze %dma_start3A_544 : memref<1x32xf32, #tpu.memory_space<hbm>> -> memref<32xf32, #tpu.memory_space<hbm>>
      %dma_start3A_546 = arith.constant 0 : i32
      %dma_start3A_547 = tpu.memref_slice %arg10[%dma_start3A_539, %dma_start3A_546] : memref<32x32xf32, #tpu.memory_space<vmem>> -> memref<1x32xf32, #tpu.memory_space<vmem>>
      %dma_start3A_548 = tpu.memref_squeeze %dma_start3A_547 : memref<1x32xf32, #tpu.memory_space<vmem>> -> memref<32xf32, #tpu.memory_space<vmem>>
      %dma_start3A_549 = arith.constant 0 : i32
      %dma_start3A_550 = tpu.memref_slice %arg4[%squeeze3A_538, %dma_start3A_549] : memref<1000000x32xf32, #tpu.memory_space<hbm>> -> memref<1x32xf32, #tpu.memory_space<hbm>>
      %dma_start3A_551 = tpu.memref_squeeze %dma_start3A_550 : memref<1x32xf32, #tpu.memory_space<hbm>> -> memref<32xf32, #tpu.memory_space<hbm>>
      tpu.enqueue_dma source(%dma_start3A_551 : memref<32xf32, #tpu.memory_space<hbm>>) target(%dma_start3A_548 : memref<32xf32, #tpu.memory_space<vmem>>) target_semaphore(%arg12 : memref<!tpu.dma_semaphore, #tpu.memory_space<semaphore_mem>>)
      %slice3A_552 = vector.extract_strided_slice %get3A_400 {offsets = [5], sizes = [1], strides = [1]} : vector<16xi32> to vector<1xi32>
      %squeeze3A_553 = vector.extract %slice3A_552[0] : i32 from vector<1xi32>
      %dma_start3A_554 = arith.constant 5 : i32
      %dma_start3A_555 = arith.constant 0 : i32
      %dma_start3A_556 = tpu.memref_slice %arg9[%dma_start3A_554, %dma_start3A_555] : memref<32x32xf32, #tpu.memory_space<vmem>> -> memref<1x32xf32, #tpu.memory_space<vmem>>
      %dma_start3A_557 = tpu.memref_squeeze %dma_start3A_556 : memref<1x32xf32, #tpu.memory_space<vmem>> -> memref<32xf32, #tpu.memory_space<vmem>>
      %dma_start3A_558 = arith.constant 0 : i32
      %dma_start3A_559 = tpu.memref_slice %arg3[%squeeze3A_553, %dma_start3A_558] : memref<1000000x32xf32, #tpu.memory_space<hbm>> -> memref<1x32xf32, #tpu.memory_space<hbm>>
      %dma_start3A_560 = tpu.memref_squeeze %dma_start3A_559 : memref<1x32xf32, #tpu.memory_space<hbm>> -> memref<32xf32, #tpu.memory_space<hbm>>
      %dma_start3A_561 = arith.constant 0 : i32
      %dma_start3A_562 = tpu.memref_slice %arg9[%dma_start3A_554, %dma_start3A_561] : memref<32x32xf32, #tpu.memory_space<vmem>> -> memref<1x32xf32, #tpu.memory_space<vmem>>
      %dma_start3A_563 = tpu.memref_squeeze %dma_start3A_562 : memref<1x32xf32, #tpu.memory_space<vmem>> -> memref<32xf32, #tpu.memory_space<vmem>>
      %dma_start3A_564 = arith.constant 0 : i32
      %dma_start3A_565 = tpu.memref_slice %arg3[%squeeze3A_553, %dma_start3A_564] : memref<1000000x32xf32, #tpu.memory_space<hbm>> -> memref<1x32xf32, #tpu.memory_space<hbm>>
      %dma_start3A_566 = tpu.memref_squeeze %dma_start3A_565 : memref<1x32xf32, #tpu.memory_space<hbm>> -> memref<32xf32, #tpu.memory_space<hbm>>
      tpu.enqueue_dma source(%dma_start3A_566 : memref<32xf32, #tpu.memory_space<hbm>>) target(%dma_start3A_563 : memref<32xf32, #tpu.memory_space<vmem>>) target_semaphore(%arg12 : memref<!tpu.dma_semaphore, #tpu.memory_space<semaphore_mem>>)
      %slice3A_567 = vector.extract_strided_slice %get3A_404 {offsets = [5], sizes = [1], strides = [1]} : vector<16xi32> to vector<1xi32>
      %squeeze3A_568 = vector.extract %slice3A_567[0] : i32 from vector<1xi32>
      %dma_start3A_569 = arith.constant 5 : i32
      %dma_start3A_570 = arith.constant 0 : i32
      %dma_start3A_571 = tpu.memref_slice %arg10[%dma_start3A_569, %dma_start3A_570] : memref<32x32xf32, #tpu.memory_space<vmem>> -> memref<1x32xf32, #tpu.memory_space<vmem>>
      %dma_start3A_572 = tpu.memref_squeeze %dma_start3A_571 : memref<1x32xf32, #tpu.memory_space<vmem>> -> memref<32xf32, #tpu.memory_space<vmem>>
      %dma_start3A_573 = arith.constant 0 : i32
      %dma_start3A_574 = tpu.memref_slice %arg4[%squeeze3A_568, %dma_start3A_573] : memref<1000000x32xf32, #tpu.memory_space<hbm>> -> memref<1x32xf32, #tpu.memory_space<hbm>>
      %dma_start3A_575 = tpu.memref_squeeze %dma_start3A_574 : memref<1x32xf32, #tpu.memory_space<hbm>> -> memref<32xf32, #tpu.memory_space<hbm>>
      %dma_start3A_576 = arith.constant 0 : i32
      %dma_start3A_577 = tpu.memref_slice %arg10[%dma_start3A_569, %dma_start3A_576] : memref<32x32xf32, #tpu.memory_space<vmem>> -> memref<1x32xf32, #tpu.memory_space<vmem>>
      %dma_start3A_578 = tpu.memref_squeeze %dma_start3A_577 : memref<1x32xf32, #tpu.memory_space<vmem>> -> memref<32xf32, #tpu.memory_space<vmem>>
      %dma_start3A_579 = arith.constant 0 : i32
      %dma_start3A_580 = tpu.memref_slice %arg4[%squeeze3A_568, %dma_start3A_579] : memref<1000000x32xf32, #tpu.memory_space<hbm>> -> memref<1x32xf32, #tpu.memory_space<hbm>>
      %dma_start3A_581 = tpu.memref_squeeze %dma_start3A_580 : memref<1x32xf32, #tpu.memory_space<hbm>> -> memref<32xf32, #tpu.memory_space<hbm>>
      tpu.enqueue_dma source(%dma_start3A_581 : memref<32xf32, #tpu.memory_space<hbm>>) target(%dma_start3A_578 : memref<32xf32, #tpu.memory_space<vmem>>) target_semaphore(%arg12 : memref<!tpu.dma_semaphore, #tpu.memory_space<semaphore_mem>>)
      %slice3A_582 = vector.extract_strided_slice %get3A_400 {offsets = [6], sizes = [1], strides = [1]} : vector<16xi32> to vector<1xi32>
      %squeeze3A_583 = vector.extract %slice3A_582[0] : i32 from vector<1xi32>
      %dma_start3A_584 = arith.constant 6 : i32
      %dma_start3A_585 = arith.constant 0 : i32
      %dma_start3A_586 = tpu.memref_slice %arg9[%dma_start3A_584, %dma_start3A_585] : memref<32x32xf32, #tpu.memory_space<vmem>> -> memref<1x32xf32, #tpu.memory_space<vmem>>
      %dma_start3A_587 = tpu.memref_squeeze %dma_start3A_586 : memref<1x32xf32, #tpu.memory_space<vmem>> -> memref<32xf32, #tpu.memory_space<vmem>>
      %dma_start3A_588 = arith.constant 0 : i32
      %dma_start3A_589 = tpu.memref_slice %arg3[%squeeze3A_583, %dma_start3A_588] : memref<1000000x32xf32, #tpu.memory_space<hbm>> -> memref<1x32xf32, #tpu.memory_space<hbm>>
      %dma_start3A_590 = tpu.memref_squeeze %dma_start3A_589 : memref<1x32xf32, #tpu.memory_space<hbm>> -> memref<32xf32, #tpu.memory_space<hbm>>
      %dma_start3A_591 = arith.constant 0 : i32
      %dma_start3A_592 = tpu.memref_slice %arg9[%dma_start3A_584, %dma_start3A_591] : memref<32x32xf32, #tpu.memory_space<vmem>> -> memref<1x32xf32, #tpu.memory_space<vmem>>
      %dma_start3A_593 = tpu.memref_squeeze %dma_start3A_592 : memref<1x32xf32, #tpu.memory_space<vmem>> -> memref<32xf32, #tpu.memory_space<vmem>>
      %dma_start3A_594 = arith.constant 0 : i32
      %dma_start3A_595 = tpu.memref_slice %arg3[%squeeze3A_583, %dma_start3A_594] : memref<1000000x32xf32, #tpu.memory_space<hbm>> -> memref<1x32xf32, #tpu.memory_space<hbm>>
      %dma_start3A_596 = tpu.memref_squeeze %dma_start3A_595 : memref<1x32xf32, #tpu.memory_space<hbm>> -> memref<32xf32, #tpu.memory_space<hbm>>
      tpu.enqueue_dma source(%dma_start3A_596 : memref<32xf32, #tpu.memory_space<hbm>>) target(%dma_start3A_593 : memref<32xf32, #tpu.memory_space<vmem>>) target_semaphore(%arg12 : memref<!tpu.dma_semaphore, #tpu.memory_space<semaphore_mem>>)
      %slice3A_597 = vector.extract_strided_slice %get3A_404 {offsets = [6], sizes = [1], strides = [1]} : vector<16xi32> to vector<1xi32>
      %squeeze3A_598 = vector.extract %slice3A_597[0] : i32 from vector<1xi32>
      %dma_start3A_599 = arith.constant 6 : i32
      %dma_start3A_600 = arith.constant 0 : i32
      %dma_start3A_601 = tpu.memref_slice %arg10[%dma_start3A_599, %dma_start3A_600] : memref<32x32xf32, #tpu.memory_space<vmem>> -> memref<1x32xf32, #tpu.memory_space<vmem>>
      %dma_start3A_602 = tpu.memref_squeeze %dma_start3A_601 : memref<1x32xf32, #tpu.memory_space<vmem>> -> memref<32xf32, #tpu.memory_space<vmem>>
      %dma_start3A_603 = arith.constant 0 : i32
      %dma_start3A_604 = tpu.memref_slice %arg4[%squeeze3A_598, %dma_start3A_603] : memref<1000000x32xf32, #tpu.memory_space<hbm>> -> memref<1x32xf32, #tpu.memory_space<hbm>>
      %dma_start3A_605 = tpu.memref_squeeze %dma_start3A_604 : memref<1x32xf32, #tpu.memory_space<hbm>> -> memref<32xf32, #tpu.memory_space<hbm>>
      %dma_start3A_606 = arith.constant 0 : i32
      %dma_start3A_607 = tpu.memref_slice %arg10[%dma_start3A_599, %dma_start3A_606] : memref<32x32xf32, #tpu.memory_space<vmem>> -> memref<1x32xf32, #tpu.memory_space<vmem>>
      %dma_start3A_608 = tpu.memref_squeeze %dma_start3A_607 : memref<1x32xf32, #tpu.memory_space<vmem>> -> memref<32xf32, #tpu.memory_space<vmem>>
      %dma_start3A_609 = arith.constant 0 : i32
      %dma_start3A_610 = tpu.memref_slice %arg4[%squeeze3A_598, %dma_start3A_609] : memref<1000000x32xf32, #tpu.memory_space<hbm>> -> memref<1x32xf32, #tpu.memory_space<hbm>>
      %dma_start3A_611 = tpu.memref_squeeze %dma_start3A_610 : memref<1x32xf32, #tpu.memory_space<hbm>> -> memref<32xf32, #tpu.memory_space<hbm>>
      tpu.enqueue_dma source(%dma_start3A_611 : memref<32xf32, #tpu.memory_space<hbm>>) target(%dma_start3A_608 : memref<32xf32, #tpu.memory_space<vmem>>) target_semaphore(%arg12 : memref<!tpu.dma_semaphore, #tpu.memory_space<semaphore_mem>>)
      %slice3A_612 = vector.extract_strided_slice %get3A_400 {offsets = [7], sizes = [1], strides = [1]} : vector<16xi32> to vector<1xi32>
      %squeeze3A_613 = vector.extract %slice3A_612[0] : i32 from vector<1xi32>
      %dma_start3A_614 = arith.constant 7 : i32
      %dma_start3A_615 = arith.constant 0 : i32
      %dma_start3A_616 = tpu.memref_slice %arg9[%dma_start3A_614, %dma_start3A_615] : memref<32x32xf32, #tpu.memory_space<vmem>> -> memref<1x32xf32, #tpu.memory_space<vmem>>
      %dma_start3A_617 = tpu.memref_squeeze %dma_start3A_616 : memref<1x32xf32, #tpu.memory_space<vmem>> -> memref<32xf32, #tpu.memory_space<vmem>>
      %dma_start3A_618 = arith.constant 0 : i32
      %dma_start3A_619 = tpu.memref_slice %arg3[%squeeze3A_613, %dma_start3A_618] : memref<1000000x32xf32, #tpu.memory_space<hbm>> -> memref<1x32xf32, #tpu.memory_space<hbm>>
      %dma_start3A_620 = tpu.memref_squeeze %dma_start3A_619 : memref<1x32xf32, #tpu.memory_space<hbm>> -> memref<32xf32, #tpu.memory_space<hbm>>
      %dma_start3A_621 = arith.constant 0 : i32
      %dma_start3A_622 = tpu.memref_slice %arg9[%dma_start3A_614, %dma_start3A_621] : memref<32x32xf32, #tpu.memory_space<vmem>> -> memref<1x32xf32, #tpu.memory_space<vmem>>
      %dma_start3A_623 = tpu.memref_squeeze %dma_start3A_622 : memref<1x32xf32, #tpu.memory_space<vmem>> -> memref<32xf32, #tpu.memory_space<vmem>>
      %dma_start3A_624 = arith.constant 0 : i32
      %dma_start3A_625 = tpu.memref_slice %arg3[%squeeze3A_613, %dma_start3A_624] : memref<1000000x32xf32, #tpu.memory_space<hbm>> -> memref<1x32xf32, #tpu.memory_space<hbm>>
      %dma_start3A_626 = tpu.memref_squeeze %dma_start3A_625 : memref<1x32xf32, #tpu.memory_space<hbm>> -> memref<32xf32, #tpu.memory_space<hbm>>
      tpu.enqueue_dma source(%dma_start3A_626 : memref<32xf32, #tpu.memory_space<hbm>>) target(%dma_start3A_623 : memref<32xf32, #tpu.memory_space<vmem>>) target_semaphore(%arg12 : memref<!tpu.dma_semaphore, #tpu.memory_space<semaphore_mem>>)
      %slice3A_627 = vector.extract_strided_slice %get3A_404 {offsets = [7], sizes = [1], strides = [1]} : vector<16xi32> to vector<1xi32>
      %squeeze3A_628 = vector.extract %slice3A_627[0] : i32 from vector<1xi32>
      %dma_start3A_629 = arith.constant 7 : i32
      %dma_start3A_630 = arith.constant 0 : i32
      %dma_start3A_631 = tpu.memref_slice %arg10[%dma_start3A_629, %dma_start3A_630] : memref<32x32xf32, #tpu.memory_space<vmem>> -> memref<1x32xf32, #tpu.memory_space<vmem>>
      %dma_start3A_632 = tpu.memref_squeeze %dma_start3A_631 : memref<1x32xf32, #tpu.memory_space<vmem>> -> memref<32xf32, #tpu.memory_space<vmem>>
      %dma_start3A_633 = arith.constant 0 : i32
      %dma_start3A_634 = tpu.memref_slice %arg4[%squeeze3A_628, %dma_start3A_633] : memref<1000000x32xf32, #tpu.memory_space<hbm>> -> memref<1x32xf32, #tpu.memory_space<hbm>>
      %dma_start3A_635 = tpu.memref_squeeze %dma_start3A_634 : memref<1x32xf32, #tpu.memory_space<hbm>> -> memref<32xf32, #tpu.memory_space<hbm>>
      %dma_start3A_636 = arith.constant 0 : i32
      %dma_start3A_637 = tpu.memref_slice %arg10[%dma_start3A_629, %dma_start3A_636] : memref<32x32xf32, #tpu.memory_space<vmem>> -> memref<1x32xf32, #tpu.memory_space<vmem>>
      %dma_start3A_638 = tpu.memref_squeeze %dma_start3A_637 : memref<1x32xf32, #tpu.memory_space<vmem>> -> memref<32xf32, #tpu.memory_space<vmem>>
      %dma_start3A_639 = arith.constant 0 : i32
      %dma_start3A_640 = tpu.memref_slice %arg4[%squeeze3A_628, %dma_start3A_639] : memref<1000000x32xf32, #tpu.memory_space<hbm>> -> memref<1x32xf32, #tpu.memory_space<hbm>>
      %dma_start3A_641 = tpu.memref_squeeze %dma_start3A_640 : memref<1x32xf32, #tpu.memory_space<hbm>> -> memref<32xf32, #tpu.memory_space<hbm>>
      tpu.enqueue_dma source(%dma_start3A_641 : memref<32xf32, #tpu.memory_space<hbm>>) target(%dma_start3A_638 : memref<32xf32, #tpu.memory_space<vmem>>) target_semaphore(%arg12 : memref<!tpu.dma_semaphore, #tpu.memory_space<semaphore_mem>>)
      %slice3A_642 = vector.extract_strided_slice %get3A_400 {offsets = [8], sizes = [1], strides = [1]} : vector<16xi32> to vector<1xi32>
      %squeeze3A_643 = vector.extract %slice3A_642[0] : i32 from vector<1xi32>
      %dma_start3A_644 = arith.constant 8 : i32
      %dma_start3A_645 = arith.constant 0 : i32
      %dma_start3A_646 = tpu.memref_slice %arg9[%dma_start3A_644, %dma_start3A_645] : memref<32x32xf32, #tpu.memory_space<vmem>> -> memref<1x32xf32, #tpu.memory_space<vmem>>
      %dma_start3A_647 = tpu.memref_squeeze %dma_start3A_646 : memref<1x32xf32, #tpu.memory_space<vmem>> -> memref<32xf32, #tpu.memory_space<vmem>>
      %dma_start3A_648 = arith.constant 0 : i32
      %dma_start3A_649 = tpu.memref_slice %arg3[%squeeze3A_643, %dma_start3A_648] : memref<1000000x32xf32, #tpu.memory_space<hbm>> -> memref<1x32xf32, #tpu.memory_space<hbm>>
      %dma_start3A_650 = tpu.memref_squeeze %dma_start3A_649 : memref<1x32xf32, #tpu.memory_space<hbm>> -> memref<32xf32, #tpu.memory_space<hbm>>
      %dma_start3A_651 = arith.constant 0 : i32
      %dma_start3A_652 = tpu.memref_slice %arg9[%dma_start3A_644, %dma_start3A_651] : memref<32x32xf32, #tpu.memory_space<vmem>> -> memref<1x32xf32, #tpu.memory_space<vmem>>
      %dma_start3A_653 = tpu.memref_squeeze %dma_start3A_652 : memref<1x32xf32, #tpu.memory_space<vmem>> -> memref<32xf32, #tpu.memory_space<vmem>>
      %dma_start3A_654 = arith.constant 0 : i32
      %dma_start3A_655 = tpu.memref_slice %arg3[%squeeze3A_643, %dma_start3A_654] : memref<1000000x32xf32, #tpu.memory_space<hbm>> -> memref<1x32xf32, #tpu.memory_space<hbm>>
      %dma_start3A_656 = tpu.memref_squeeze %dma_start3A_655 : memref<1x32xf32, #tpu.memory_space<hbm>> -> memref<32xf32, #tpu.memory_space<hbm>>
      tpu.enqueue_dma source(%dma_start3A_656 : memref<32xf32, #tpu.memory_space<hbm>>) target(%dma_start3A_653 : memref<32xf32, #tpu.memory_space<vmem>>) target_semaphore(%arg12 : memref<!tpu.dma_semaphore, #tpu.memory_space<semaphore_mem>>)
      %slice3A_657 = vector.extract_strided_slice %get3A_404 {offsets = [8], sizes = [1], strides = [1]} : vector<16xi32> to vector<1xi32>
      %squeeze3A_658 = vector.extract %slice3A_657[0] : i32 from vector<1xi32>
      %dma_start3A_659 = arith.constant 8 : i32
      %dma_start3A_660 = arith.constant 0 : i32
      %dma_start3A_661 = tpu.memref_slice %arg10[%dma_start3A_659, %dma_start3A_660] : memref<32x32xf32, #tpu.memory_space<vmem>> -> memref<1x32xf32, #tpu.memory_space<vmem>>
      %dma_start3A_662 = tpu.memref_squeeze %dma_start3A_661 : memref<1x32xf32, #tpu.memory_space<vmem>> -> memref<32xf32, #tpu.memory_space<vmem>>
      %dma_start3A_663 = arith.constant 0 : i32
      %dma_start3A_664 = tpu.memref_slice %arg4[%squeeze3A_658, %dma_start3A_663] : memref<1000000x32xf32, #tpu.memory_space<hbm>> -> memref<1x32xf32, #tpu.memory_space<hbm>>
      %dma_start3A_665 = tpu.memref_squeeze %dma_start3A_664 : memref<1x32xf32, #tpu.memory_space<hbm>> -> memref<32xf32, #tpu.memory_space<hbm>>
      %dma_start3A_666 = arith.constant 0 : i32
      %dma_start3A_667 = tpu.memref_slice %arg10[%dma_start3A_659, %dma_start3A_666] : memref<32x32xf32, #tpu.memory_space<vmem>> -> memref<1x32xf32, #tpu.memory_space<vmem>>
      %dma_start3A_668 = tpu.memref_squeeze %dma_start3A_667 : memref<1x32xf32, #tpu.memory_space<vmem>> -> memref<32xf32, #tpu.memory_space<vmem>>
      %dma_start3A_669 = arith.constant 0 : i32
      %dma_start3A_670 = tpu.memref_slice %arg4[%squeeze3A_658, %dma_start3A_669] : memref<1000000x32xf32, #tpu.memory_space<hbm>> -> memref<1x32xf32, #tpu.memory_space<hbm>>
      %dma_start3A_671 = tpu.memref_squeeze %dma_start3A_670 : memref<1x32xf32, #tpu.memory_space<hbm>> -> memref<32xf32, #tpu.memory_space<hbm>>
      tpu.enqueue_dma source(%dma_start3A_671 : memref<32xf32, #tpu.memory_space<hbm>>) target(%dma_start3A_668 : memref<32xf32, #tpu.memory_space<vmem>>) target_semaphore(%arg12 : memref<!tpu.dma_semaphore, #tpu.memory_space<semaphore_mem>>)
      %slice3A_672 = vector.extract_strided_slice %get3A_400 {offsets = [9], sizes = [1], strides = [1]} : vector<16xi32> to vector<1xi32>
      %squeeze3A_673 = vector.extract %slice3A_672[0] : i32 from vector<1xi32>
      %dma_start3A_674 = arith.constant 9 : i32
      %dma_start3A_675 = arith.constant 0 : i32
      %dma_start3A_676 = tpu.memref_slice %arg9[%dma_start3A_674, %dma_start3A_675] : memref<32x32xf32, #tpu.memory_space<vmem>> -> memref<1x32xf32, #tpu.memory_space<vmem>>
      %dma_start3A_677 = tpu.memref_squeeze %dma_start3A_676 : memref<1x32xf32, #tpu.memory_space<vmem>> -> memref<32xf32, #tpu.memory_space<vmem>>
      %dma_start3A_678 = arith.constant 0 : i32
      %dma_start3A_679 = tpu.memref_slice %arg3[%squeeze3A_673, %dma_start3A_678] : memref<1000000x32xf32, #tpu.memory_space<hbm>> -> memref<1x32xf32, #tpu.memory_space<hbm>>
      %dma_start3A_680 = tpu.memref_squeeze %dma_start3A_679 : memref<1x32xf32, #tpu.memory_space<hbm>> -> memref<32xf32, #tpu.memory_space<hbm>>
      %dma_start3A_681 = arith.constant 0 : i32
      %dma_start3A_682 = tpu.memref_slice %arg9[%dma_start3A_674, %dma_start3A_681] : memref<32x32xf32, #tpu.memory_space<vmem>> -> memref<1x32xf32, #tpu.memory_space<vmem>>
      %dma_start3A_683 = tpu.memref_squeeze %dma_start3A_682 : memref<1x32xf32, #tpu.memory_space<vmem>> -> memref<32xf32, #tpu.memory_space<vmem>>
      %dma_start3A_684 = arith.constant 0 : i32
      %dma_start3A_685 = tpu.memref_slice %arg3[%squeeze3A_673, %dma_start3A_684] : memref<1000000x32xf32, #tpu.memory_space<hbm>> -> memref<1x32xf32, #tpu.memory_space<hbm>>
      %dma_start3A_686 = tpu.memref_squeeze %dma_start3A_685 : memref<1x32xf32, #tpu.memory_space<hbm>> -> memref<32xf32, #tpu.memory_space<hbm>>
      tpu.enqueue_dma source(%dma_start3A_686 : memref<32xf32, #tpu.memory_space<hbm>>) target(%dma_start3A_683 : memref<32xf32, #tpu.memory_space<vmem>>) target_semaphore(%arg12 : memref<!tpu.dma_semaphore, #tpu.memory_space<semaphore_mem>>)
      %slice3A_687 = vector.extract_strided_slice %get3A_404 {offsets = [9], sizes = [1], strides = [1]} : vector<16xi32> to vector<1xi32>
      %squeeze3A_688 = vector.extract %slice3A_687[0] : i32 from vector<1xi32>
      %dma_start3A_689 = arith.constant 9 : i32
      %dma_start3A_690 = arith.constant 0 : i32
      %dma_start3A_691 = tpu.memref_slice %arg10[%dma_start3A_689, %dma_start3A_690] : memref<32x32xf32, #tpu.memory_space<vmem>> -> memref<1x32xf32, #tpu.memory_space<vmem>>
      %dma_start3A_692 = tpu.memref_squeeze %dma_start3A_691 : memref<1x32xf32, #tpu.memory_space<vmem>> -> memref<32xf32, #tpu.memory_space<vmem>>
      %dma_start3A_693 = arith.constant 0 : i32
      %dma_start3A_694 = tpu.memref_slice %arg4[%squeeze3A_688, %dma_start3A_693] : memref<1000000x32xf32, #tpu.memory_space<hbm>> -> memref<1x32xf32, #tpu.memory_space<hbm>>
      %dma_start3A_695 = tpu.memref_squeeze %dma_start3A_694 : memref<1x32xf32, #tpu.memory_space<hbm>> -> memref<32xf32, #tpu.memory_space<hbm>>
      %dma_start3A_696 = arith.constant 0 : i32
      %dma_start3A_697 = tpu.memref_slice %arg10[%dma_start3A_689, %dma_start3A_696] : memref<32x32xf32, #tpu.memory_space<vmem>> -> memref<1x32xf32, #tpu.memory_space<vmem>>
      %dma_start3A_698 = tpu.memref_squeeze %dma_start3A_697 : memref<1x32xf32, #tpu.memory_space<vmem>> -> memref<32xf32, #tpu.memory_space<vmem>>
      %dma_start3A_699 = arith.constant 0 : i32
      %dma_start3A_700 = tpu.memref_slice %arg4[%squeeze3A_688, %dma_start3A_699] : memref<1000000x32xf32, #tpu.memory_space<hbm>> -> memref<1x32xf32, #tpu.memory_space<hbm>>
      %dma_start3A_701 = tpu.memref_squeeze %dma_start3A_700 : memref<1x32xf32, #tpu.memory_space<hbm>> -> memref<32xf32, #tpu.memory_space<hbm>>
      tpu.enqueue_dma source(%dma_start3A_701 : memref<32xf32, #tpu.memory_space<hbm>>) target(%dma_start3A_698 : memref<32xf32, #tpu.memory_space<vmem>>) target_semaphore(%arg12 : memref<!tpu.dma_semaphore, #tpu.memory_space<semaphore_mem>>)
      %slice3A_702 = vector.extract_strided_slice %get3A_400 {offsets = [10], sizes = [1], strides = [1]} : vector<16xi32> to vector<1xi32>
      %squeeze3A_703 = vector.extract %slice3A_702[0] : i32 from vector<1xi32>
      %dma_start3A_704 = arith.constant 10 : i32
      %dma_start3A_705 = arith.constant 0 : i32
      %dma_start3A_706 = tpu.memref_slice %arg9[%dma_start3A_704, %dma_start3A_705] : memref<32x32xf32, #tpu.memory_space<vmem>> -> memref<1x32xf32, #tpu.memory_space<vmem>>
      %dma_start3A_707 = tpu.memref_squeeze %dma_start3A_706 : memref<1x32xf32, #tpu.memory_space<vmem>> -> memref<32xf32, #tpu.memory_space<vmem>>
      %dma_start3A_708 = arith.constant 0 : i32
      %dma_start3A_709 = tpu.memref_slice %arg3[%squeeze3A_703, %dma_start3A_708] : memref<1000000x32xf32, #tpu.memory_space<hbm>> -> memref<1x32xf32, #tpu.memory_space<hbm>>
      %dma_start3A_710 = tpu.memref_squeeze %dma_start3A_709 : memref<1x32xf32, #tpu.memory_space<hbm>> -> memref<32xf32, #tpu.memory_space<hbm>>
      %dma_start3A_711 = arith.constant 0 : i32
      %dma_start3A_712 = tpu.memref_slice %arg9[%dma_start3A_704, %dma_start3A_711] : memref<32x32xf32, #tpu.memory_space<vmem>> -> memref<1x32xf32, #tpu.memory_space<vmem>>
      %dma_start3A_713 = tpu.memref_squeeze %dma_start3A_712 : memref<1x32xf32, #tpu.memory_space<vmem>> -> memref<32xf32, #tpu.memory_space<vmem>>
      %dma_start3A_714 = arith.constant 0 : i32
      %dma_start3A_715 = tpu.memref_slice %arg3[%squeeze3A_703, %dma_start3A_714] : memref<1000000x32xf32, #tpu.memory_space<hbm>> -> memref<1x32xf32, #tpu.memory_space<hbm>>
      %dma_start3A_716 = tpu.memref_squeeze %dma_start3A_715 : memref<1x32xf32, #tpu.memory_space<hbm>> -> memref<32xf32, #tpu.memory_space<hbm>>
      tpu.enqueue_dma source(%dma_start3A_716 : memref<32xf32, #tpu.memory_space<hbm>>) target(%dma_start3A_713 : memref<32xf32, #tpu.memory_space<vmem>>) target_semaphore(%arg12 : memref<!tpu.dma_semaphore, #tpu.memory_space<semaphore_mem>>)
      %slice3A_717 = vector.extract_strided_slice %get3A_404 {offsets = [10], sizes = [1], strides = [1]} : vector<16xi32> to vector<1xi32>
      %squeeze3A_718 = vector.extract %slice3A_717[0] : i32 from vector<1xi32>
      %dma_start3A_719 = arith.constant 10 : i32
      %dma_start3A_720 = arith.constant 0 : i32
      %dma_start3A_721 = tpu.memref_slice %arg10[%dma_start3A_719, %dma_start3A_720] : memref<32x32xf32, #tpu.memory_space<vmem>> -> memref<1x32xf32, #tpu.memory_space<vmem>>
      %dma_start3A_722 = tpu.memref_squeeze %dma_start3A_721 : memref<1x32xf32, #tpu.memory_space<vmem>> -> memref<32xf32, #tpu.memory_space<vmem>>
      %dma_start3A_723 = arith.constant 0 : i32
      %dma_start3A_724 = tpu.memref_slice %arg4[%squeeze3A_718, %dma_start3A_723] : memref<1000000x32xf32, #tpu.memory_space<hbm>> -> memref<1x32xf32, #tpu.memory_space<hbm>>
      %dma_start3A_725 = tpu.memref_squeeze %dma_start3A_724 : memref<1x32xf32, #tpu.memory_space<hbm>> -> memref<32xf32, #tpu.memory_space<hbm>>
      %dma_start3A_726 = arith.constant 0 : i32
      %dma_start3A_727 = tpu.memref_slice %arg10[%dma_start3A_719, %dma_start3A_726] : memref<32x32xf32, #tpu.memory_space<vmem>> -> memref<1x32xf32, #tpu.memory_space<vmem>>
      %dma_start3A_728 = tpu.memref_squeeze %dma_start3A_727 : memref<1x32xf32, #tpu.memory_space<vmem>> -> memref<32xf32, #tpu.memory_space<vmem>>
      %dma_start3A_729 = arith.constant 0 : i32
      %dma_start3A_730 = tpu.memref_slice %arg4[%squeeze3A_718, %dma_start3A_729] : memref<1000000x32xf32, #tpu.memory_space<hbm>> -> memref<1x32xf32, #tpu.memory_space<hbm>>
      %dma_start3A_731 = tpu.memref_squeeze %dma_start3A_730 : memref<1x32xf32, #tpu.memory_space<hbm>> -> memref<32xf32, #tpu.memory_space<hbm>>
      tpu.enqueue_dma source(%dma_start3A_731 : memref<32xf32, #tpu.memory_space<hbm>>) target(%dma_start3A_728 : memref<32xf32, #tpu.memory_space<vmem>>) target_semaphore(%arg12 : memref<!tpu.dma_semaphore, #tpu.memory_space<semaphore_mem>>)
      %slice3A_732 = vector.extract_strided_slice %get3A_400 {offsets = [11], sizes = [1], strides = [1]} : vector<16xi32> to vector<1xi32>
      %squeeze3A_733 = vector.extract %slice3A_732[0] : i32 from vector<1xi32>
      %dma_start3A_734 = arith.constant 11 : i32
      %dma_start3A_735 = arith.constant 0 : i32
      %dma_start3A_736 = tpu.memref_slice %arg9[%dma_start3A_734, %dma_start3A_735] : memref<32x32xf32, #tpu.memory_space<vmem>> -> memref<1x32xf32, #tpu.memory_space<vmem>>
      %dma_start3A_737 = tpu.memref_squeeze %dma_start3A_736 : memref<1x32xf32, #tpu.memory_space<vmem>> -> memref<32xf32, #tpu.memory_space<vmem>>
      %dma_start3A_738 = arith.constant 0 : i32
      %dma_start3A_739 = tpu.memref_slice %arg3[%squeeze3A_733, %dma_start3A_738] : memref<1000000x32xf32, #tpu.memory_space<hbm>> -> memref<1x32xf32, #tpu.memory_space<hbm>>
      %dma_start3A_740 = tpu.memref_squeeze %dma_start3A_739 : memref<1x32xf32, #tpu.memory_space<hbm>> -> memref<32xf32, #tpu.memory_space<hbm>>
      %dma_start3A_741 = arith.constant 0 : i32
      %dma_start3A_742 = tpu.memref_slice %arg9[%dma_start3A_734, %dma_start3A_741] : memref<32x32xf32, #tpu.memory_space<vmem>> -> memref<1x32xf32, #tpu.memory_space<vmem>>
      %dma_start3A_743 = tpu.memref_squeeze %dma_start3A_742 : memref<1x32xf32, #tpu.memory_space<vmem>> -> memref<32xf32, #tpu.memory_space<vmem>>
      %dma_start3A_744 = arith.constant 0 : i32
      %dma_start3A_745 = tpu.memref_slice %arg3[%squeeze3A_733, %dma_start3A_744] : memref<1000000x32xf32, #tpu.memory_space<hbm>> -> memref<1x32xf32, #tpu.memory_space<hbm>>
      %dma_start3A_746 = tpu.memref_squeeze %dma_start3A_745 : memref<1x32xf32, #tpu.memory_space<hbm>> -> memref<32xf32, #tpu.memory_space<hbm>>
      tpu.enqueue_dma source(%dma_start3A_746 : memref<32xf32, #tpu.memory_space<hbm>>) target(%dma_start3A_743 : memref<32xf32, #tpu.memory_space<vmem>>) target_semaphore(%arg12 : memref<!tpu.dma_semaphore, #tpu.memory_space<semaphore_mem>>)
      %slice3A_747 = vector.extract_strided_slice %get3A_404 {offsets = [11], sizes = [1], strides = [1]} : vector<16xi32> to vector<1xi32>
      %squeeze3A_748 = vector.extract %slice3A_747[0] : i32 from vector<1xi32>
      %dma_start3A_749 = arith.constant 11 : i32
      %dma_start3A_750 = arith.constant 0 : i32
      %dma_start3A_751 = tpu.memref_slice %arg10[%dma_start3A_749, %dma_start3A_750] : memref<32x32xf32, #tpu.memory_space<vmem>> -> memref<1x32xf32, #tpu.memory_space<vmem>>
      %dma_start3A_752 = tpu.memref_squeeze %dma_start3A_751 : memref<1x32xf32, #tpu.memory_space<vmem>> -> memref<32xf32, #tpu.memory_space<vmem>>
      %dma_start3A_753 = arith.constant 0 : i32
      %dma_start3A_754 = tpu.memref_slice %arg4[%squeeze3A_748, %dma_start3A_753] : memref<1000000x32xf32, #tpu.memory_space<hbm>> -> memref<1x32xf32, #tpu.memory_space<hbm>>
      %dma_start3A_755 = tpu.memref_squeeze %dma_start3A_754 : memref<1x32xf32, #tpu.memory_space<hbm>> -> memref<32xf32, #tpu.memory_space<hbm>>
      %dma_start3A_756 = arith.constant 0 : i32
      %dma_start3A_757 = tpu.memref_slice %arg10[%dma_start3A_749, %dma_start3A_756] : memref<32x32xf32, #tpu.memory_space<vmem>> -> memref<1x32xf32, #tpu.memory_space<vmem>>
      %dma_start3A_758 = tpu.memref_squeeze %dma_start3A_757 : memref<1x32xf32, #tpu.memory_space<vmem>> -> memref<32xf32, #tpu.memory_space<vmem>>
      %dma_start3A_759 = arith.constant 0 : i32
      %dma_start3A_760 = tpu.memref_slice %arg4[%squeeze3A_748, %dma_start3A_759] : memref<1000000x32xf32, #tpu.memory_space<hbm>> -> memref<1x32xf32, #tpu.memory_space<hbm>>
      %dma_start3A_761 = tpu.memref_squeeze %dma_start3A_760 : memref<1x32xf32, #tpu.memory_space<hbm>> -> memref<32xf32, #tpu.memory_space<hbm>>
      tpu.enqueue_dma source(%dma_start3A_761 : memref<32xf32, #tpu.memory_space<hbm>>) target(%dma_start3A_758 : memref<32xf32, #tpu.memory_space<vmem>>) target_semaphore(%arg12 : memref<!tpu.dma_semaphore, #tpu.memory_space<semaphore_mem>>)
      %slice3A_762 = vector.extract_strided_slice %get3A_400 {offsets = [12], sizes = [1], strides = [1]} : vector<16xi32> to vector<1xi32>
      %squeeze3A_763 = vector.extract %slice3A_762[0] : i32 from vector<1xi32>
      %dma_start3A_764 = arith.constant 12 : i32
      %dma_start3A_765 = arith.constant 0 : i32
      %dma_start3A_766 = tpu.memref_slice %arg9[%dma_start3A_764, %dma_start3A_765] : memref<32x32xf32, #tpu.memory_space<vmem>> -> memref<1x32xf32, #tpu.memory_space<vmem>>
      %dma_start3A_767 = tpu.memref_squeeze %dma_start3A_766 : memref<1x32xf32, #tpu.memory_space<vmem>> -> memref<32xf32, #tpu.memory_space<vmem>>
      %dma_start3A_768 = arith.constant 0 : i32
      %dma_start3A_769 = tpu.memref_slice %arg3[%squeeze3A_763, %dma_start3A_768] : memref<1000000x32xf32, #tpu.memory_space<hbm>> -> memref<1x32xf32, #tpu.memory_space<hbm>>
      %dma_start3A_770 = tpu.memref_squeeze %dma_start3A_769 : memref<1x32xf32, #tpu.memory_space<hbm>> -> memref<32xf32, #tpu.memory_space<hbm>>
      %dma_start3A_771 = arith.constant 0 : i32
      %dma_start3A_772 = tpu.memref_slice %arg9[%dma_start3A_764, %dma_start3A_771] : memref<32x32xf32, #tpu.memory_space<vmem>> -> memref<1x32xf32, #tpu.memory_space<vmem>>
      %dma_start3A_773 = tpu.memref_squeeze %dma_start3A_772 : memref<1x32xf32, #tpu.memory_space<vmem>> -> memref<32xf32, #tpu.memory_space<vmem>>
      %dma_start3A_774 = arith.constant 0 : i32
      %dma_start3A_775 = tpu.memref_slice %arg3[%squeeze3A_763, %dma_start3A_774] : memref<1000000x32xf32, #tpu.memory_space<hbm>> -> memref<1x32xf32, #tpu.memory_space<hbm>>
      %dma_start3A_776 = tpu.memref_squeeze %dma_start3A_775 : memref<1x32xf32, #tpu.memory_space<hbm>> -> memref<32xf32, #tpu.memory_space<hbm>>
      tpu.enqueue_dma source(%dma_start3A_776 : memref<32xf32, #tpu.memory_space<hbm>>) target(%dma_start3A_773 : memref<32xf32, #tpu.memory_space<vmem>>) target_semaphore(%arg12 : memref<!tpu.dma_semaphore, #tpu.memory_space<semaphore_mem>>)
      %slice3A_777 = vector.extract_strided_slice %get3A_404 {offsets = [12], sizes = [1], strides = [1]} : vector<16xi32> to vector<1xi32>
      %squeeze3A_778 = vector.extract %slice3A_777[0] : i32 from vector<1xi32>
      %dma_start3A_779 = arith.constant 12 : i32
      %dma_start3A_780 = arith.constant 0 : i32
      %dma_start3A_781 = tpu.memref_slice %arg10[%dma_start3A_779, %dma_start3A_780] : memref<32x32xf32, #tpu.memory_space<vmem>> -> memref<1x32xf32, #tpu.memory_space<vmem>>
      %dma_start3A_782 = tpu.memref_squeeze %dma_start3A_781 : memref<1x32xf32, #tpu.memory_space<vmem>> -> memref<32xf32, #tpu.memory_space<vmem>>
      %dma_start3A_783 = arith.constant 0 : i32
      %dma_start3A_784 = tpu.memref_slice %arg4[%squeeze3A_778, %dma_start3A_783] : memref<1000000x32xf32, #tpu.memory_space<hbm>> -> memref<1x32xf32, #tpu.memory_space<hbm>>
      %dma_start3A_785 = tpu.memref_squeeze %dma_start3A_784 : memref<1x32xf32, #tpu.memory_space<hbm>> -> memref<32xf32, #tpu.memory_space<hbm>>
      %dma_start3A_786 = arith.constant 0 : i32
      %dma_start3A_787 = tpu.memref_slice %arg10[%dma_start3A_779, %dma_start3A_786] : memref<32x32xf32, #tpu.memory_space<vmem>> -> memref<1x32xf32, #tpu.memory_space<vmem>>
      %dma_start3A_788 = tpu.memref_squeeze %dma_start3A_787 : memref<1x32xf32, #tpu.memory_space<vmem>> -> memref<32xf32, #tpu.memory_space<vmem>>
      %dma_start3A_789 = arith.constant 0 : i32
      %dma_start3A_790 = tpu.memref_slice %arg4[%squeeze3A_778, %dma_start3A_789] : memref<1000000x32xf32, #tpu.memory_space<hbm>> -> memref<1x32xf32, #tpu.memory_space<hbm>>
      %dma_start3A_791 = tpu.memref_squeeze %dma_start3A_790 : memref<1x32xf32, #tpu.memory_space<hbm>> -> memref<32xf32, #tpu.memory_space<hbm>>
      tpu.enqueue_dma source(%dma_start3A_791 : memref<32xf32, #tpu.memory_space<hbm>>) target(%dma_start3A_788 : memref<32xf32, #tpu.memory_space<vmem>>) target_semaphore(%arg12 : memref<!tpu.dma_semaphore, #tpu.memory_space<semaphore_mem>>)
      %slice3A_792 = vector.extract_strided_slice %get3A_400 {offsets = [13], sizes = [1], strides = [1]} : vector<16xi32> to vector<1xi32>
      %squeeze3A_793 = vector.extract %slice3A_792[0] : i32 from vector<1xi32>
      %dma_start3A_794 = arith.constant 13 : i32
      %dma_start3A_795 = arith.constant 0 : i32
      %dma_start3A_796 = tpu.memref_slice %arg9[%dma_start3A_794, %dma_start3A_795] : memref<32x32xf32, #tpu.memory_space<vmem>> -> memref<1x32xf32, #tpu.memory_space<vmem>>
      %dma_start3A_797 = tpu.memref_squeeze %dma_start3A_796 : memref<1x32xf32, #tpu.memory_space<vmem>> -> memref<32xf32, #tpu.memory_space<vmem>>
      %dma_start3A_798 = arith.constant 0 : i32
      %dma_start3A_799 = tpu.memref_slice %arg3[%squeeze3A_793, %dma_start3A_798] : memref<1000000x32xf32, #tpu.memory_space<hbm>> -> memref<1x32xf32, #tpu.memory_space<hbm>>
      %dma_start3A_800 = tpu.memref_squeeze %dma_start3A_799 : memref<1x32xf32, #tpu.memory_space<hbm>> -> memref<32xf32, #tpu.memory_space<hbm>>
      %dma_start3A_801 = arith.constant 0 : i32
      %dma_start3A_802 = tpu.memref_slice %arg9[%dma_start3A_794, %dma_start3A_801] : memref<32x32xf32, #tpu.memory_space<vmem>> -> memref<1x32xf32, #tpu.memory_space<vmem>>
      %dma_start3A_803 = tpu.memref_squeeze %dma_start3A_802 : memref<1x32xf32, #tpu.memory_space<vmem>> -> memref<32xf32, #tpu.memory_space<vmem>>
      %dma_start3A_804 = arith.constant 0 : i32
      %dma_start3A_805 = tpu.memref_slice %arg3[%squeeze3A_793, %dma_start3A_804] : memref<1000000x32xf32, #tpu.memory_space<hbm>> -> memref<1x32xf32, #tpu.memory_space<hbm>>
      %dma_start3A_806 = tpu.memref_squeeze %dma_start3A_805 : memref<1x32xf32, #tpu.memory_space<hbm>> -> memref<32xf32, #tpu.memory_space<hbm>>
      tpu.enqueue_dma source(%dma_start3A_806 : memref<32xf32, #tpu.memory_space<hbm>>) target(%dma_start3A_803 : memref<32xf32, #tpu.memory_space<vmem>>) target_semaphore(%arg12 : memref<!tpu.dma_semaphore, #tpu.memory_space<semaphore_mem>>)
      %slice3A_807 = vector.extract_strided_slice %get3A_404 {offsets = [13], sizes = [1], strides = [1]} : vector<16xi32> to vector<1xi32>
      %squeeze3A_808 = vector.extract %slice3A_807[0] : i32 from vector<1xi32>
      %dma_start3A_809 = arith.constant 13 : i32
      %dma_start3A_810 = arith.constant 0 : i32
      %dma_start3A_811 = tpu.memref_slice %arg10[%dma_start3A_809, %dma_start3A_810] : memref<32x32xf32, #tpu.memory_space<vmem>> -> memref<1x32xf32, #tpu.memory_space<vmem>>
      %dma_start3A_812 = tpu.memref_squeeze %dma_start3A_811 : memref<1x32xf32, #tpu.memory_space<vmem>> -> memref<32xf32, #tpu.memory_space<vmem>>
      %dma_start3A_813 = arith.constant 0 : i32
      %dma_start3A_814 = tpu.memref_slice %arg4[%squeeze3A_808, %dma_start3A_813] : memref<1000000x32xf32, #tpu.memory_space<hbm>> -> memref<1x32xf32, #tpu.memory_space<hbm>>
      %dma_start3A_815 = tpu.memref_squeeze %dma_start3A_814 : memref<1x32xf32, #tpu.memory_space<hbm>> -> memref<32xf32, #tpu.memory_space<hbm>>
      %dma_start3A_816 = arith.constant 0 : i32
      %dma_start3A_817 = tpu.memref_slice %arg10[%dma_start3A_809, %dma_start3A_816] : memref<32x32xf32, #tpu.memory_space<vmem>> -> memref<1x32xf32, #tpu.memory_space<vmem>>
      %dma_start3A_818 = tpu.memref_squeeze %dma_start3A_817 : memref<1x32xf32, #tpu.memory_space<vmem>> -> memref<32xf32, #tpu.memory_space<vmem>>
      %dma_start3A_819 = arith.constant 0 : i32
      %dma_start3A_820 = tpu.memref_slice %arg4[%squeeze3A_808, %dma_start3A_819] : memref<1000000x32xf32, #tpu.memory_space<hbm>> -> memref<1x32xf32, #tpu.memory_space<hbm>>
      %dma_start3A_821 = tpu.memref_squeeze %dma_start3A_820 : memref<1x32xf32, #tpu.memory_space<hbm>> -> memref<32xf32, #tpu.memory_space<hbm>>
      tpu.enqueue_dma source(%dma_start3A_821 : memref<32xf32, #tpu.memory_space<hbm>>) target(%dma_start3A_818 : memref<32xf32, #tpu.memory_space<vmem>>) target_semaphore(%arg12 : memref<!tpu.dma_semaphore, #tpu.memory_space<semaphore_mem>>)
      %slice3A_822 = vector.extract_strided_slice %get3A_400 {offsets = [14], sizes = [1], strides = [1]} : vector<16xi32> to vector<1xi32>
      %squeeze3A_823 = vector.extract %slice3A_822[0] : i32 from vector<1xi32>
      %dma_start3A_824 = arith.constant 14 : i32
      %dma_start3A_825 = arith.constant 0 : i32
      %dma_start3A_826 = tpu.memref_slice %arg9[%dma_start3A_824, %dma_start3A_825] : memref<32x32xf32, #tpu.memory_space<vmem>> -> memref<1x32xf32, #tpu.memory_space<vmem>>
      %dma_start3A_827 = tpu.memref_squeeze %dma_start3A_826 : memref<1x32xf32, #tpu.memory_space<vmem>> -> memref<32xf32, #tpu.memory_space<vmem>>
      %dma_start3A_828 = arith.constant 0 : i32
      %dma_start3A_829 = tpu.memref_slice %arg3[%squeeze3A_823, %dma_start3A_828] : memref<1000000x32xf32, #tpu.memory_space<hbm>> -> memref<1x32xf32, #tpu.memory_space<hbm>>
      %dma_start3A_830 = tpu.memref_squeeze %dma_start3A_829 : memref<1x32xf32, #tpu.memory_space<hbm>> -> memref<32xf32, #tpu.memory_space<hbm>>
      %dma_start3A_831 = arith.constant 0 : i32
      %dma_start3A_832 = tpu.memref_slice %arg9[%dma_start3A_824, %dma_start3A_831] : memref<32x32xf32, #tpu.memory_space<vmem>> -> memref<1x32xf32, #tpu.memory_space<vmem>>
      %dma_start3A_833 = tpu.memref_squeeze %dma_start3A_832 : memref<1x32xf32, #tpu.memory_space<vmem>> -> memref<32xf32, #tpu.memory_space<vmem>>
      %dma_start3A_834 = arith.constant 0 : i32
      %dma_start3A_835 = tpu.memref_slice %arg3[%squeeze3A_823, %dma_start3A_834] : memref<1000000x32xf32, #tpu.memory_space<hbm>> -> memref<1x32xf32, #tpu.memory_space<hbm>>
      %dma_start3A_836 = tpu.memref_squeeze %dma_start3A_835 : memref<1x32xf32, #tpu.memory_space<hbm>> -> memref<32xf32, #tpu.memory_space<hbm>>
      tpu.enqueue_dma source(%dma_start3A_836 : memref<32xf32, #tpu.memory_space<hbm>>) target(%dma_start3A_833 : memref<32xf32, #tpu.memory_space<vmem>>) target_semaphore(%arg12 : memref<!tpu.dma_semaphore, #tpu.memory_space<semaphore_mem>>)
      %slice3A_837 = vector.extract_strided_slice %get3A_404 {offsets = [14], sizes = [1], strides = [1]} : vector<16xi32> to vector<1xi32>
      %squeeze3A_838 = vector.extract %slice3A_837[0] : i32 from vector<1xi32>
      %dma_start3A_839 = arith.constant 14 : i32
      %dma_start3A_840 = arith.constant 0 : i32
      %dma_start3A_841 = tpu.memref_slice %arg10[%dma_start3A_839, %dma_start3A_840] : memref<32x32xf32, #tpu.memory_space<vmem>> -> memref<1x32xf32, #tpu.memory_space<vmem>>
      %dma_start3A_842 = tpu.memref_squeeze %dma_start3A_841 : memref<1x32xf32, #tpu.memory_space<vmem>> -> memref<32xf32, #tpu.memory_space<vmem>>
      %dma_start3A_843 = arith.constant 0 : i32
      %dma_start3A_844 = tpu.memref_slice %arg4[%squeeze3A_838, %dma_start3A_843] : memref<1000000x32xf32, #tpu.memory_space<hbm>> -> memref<1x32xf32, #tpu.memory_space<hbm>>
      %dma_start3A_845 = tpu.memref_squeeze %dma_start3A_844 : memref<1x32xf32, #tpu.memory_space<hbm>> -> memref<32xf32, #tpu.memory_space<hbm>>
      %dma_start3A_846 = arith.constant 0 : i32
      %dma_start3A_847 = tpu.memref_slice %arg10[%dma_start3A_839, %dma_start3A_846] : memref<32x32xf32, #tpu.memory_space<vmem>> -> memref<1x32xf32, #tpu.memory_space<vmem>>
      %dma_start3A_848 = tpu.memref_squeeze %dma_start3A_847 : memref<1x32xf32, #tpu.memory_space<vmem>> -> memref<32xf32, #tpu.memory_space<vmem>>
      %dma_start3A_849 = arith.constant 0 : i32
      %dma_start3A_850 = tpu.memref_slice %arg4[%squeeze3A_838, %dma_start3A_849] : memref<1000000x32xf32, #tpu.memory_space<hbm>> -> memref<1x32xf32, #tpu.memory_space<hbm>>
      %dma_start3A_851 = tpu.memref_squeeze %dma_start3A_850 : memref<1x32xf32, #tpu.memory_space<hbm>> -> memref<32xf32, #tpu.memory_space<hbm>>
      tpu.enqueue_dma source(%dma_start3A_851 : memref<32xf32, #tpu.memory_space<hbm>>) target(%dma_start3A_848 : memref<32xf32, #tpu.memory_space<vmem>>) target_semaphore(%arg12 : memref<!tpu.dma_semaphore, #tpu.memory_space<semaphore_mem>>)
      %slice3A_852 = vector.extract_strided_slice %get3A_400 {offsets = [15], sizes = [1], strides = [1]} : vector<16xi32> to vector<1xi32>
      %squeeze3A_853 = vector.extract %slice3A_852[0] : i32 from vector<1xi32>
      %dma_start3A_854 = arith.constant 15 : i32
      %dma_start3A_855 = arith.constant 0 : i32
      %dma_start3A_856 = tpu.memref_slice %arg9[%dma_start3A_854, %dma_start3A_855] : memref<32x32xf32, #tpu.memory_space<vmem>> -> memref<1x32xf32, #tpu.memory_space<vmem>>
      %dma_start3A_857 = tpu.memref_squeeze %dma_start3A_856 : memref<1x32xf32, #tpu.memory_space<vmem>> -> memref<32xf32, #tpu.memory_space<vmem>>
      %dma_start3A_858 = arith.constant 0 : i32
      %dma_start3A_859 = tpu.memref_slice %arg3[%squeeze3A_853, %dma_start3A_858] : memref<1000000x32xf32, #tpu.memory_space<hbm>> -> memref<1x32xf32, #tpu.memory_space<hbm>>
      %dma_start3A_860 = tpu.memref_squeeze %dma_start3A_859 : memref<1x32xf32, #tpu.memory_space<hbm>> -> memref<32xf32, #tpu.memory_space<hbm>>
      %dma_start3A_861 = arith.constant 0 : i32
      %dma_start3A_862 = tpu.memref_slice %arg9[%dma_start3A_854, %dma_start3A_861] : memref<32x32xf32, #tpu.memory_space<vmem>> -> memref<1x32xf32, #tpu.memory_space<vmem>>
      %dma_start3A_863 = tpu.memref_squeeze %dma_start3A_862 : memref<1x32xf32, #tpu.memory_space<vmem>> -> memref<32xf32, #tpu.memory_space<vmem>>
      %dma_start3A_864 = arith.constant 0 : i32
      %dma_start3A_865 = tpu.memref_slice %arg3[%squeeze3A_853, %dma_start3A_864] : memref<1000000x32xf32, #tpu.memory_space<hbm>> -> memref<1x32xf32, #tpu.memory_space<hbm>>
      %dma_start3A_866 = tpu.memref_squeeze %dma_start3A_865 : memref<1x32xf32, #tpu.memory_space<hbm>> -> memref<32xf32, #tpu.memory_space<hbm>>
      tpu.enqueue_dma source(%dma_start3A_866 : memref<32xf32, #tpu.memory_space<hbm>>) target(%dma_start3A_863 : memref<32xf32, #tpu.memory_space<vmem>>) target_semaphore(%arg12 : memref<!tpu.dma_semaphore, #tpu.memory_space<semaphore_mem>>)
      %slice3A_867 = vector.extract_strided_slice %get3A_404 {offsets = [15], sizes = [1], strides = [1]} : vector<16xi32> to vector<1xi32>
      %squeeze3A_868 = vector.extract %slice3A_867[0] : i32 from vector<1xi32>
      %dma_start3A_869 = arith.constant 15 : i32
      %dma_start3A_870 = arith.constant 0 : i32
      %dma_start3A_871 = tpu.memref_slice %arg10[%dma_start3A_869, %dma_start3A_870] : memref<32x32xf32, #tpu.memory_space<vmem>> -> memref<1x32xf32, #tpu.memory_space<vmem>>
      %dma_start3A_872 = tpu.memref_squeeze %dma_start3A_871 : memref<1x32xf32, #tpu.memory_space<vmem>> -> memref<32xf32, #tpu.memory_space<vmem>>
      %dma_start3A_873 = arith.constant 0 : i32
      %dma_start3A_874 = tpu.memref_slice %arg4[%squeeze3A_868, %dma_start3A_873] : memref<1000000x32xf32, #tpu.memory_space<hbm>> -> memref<1x32xf32, #tpu.memory_space<hbm>>
      %dma_start3A_875 = tpu.memref_squeeze %dma_start3A_874 : memref<1x32xf32, #tpu.memory_space<hbm>> -> memref<32xf32, #tpu.memory_space<hbm>>
      %dma_start3A_876 = arith.constant 0 : i32
      %dma_start3A_877 = tpu.memref_slice %arg10[%dma_start3A_869, %dma_start3A_876] : memref<32x32xf32, #tpu.memory_space<vmem>> -> memref<1x32xf32, #tpu.memory_space<vmem>>
      %dma_start3A_878 = tpu.memref_squeeze %dma_start3A_877 : memref<1x32xf32, #tpu.memory_space<vmem>> -> memref<32xf32, #tpu.memory_space<vmem>>
      %dma_start3A_879 = arith.constant 0 : i32
      %dma_start3A_880 = tpu.memref_slice %arg4[%squeeze3A_868, %dma_start3A_879] : memref<1000000x32xf32, #tpu.memory_space<hbm>> -> memref<1x32xf32, #tpu.memory_space<hbm>>
      %dma_start3A_881 = tpu.memref_squeeze %dma_start3A_880 : memref<1x32xf32, #tpu.memory_space<hbm>> -> memref<32xf32, #tpu.memory_space<hbm>>
      tpu.enqueue_dma source(%dma_start3A_881 : memref<32xf32, #tpu.memory_space<hbm>>) target(%dma_start3A_878 : memref<32xf32, #tpu.memory_space<vmem>>) target_semaphore(%arg12 : memref<!tpu.dma_semaphore, #tpu.memory_space<semaphore_mem>>)
      %add3A_882 = arith.constant 16 : i32
      %add3A_883 = arith.addi %mul3A_397, %add3A_882 : i32
      %get3A_884 = arith.index_cast %add3A_883 : i32 to index
      %get3A_885 = tpu.vector_load %arg7[%get3A_884] {strides = array<i32>} : memref<512xi32, #tpu.memory_space<vmem>>, vector<16xi32>,
      %add3A_886 = arith.constant 16 : i32
      %add3A_887 = arith.addi %mul3A_397, %add3A_886 : i32
      %get3A_888 = arith.index_cast %add3A_887 : i32 to index
      %get3A_889 = tpu.vector_load %arg8[%get3A_888] {strides = array<i32>} : memref<512xi32, #tpu.memory_space<vmem>>, vector<16xi32>,
      %slice3A_890 = vector.extract_strided_slice %get3A_885 {offsets = [0], sizes = [1], strides = [1]} : vector<16xi32> to vector<1xi32>
      %squeeze3A_891 = vector.extract %slice3A_890[0] : i32 from vector<1xi32>
      %dma_start3A_892 = arith.constant 16 : i32
      %dma_start3A_893 = arith.constant 0 : i32
      %dma_start3A_894 = tpu.memref_slice %arg9[%dma_start3A_892, %dma_start3A_893] : memref<32x32xf32, #tpu.memory_space<vmem>> -> memref<1x32xf32, #tpu.memory_space<vmem>>
      %dma_start3A_895 = tpu.memref_squeeze %dma_start3A_894 : memref<1x32xf32, #tpu.memory_space<vmem>> -> memref<32xf32, #tpu.memory_space<vmem>>
      %dma_start3A_896 = arith.constant 0 : i32
      %dma_start3A_897 = tpu.memref_slice %arg3[%squeeze3A_891, %dma_start3A_896] : memref<1000000x32xf32, #tpu.memory_space<hbm>> -> memref<1x32xf32, #tpu.memory_space<hbm>>
      %dma_start3A_898 = tpu.memref_squeeze %dma_start3A_897 : memref<1x32xf32, #tpu.memory_space<hbm>> -> memref<32xf32, #tpu.memory_space<hbm>>
      %dma_start3A_899 = arith.constant 0 : i32
      %dma_start3A_900 = tpu.memref_slice %arg9[%dma_start3A_892, %dma_start3A_899] : memref<32x32xf32, #tpu.memory_space<vmem>> -> memref<1x32xf32, #tpu.memory_space<vmem>>
      %dma_start3A_901 = tpu.memref_squeeze %dma_start3A_900 : memref<1x32xf32, #tpu.memory_space<vmem>> -> memref<32xf32, #tpu.memory_space<vmem>>
      %dma_start3A_902 = arith.constant 0 : i32
      %dma_start3A_903 = tpu.memref_slice %arg3[%squeeze3A_891, %dma_start3A_902] : memref<1000000x32xf32, #tpu.memory_space<hbm>> -> memref<1x32xf32, #tpu.memory_space<hbm>>
      %dma_start3A_904 = tpu.memref_squeeze %dma_start3A_903 : memref<1x32xf32, #tpu.memory_space<hbm>> -> memref<32xf32, #tpu.memory_space<hbm>>
      tpu.enqueue_dma source(%dma_start3A_904 : memref<32xf32, #tpu.memory_space<hbm>>) target(%dma_start3A_901 : memref<32xf32, #tpu.memory_space<vmem>>) target_semaphore(%arg12 : memref<!tpu.dma_semaphore, #tpu.memory_space<semaphore_mem>>)
      %slice3A_905 = vector.extract_strided_slice %get3A_889 {offsets = [0], sizes = [1], strides = [1]} : vector<16xi32> to vector<1xi32>
      %squeeze3A_906 = vector.extract %slice3A_905[0] : i32 from vector<1xi32>
      %dma_start3A_907 = arith.constant 16 : i32
      %dma_start3A_908 = arith.constant 0 : i32
      %dma_start3A_909 = tpu.memref_slice %arg10[%dma_start3A_907, %dma_start3A_908] : memref<32x32xf32, #tpu.memory_space<vmem>> -> memref<1x32xf32, #tpu.memory_space<vmem>>
      %dma_start3A_910 = tpu.memref_squeeze %dma_start3A_909 : memref<1x32xf32, #tpu.memory_space<vmem>> -> memref<32xf32, #tpu.memory_space<vmem>>
      %dma_start3A_911 = arith.constant 0 : i32
      %dma_start3A_912 = tpu.memref_slice %arg4[%squeeze3A_906, %dma_start3A_911] : memref<1000000x32xf32, #tpu.memory_space<hbm>> -> memref<1x32xf32, #tpu.memory_space<hbm>>
      %dma_start3A_913 = tpu.memref_squeeze %dma_start3A_912 : memref<1x32xf32, #tpu.memory_space<hbm>> -> memref<32xf32, #tpu.memory_space<hbm>>
      %dma_start3A_914 = arith.constant 0 : i32
      %dma_start3A_915 = tpu.memref_slice %arg10[%dma_start3A_907, %dma_start3A_914] : memref<32x32xf32, #tpu.memory_space<vmem>> -> memref<1x32xf32, #tpu.memory_space<vmem>>
      %dma_start3A_916 = tpu.memref_squeeze %dma_start3A_915 : memref<1x32xf32, #tpu.memory_space<vmem>> -> memref<32xf32, #tpu.memory_space<vmem>>
      %dma_start3A_917 = arith.constant 0 : i32
      %dma_start3A_918 = tpu.memref_slice %arg4[%squeeze3A_906, %dma_start3A_917] : memref<1000000x32xf32, #tpu.memory_space<hbm>> -> memref<1x32xf32, #tpu.memory_space<hbm>>
      %dma_start3A_919 = tpu.memref_squeeze %dma_start3A_918 : memref<1x32xf32, #tpu.memory_space<hbm>> -> memref<32xf32, #tpu.memory_space<hbm>>
      tpu.enqueue_dma source(%dma_start3A_919 : memref<32xf32, #tpu.memory_space<hbm>>) target(%dma_start3A_916 : memref<32xf32, #tpu.memory_space<vmem>>) target_semaphore(%arg12 : memref<!tpu.dma_semaphore, #tpu.memory_space<semaphore_mem>>)
      %slice3A_920 = vector.extract_strided_slice %get3A_885 {offsets = [1], sizes = [1], strides = [1]} : vector<16xi32> to vector<1xi32>
      %squeeze3A_921 = vector.extract %slice3A_920[0] : i32 from vector<1xi32>
      %dma_start3A_922 = arith.constant 17 : i32
      %dma_start3A_923 = arith.constant 0 : i32
      %dma_start3A_924 = tpu.memref_slice %arg9[%dma_start3A_922, %dma_start3A_923] : memref<32x32xf32, #tpu.memory_space<vmem>> -> memref<1x32xf32, #tpu.memory_space<vmem>>
      %dma_start3A_925 = tpu.memref_squeeze %dma_start3A_924 : memref<1x32xf32, #tpu.memory_space<vmem>> -> memref<32xf32, #tpu.memory_space<vmem>>
      %dma_start3A_926 = arith.constant 0 : i32
      %dma_start3A_927 = tpu.memref_slice %arg3[%squeeze3A_921, %dma_start3A_926] : memref<1000000x32xf32, #tpu.memory_space<hbm>> -> memref<1x32xf32, #tpu.memory_space<hbm>>
      %dma_start3A_928 = tpu.memref_squeeze %dma_start3A_927 : memref<1x32xf32, #tpu.memory_space<hbm>> -> memref<32xf32, #tpu.memory_space<hbm>>
      %dma_start3A_929 = arith.constant 0 : i32
      %dma_start3A_930 = tpu.memref_slice %arg9[%dma_start3A_922, %dma_start3A_929] : memref<32x32xf32, #tpu.memory_space<vmem>> -> memref<1x32xf32, #tpu.memory_space<vmem>>
      %dma_start3A_931 = tpu.memref_squeeze %dma_start3A_930 : memref<1x32xf32, #tpu.memory_space<vmem>> -> memref<32xf32, #tpu.memory_space<vmem>>
      %dma_start3A_932 = arith.constant 0 : i32
      %dma_start3A_933 = tpu.memref_slice %arg3[%squeeze3A_921, %dma_start3A_932] : memref<1000000x32xf32, #tpu.memory_space<hbm>> -> memref<1x32xf32, #tpu.memory_space<hbm>>
      %dma_start3A_934 = tpu.memref_squeeze %dma_start3A_933 : memref<1x32xf32, #tpu.memory_space<hbm>> -> memref<32xf32, #tpu.memory_space<hbm>>
      tpu.enqueue_dma source(%dma_start3A_934 : memref<32xf32, #tpu.memory_space<hbm>>) target(%dma_start3A_931 : memref<32xf32, #tpu.memory_space<vmem>>) target_semaphore(%arg12 : memref<!tpu.dma_semaphore, #tpu.memory_space<semaphore_mem>>)
      %slice3A_935 = vector.extract_strided_slice %get3A_889 {offsets = [1], sizes = [1], strides = [1]} : vector<16xi32> to vector<1xi32>
      %squeeze3A_936 = vector.extract %slice3A_935[0] : i32 from vector<1xi32>
      %dma_start3A_937 = arith.constant 17 : i32
      %dma_start3A_938 = arith.constant 0 : i32
      %dma_start3A_939 = tpu.memref_slice %arg10[%dma_start3A_937, %dma_start3A_938] : memref<32x32xf32, #tpu.memory_space<vmem>> -> memref<1x32xf32, #tpu.memory_space<vmem>>
      %dma_start3A_940 = tpu.memref_squeeze %dma_start3A_939 : memref<1x32xf32, #tpu.memory_space<vmem>> -> memref<32xf32, #tpu.memory_space<vmem>>
      %dma_start3A_941 = arith.constant 0 : i32
      %dma_start3A_942 = tpu.memref_slice %arg4[%squeeze3A_936, %dma_start3A_941] : memref<1000000x32xf32, #tpu.memory_space<hbm>> -> memref<1x32xf32, #tpu.memory_space<hbm>>
      %dma_start3A_943 = tpu.memref_squeeze %dma_start3A_942 : memref<1x32xf32, #tpu.memory_space<hbm>> -> memref<32xf32, #tpu.memory_space<hbm>>
      %dma_start3A_944 = arith.constant 0 : i32
      %dma_start3A_945 = tpu.memref_slice %arg10[%dma_start3A_937, %dma_start3A_944] : memref<32x32xf32, #tpu.memory_space<vmem>> -> memref<1x32xf32, #tpu.memory_space<vmem>>
      %dma_start3A_946 = tpu.memref_squeeze %dma_start3A_945 : memref<1x32xf32, #tpu.memory_space<vmem>> -> memref<32xf32, #tpu.memory_space<vmem>>
      %dma_start3A_947 = arith.constant 0 : i32
      %dma_start3A_948 = tpu.memref_slice %arg4[%squeeze3A_936, %dma_start3A_947] : memref<1000000x32xf32, #tpu.memory_space<hbm>> -> memref<1x32xf32, #tpu.memory_space<hbm>>
      %dma_start3A_949 = tpu.memref_squeeze %dma_start3A_948 : memref<1x32xf32, #tpu.memory_space<hbm>> -> memref<32xf32, #tpu.memory_space<hbm>>
      tpu.enqueue_dma source(%dma_start3A_949 : memref<32xf32, #tpu.memory_space<hbm>>) target(%dma_start3A_946 : memref<32xf32, #tpu.memory_space<vmem>>) target_semaphore(%arg12 : memref<!tpu.dma_semaphore, #tpu.memory_space<semaphore_mem>>)
      %slice3A_950 = vector.extract_strided_slice %get3A_885 {offsets = [2], sizes = [1], strides = [1]} : vector<16xi32> to vector<1xi32>
      %squeeze3A_951 = vector.extract %slice3A_950[0] : i32 from vector<1xi32>
      %dma_start3A_952 = arith.constant 18 : i32
      %dma_start3A_953 = arith.constant 0 : i32
      %dma_start3A_954 = tpu.memref_slice %arg9[%dma_start3A_952, %dma_start3A_953] : memref<32x32xf32, #tpu.memory_space<vmem>> -> memref<1x32xf32, #tpu.memory_space<vmem>>
      %dma_start3A_955 = tpu.memref_squeeze %dma_start3A_954 : memref<1x32xf32, #tpu.memory_space<vmem>> -> memref<32xf32, #tpu.memory_space<vmem>>
      %dma_start3A_956 = arith.constant 0 : i32
      %dma_start3A_957 = tpu.memref_slice %arg3[%squeeze3A_951, %dma_start3A_956] : memref<1000000x32xf32, #tpu.memory_space<hbm>> -> memref<1x32xf32, #tpu.memory_space<hbm>>
      %dma_start3A_958 = tpu.memref_squeeze %dma_start3A_957 : memref<1x32xf32, #tpu.memory_space<hbm>> -> memref<32xf32, #tpu.memory_space<hbm>>
      %dma_start3A_959 = arith.constant 0 : i32
      %dma_start3A_960 = tpu.memref_slice %arg9[%dma_start3A_952, %dma_start3A_959] : memref<32x32xf32, #tpu.memory_space<vmem>> -> memref<1x32xf32, #tpu.memory_space<vmem>>
      %dma_start3A_961 = tpu.memref_squeeze %dma_start3A_960 : memref<1x32xf32, #tpu.memory_space<vmem>> -> memref<32xf32, #tpu.memory_space<vmem>>
      %dma_start3A_962 = arith.constant 0 : i32
      %dma_start3A_963 = tpu.memref_slice %arg3[%squeeze3A_951, %dma_start3A_962] : memref<1000000x32xf32, #tpu.memory_space<hbm>> -> memref<1x32xf32, #tpu.memory_space<hbm>>
      %dma_start3A_964 = tpu.memref_squeeze %dma_start3A_963 : memref<1x32xf32, #tpu.memory_space<hbm>> -> memref<32xf32, #tpu.memory_space<hbm>>
      tpu.enqueue_dma source(%dma_start3A_964 : memref<32xf32, #tpu.memory_space<hbm>>) target(%dma_start3A_961 : memref<32xf32, #tpu.memory_space<vmem>>) target_semaphore(%arg12 : memref<!tpu.dma_semaphore, #tpu.memory_space<semaphore_mem>>)
      %slice3A_965 = vector.extract_strided_slice %get3A_889 {offsets = [2], sizes = [1], strides = [1]} : vector<16xi32> to vector<1xi32>
      %squeeze3A_966 = vector.extract %slice3A_965[0] : i32 from vector<1xi32>
      %dma_start3A_967 = arith.constant 18 : i32
      %dma_start3A_968 = arith.constant 0 : i32
      %dma_start3A_969 = tpu.memref_slice %arg10[%dma_start3A_967, %dma_start3A_968] : memref<32x32xf32, #tpu.memory_space<vmem>> -> memref<1x32xf32, #tpu.memory_space<vmem>>
      %dma_start3A_970 = tpu.memref_squeeze %dma_start3A_969 : memref<1x32xf32, #tpu.memory_space<vmem>> -> memref<32xf32, #tpu.memory_space<vmem>>
      %dma_start3A_971 = arith.constant 0 : i32
      %dma_start3A_972 = tpu.memref_slice %arg4[%squeeze3A_966, %dma_start3A_971] : memref<1000000x32xf32, #tpu.memory_space<hbm>> -> memref<1x32xf32, #tpu.memory_space<hbm>>
      %dma_start3A_973 = tpu.memref_squeeze %dma_start3A_972 : memref<1x32xf32, #tpu.memory_space<hbm>> -> memref<32xf32, #tpu.memory_space<hbm>>
      %dma_start3A_974 = arith.constant 0 : i32
      %dma_start3A_975 = tpu.memref_slice %arg10[%dma_start3A_967, %dma_start3A_974] : memref<32x32xf32, #tpu.memory_space<vmem>> -> memref<1x32xf32, #tpu.memory_space<vmem>>
      %dma_start3A_976 = tpu.memref_squeeze %dma_start3A_975 : memref<1x32xf32, #tpu.memory_space<vmem>> -> memref<32xf32, #tpu.memory_space<vmem>>
      %dma_start3A_977 = arith.constant 0 : i32
      %dma_start3A_978 = tpu.memref_slice %arg4[%squeeze3A_966, %dma_start3A_977] : memref<1000000x32xf32, #tpu.memory_space<hbm>> -> memref<1x32xf32, #tpu.memory_space<hbm>>
      %dma_start3A_979 = tpu.memref_squeeze %dma_start3A_978 : memref<1x32xf32, #tpu.memory_space<hbm>> -> memref<32xf32, #tpu.memory_space<hbm>>
      tpu.enqueue_dma source(%dma_start3A_979 : memref<32xf32, #tpu.memory_space<hbm>>) target(%dma_start3A_976 : memref<32xf32, #tpu.memory_space<vmem>>) target_semaphore(%arg12 : memref<!tpu.dma_semaphore, #tpu.memory_space<semaphore_mem>>)
      %slice3A_980 = vector.extract_strided_slice %get3A_885 {offsets = [3], sizes = [1], strides = [1]} : vector<16xi32> to vector<1xi32>
      %squeeze3A_981 = vector.extract %slice3A_980[0] : i32 from vector<1xi32>
      %dma_start3A_982 = arith.constant 19 : i32
      %dma_start3A_983 = arith.constant 0 : i32
      %dma_start3A_984 = tpu.memref_slice %arg9[%dma_start3A_982, %dma_start3A_983] : memref<32x32xf32, #tpu.memory_space<vmem>> -> memref<1x32xf32, #tpu.memory_space<vmem>>
      %dma_start3A_985 = tpu.memref_squeeze %dma_start3A_984 : memref<1x32xf32, #tpu.memory_space<vmem>> -> memref<32xf32, #tpu.memory_space<vmem>>
      %dma_start3A_986 = arith.constant 0 : i32
      %dma_start3A_987 = tpu.memref_slice %arg3[%squeeze3A_981, %dma_start3A_986] : memref<1000000x32xf32, #tpu.memory_space<hbm>> -> memref<1x32xf32, #tpu.memory_space<hbm>>
      %dma_start3A_988 = tpu.memref_squeeze %dma_start3A_987 : memref<1x32xf32, #tpu.memory_space<hbm>> -> memref<32xf32, #tpu.memory_space<hbm>>
      %dma_start3A_989 = arith.constant 0 : i32
      %dma_start3A_990 = tpu.memref_slice %arg9[%dma_start3A_982, %dma_start3A_989] : memref<32x32xf32, #tpu.memory_space<vmem>> -> memref<1x32xf32, #tpu.memory_space<vmem>>
      %dma_start3A_991 = tpu.memref_squeeze %dma_start3A_990 : memref<1x32xf32, #tpu.memory_space<vmem>> -> memref<32xf32, #tpu.memory_space<vmem>>
      %dma_start3A_992 = arith.constant 0 : i32
      %dma_start3A_993 = tpu.memref_slice %arg3[%squeeze3A_981, %dma_start3A_992] : memref<1000000x32xf32, #tpu.memory_space<hbm>> -> memref<1x32xf32, #tpu.memory_space<hbm>>
      %dma_start3A_994 = tpu.memref_squeeze %dma_start3A_993 : memref<1x32xf32, #tpu.memory_space<hbm>> -> memref<32xf32, #tpu.memory_space<hbm>>
      tpu.enqueue_dma source(%dma_start3A_994 : memref<32xf32, #tpu.memory_space<hbm>>) target(%dma_start3A_991 : memref<32xf32, #tpu.memory_space<vmem>>) target_semaphore(%arg12 : memref<!tpu.dma_semaphore, #tpu.memory_space<semaphore_mem>>)
      %slice3A_995 = vector.extract_strided_slice %get3A_889 {offsets = [3], sizes = [1], strides = [1]} : vector<16xi32> to vector<1xi32>
      %squeeze3A_996 = vector.extract %slice3A_995[0] : i32 from vector<1xi32>
      %dma_start3A_997 = arith.constant 19 : i32
      %dma_start3A_998 = arith.constant 0 : i32
      %dma_start3A_999 = tpu.memref_slice %arg10[%dma_start3A_997, %dma_start3A_998] : memref<32x32xf32, #tpu.memory_space<vmem>> -> memref<1x32xf32, #tpu.memory_space<vmem>>
      %dma_start3A_1000 = tpu.memref_squeeze %dma_start3A_999 : memref<1x32xf32, #tpu.memory_space<vmem>> -> memref<32xf32, #tpu.memory_space<vmem>>
      %dma_start3A_1001 = arith.constant 0 : i32
      %dma_start3A_1002 = tpu.memref_slice %arg4[%squeeze3A_996, %dma_start3A_1001] : memref<1000000x32xf32, #tpu.memory_space<hbm>> -> memref<1x32xf32, #tpu.memory_space<hbm>>
      %dma_start3A_1003 = tpu.memref_squeeze %dma_start3A_1002 : memref<1x32xf32, #tpu.memory_space<hbm>> -> memref<32xf32, #tpu.memory_space<hbm>>
      %dma_start3A_1004 = arith.constant 0 : i32
      %dma_start3A_1005 = tpu.memref_slice %arg10[%dma_start3A_997, %dma_start3A_1004] : memref<32x32xf32, #tpu.memory_space<vmem>> -> memref<1x32xf32, #tpu.memory_space<vmem>>
      %dma_start3A_1006 = tpu.memref_squeeze %dma_start3A_1005 : memref<1x32xf32, #tpu.memory_space<vmem>> -> memref<32xf32, #tpu.memory_space<vmem>>
      %dma_start3A_1007 = arith.constant 0 : i32
      %dma_start3A_1008 = tpu.memref_slice %arg4[%squeeze3A_996, %dma_start3A_1007] : memref<1000000x32xf32, #tpu.memory_space<hbm>> -> memref<1x32xf32, #tpu.memory_space<hbm>>
      %dma_start3A_1009 = tpu.memref_squeeze %dma_start3A_1008 : memref<1x32xf32, #tpu.memory_space<hbm>> -> memref<32xf32, #tpu.memory_space<hbm>>
      tpu.enqueue_dma source(%dma_start3A_1009 : memref<32xf32, #tpu.memory_space<hbm>>) target(%dma_start3A_1006 : memref<32xf32, #tpu.memory_space<vmem>>) target_semaphore(%arg12 : memref<!tpu.dma_semaphore, #tpu.memory_space<semaphore_mem>>)
      %slice3A_1010 = vector.extract_strided_slice %get3A_885 {offsets = [4], sizes = [1], strides = [1]} : vector<16xi32> to vector<1xi32>
      %squeeze3A_1011 = vector.extract %slice3A_1010[0] : i32 from vector<1xi32>
      %dma_start3A_1012 = arith.constant 20 : i32
      %dma_start3A_1013 = arith.constant 0 : i32
      %dma_start3A_1014 = tpu.memref_slice %arg9[%dma_start3A_1012, %dma_start3A_1013] : memref<32x32xf32, #tpu.memory_space<vmem>> -> memref<1x32xf32, #tpu.memory_space<vmem>>
      %dma_start3A_1015 = tpu.memref_squeeze %dma_start3A_1014 : memref<1x32xf32, #tpu.memory_space<vmem>> -> memref<32xf32, #tpu.memory_space<vmem>>
      %dma_start3A_1016 = arith.constant 0 : i32
      %dma_start3A_1017 = tpu.memref_slice %arg3[%squeeze3A_1011, %dma_start3A_1016] : memref<1000000x32xf32, #tpu.memory_space<hbm>> -> memref<1x32xf32, #tpu.memory_space<hbm>>
      %dma_start3A_1018 = tpu.memref_squeeze %dma_start3A_1017 : memref<1x32xf32, #tpu.memory_space<hbm>> -> memref<32xf32, #tpu.memory_space<hbm>>
      %dma_start3A_1019 = arith.constant 0 : i32
      %dma_start3A_1020 = tpu.memref_slice %arg9[%dma_start3A_1012, %dma_start3A_1019] : memref<32x32xf32, #tpu.memory_space<vmem>> -> memref<1x32xf32, #tpu.memory_space<vmem>>
      %dma_start3A_1021 = tpu.memref_squeeze %dma_start3A_1020 : memref<1x32xf32, #tpu.memory_space<vmem>> -> memref<32xf32, #tpu.memory_space<vmem>>
      %dma_start3A_1022 = arith.constant 0 : i32
      %dma_start3A_1023 = tpu.memref_slice %arg3[%squeeze3A_1011, %dma_start3A_1022] : memref<1000000x32xf32, #tpu.memory_space<hbm>> -> memref<1x32xf32, #tpu.memory_space<hbm>>
      %dma_start3A_1024 = tpu.memref_squeeze %dma_start3A_1023 : memref<1x32xf32, #tpu.memory_space<hbm>> -> memref<32xf32, #tpu.memory_space<hbm>>
      tpu.enqueue_dma source(%dma_start3A_1024 : memref<32xf32, #tpu.memory_space<hbm>>) target(%dma_start3A_1021 : memref<32xf32, #tpu.memory_space<vmem>>) target_semaphore(%arg12 : memref<!tpu.dma_semaphore, #tpu.memory_space<semaphore_mem>>)
      %slice3A_1025 = vector.extract_strided_slice %get3A_889 {offsets = [4], sizes = [1], strides = [1]} : vector<16xi32> to vector<1xi32>
      %squeeze3A_1026 = vector.extract %slice3A_1025[0] : i32 from vector<1xi32>
      %dma_start3A_1027 = arith.constant 20 : i32
      %dma_start3A_1028 = arith.constant 0 : i32
      %dma_start3A_1029 = tpu.memref_slice %arg10[%dma_start3A_1027, %dma_start3A_1028] : memref<32x32xf32, #tpu.memory_space<vmem>> -> memref<1x32xf32, #tpu.memory_space<vmem>>
      %dma_start3A_1030 = tpu.memref_squeeze %dma_start3A_1029 : memref<1x32xf32, #tpu.memory_space<vmem>> -> memref<32xf32, #tpu.memory_space<vmem>>
      %dma_start3A_1031 = arith.constant 0 : i32
      %dma_start3A_1032 = tpu.memref_slice %arg4[%squeeze3A_1026, %dma_start3A_1031] : memref<1000000x32xf32, #tpu.memory_space<hbm>> -> memref<1x32xf32, #tpu.memory_space<hbm>>
      %dma_start3A_1033 = tpu.memref_squeeze %dma_start3A_1032 : memref<1x32xf32, #tpu.memory_space<hbm>> -> memref<32xf32, #tpu.memory_space<hbm>>
      %dma_start3A_1034 = arith.constant 0 : i32
      %dma_start3A_1035 = tpu.memref_slice %arg10[%dma_start3A_1027, %dma_start3A_1034] : memref<32x32xf32, #tpu.memory_space<vmem>> -> memref<1x32xf32, #tpu.memory_space<vmem>>
      %dma_start3A_1036 = tpu.memref_squeeze %dma_start3A_1035 : memref<1x32xf32, #tpu.memory_space<vmem>> -> memref<32xf32, #tpu.memory_space<vmem>>
      %dma_start3A_1037 = arith.constant 0 : i32
      %dma_start3A_1038 = tpu.memref_slice %arg4[%squeeze3A_1026, %dma_start3A_1037] : memref<1000000x32xf32, #tpu.memory_space<hbm>> -> memref<1x32xf32, #tpu.memory_space<hbm>>
      %dma_start3A_1039 = tpu.memref_squeeze %dma_start3A_1038 : memref<1x32xf32, #tpu.memory_space<hbm>> -> memref<32xf32, #tpu.memory_space<hbm>>
      tpu.enqueue_dma source(%dma_start3A_1039 : memref<32xf32, #tpu.memory_space<hbm>>) target(%dma_start3A_1036 : memref<32xf32, #tpu.memory_space<vmem>>) target_semaphore(%arg12 : memref<!tpu.dma_semaphore, #tpu.memory_space<semaphore_mem>>)
      %slice3A_1040 = vector.extract_strided_slice %get3A_885 {offsets = [5], sizes = [1], strides = [1]} : vector<16xi32> to vector<1xi32>
      %squeeze3A_1041 = vector.extract %slice3A_1040[0] : i32 from vector<1xi32>
      %dma_start3A_1042 = arith.constant 21 : i32
      %dma_start3A_1043 = arith.constant 0 : i32
      %dma_start3A_1044 = tpu.memref_slice %arg9[%dma_start3A_1042, %dma_start3A_1043] : memref<32x32xf32, #tpu.memory_space<vmem>> -> memref<1x32xf32, #tpu.memory_space<vmem>>
      %dma_start3A_1045 = tpu.memref_squeeze %dma_start3A_1044 : memref<1x32xf32, #tpu.memory_space<vmem>> -> memref<32xf32, #tpu.memory_space<vmem>>
      %dma_start3A_1046 = arith.constant 0 : i32
      %dma_start3A_1047 = tpu.memref_slice %arg3[%squeeze3A_1041, %dma_start3A_1046] : memref<1000000x32xf32, #tpu.memory_space<hbm>> -> memref<1x32xf32, #tpu.memory_space<hbm>>
      %dma_start3A_1048 = tpu.memref_squeeze %dma_start3A_1047 : memref<1x32xf32, #tpu.memory_space<hbm>> -> memref<32xf32, #tpu.memory_space<hbm>>
      %dma_start3A_1049 = arith.constant 0 : i32
      %dma_start3A_1050 = tpu.memref_slice %arg9[%dma_start3A_1042, %dma_start3A_1049] : memref<32x32xf32, #tpu.memory_space<vmem>> -> memref<1x32xf32, #tpu.memory_space<vmem>>
      %dma_start3A_1051 = tpu.memref_squeeze %dma_start3A_1050 : memref<1x32xf32, #tpu.memory_space<vmem>> -> memref<32xf32, #tpu.memory_space<vmem>>
      %dma_start3A_1052 = arith.constant 0 : i32
      %dma_start3A_1053 = tpu.memref_slice %arg3[%squeeze3A_1041, %dma_start3A_1052] : memref<1000000x32xf32, #tpu.memory_space<hbm>> -> memref<1x32xf32, #tpu.memory_space<hbm>>
      %dma_start3A_1054 = tpu.memref_squeeze %dma_start3A_1053 : memref<1x32xf32, #tpu.memory_space<hbm>> -> memref<32xf32, #tpu.memory_space<hbm>>
      tpu.enqueue_dma source(%dma_start3A_1054 : memref<32xf32, #tpu.memory_space<hbm>>) target(%dma_start3A_1051 : memref<32xf32, #tpu.memory_space<vmem>>) target_semaphore(%arg12 : memref<!tpu.dma_semaphore, #tpu.memory_space<semaphore_mem>>)
      %slice3A_1055 = vector.extract_strided_slice %get3A_889 {offsets = [5], sizes = [1], strides = [1]} : vector<16xi32> to vector<1xi32>
      %squeeze3A_1056 = vector.extract %slice3A_1055[0] : i32 from vector<1xi32>
      %dma_start3A_1057 = arith.constant 21 : i32
      %dma_start3A_1058 = arith.constant 0 : i32
      %dma_start3A_1059 = tpu.memref_slice %arg10[%dma_start3A_1057, %dma_start3A_1058] : memref<32x32xf32, #tpu.memory_space<vmem>> -> memref<1x32xf32, #tpu.memory_space<vmem>>
      %dma_start3A_1060 = tpu.memref_squeeze %dma_start3A_1059 : memref<1x32xf32, #tpu.memory_space<vmem>> -> memref<32xf32, #tpu.memory_space<vmem>>
      %dma_start3A_1061 = arith.constant 0 : i32
      %dma_start3A_1062 = tpu.memref_slice %arg4[%squeeze3A_1056, %dma_start3A_1061] : memref<1000000x32xf32, #tpu.memory_space<hbm>> -> memref<1x32xf32, #tpu.memory_space<hbm>>
      %dma_start3A_1063 = tpu.memref_squeeze %dma_start3A_1062 : memref<1x32xf32, #tpu.memory_space<hbm>> -> memref<32xf32, #tpu.memory_space<hbm>>
      %dma_start3A_1064 = arith.constant 0 : i32
      %dma_start3A_1065 = tpu.memref_slice %arg10[%dma_start3A_1057, %dma_start3A_1064] : memref<32x32xf32, #tpu.memory_space<vmem>> -> memref<1x32xf32, #tpu.memory_space<vmem>>
      %dma_start3A_1066 = tpu.memref_squeeze %dma_start3A_1065 : memref<1x32xf32, #tpu.memory_space<vmem>> -> memref<32xf32, #tpu.memory_space<vmem>>
      %dma_start3A_1067 = arith.constant 0 : i32
      %dma_start3A_1068 = tpu.memref_slice %arg4[%squeeze3A_1056, %dma_start3A_1067] : memref<1000000x32xf32, #tpu.memory_space<hbm>> -> memref<1x32xf32, #tpu.memory_space<hbm>>
      %dma_start3A_1069 = tpu.memref_squeeze %dma_start3A_1068 : memref<1x32xf32, #tpu.memory_space<hbm>> -> memref<32xf32, #tpu.memory_space<hbm>>
      tpu.enqueue_dma source(%dma_start3A_1069 : memref<32xf32, #tpu.memory_space<hbm>>) target(%dma_start3A_1066 : memref<32xf32, #tpu.memory_space<vmem>>) target_semaphore(%arg12 : memref<!tpu.dma_semaphore, #tpu.memory_space<semaphore_mem>>)
      %slice3A_1070 = vector.extract_strided_slice %get3A_885 {offsets = [6], sizes = [1], strides = [1]} : vector<16xi32> to vector<1xi32>
      %squeeze3A_1071 = vector.extract %slice3A_1070[0] : i32 from vector<1xi32>
      %dma_start3A_1072 = arith.constant 22 : i32
      %dma_start3A_1073 = arith.constant 0 : i32
      %dma_start3A_1074 = tpu.memref_slice %arg9[%dma_start3A_1072, %dma_start3A_1073] : memref<32x32xf32, #tpu.memory_space<vmem>> -> memref<1x32xf32, #tpu.memory_space<vmem>>
      %dma_start3A_1075 = tpu.memref_squeeze %dma_start3A_1074 : memref<1x32xf32, #tpu.memory_space<vmem>> -> memref<32xf32, #tpu.memory_space<vmem>>
      %dma_start3A_1076 = arith.constant 0 : i32
      %dma_start3A_1077 = tpu.memref_slice %arg3[%squeeze3A_1071, %dma_start3A_1076] : memref<1000000x32xf32, #tpu.memory_space<hbm>> -> memref<1x32xf32, #tpu.memory_space<hbm>>
      %dma_start3A_1078 = tpu.memref_squeeze %dma_start3A_1077 : memref<1x32xf32, #tpu.memory_space<hbm>> -> memref<32xf32, #tpu.memory_space<hbm>>
      %dma_start3A_1079 = arith.constant 0 : i32
      %dma_start3A_1080 = tpu.memref_slice %arg9[%dma_start3A_1072, %dma_start3A_1079] : memref<32x32xf32, #tpu.memory_space<vmem>> -> memref<1x32xf32, #tpu.memory_space<vmem>>
      %dma_start3A_1081 = tpu.memref_squeeze %dma_start3A_1080 : memref<1x32xf32, #tpu.memory_space<vmem>> -> memref<32xf32, #tpu.memory_space<vmem>>
      %dma_start3A_1082 = arith.constant 0 : i32
      %dma_start3A_1083 = tpu.memref_slice %arg3[%squeeze3A_1071, %dma_start3A_1082] : memref<1000000x32xf32, #tpu.memory_space<hbm>> -> memref<1x32xf32, #tpu.memory_space<hbm>>
      %dma_start3A_1084 = tpu.memref_squeeze %dma_start3A_1083 : memref<1x32xf32, #tpu.memory_space<hbm>> -> memref<32xf32, #tpu.memory_space<hbm>>
      tpu.enqueue_dma source(%dma_start3A_1084 : memref<32xf32, #tpu.memory_space<hbm>>) target(%dma_start3A_1081 : memref<32xf32, #tpu.memory_space<vmem>>) target_semaphore(%arg12 : memref<!tpu.dma_semaphore, #tpu.memory_space<semaphore_mem>>)
      %slice3A_1085 = vector.extract_strided_slice %get3A_889 {offsets = [6], sizes = [1], strides = [1]} : vector<16xi32> to vector<1xi32>
      %squeeze3A_1086 = vector.extract %slice3A_1085[0] : i32 from vector<1xi32>
      %dma_start3A_1087 = arith.constant 22 : i32
      %dma_start3A_1088 = arith.constant 0 : i32
      %dma_start3A_1089 = tpu.memref_slice %arg10[%dma_start3A_1087, %dma_start3A_1088] : memref<32x32xf32, #tpu.memory_space<vmem>> -> memref<1x32xf32, #tpu.memory_space<vmem>>
      %dma_start3A_1090 = tpu.memref_squeeze %dma_start3A_1089 : memref<1x32xf32, #tpu.memory_space<vmem>> -> memref<32xf32, #tpu.memory_space<vmem>>
      %dma_start3A_1091 = arith.constant 0 : i32
      %dma_start3A_1092 = tpu.memref_slice %arg4[%squeeze3A_1086, %dma_start3A_1091] : memref<1000000x32xf32, #tpu.memory_space<hbm>> -> memref<1x32xf32, #tpu.memory_space<hbm>>
      %dma_start3A_1093 = tpu.memref_squeeze %dma_start3A_1092 : memref<1x32xf32, #tpu.memory_space<hbm>> -> memref<32xf32, #tpu.memory_space<hbm>>
      %dma_start3A_1094 = arith.constant 0 : i32
      %dma_start3A_1095 = tpu.memref_slice %arg10[%dma_start3A_1087, %dma_start3A_1094] : memref<32x32xf32, #tpu.memory_space<vmem>> -> memref<1x32xf32, #tpu.memory_space<vmem>>
      %dma_start3A_1096 = tpu.memref_squeeze %dma_start3A_1095 : memref<1x32xf32, #tpu.memory_space<vmem>> -> memref<32xf32, #tpu.memory_space<vmem>>
      %dma_start3A_1097 = arith.constant 0 : i32
      %dma_start3A_1098 = tpu.memref_slice %arg4[%squeeze3A_1086, %dma_start3A_1097] : memref<1000000x32xf32, #tpu.memory_space<hbm>> -> memref<1x32xf32, #tpu.memory_space<hbm>>
      %dma_start3A_1099 = tpu.memref_squeeze %dma_start3A_1098 : memref<1x32xf32, #tpu.memory_space<hbm>> -> memref<32xf32, #tpu.memory_space<hbm>>
      tpu.enqueue_dma source(%dma_start3A_1099 : memref<32xf32, #tpu.memory_space<hbm>>) target(%dma_start3A_1096 : memref<32xf32, #tpu.memory_space<vmem>>) target_semaphore(%arg12 : memref<!tpu.dma_semaphore, #tpu.memory_space<semaphore_mem>>)
      %slice3A_1100 = vector.extract_strided_slice %get3A_885 {offsets = [7], sizes = [1], strides = [1]} : vector<16xi32> to vector<1xi32>
      %squeeze3A_1101 = vector.extract %slice3A_1100[0] : i32 from vector<1xi32>
      %dma_start3A_1102 = arith.constant 23 : i32
      %dma_start3A_1103 = arith.constant 0 : i32
      %dma_start3A_1104 = tpu.memref_slice %arg9[%dma_start3A_1102, %dma_start3A_1103] : memref<32x32xf32, #tpu.memory_space<vmem>> -> memref<1x32xf32, #tpu.memory_space<vmem>>
      %dma_start3A_1105 = tpu.memref_squeeze %dma_start3A_1104 : memref<1x32xf32, #tpu.memory_space<vmem>> -> memref<32xf32, #tpu.memory_space<vmem>>
      %dma_start3A_1106 = arith.constant 0 : i32
      %dma_start3A_1107 = tpu.memref_slice %arg3[%squeeze3A_1101, %dma_start3A_1106] : memref<1000000x32xf32, #tpu.memory_space<hbm>> -> memref<1x32xf32, #tpu.memory_space<hbm>>
      %dma_start3A_1108 = tpu.memref_squeeze %dma_start3A_1107 : memref<1x32xf32, #tpu.memory_space<hbm>> -> memref<32xf32, #tpu.memory_space<hbm>>
      %dma_start3A_1109 = arith.constant 0 : i32
      %dma_start3A_1110 = tpu.memref_slice %arg9[%dma_start3A_1102, %dma_start3A_1109] : memref<32x32xf32, #tpu.memory_space<vmem>> -> memref<1x32xf32, #tpu.memory_space<vmem>>
      %dma_start3A_1111 = tpu.memref_squeeze %dma_start3A_1110 : memref<1x32xf32, #tpu.memory_space<vmem>> -> memref<32xf32, #tpu.memory_space<vmem>>
      %dma_start3A_1112 = arith.constant 0 : i32
      %dma_start3A_1113 = tpu.memref_slice %arg3[%squeeze3A_1101, %dma_start3A_1112] : memref<1000000x32xf32, #tpu.memory_space<hbm>> -> memref<1x32xf32, #tpu.memory_space<hbm>>
      %dma_start3A_1114 = tpu.memref_squeeze %dma_start3A_1113 : memref<1x32xf32, #tpu.memory_space<hbm>> -> memref<32xf32, #tpu.memory_space<hbm>>
      tpu.enqueue_dma source(%dma_start3A_1114 : memref<32xf32, #tpu.memory_space<hbm>>) target(%dma_start3A_1111 : memref<32xf32, #tpu.memory_space<vmem>>) target_semaphore(%arg12 : memref<!tpu.dma_semaphore, #tpu.memory_space<semaphore_mem>>)
      %slice3A_1115 = vector.extract_strided_slice %get3A_889 {offsets = [7], sizes = [1], strides = [1]} : vector<16xi32> to vector<1xi32>
      %squeeze3A_1116 = vector.extract %slice3A_1115[0] : i32 from vector<1xi32>
      %dma_start3A_1117 = arith.constant 23 : i32
      %dma_start3A_1118 = arith.constant 0 : i32
      %dma_start3A_1119 = tpu.memref_slice %arg10[%dma_start3A_1117, %dma_start3A_1118] : memref<32x32xf32, #tpu.memory_space<vmem>> -> memref<1x32xf32, #tpu.memory_space<vmem>>
      %dma_start3A_1120 = tpu.memref_squeeze %dma_start3A_1119 : memref<1x32xf32, #tpu.memory_space<vmem>> -> memref<32xf32, #tpu.memory_space<vmem>>
      %dma_start3A_1121 = arith.constant 0 : i32
      %dma_start3A_1122 = tpu.memref_slice %arg4[%squeeze3A_1116, %dma_start3A_1121] : memref<1000000x32xf32, #tpu.memory_space<hbm>> -> memref<1x32xf32, #tpu.memory_space<hbm>>
      %dma_start3A_1123 = tpu.memref_squeeze %dma_start3A_1122 : memref<1x32xf32, #tpu.memory_space<hbm>> -> memref<32xf32, #tpu.memory_space<hbm>>
      %dma_start3A_1124 = arith.constant 0 : i32
      %dma_start3A_1125 = tpu.memref_slice %arg10[%dma_start3A_1117, %dma_start3A_1124] : memref<32x32xf32, #tpu.memory_space<vmem>> -> memref<1x32xf32, #tpu.memory_space<vmem>>
      %dma_start3A_1126 = tpu.memref_squeeze %dma_start3A_1125 : memref<1x32xf32, #tpu.memory_space<vmem>> -> memref<32xf32, #tpu.memory_space<vmem>>
      %dma_start3A_1127 = arith.constant 0 : i32
      %dma_start3A_1128 = tpu.memref_slice %arg4[%squeeze3A_1116, %dma_start3A_1127] : memref<1000000x32xf32, #tpu.memory_space<hbm>> -> memref<1x32xf32, #tpu.memory_space<hbm>>
      %dma_start3A_1129 = tpu.memref_squeeze %dma_start3A_1128 : memref<1x32xf32, #tpu.memory_space<hbm>> -> memref<32xf32, #tpu.memory_space<hbm>>
      tpu.enqueue_dma source(%dma_start3A_1129 : memref<32xf32, #tpu.memory_space<hbm>>) target(%dma_start3A_1126 : memref<32xf32, #tpu.memory_space<vmem>>) target_semaphore(%arg12 : memref<!tpu.dma_semaphore, #tpu.memory_space<semaphore_mem>>)
      %slice3A_1130 = vector.extract_strided_slice %get3A_885 {offsets = [8], sizes = [1], strides = [1]} : vector<16xi32> to vector<1xi32>
      %squeeze3A_1131 = vector.extract %slice3A_1130[0] : i32 from vector<1xi32>
      %dma_start3A_1132 = arith.constant 24 : i32
      %dma_start3A_1133 = arith.constant 0 : i32
      %dma_start3A_1134 = tpu.memref_slice %arg9[%dma_start3A_1132, %dma_start3A_1133] : memref<32x32xf32, #tpu.memory_space<vmem>> -> memref<1x32xf32, #tpu.memory_space<vmem>>
      %dma_start3A_1135 = tpu.memref_squeeze %dma_start3A_1134 : memref<1x32xf32, #tpu.memory_space<vmem>> -> memref<32xf32, #tpu.memory_space<vmem>>
      %dma_start3A_1136 = arith.constant 0 : i32
      %dma_start3A_1137 = tpu.memref_slice %arg3[%squeeze3A_1131, %dma_start3A_1136] : memref<1000000x32xf32, #tpu.memory_space<hbm>> -> memref<1x32xf32, #tpu.memory_space<hbm>>
      %dma_start3A_1138 = tpu.memref_squeeze %dma_start3A_1137 : memref<1x32xf32, #tpu.memory_space<hbm>> -> memref<32xf32, #tpu.memory_space<hbm>>
      %dma_start3A_1139 = arith.constant 0 : i32
      %dma_start3A_1140 = tpu.memref_slice %arg9[%dma_start3A_1132, %dma_start3A_1139] : memref<32x32xf32, #tpu.memory_space<vmem>> -> memref<1x32xf32, #tpu.memory_space<vmem>>
      %dma_start3A_1141 = tpu.memref_squeeze %dma_start3A_1140 : memref<1x32xf32, #tpu.memory_space<vmem>> -> memref<32xf32, #tpu.memory_space<vmem>>
      %dma_start3A_1142 = arith.constant 0 : i32
      %dma_start3A_1143 = tpu.memref_slice %arg3[%squeeze3A_1131, %dma_start3A_1142] : memref<1000000x32xf32, #tpu.memory_space<hbm>> -> memref<1x32xf32, #tpu.memory_space<hbm>>
      %dma_start3A_1144 = tpu.memref_squeeze %dma_start3A_1143 : memref<1x32xf32, #tpu.memory_space<hbm>> -> memref<32xf32, #tpu.memory_space<hbm>>
      tpu.enqueue_dma source(%dma_start3A_1144 : memref<32xf32, #tpu.memory_space<hbm>>) target(%dma_start3A_1141 : memref<32xf32, #tpu.memory_space<vmem>>) target_semaphore(%arg12 : memref<!tpu.dma_semaphore, #tpu.memory_space<semaphore_mem>>)
      %slice3A_1145 = vector.extract_strided_slice %get3A_889 {offsets = [8], sizes = [1], strides = [1]} : vector<16xi32> to vector<1xi32>
      %squeeze3A_1146 = vector.extract %slice3A_1145[0] : i32 from vector<1xi32>
      %dma_start3A_1147 = arith.constant 24 : i32
      %dma_start3A_1148 = arith.constant 0 : i32
      %dma_start3A_1149 = tpu.memref_slice %arg10[%dma_start3A_1147, %dma_start3A_1148] : memref<32x32xf32, #tpu.memory_space<vmem>> -> memref<1x32xf32, #tpu.memory_space<vmem>>
      %dma_start3A_1150 = tpu.memref_squeeze %dma_start3A_1149 : memref<1x32xf32, #tpu.memory_space<vmem>> -> memref<32xf32, #tpu.memory_space<vmem>>
      %dma_start3A_1151 = arith.constant 0 : i32
      %dma_start3A_1152 = tpu.memref_slice %arg4[%squeeze3A_1146, %dma_start3A_1151] : memref<1000000x32xf32, #tpu.memory_space<hbm>> -> memref<1x32xf32, #tpu.memory_space<hbm>>
      %dma_start3A_1153 = tpu.memref_squeeze %dma_start3A_1152 : memref<1x32xf32, #tpu.memory_space<hbm>> -> memref<32xf32, #tpu.memory_space<hbm>>
      %dma_start3A_1154 = arith.constant 0 : i32
      %dma_start3A_1155 = tpu.memref_slice %arg10[%dma_start3A_1147, %dma_start3A_1154] : memref<32x32xf32, #tpu.memory_space<vmem>> -> memref<1x32xf32, #tpu.memory_space<vmem>>
      %dma_start3A_1156 = tpu.memref_squeeze %dma_start3A_1155 : memref<1x32xf32, #tpu.memory_space<vmem>> -> memref<32xf32, #tpu.memory_space<vmem>>
      %dma_start3A_1157 = arith.constant 0 : i32
      %dma_start3A_1158 = tpu.memref_slice %arg4[%squeeze3A_1146, %dma_start3A_1157] : memref<1000000x32xf32, #tpu.memory_space<hbm>> -> memref<1x32xf32, #tpu.memory_space<hbm>>
      %dma_start3A_1159 = tpu.memref_squeeze %dma_start3A_1158 : memref<1x32xf32, #tpu.memory_space<hbm>> -> memref<32xf32, #tpu.memory_space<hbm>>
      tpu.enqueue_dma source(%dma_start3A_1159 : memref<32xf32, #tpu.memory_space<hbm>>) target(%dma_start3A_1156 : memref<32xf32, #tpu.memory_space<vmem>>) target_semaphore(%arg12 : memref<!tpu.dma_semaphore, #tpu.memory_space<semaphore_mem>>)
      %slice3A_1160 = vector.extract_strided_slice %get3A_885 {offsets = [9], sizes = [1], strides = [1]} : vector<16xi32> to vector<1xi32>
      %squeeze3A_1161 = vector.extract %slice3A_1160[0] : i32 from vector<1xi32>
      %dma_start3A_1162 = arith.constant 25 : i32
      %dma_start3A_1163 = arith.constant 0 : i32
      %dma_start3A_1164 = tpu.memref_slice %arg9[%dma_start3A_1162, %dma_start3A_1163] : memref<32x32xf32, #tpu.memory_space<vmem>> -> memref<1x32xf32, #tpu.memory_space<vmem>>
      %dma_start3A_1165 = tpu.memref_squeeze %dma_start3A_1164 : memref<1x32xf32, #tpu.memory_space<vmem>> -> memref<32xf32, #tpu.memory_space<vmem>>
      %dma_start3A_1166 = arith.constant 0 : i32
      %dma_start3A_1167 = tpu.memref_slice %arg3[%squeeze3A_1161, %dma_start3A_1166] : memref<1000000x32xf32, #tpu.memory_space<hbm>> -> memref<1x32xf32, #tpu.memory_space<hbm>>
      %dma_start3A_1168 = tpu.memref_squeeze %dma_start3A_1167 : memref<1x32xf32, #tpu.memory_space<hbm>> -> memref<32xf32, #tpu.memory_space<hbm>>
      %dma_start3A_1169 = arith.constant 0 : i32
      %dma_start3A_1170 = tpu.memref_slice %arg9[%dma_start3A_1162, %dma_start3A_1169] : memref<32x32xf32, #tpu.memory_space<vmem>> -> memref<1x32xf32, #tpu.memory_space<vmem>>
      %dma_start3A_1171 = tpu.memref_squeeze %dma_start3A_1170 : memref<1x32xf32, #tpu.memory_space<vmem>> -> memref<32xf32, #tpu.memory_space<vmem>>
      %dma_start3A_1172 = arith.constant 0 : i32
      %dma_start3A_1173 = tpu.memref_slice %arg3[%squeeze3A_1161, %dma_start3A_1172] : memref<1000000x32xf32, #tpu.memory_space<hbm>> -> memref<1x32xf32, #tpu.memory_space<hbm>>
      %dma_start3A_1174 = tpu.memref_squeeze %dma_start3A_1173 : memref<1x32xf32, #tpu.memory_space<hbm>> -> memref<32xf32, #tpu.memory_space<hbm>>
      tpu.enqueue_dma source(%dma_start3A_1174 : memref<32xf32, #tpu.memory_space<hbm>>) target(%dma_start3A_1171 : memref<32xf32, #tpu.memory_space<vmem>>) target_semaphore(%arg12 : memref<!tpu.dma_semaphore, #tpu.memory_space<semaphore_mem>>)
      %slice3A_1175 = vector.extract_strided_slice %get3A_889 {offsets = [9], sizes = [1], strides = [1]} : vector<16xi32> to vector<1xi32>
      %squeeze3A_1176 = vector.extract %slice3A_1175[0] : i32 from vector<1xi32>
      %dma_start3A_1177 = arith.constant 25 : i32
      %dma_start3A_1178 = arith.constant 0 : i32
      %dma_start3A_1179 = tpu.memref_slice %arg10[%dma_start3A_1177, %dma_start3A_1178] : memref<32x32xf32, #tpu.memory_space<vmem>> -> memref<1x32xf32, #tpu.memory_space<vmem>>
      %dma_start3A_1180 = tpu.memref_squeeze %dma_start3A_1179 : memref<1x32xf32, #tpu.memory_space<vmem>> -> memref<32xf32, #tpu.memory_space<vmem>>
      %dma_start3A_1181 = arith.constant 0 : i32
      %dma_start3A_1182 = tpu.memref_slice %arg4[%squeeze3A_1176, %dma_start3A_1181] : memref<1000000x32xf32, #tpu.memory_space<hbm>> -> memref<1x32xf32, #tpu.memory_space<hbm>>
      %dma_start3A_1183 = tpu.memref_squeeze %dma_start3A_1182 : memref<1x32xf32, #tpu.memory_space<hbm>> -> memref<32xf32, #tpu.memory_space<hbm>>
      %dma_start3A_1184 = arith.constant 0 : i32
      %dma_start3A_1185 = tpu.memref_slice %arg10[%dma_start3A_1177, %dma_start3A_1184] : memref<32x32xf32, #tpu.memory_space<vmem>> -> memref<1x32xf32, #tpu.memory_space<vmem>>
      %dma_start3A_1186 = tpu.memref_squeeze %dma_start3A_1185 : memref<1x32xf32, #tpu.memory_space<vmem>> -> memref<32xf32, #tpu.memory_space<vmem>>
      %dma_start3A_1187 = arith.constant 0 : i32
      %dma_start3A_1188 = tpu.memref_slice %arg4[%squeeze3A_1176, %dma_start3A_1187] : memref<1000000x32xf32, #tpu.memory_space<hbm>> -> memref<1x32xf32, #tpu.memory_space<hbm>>
      %dma_start3A_1189 = tpu.memref_squeeze %dma_start3A_1188 : memref<1x32xf32, #tpu.memory_space<hbm>> -> memref<32xf32, #tpu.memory_space<hbm>>
      tpu.enqueue_dma source(%dma_start3A_1189 : memref<32xf32, #tpu.memory_space<hbm>>) target(%dma_start3A_1186 : memref<32xf32, #tpu.memory_space<vmem>>) target_semaphore(%arg12 : memref<!tpu.dma_semaphore, #tpu.memory_space<semaphore_mem>>)
      %slice3A_1190 = vector.extract_strided_slice %get3A_885 {offsets = [10], sizes = [1], strides = [1]} : vector<16xi32> to vector<1xi32>
      %squeeze3A_1191 = vector.extract %slice3A_1190[0] : i32 from vector<1xi32>
      %dma_start3A_1192 = arith.constant 26 : i32
      %dma_start3A_1193 = arith.constant 0 : i32
      %dma_start3A_1194 = tpu.memref_slice %arg9[%dma_start3A_1192, %dma_start3A_1193] : memref<32x32xf32, #tpu.memory_space<vmem>> -> memref<1x32xf32, #tpu.memory_space<vmem>>
      %dma_start3A_1195 = tpu.memref_squeeze %dma_start3A_1194 : memref<1x32xf32, #tpu.memory_space<vmem>> -> memref<32xf32, #tpu.memory_space<vmem>>
      %dma_start3A_1196 = arith.constant 0 : i32
      %dma_start3A_1197 = tpu.memref_slice %arg3[%squeeze3A_1191, %dma_start3A_1196] : memref<1000000x32xf32, #tpu.memory_space<hbm>> -> memref<1x32xf32, #tpu.memory_space<hbm>>
      %dma_start3A_1198 = tpu.memref_squeeze %dma_start3A_1197 : memref<1x32xf32, #tpu.memory_space<hbm>> -> memref<32xf32, #tpu.memory_space<hbm>>
      %dma_start3A_1199 = arith.constant 0 : i32
      %dma_start3A_1200 = tpu.memref_slice %arg9[%dma_start3A_1192, %dma_start3A_1199] : memref<32x32xf32, #tpu.memory_space<vmem>> -> memref<1x32xf32, #tpu.memory_space<vmem>>
      %dma_start3A_1201 = tpu.memref_squeeze %dma_start3A_1200 : memref<1x32xf32, #tpu.memory_space<vmem>> -> memref<32xf32, #tpu.memory_space<vmem>>
      %dma_start3A_1202 = arith.constant 0 : i32
      %dma_start3A_1203 = tpu.memref_slice %arg3[%squeeze3A_1191, %dma_start3A_1202] : memref<1000000x32xf32, #tpu.memory_space<hbm>> -> memref<1x32xf32, #tpu.memory_space<hbm>>
      %dma_start3A_1204 = tpu.memref_squeeze %dma_start3A_1203 : memref<1x32xf32, #tpu.memory_space<hbm>> -> memref<32xf32, #tpu.memory_space<hbm>>
      tpu.enqueue_dma source(%dma_start3A_1204 : memref<32xf32, #tpu.memory_space<hbm>>) target(%dma_start3A_1201 : memref<32xf32, #tpu.memory_space<vmem>>) target_semaphore(%arg12 : memref<!tpu.dma_semaphore, #tpu.memory_space<semaphore_mem>>)
      %slice3A_1205 = vector.extract_strided_slice %get3A_889 {offsets = [10], sizes = [1], strides = [1]} : vector<16xi32> to vector<1xi32>
      %squeeze3A_1206 = vector.extract %slice3A_1205[0] : i32 from vector<1xi32>
      %dma_start3A_1207 = arith.constant 26 : i32
      %dma_start3A_1208 = arith.constant 0 : i32
      %dma_start3A_1209 = tpu.memref_slice %arg10[%dma_start3A_1207, %dma_start3A_1208] : memref<32x32xf32, #tpu.memory_space<vmem>> -> memref<1x32xf32, #tpu.memory_space<vmem>>
      %dma_start3A_1210 = tpu.memref_squeeze %dma_start3A_1209 : memref<1x32xf32, #tpu.memory_space<vmem>> -> memref<32xf32, #tpu.memory_space<vmem>>
      %dma_start3A_1211 = arith.constant 0 : i32
      %dma_start3A_1212 = tpu.memref_slice %arg4[%squeeze3A_1206, %dma_start3A_1211] : memref<1000000x32xf32, #tpu.memory_space<hbm>> -> memref<1x32xf32, #tpu.memory_space<hbm>>
      %dma_start3A_1213 = tpu.memref_squeeze %dma_start3A_1212 : memref<1x32xf32, #tpu.memory_space<hbm>> -> memref<32xf32, #tpu.memory_space<hbm>>
      %dma_start3A_1214 = arith.constant 0 : i32
      %dma_start3A_1215 = tpu.memref_slice %arg10[%dma_start3A_1207, %dma_start3A_1214] : memref<32x32xf32, #tpu.memory_space<vmem>> -> memref<1x32xf32, #tpu.memory_space<vmem>>
      %dma_start3A_1216 = tpu.memref_squeeze %dma_start3A_1215 : memref<1x32xf32, #tpu.memory_space<vmem>> -> memref<32xf32, #tpu.memory_space<vmem>>
      %dma_start3A_1217 = arith.constant 0 : i32
      %dma_start3A_1218 = tpu.memref_slice %arg4[%squeeze3A_1206, %dma_start3A_1217] : memref<1000000x32xf32, #tpu.memory_space<hbm>> -> memref<1x32xf32, #tpu.memory_space<hbm>>
      %dma_start3A_1219 = tpu.memref_squeeze %dma_start3A_1218 : memref<1x32xf32, #tpu.memory_space<hbm>> -> memref<32xf32, #tpu.memory_space<hbm>>
      tpu.enqueue_dma source(%dma_start3A_1219 : memref<32xf32, #tpu.memory_space<hbm>>) target(%dma_start3A_1216 : memref<32xf32, #tpu.memory_space<vmem>>) target_semaphore(%arg12 : memref<!tpu.dma_semaphore, #tpu.memory_space<semaphore_mem>>)
      %slice3A_1220 = vector.extract_strided_slice %get3A_885 {offsets = [11], sizes = [1], strides = [1]} : vector<16xi32> to vector<1xi32>
      %squeeze3A_1221 = vector.extract %slice3A_1220[0] : i32 from vector<1xi32>
      %dma_start3A_1222 = arith.constant 27 : i32
      %dma_start3A_1223 = arith.constant 0 : i32
      %dma_start3A_1224 = tpu.memref_slice %arg9[%dma_start3A_1222, %dma_start3A_1223] : memref<32x32xf32, #tpu.memory_space<vmem>> -> memref<1x32xf32, #tpu.memory_space<vmem>>
      %dma_start3A_1225 = tpu.memref_squeeze %dma_start3A_1224 : memref<1x32xf32, #tpu.memory_space<vmem>> -> memref<32xf32, #tpu.memory_space<vmem>>
      %dma_start3A_1226 = arith.constant 0 : i32
      %dma_start3A_1227 = tpu.memref_slice %arg3[%squeeze3A_1221, %dma_start3A_1226] : memref<1000000x32xf32, #tpu.memory_space<hbm>> -> memref<1x32xf32, #tpu.memory_space<hbm>>
      %dma_start3A_1228 = tpu.memref_squeeze %dma_start3A_1227 : memref<1x32xf32, #tpu.memory_space<hbm>> -> memref<32xf32, #tpu.memory_space<hbm>>
      %dma_start3A_1229 = arith.constant 0 : i32
      %dma_start3A_1230 = tpu.memref_slice %arg9[%dma_start3A_1222, %dma_start3A_1229] : memref<32x32xf32, #tpu.memory_space<vmem>> -> memref<1x32xf32, #tpu.memory_space<vmem>>
      %dma_start3A_1231 = tpu.memref_squeeze %dma_start3A_1230 : memref<1x32xf32, #tpu.memory_space<vmem>> -> memref<32xf32, #tpu.memory_space<vmem>>
      %dma_start3A_1232 = arith.constant 0 : i32
      %dma_start3A_1233 = tpu.memref_slice %arg3[%squeeze3A_1221, %dma_start3A_1232] : memref<1000000x32xf32, #tpu.memory_space<hbm>> -> memref<1x32xf32, #tpu.memory_space<hbm>>
      %dma_start3A_1234 = tpu.memref_squeeze %dma_start3A_1233 : memref<1x32xf32, #tpu.memory_space<hbm>> -> memref<32xf32, #tpu.memory_space<hbm>>
      tpu.enqueue_dma source(%dma_start3A_1234 : memref<32xf32, #tpu.memory_space<hbm>>) target(%dma_start3A_1231 : memref<32xf32, #tpu.memory_space<vmem>>) target_semaphore(%arg12 : memref<!tpu.dma_semaphore, #tpu.memory_space<semaphore_mem>>)
      %slice3A_1235 = vector.extract_strided_slice %get3A_889 {offsets = [11], sizes = [1], strides = [1]} : vector<16xi32> to vector<1xi32>
      %squeeze3A_1236 = vector.extract %slice3A_1235[0] : i32 from vector<1xi32>
      %dma_start3A_1237 = arith.constant 27 : i32
      %dma_start3A_1238 = arith.constant 0 : i32
      %dma_start3A_1239 = tpu.memref_slice %arg10[%dma_start3A_1237, %dma_start3A_1238] : memref<32x32xf32, #tpu.memory_space<vmem>> -> memref<1x32xf32, #tpu.memory_space<vmem>>
      %dma_start3A_1240 = tpu.memref_squeeze %dma_start3A_1239 : memref<1x32xf32, #tpu.memory_space<vmem>> -> memref<32xf32, #tpu.memory_space<vmem>>
      %dma_start3A_1241 = arith.constant 0 : i32
      %dma_start3A_1242 = tpu.memref_slice %arg4[%squeeze3A_1236, %dma_start3A_1241] : memref<1000000x32xf32, #tpu.memory_space<hbm>> -> memref<1x32xf32, #tpu.memory_space<hbm>>
      %dma_start3A_1243 = tpu.memref_squeeze %dma_start3A_1242 : memref<1x32xf32, #tpu.memory_space<hbm>> -> memref<32xf32, #tpu.memory_space<hbm>>
      %dma_start3A_1244 = arith.constant 0 : i32
      %dma_start3A_1245 = tpu.memref_slice %arg10[%dma_start3A_1237, %dma_start3A_1244] : memref<32x32xf32, #tpu.memory_space<vmem>> -> memref<1x32xf32, #tpu.memory_space<vmem>>
      %dma_start3A_1246 = tpu.memref_squeeze %dma_start3A_1245 : memref<1x32xf32, #tpu.memory_space<vmem>> -> memref<32xf32, #tpu.memory_space<vmem>>
      %dma_start3A_1247 = arith.constant 0 : i32
      %dma_start3A_1248 = tpu.memref_slice %arg4[%squeeze3A_1236, %dma_start3A_1247] : memref<1000000x32xf32, #tpu.memory_space<hbm>> -> memref<1x32xf32, #tpu.memory_space<hbm>>
      %dma_start3A_1249 = tpu.memref_squeeze %dma_start3A_1248 : memref<1x32xf32, #tpu.memory_space<hbm>> -> memref<32xf32, #tpu.memory_space<hbm>>
      tpu.enqueue_dma source(%dma_start3A_1249 : memref<32xf32, #tpu.memory_space<hbm>>) target(%dma_start3A_1246 : memref<32xf32, #tpu.memory_space<vmem>>) target_semaphore(%arg12 : memref<!tpu.dma_semaphore, #tpu.memory_space<semaphore_mem>>)
      %slice3A_1250 = vector.extract_strided_slice %get3A_885 {offsets = [12], sizes = [1], strides = [1]} : vector<16xi32> to vector<1xi32>
      %squeeze3A_1251 = vector.extract %slice3A_1250[0] : i32 from vector<1xi32>
      %dma_start3A_1252 = arith.constant 28 : i32
      %dma_start3A_1253 = arith.constant 0 : i32
      %dma_start3A_1254 = tpu.memref_slice %arg9[%dma_start3A_1252, %dma_start3A_1253] : memref<32x32xf32, #tpu.memory_space<vmem>> -> memref<1x32xf32, #tpu.memory_space<vmem>>
      %dma_start3A_1255 = tpu.memref_squeeze %dma_start3A_1254 : memref<1x32xf32, #tpu.memory_space<vmem>> -> memref<32xf32, #tpu.memory_space<vmem>>
      %dma_start3A_1256 = arith.constant 0 : i32
      %dma_start3A_1257 = tpu.memref_slice %arg3[%squeeze3A_1251, %dma_start3A_1256] : memref<1000000x32xf32, #tpu.memory_space<hbm>> -> memref<1x32xf32, #tpu.memory_space<hbm>>
      %dma_start3A_1258 = tpu.memref_squeeze %dma_start3A_1257 : memref<1x32xf32, #tpu.memory_space<hbm>> -> memref<32xf32, #tpu.memory_space<hbm>>
      %dma_start3A_1259 = arith.constant 0 : i32
      %dma_start3A_1260 = tpu.memref_slice %arg9[%dma_start3A_1252, %dma_start3A_1259] : memref<32x32xf32, #tpu.memory_space<vmem>> -> memref<1x32xf32, #tpu.memory_space<vmem>>
      %dma_start3A_1261 = tpu.memref_squeeze %dma_start3A_1260 : memref<1x32xf32, #tpu.memory_space<vmem>> -> memref<32xf32, #tpu.memory_space<vmem>>
      %dma_start3A_1262 = arith.constant 0 : i32
      %dma_start3A_1263 = tpu.memref_slice %arg3[%squeeze3A_1251, %dma_start3A_1262] : memref<1000000x32xf32, #tpu.memory_space<hbm>> -> memref<1x32xf32, #tpu.memory_space<hbm>>
      %dma_start3A_1264 = tpu.memref_squeeze %dma_start3A_1263 : memref<1x32xf32, #tpu.memory_space<hbm>> -> memref<32xf32, #tpu.memory_space<hbm>>
      tpu.enqueue_dma source(%dma_start3A_1264 : memref<32xf32, #tpu.memory_space<hbm>>) target(%dma_start3A_1261 : memref<32xf32, #tpu.memory_space<vmem>>) target_semaphore(%arg12 : memref<!tpu.dma_semaphore, #tpu.memory_space<semaphore_mem>>)
      %slice3A_1265 = vector.extract_strided_slice %get3A_889 {offsets = [12], sizes = [1], strides = [1]} : vector<16xi32> to vector<1xi32>
      %squeeze3A_1266 = vector.extract %slice3A_1265[0] : i32 from vector<1xi32>
      %dma_start3A_1267 = arith.constant 28 : i32
      %dma_start3A_1268 = arith.constant 0 : i32
      %dma_start3A_1269 = tpu.memref_slice %arg10[%dma_start3A_1267, %dma_start3A_1268] : memref<32x32xf32, #tpu.memory_space<vmem>> -> memref<1x32xf32, #tpu.memory_space<vmem>>
      %dma_start3A_1270 = tpu.memref_squeeze %dma_start3A_1269 : memref<1x32xf32, #tpu.memory_space<vmem>> -> memref<32xf32, #tpu.memory_space<vmem>>
      %dma_start3A_1271 = arith.constant 0 : i32
      %dma_start3A_1272 = tpu.memref_slice %arg4[%squeeze3A_1266, %dma_start3A_1271] : memref<1000000x32xf32, #tpu.memory_space<hbm>> -> memref<1x32xf32, #tpu.memory_space<hbm>>
      %dma_start3A_1273 = tpu.memref_squeeze %dma_start3A_1272 : memref<1x32xf32, #tpu.memory_space<hbm>> -> memref<32xf32, #tpu.memory_space<hbm>>
      %dma_start3A_1274 = arith.constant 0 : i32
      %dma_start3A_1275 = tpu.memref_slice %arg10[%dma_start3A_1267, %dma_start3A_1274] : memref<32x32xf32, #tpu.memory_space<vmem>> -> memref<1x32xf32, #tpu.memory_space<vmem>>
      %dma_start3A_1276 = tpu.memref_squeeze %dma_start3A_1275 : memref<1x32xf32, #tpu.memory_space<vmem>> -> memref<32xf32, #tpu.memory_space<vmem>>
      %dma_start3A_1277 = arith.constant 0 : i32
      %dma_start3A_1278 = tpu.memref_slice %arg4[%squeeze3A_1266, %dma_start3A_1277] : memref<1000000x32xf32, #tpu.memory_space<hbm>> -> memref<1x32xf32, #tpu.memory_space<hbm>>
      %dma_start3A_1279 = tpu.memref_squeeze %dma_start3A_1278 : memref<1x32xf32, #tpu.memory_space<hbm>> -> memref<32xf32, #tpu.memory_space<hbm>>
      tpu.enqueue_dma source(%dma_start3A_1279 : memref<32xf32, #tpu.memory_space<hbm>>) target(%dma_start3A_1276 : memref<32xf32, #tpu.memory_space<vmem>>) target_semaphore(%arg12 : memref<!tpu.dma_semaphore, #tpu.memory_space<semaphore_mem>>)
      %slice3A_1280 = vector.extract_strided_slice %get3A_885 {offsets = [13], sizes = [1], strides = [1]} : vector<16xi32> to vector<1xi32>
      %squeeze3A_1281 = vector.extract %slice3A_1280[0] : i32 from vector<1xi32>
      %dma_start3A_1282 = arith.constant 29 : i32
      %dma_start3A_1283 = arith.constant 0 : i32
      %dma_start3A_1284 = tpu.memref_slice %arg9[%dma_start3A_1282, %dma_start3A_1283] : memref<32x32xf32, #tpu.memory_space<vmem>> -> memref<1x32xf32, #tpu.memory_space<vmem>>
      %dma_start3A_1285 = tpu.memref_squeeze %dma_start3A_1284 : memref<1x32xf32, #tpu.memory_space<vmem>> -> memref<32xf32, #tpu.memory_space<vmem>>
      %dma_start3A_1286 = arith.constant 0 : i32
      %dma_start3A_1287 = tpu.memref_slice %arg3[%squeeze3A_1281, %dma_start3A_1286] : memref<1000000x32xf32, #tpu.memory_space<hbm>> -> memref<1x32xf32, #tpu.memory_space<hbm>>
      %dma_start3A_1288 = tpu.memref_squeeze %dma_start3A_1287 : memref<1x32xf32, #tpu.memory_space<hbm>> -> memref<32xf32, #tpu.memory_space<hbm>>
      %dma_start3A_1289 = arith.constant 0 : i32
      %dma_start3A_1290 = tpu.memref_slice %arg9[%dma_start3A_1282, %dma_start3A_1289] : memref<32x32xf32, #tpu.memory_space<vmem>> -> memref<1x32xf32, #tpu.memory_space<vmem>>
      %dma_start3A_1291 = tpu.memref_squeeze %dma_start3A_1290 : memref<1x32xf32, #tpu.memory_space<vmem>> -> memref<32xf32, #tpu.memory_space<vmem>>
      %dma_start3A_1292 = arith.constant 0 : i32
      %dma_start3A_1293 = tpu.memref_slice %arg3[%squeeze3A_1281, %dma_start3A_1292] : memref<1000000x32xf32, #tpu.memory_space<hbm>> -> memref<1x32xf32, #tpu.memory_space<hbm>>
      %dma_start3A_1294 = tpu.memref_squeeze %dma_start3A_1293 : memref<1x32xf32, #tpu.memory_space<hbm>> -> memref<32xf32, #tpu.memory_space<hbm>>
      tpu.enqueue_dma source(%dma_start3A_1294 : memref<32xf32, #tpu.memory_space<hbm>>) target(%dma_start3A_1291 : memref<32xf32, #tpu.memory_space<vmem>>) target_semaphore(%arg12 : memref<!tpu.dma_semaphore, #tpu.memory_space<semaphore_mem>>)
      %slice3A_1295 = vector.extract_strided_slice %get3A_889 {offsets = [13], sizes = [1], strides = [1]} : vector<16xi32> to vector<1xi32>
      %squeeze3A_1296 = vector.extract %slice3A_1295[0] : i32 from vector<1xi32>
      %dma_start3A_1297 = arith.constant 29 : i32
      %dma_start3A_1298 = arith.constant 0 : i32
      %dma_start3A_1299 = tpu.memref_slice %arg10[%dma_start3A_1297, %dma_start3A_1298] : memref<32x32xf32, #tpu.memory_space<vmem>> -> memref<1x32xf32, #tpu.memory_space<vmem>>
      %dma_start3A_1300 = tpu.memref_squeeze %dma_start3A_1299 : memref<1x32xf32, #tpu.memory_space<vmem>> -> memref<32xf32, #tpu.memory_space<vmem>>
      %dma_start3A_1301 = arith.constant 0 : i32
      %dma_start3A_1302 = tpu.memref_slice %arg4[%squeeze3A_1296, %dma_start3A_1301] : memref<1000000x32xf32, #tpu.memory_space<hbm>> -> memref<1x32xf32, #tpu.memory_space<hbm>>
      %dma_start3A_1303 = tpu.memref_squeeze %dma_start3A_1302 : memref<1x32xf32, #tpu.memory_space<hbm>> -> memref<32xf32, #tpu.memory_space<hbm>>
      %dma_start3A_1304 = arith.constant 0 : i32
      %dma_start3A_1305 = tpu.memref_slice %arg10[%dma_start3A_1297, %dma_start3A_1304] : memref<32x32xf32, #tpu.memory_space<vmem>> -> memref<1x32xf32, #tpu.memory_space<vmem>>
      %dma_start3A_1306 = tpu.memref_squeeze %dma_start3A_1305 : memref<1x32xf32, #tpu.memory_space<vmem>> -> memref<32xf32, #tpu.memory_space<vmem>>
      %dma_start3A_1307 = arith.constant 0 : i32
      %dma_start3A_1308 = tpu.memref_slice %arg4[%squeeze3A_1296, %dma_start3A_1307] : memref<1000000x32xf32, #tpu.memory_space<hbm>> -> memref<1x32xf32, #tpu.memory_space<hbm>>
      %dma_start3A_1309 = tpu.memref_squeeze %dma_start3A_1308 : memref<1x32xf32, #tpu.memory_space<hbm>> -> memref<32xf32, #tpu.memory_space<hbm>>
      tpu.enqueue_dma source(%dma_start3A_1309 : memref<32xf32, #tpu.memory_space<hbm>>) target(%dma_start3A_1306 : memref<32xf32, #tpu.memory_space<vmem>>) target_semaphore(%arg12 : memref<!tpu.dma_semaphore, #tpu.memory_space<semaphore_mem>>)
      %slice3A_1310 = vector.extract_strided_slice %get3A_885 {offsets = [14], sizes = [1], strides = [1]} : vector<16xi32> to vector<1xi32>
      %squeeze3A_1311 = vector.extract %slice3A_1310[0] : i32 from vector<1xi32>
      %dma_start3A_1312 = arith.constant 30 : i32
      %dma_start3A_1313 = arith.constant 0 : i32
      %dma_start3A_1314 = tpu.memref_slice %arg9[%dma_start3A_1312, %dma_start3A_1313] : memref<32x32xf32, #tpu.memory_space<vmem>> -> memref<1x32xf32, #tpu.memory_space<vmem>>
      %dma_start3A_1315 = tpu.memref_squeeze %dma_start3A_1314 : memref<1x32xf32, #tpu.memory_space<vmem>> -> memref<32xf32, #tpu.memory_space<vmem>>
      %dma_start3A_1316 = arith.constant 0 : i32
      %dma_start3A_1317 = tpu.memref_slice %arg3[%squeeze3A_1311, %dma_start3A_1316] : memref<1000000x32xf32, #tpu.memory_space<hbm>> -> memref<1x32xf32, #tpu.memory_space<hbm>>
      %dma_start3A_1318 = tpu.memref_squeeze %dma_start3A_1317 : memref<1x32xf32, #tpu.memory_space<hbm>> -> memref<32xf32, #tpu.memory_space<hbm>>
      %dma_start3A_1319 = arith.constant 0 : i32
      %dma_start3A_1320 = tpu.memref_slice %arg9[%dma_start3A_1312, %dma_start3A_1319] : memref<32x32xf32, #tpu.memory_space<vmem>> -> memref<1x32xf32, #tpu.memory_space<vmem>>
      %dma_start3A_1321 = tpu.memref_squeeze %dma_start3A_1320 : memref<1x32xf32, #tpu.memory_space<vmem>> -> memref<32xf32, #tpu.memory_space<vmem>>
      %dma_start3A_1322 = arith.constant 0 : i32
      %dma_start3A_1323 = tpu.memref_slice %arg3[%squeeze3A_1311, %dma_start3A_1322] : memref<1000000x32xf32, #tpu.memory_space<hbm>> -> memref<1x32xf32, #tpu.memory_space<hbm>>
      %dma_start3A_1324 = tpu.memref_squeeze %dma_start3A_1323 : memref<1x32xf32, #tpu.memory_space<hbm>> -> memref<32xf32, #tpu.memory_space<hbm>>
      tpu.enqueue_dma source(%dma_start3A_1324 : memref<32xf32, #tpu.memory_space<hbm>>) target(%dma_start3A_1321 : memref<32xf32, #tpu.memory_space<vmem>>) target_semaphore(%arg12 : memref<!tpu.dma_semaphore, #tpu.memory_space<semaphore_mem>>)
      %slice3A_1325 = vector.extract_strided_slice %get3A_889 {offsets = [14], sizes = [1], strides = [1]} : vector<16xi32> to vector<1xi32>
      %squeeze3A_1326 = vector.extract %slice3A_1325[0] : i32 from vector<1xi32>
      %dma_start3A_1327 = arith.constant 30 : i32
      %dma_start3A_1328 = arith.constant 0 : i32
      %dma_start3A_1329 = tpu.memref_slice %arg10[%dma_start3A_1327, %dma_start3A_1328] : memref<32x32xf32, #tpu.memory_space<vmem>> -> memref<1x32xf32, #tpu.memory_space<vmem>>
      %dma_start3A_1330 = tpu.memref_squeeze %dma_start3A_1329 : memref<1x32xf32, #tpu.memory_space<vmem>> -> memref<32xf32, #tpu.memory_space<vmem>>
      %dma_start3A_1331 = arith.constant 0 : i32
      %dma_start3A_1332 = tpu.memref_slice %arg4[%squeeze3A_1326, %dma_start3A_1331] : memref<1000000x32xf32, #tpu.memory_space<hbm>> -> memref<1x32xf32, #tpu.memory_space<hbm>>
      %dma_start3A_1333 = tpu.memref_squeeze %dma_start3A_1332 : memref<1x32xf32, #tpu.memory_space<hbm>> -> memref<32xf32, #tpu.memory_space<hbm>>
      %dma_start3A_1334 = arith.constant 0 : i32
      %dma_start3A_1335 = tpu.memref_slice %arg10[%dma_start3A_1327, %dma_start3A_1334] : memref<32x32xf32, #tpu.memory_space<vmem>> -> memref<1x32xf32, #tpu.memory_space<vmem>>
      %dma_start3A_1336 = tpu.memref_squeeze %dma_start3A_1335 : memref<1x32xf32, #tpu.memory_space<vmem>> -> memref<32xf32, #tpu.memory_space<vmem>>
      %dma_start3A_1337 = arith.constant 0 : i32
      %dma_start3A_1338 = tpu.memref_slice %arg4[%squeeze3A_1326, %dma_start3A_1337] : memref<1000000x32xf32, #tpu.memory_space<hbm>> -> memref<1x32xf32, #tpu.memory_space<hbm>>
      %dma_start3A_1339 = tpu.memref_squeeze %dma_start3A_1338 : memref<1x32xf32, #tpu.memory_space<hbm>> -> memref<32xf32, #tpu.memory_space<hbm>>
      tpu.enqueue_dma source(%dma_start3A_1339 : memref<32xf32, #tpu.memory_space<hbm>>) target(%dma_start3A_1336 : memref<32xf32, #tpu.memory_space<vmem>>) target_semaphore(%arg12 : memref<!tpu.dma_semaphore, #tpu.memory_space<semaphore_mem>>)
      %slice3A_1340 = vector.extract_strided_slice %get3A_885 {offsets = [15], sizes = [1], strides = [1]} : vector<16xi32> to vector<1xi32>
      %squeeze3A_1341 = vector.extract %slice3A_1340[0] : i32 from vector<1xi32>
      %dma_start3A_1342 = arith.constant 31 : i32
      %dma_start3A_1343 = arith.constant 0 : i32
      %dma_start3A_1344 = tpu.memref_slice %arg9[%dma_start3A_1342, %dma_start3A_1343] : memref<32x32xf32, #tpu.memory_space<vmem>> -> memref<1x32xf32, #tpu.memory_space<vmem>>
      %dma_start3A_1345 = tpu.memref_squeeze %dma_start3A_1344 : memref<1x32xf32, #tpu.memory_space<vmem>> -> memref<32xf32, #tpu.memory_space<vmem>>
      %dma_start3A_1346 = arith.constant 0 : i32
      %dma_start3A_1347 = tpu.memref_slice %arg3[%squeeze3A_1341, %dma_start3A_1346] : memref<1000000x32xf32, #tpu.memory_space<hbm>> -> memref<1x32xf32, #tpu.memory_space<hbm>>
      %dma_start3A_1348 = tpu.memref_squeeze %dma_start3A_1347 : memref<1x32xf32, #tpu.memory_space<hbm>> -> memref<32xf32, #tpu.memory_space<hbm>>
      %dma_start3A_1349 = arith.constant 0 : i32
      %dma_start3A_1350 = tpu.memref_slice %arg9[%dma_start3A_1342, %dma_start3A_1349] : memref<32x32xf32, #tpu.memory_space<vmem>> -> memref<1x32xf32, #tpu.memory_space<vmem>>
      %dma_start3A_1351 = tpu.memref_squeeze %dma_start3A_1350 : memref<1x32xf32, #tpu.memory_space<vmem>> -> memref<32xf32, #tpu.memory_space<vmem>>
      %dma_start3A_1352 = arith.constant 0 : i32
      %dma_start3A_1353 = tpu.memref_slice %arg3[%squeeze3A_1341, %dma_start3A_1352] : memref<1000000x32xf32, #tpu.memory_space<hbm>> -> memref<1x32xf32, #tpu.memory_space<hbm>>
      %dma_start3A_1354 = tpu.memref_squeeze %dma_start3A_1353 : memref<1x32xf32, #tpu.memory_space<hbm>> -> memref<32xf32, #tpu.memory_space<hbm>>
      tpu.enqueue_dma source(%dma_start3A_1354 : memref<32xf32, #tpu.memory_space<hbm>>) target(%dma_start3A_1351 : memref<32xf32, #tpu.memory_space<vmem>>) target_semaphore(%arg12 : memref<!tpu.dma_semaphore, #tpu.memory_space<semaphore_mem>>)
      %slice3A_1355 = vector.extract_strided_slice %get3A_889 {offsets = [15], sizes = [1], strides = [1]} : vector<16xi32> to vector<1xi32>
      %squeeze3A_1356 = vector.extract %slice3A_1355[0] : i32 from vector<1xi32>
      %dma_start3A_1357 = arith.constant 31 : i32
      %dma_start3A_1358 = arith.constant 0 : i32
      %dma_start3A_1359 = tpu.memref_slice %arg10[%dma_start3A_1357, %dma_start3A_1358] : memref<32x32xf32, #tpu.memory_space<vmem>> -> memref<1x32xf32, #tpu.memory_space<vmem>>
      %dma_start3A_1360 = tpu.memref_squeeze %dma_start3A_1359 : memref<1x32xf32, #tpu.memory_space<vmem>> -> memref<32xf32, #tpu.memory_space<vmem>>
      %dma_start3A_1361 = arith.constant 0 : i32
      %dma_start3A_1362 = tpu.memref_slice %arg4[%squeeze3A_1356, %dma_start3A_1361] : memref<1000000x32xf32, #tpu.memory_space<hbm>> -> memref<1x32xf32, #tpu.memory_space<hbm>>
      %dma_start3A_1363 = tpu.memref_squeeze %dma_start3A_1362 : memref<1x32xf32, #tpu.memory_space<hbm>> -> memref<32xf32, #tpu.memory_space<hbm>>
      %dma_start3A_1364 = arith.constant 0 : i32
      %dma_start3A_1365 = tpu.memref_slice %arg10[%dma_start3A_1357, %dma_start3A_1364] : memref<32x32xf32, #tpu.memory_space<vmem>> -> memref<1x32xf32, #tpu.memory_space<vmem>>
      %dma_start3A_1366 = tpu.memref_squeeze %dma_start3A_1365 : memref<1x32xf32, #tpu.memory_space<vmem>> -> memref<32xf32, #tpu.memory_space<vmem>>
      %dma_start3A_1367 = arith.constant 0 : i32
      %dma_start3A_1368 = tpu.memref_slice %arg4[%squeeze3A_1356, %dma_start3A_1367] : memref<1000000x32xf32, #tpu.memory_space<hbm>> -> memref<1x32xf32, #tpu.memory_space<hbm>>
      %dma_start3A_1369 = tpu.memref_squeeze %dma_start3A_1368 : memref<1x32xf32, #tpu.memory_space<hbm>> -> memref<32xf32, #tpu.memory_space<hbm>>
      tpu.enqueue_dma source(%dma_start3A_1369 : memref<32xf32, #tpu.memory_space<hbm>>) target(%dma_start3A_1366 : memref<32xf32, #tpu.memory_space<vmem>>) target_semaphore(%arg12 : memref<!tpu.dma_semaphore, #tpu.memory_space<semaphore_mem>>)
      %dma_wait3A = arith.constant 0 : i32
      %dma_wait3A_1370 = arith.constant 0 : i32
      %dma_wait3A_1371 = tpu.memref_slice %arg9[%dma_wait3A, %dma_wait3A_1370] : memref<32x32xf32, #tpu.memory_space<vmem>> -> memref<1x32xf32, #tpu.memory_space<vmem>>
      %dma_wait3A_1372 = tpu.memref_squeeze %dma_wait3A_1371 : memref<1x32xf32, #tpu.memory_space<vmem>> -> memref<32xf32, #tpu.memory_space<vmem>>
      %dma_wait3A_1373 = arith.constant 0 : i32
      %dma_wait3A_1374 = tpu.memref_slice %arg3[%squeeze3A, %dma_wait3A_1373] : memref<1000000x32xf32, #tpu.memory_space<hbm>> -> memref<1x32xf32, #tpu.memory_space<hbm>>
      %dma_wait3A_1375 = tpu.memref_squeeze %dma_wait3A_1374 : memref<1x32xf32, #tpu.memory_space<hbm>> -> memref<32xf32, #tpu.memory_space<hbm>>
      %dma_wait3A_1376 = arith.constant 0 : i32
      %dma_wait3A_1377 = tpu.memref_slice %arg9[%dma_wait3A, %dma_wait3A_1376] : memref<32x32xf32, #tpu.memory_space<vmem>> -> memref<1x32xf32, #tpu.memory_space<vmem>>
      %dma_wait3A_1378 = tpu.memref_squeeze %dma_wait3A_1377 : memref<1x32xf32, #tpu.memory_space<vmem>> -> memref<32xf32, #tpu.memory_space<vmem>>
      %dma_wait3A_1379 = arith.constant 0 : i32
      %dma_wait3A_1380 = tpu.memref_slice %arg3[%squeeze3A, %dma_wait3A_1379] : memref<1000000x32xf32, #tpu.memory_space<hbm>> -> memref<1x32xf32, #tpu.memory_space<hbm>>
      %dma_wait3A_1381 = tpu.memref_squeeze %dma_wait3A_1380 : memref<1x32xf32, #tpu.memory_space<hbm>> -> memref<32xf32, #tpu.memory_space<hbm>>
      tpu.wait_dma2 semaphore(%arg12 : memref<!tpu.dma_semaphore, #tpu.memory_space<semaphore_mem>>) src(%dma_wait3A_1381 : memref<32xf32, #tpu.memory_space<hbm>>) dst(%dma_wait3A_1378 : memref<32xf32, #tpu.memory_space<vmem>>)
      %dma_wait3A_1382 = arith.constant 0 : i32
      %dma_wait3A_1383 = arith.constant 0 : i32
      %dma_wait3A_1384 = tpu.memref_slice %arg10[%dma_wait3A_1382, %dma_wait3A_1383] : memref<32x32xf32, #tpu.memory_space<vmem>> -> memref<1x32xf32, #tpu.memory_space<vmem>>
      %dma_wait3A_1385 = tpu.memref_squeeze %dma_wait3A_1384 : memref<1x32xf32, #tpu.memory_space<vmem>> -> memref<32xf32, #tpu.memory_space<vmem>>
      %dma_wait3A_1386 = arith.constant 0 : i32
      %dma_wait3A_1387 = tpu.memref_slice %arg4[%squeeze3A_418, %dma_wait3A_1386] : memref<1000000x32xf32, #tpu.memory_space<hbm>> -> memref<1x32xf32, #tpu.memory_space<hbm>>
      %dma_wait3A_1388 = tpu.memref_squeeze %dma_wait3A_1387 : memref<1x32xf32, #tpu.memory_space<hbm>> -> memref<32xf32, #tpu.memory_space<hbm>>
      %dma_wait3A_1389 = arith.constant 0 : i32
      %dma_wait3A_1390 = tpu.memref_slice %arg10[%dma_wait3A_1382, %dma_wait3A_1389] : memref<32x32xf32, #tpu.memory_space<vmem>> -> memref<1x32xf32, #tpu.memory_space<vmem>>
      %dma_wait3A_1391 = tpu.memref_squeeze %dma_wait3A_1390 : memref<1x32xf32, #tpu.memory_space<vmem>> -> memref<32xf32, #tpu.memory_space<vmem>>
      %dma_wait3A_1392 = arith.constant 0 : i32
      %dma_wait3A_1393 = tpu.memref_slice %arg4[%squeeze3A_418, %dma_wait3A_1392] : memref<1000000x32xf32, #tpu.memory_space<hbm>> -> memref<1x32xf32, #tpu.memory_space<hbm>>
      %dma_wait3A_1394 = tpu.memref_squeeze %dma_wait3A_1393 : memref<1x32xf32, #tpu.memory_space<hbm>> -> memref<32xf32, #tpu.memory_space<hbm>>
      tpu.wait_dma2 semaphore(%arg12 : memref<!tpu.dma_semaphore, #tpu.memory_space<semaphore_mem>>) src(%dma_wait3A_1394 : memref<32xf32, #tpu.memory_space<hbm>>) dst(%dma_wait3A_1391 : memref<32xf32, #tpu.memory_space<vmem>>)
      %dma_wait3A_1395 = arith.constant 1 : i32
      %dma_wait3A_1396 = arith.constant 0 : i32
      %dma_wait3A_1397 = tpu.memref_slice %arg9[%dma_wait3A_1395, %dma_wait3A_1396] : memref<32x32xf32, #tpu.memory_space<vmem>> -> memref<1x32xf32, #tpu.memory_space<vmem>>
      %dma_wait3A_1398 = tpu.memref_squeeze %dma_wait3A_1397 : memref<1x32xf32, #tpu.memory_space<vmem>> -> memref<32xf32, #tpu.memory_space<vmem>>
      %dma_wait3A_1399 = arith.constant 0 : i32
      %dma_wait3A_1400 = tpu.memref_slice %arg3[%squeeze3A_433, %dma_wait3A_1399] : memref<1000000x32xf32, #tpu.memory_space<hbm>> -> memref<1x32xf32, #tpu.memory_space<hbm>>
      %dma_wait3A_1401 = tpu.memref_squeeze %dma_wait3A_1400 : memref<1x32xf32, #tpu.memory_space<hbm>> -> memref<32xf32, #tpu.memory_space<hbm>>
      %dma_wait3A_1402 = arith.constant 0 : i32
      %dma_wait3A_1403 = tpu.memref_slice %arg9[%dma_wait3A_1395, %dma_wait3A_1402] : memref<32x32xf32, #tpu.memory_space<vmem>> -> memref<1x32xf32, #tpu.memory_space<vmem>>
      %dma_wait3A_1404 = tpu.memref_squeeze %dma_wait3A_1403 : memref<1x32xf32, #tpu.memory_space<vmem>> -> memref<32xf32, #tpu.memory_space<vmem>>
      %dma_wait3A_1405 = arith.constant 0 : i32
      %dma_wait3A_1406 = tpu.memref_slice %arg3[%squeeze3A_433, %dma_wait3A_1405] : memref<1000000x32xf32, #tpu.memory_space<hbm>> -> memref<1x32xf32, #tpu.memory_space<hbm>>
      %dma_wait3A_1407 = tpu.memref_squeeze %dma_wait3A_1406 : memref<1x32xf32, #tpu.memory_space<hbm>> -> memref<32xf32, #tpu.memory_space<hbm>>
      tpu.wait_dma2 semaphore(%arg12 : memref<!tpu.dma_semaphore, #tpu.memory_space<semaphore_mem>>) src(%dma_wait3A_1407 : memref<32xf32, #tpu.memory_space<hbm>>) dst(%dma_wait3A_1404 : memref<32xf32, #tpu.memory_space<vmem>>)
      %dma_wait3A_1408 = arith.constant 1 : i32
      %dma_wait3A_1409 = arith.constant 0 : i32
      %dma_wait3A_1410 = tpu.memref_slice %arg10[%dma_wait3A_1408, %dma_wait3A_1409] : memref<32x32xf32, #tpu.memory_space<vmem>> -> memref<1x32xf32, #tpu.memory_space<vmem>>
      %dma_wait3A_1411 = tpu.memref_squeeze %dma_wait3A_1410 : memref<1x32xf32, #tpu.memory_space<vmem>> -> memref<32xf32, #tpu.memory_space<vmem>>
      %dma_wait3A_1412 = arith.constant 0 : i32
      %dma_wait3A_1413 = tpu.memref_slice %arg4[%squeeze3A_448, %dma_wait3A_1412] : memref<1000000x32xf32, #tpu.memory_space<hbm>> -> memref<1x32xf32, #tpu.memory_space<hbm>>
      %dma_wait3A_1414 = tpu.memref_squeeze %dma_wait3A_1413 : memref<1x32xf32, #tpu.memory_space<hbm>> -> memref<32xf32, #tpu.memory_space<hbm>>
      %dma_wait3A_1415 = arith.constant 0 : i32
      %dma_wait3A_1416 = tpu.memref_slice %arg10[%dma_wait3A_1408, %dma_wait3A_1415] : memref<32x32xf32, #tpu.memory_space<vmem>> -> memref<1x32xf32, #tpu.memory_space<vmem>>
      %dma_wait3A_1417 = tpu.memref_squeeze %dma_wait3A_1416 : memref<1x32xf32, #tpu.memory_space<vmem>> -> memref<32xf32, #tpu.memory_space<vmem>>
      %dma_wait3A_1418 = arith.constant 0 : i32
      %dma_wait3A_1419 = tpu.memref_slice %arg4[%squeeze3A_448, %dma_wait3A_1418] : memref<1000000x32xf32, #tpu.memory_space<hbm>> -> memref<1x32xf32, #tpu.memory_space<hbm>>
      %dma_wait3A_1420 = tpu.memref_squeeze %dma_wait3A_1419 : memref<1x32xf32, #tpu.memory_space<hbm>> -> memref<32xf32, #tpu.memory_space<hbm>>
      tpu.wait_dma2 semaphore(%arg12 : memref<!tpu.dma_semaphore, #tpu.memory_space<semaphore_mem>>) src(%dma_wait3A_1420 : memref<32xf32, #tpu.memory_space<hbm>>) dst(%dma_wait3A_1417 : memref<32xf32, #tpu.memory_space<vmem>>)
      %dma_wait3A_1421 = arith.constant 2 : i32
      %dma_wait3A_1422 = arith.constant 0 : i32
      %dma_wait3A_1423 = tpu.memref_slice %arg9[%dma_wait3A_1421, %dma_wait3A_1422] : memref<32x32xf32, #tpu.memory_space<vmem>> -> memref<1x32xf32, #tpu.memory_space<vmem>>
      %dma_wait3A_1424 = tpu.memref_squeeze %dma_wait3A_1423 : memref<1x32xf32, #tpu.memory_space<vmem>> -> memref<32xf32, #tpu.memory_space<vmem>>
      %dma_wait3A_1425 = arith.constant 0 : i32
      %dma_wait3A_1426 = tpu.memref_slice %arg3[%squeeze3A_463, %dma_wait3A_1425] : memref<1000000x32xf32, #tpu.memory_space<hbm>> -> memref<1x32xf32, #tpu.memory_space<hbm>>
      %dma_wait3A_1427 = tpu.memref_squeeze %dma_wait3A_1426 : memref<1x32xf32, #tpu.memory_space<hbm>> -> memref<32xf32, #tpu.memory_space<hbm>>
      %dma_wait3A_1428 = arith.constant 0 : i32
      %dma_wait3A_1429 = tpu.memref_slice %arg9[%dma_wait3A_1421, %dma_wait3A_1428] : memref<32x32xf32, #tpu.memory_space<vmem>> -> memref<1x32xf32, #tpu.memory_space<vmem>>
      %dma_wait3A_1430 = tpu.memref_squeeze %dma_wait3A_1429 : memref<1x32xf32, #tpu.memory_space<vmem>> -> memref<32xf32, #tpu.memory_space<vmem>>
      %dma_wait3A_1431 = arith.constant 0 : i32
      %dma_wait3A_1432 = tpu.memref_slice %arg3[%squeeze3A_463, %dma_wait3A_1431] : memref<1000000x32xf32, #tpu.memory_space<hbm>> -> memref<1x32xf32, #tpu.memory_space<hbm>>
      %dma_wait3A_1433 = tpu.memref_squeeze %dma_wait3A_1432 : memref<1x32xf32, #tpu.memory_space<hbm>> -> memref<32xf32, #tpu.memory_space<hbm>>
      tpu.wait_dma2 semaphore(%arg12 : memref<!tpu.dma_semaphore, #tpu.memory_space<semaphore_mem>>) src(%dma_wait3A_1433 : memref<32xf32, #tpu.memory_space<hbm>>) dst(%dma_wait3A_1430 : memref<32xf32, #tpu.memory_space<vmem>>)
      %dma_wait3A_1434 = arith.constant 2 : i32
      %dma_wait3A_1435 = arith.constant 0 : i32
      %dma_wait3A_1436 = tpu.memref_slice %arg10[%dma_wait3A_1434, %dma_wait3A_1435] : memref<32x32xf32, #tpu.memory_space<vmem>> -> memref<1x32xf32, #tpu.memory_space<vmem>>
      %dma_wait3A_1437 = tpu.memref_squeeze %dma_wait3A_1436 : memref<1x32xf32, #tpu.memory_space<vmem>> -> memref<32xf32, #tpu.memory_space<vmem>>
      %dma_wait3A_1438 = arith.constant 0 : i32
      %dma_wait3A_1439 = tpu.memref_slice %arg4[%squeeze3A_478, %dma_wait3A_1438] : memref<1000000x32xf32, #tpu.memory_space<hbm>> -> memref<1x32xf32, #tpu.memory_space<hbm>>
      %dma_wait3A_1440 = tpu.memref_squeeze %dma_wait3A_1439 : memref<1x32xf32, #tpu.memory_space<hbm>> -> memref<32xf32, #tpu.memory_space<hbm>>
      %dma_wait3A_1441 = arith.constant 0 : i32
      %dma_wait3A_1442 = tpu.memref_slice %arg10[%dma_wait3A_1434, %dma_wait3A_1441] : memref<32x32xf32, #tpu.memory_space<vmem>> -> memref<1x32xf32, #tpu.memory_space<vmem>>
      %dma_wait3A_1443 = tpu.memref_squeeze %dma_wait3A_1442 : memref<1x32xf32, #tpu.memory_space<vmem>> -> memref<32xf32, #tpu.memory_space<vmem>>
      %dma_wait3A_1444 = arith.constant 0 : i32
      %dma_wait3A_1445 = tpu.memref_slice %arg4[%squeeze3A_478, %dma_wait3A_1444] : memref<1000000x32xf32, #tpu.memory_space<hbm>> -> memref<1x32xf32, #tpu.memory_space<hbm>>
      %dma_wait3A_1446 = tpu.memref_squeeze %dma_wait3A_1445 : memref<1x32xf32, #tpu.memory_space<hbm>> -> memref<32xf32, #tpu.memory_space<hbm>>
      tpu.wait_dma2 semaphore(%arg12 : memref<!tpu.dma_semaphore, #tpu.memory_space<semaphore_mem>>) src(%dma_wait3A_1446 : memref<32xf32, #tpu.memory_space<hbm>>) dst(%dma_wait3A_1443 : memref<32xf32, #tpu.memory_space<vmem>>)
      %dma_wait3A_1447 = arith.constant 3 : i32
      %dma_wait3A_1448 = arith.constant 0 : i32
      %dma_wait3A_1449 = tpu.memref_slice %arg9[%dma_wait3A_1447, %dma_wait3A_1448] : memref<32x32xf32, #tpu.memory_space<vmem>> -> memref<1x32xf32, #tpu.memory_space<vmem>>
      %dma_wait3A_1450 = tpu.memref_squeeze %dma_wait3A_1449 : memref<1x32xf32, #tpu.memory_space<vmem>> -> memref<32xf32, #tpu.memory_space<vmem>>
      %dma_wait3A_1451 = arith.constant 0 : i32
      %dma_wait3A_1452 = tpu.memref_slice %arg3[%squeeze3A_493, %dma_wait3A_1451] : memref<1000000x32xf32, #tpu.memory_space<hbm>> -> memref<1x32xf32, #tpu.memory_space<hbm>>
      %dma_wait3A_1453 = tpu.memref_squeeze %dma_wait3A_1452 : memref<1x32xf32, #tpu.memory_space<hbm>> -> memref<32xf32, #tpu.memory_space<hbm>>
      %dma_wait3A_1454 = arith.constant 0 : i32
      %dma_wait3A_1455 = tpu.memref_slice %arg9[%dma_wait3A_1447, %dma_wait3A_1454] : memref<32x32xf32, #tpu.memory_space<vmem>> -> memref<1x32xf32, #tpu.memory_space<vmem>>
      %dma_wait3A_1456 = tpu.memref_squeeze %dma_wait3A_1455 : memref<1x32xf32, #tpu.memory_space<vmem>> -> memref<32xf32, #tpu.memory_space<vmem>>
      %dma_wait3A_1457 = arith.constant 0 : i32
      %dma_wait3A_1458 = tpu.memref_slice %arg3[%squeeze3A_493, %dma_wait3A_1457] : memref<1000000x32xf32, #tpu.memory_space<hbm>> -> memref<1x32xf32, #tpu.memory_space<hbm>>
      %dma_wait3A_1459 = tpu.memref_squeeze %dma_wait3A_1458 : memref<1x32xf32, #tpu.memory_space<hbm>> -> memref<32xf32, #tpu.memory_space<hbm>>
      tpu.wait_dma2 semaphore(%arg12 : memref<!tpu.dma_semaphore, #tpu.memory_space<semaphore_mem>>) src(%dma_wait3A_1459 : memref<32xf32, #tpu.memory_space<hbm>>) dst(%dma_wait3A_1456 : memref<32xf32, #tpu.memory_space<vmem>>)
      %dma_wait3A_1460 = arith.constant 3 : i32
      %dma_wait3A_1461 = arith.constant 0 : i32
      %dma_wait3A_1462 = tpu.memref_slice %arg10[%dma_wait3A_1460, %dma_wait3A_1461] : memref<32x32xf32, #tpu.memory_space<vmem>> -> memref<1x32xf32, #tpu.memory_space<vmem>>
      %dma_wait3A_1463 = tpu.memref_squeeze %dma_wait3A_1462 : memref<1x32xf32, #tpu.memory_space<vmem>> -> memref<32xf32, #tpu.memory_space<vmem>>
      %dma_wait3A_1464 = arith.constant 0 : i32
      %dma_wait3A_1465 = tpu.memref_slice %arg4[%squeeze3A_508, %dma_wait3A_1464] : memref<1000000x32xf32, #tpu.memory_space<hbm>> -> memref<1x32xf32, #tpu.memory_space<hbm>>
      %dma_wait3A_1466 = tpu.memref_squeeze %dma_wait3A_1465 : memref<1x32xf32, #tpu.memory_space<hbm>> -> memref<32xf32, #tpu.memory_space<hbm>>
      %dma_wait3A_1467 = arith.constant 0 : i32
      %dma_wait3A_1468 = tpu.memref_slice %arg10[%dma_wait3A_1460, %dma_wait3A_1467] : memref<32x32xf32, #tpu.memory_space<vmem>> -> memref<1x32xf32, #tpu.memory_space<vmem>>
      %dma_wait3A_1469 = tpu.memref_squeeze %dma_wait3A_1468 : memref<1x32xf32, #tpu.memory_space<vmem>> -> memref<32xf32, #tpu.memory_space<vmem>>
      %dma_wait3A_1470 = arith.constant 0 : i32
      %dma_wait3A_1471 = tpu.memref_slice %arg4[%squeeze3A_508, %dma_wait3A_1470] : memref<1000000x32xf32, #tpu.memory_space<hbm>> -> memref<1x32xf32, #tpu.memory_space<hbm>>
      %dma_wait3A_1472 = tpu.memref_squeeze %dma_wait3A_1471 : memref<1x32xf32, #tpu.memory_space<hbm>> -> memref<32xf32, #tpu.memory_space<hbm>>
      tpu.wait_dma2 semaphore(%arg12 : memref<!tpu.dma_semaphore, #tpu.memory_space<semaphore_mem>>) src(%dma_wait3A_1472 : memref<32xf32, #tpu.memory_space<hbm>>) dst(%dma_wait3A_1469 : memref<32xf32, #tpu.memory_space<vmem>>)
      %dma_wait3A_1473 = arith.constant 4 : i32
      %dma_wait3A_1474 = arith.constant 0 : i32
      %dma_wait3A_1475 = tpu.memref_slice %arg9[%dma_wait3A_1473, %dma_wait3A_1474] : memref<32x32xf32, #tpu.memory_space<vmem>> -> memref<1x32xf32, #tpu.memory_space<vmem>>
      %dma_wait3A_1476 = tpu.memref_squeeze %dma_wait3A_1475 : memref<1x32xf32, #tpu.memory_space<vmem>> -> memref<32xf32, #tpu.memory_space<vmem>>
      %dma_wait3A_1477 = arith.constant 0 : i32
      %dma_wait3A_1478 = tpu.memref_slice %arg3[%squeeze3A_523, %dma_wait3A_1477] : memref<1000000x32xf32, #tpu.memory_space<hbm>> -> memref<1x32xf32, #tpu.memory_space<hbm>>
      %dma_wait3A_1479 = tpu.memref_squeeze %dma_wait3A_1478 : memref<1x32xf32, #tpu.memory_space<hbm>> -> memref<32xf32, #tpu.memory_space<hbm>>
      %dma_wait3A_1480 = arith.constant 0 : i32
      %dma_wait3A_1481 = tpu.memref_slice %arg9[%dma_wait3A_1473, %dma_wait3A_1480] : memref<32x32xf32, #tpu.memory_space<vmem>> -> memref<1x32xf32, #tpu.memory_space<vmem>>
      %dma_wait3A_1482 = tpu.memref_squeeze %dma_wait3A_1481 : memref<1x32xf32, #tpu.memory_space<vmem>> -> memref<32xf32, #tpu.memory_space<vmem>>
      %dma_wait3A_1483 = arith.constant 0 : i32
      %dma_wait3A_1484 = tpu.memref_slice %arg3[%squeeze3A_523, %dma_wait3A_1483] : memref<1000000x32xf32, #tpu.memory_space<hbm>> -> memref<1x32xf32, #tpu.memory_space<hbm>>
      %dma_wait3A_1485 = tpu.memref_squeeze %dma_wait3A_1484 : memref<1x32xf32, #tpu.memory_space<hbm>> -> memref<32xf32, #tpu.memory_space<hbm>>
      tpu.wait_dma2 semaphore(%arg12 : memref<!tpu.dma_semaphore, #tpu.memory_space<semaphore_mem>>) src(%dma_wait3A_1485 : memref<32xf32, #tpu.memory_space<hbm>>) dst(%dma_wait3A_1482 : memref<32xf32, #tpu.memory_space<vmem>>)
      %dma_wait3A_1486 = arith.constant 4 : i32
      %dma_wait3A_1487 = arith.constant 0 : i32
      %dma_wait3A_1488 = tpu.memref_slice %arg10[%dma_wait3A_1486, %dma_wait3A_1487] : memref<32x32xf32, #tpu.memory_space<vmem>> -> memref<1x32xf32, #tpu.memory_space<vmem>>
      %dma_wait3A_1489 = tpu.memref_squeeze %dma_wait3A_1488 : memref<1x32xf32, #tpu.memory_space<vmem>> -> memref<32xf32, #tpu.memory_space<vmem>>
      %dma_wait3A_1490 = arith.constant 0 : i32
      %dma_wait3A_1491 = tpu.memref_slice %arg4[%squeeze3A_538, %dma_wait3A_1490] : memref<1000000x32xf32, #tpu.memory_space<hbm>> -> memref<1x32xf32, #tpu.memory_space<hbm>>
      %dma_wait3A_1492 = tpu.memref_squeeze %dma_wait3A_1491 : memref<1x32xf32, #tpu.memory_space<hbm>> -> memref<32xf32, #tpu.memory_space<hbm>>
      %dma_wait3A_1493 = arith.constant 0 : i32
      %dma_wait3A_1494 = tpu.memref_slice %arg10[%dma_wait3A_1486, %dma_wait3A_1493] : memref<32x32xf32, #tpu.memory_space<vmem>> -> memref<1x32xf32, #tpu.memory_space<vmem>>
      %dma_wait3A_1495 = tpu.memref_squeeze %dma_wait3A_1494 : memref<1x32xf32, #tpu.memory_space<vmem>> -> memref<32xf32, #tpu.memory_space<vmem>>
      %dma_wait3A_1496 = arith.constant 0 : i32
      %dma_wait3A_1497 = tpu.memref_slice %arg4[%squeeze3A_538, %dma_wait3A_1496] : memref<1000000x32xf32, #tpu.memory_space<hbm>> -> memref<1x32xf32, #tpu.memory_space<hbm>>
      %dma_wait3A_1498 = tpu.memref_squeeze %dma_wait3A_1497 : memref<1x32xf32, #tpu.memory_space<hbm>> -> memref<32xf32, #tpu.memory_space<hbm>>
      tpu.wait_dma2 semaphore(%arg12 : memref<!tpu.dma_semaphore, #tpu.memory_space<semaphore_mem>>) src(%dma_wait3A_1498 : memref<32xf32, #tpu.memory_space<hbm>>) dst(%dma_wait3A_1495 : memref<32xf32, #tpu.memory_space<vmem>>)
      %dma_wait3A_1499 = arith.constant 5 : i32
      %dma_wait3A_1500 = arith.constant 0 : i32
      %dma_wait3A_1501 = tpu.memref_slice %arg9[%dma_wait3A_1499, %dma_wait3A_1500] : memref<32x32xf32, #tpu.memory_space<vmem>> -> memref<1x32xf32, #tpu.memory_space<vmem>>
      %dma_wait3A_1502 = tpu.memref_squeeze %dma_wait3A_1501 : memref<1x32xf32, #tpu.memory_space<vmem>> -> memref<32xf32, #tpu.memory_space<vmem>>
      %dma_wait3A_1503 = arith.constant 0 : i32
      %dma_wait3A_1504 = tpu.memref_slice %arg3[%squeeze3A_553, %dma_wait3A_1503] : memref<1000000x32xf32, #tpu.memory_space<hbm>> -> memref<1x32xf32, #tpu.memory_space<hbm>>
      %dma_wait3A_1505 = tpu.memref_squeeze %dma_wait3A_1504 : memref<1x32xf32, #tpu.memory_space<hbm>> -> memref<32xf32, #tpu.memory_space<hbm>>
      %dma_wait3A_1506 = arith.constant 0 : i32
      %dma_wait3A_1507 = tpu.memref_slice %arg9[%dma_wait3A_1499, %dma_wait3A_1506] : memref<32x32xf32, #tpu.memory_space<vmem>> -> memref<1x32xf32, #tpu.memory_space<vmem>>
      %dma_wait3A_1508 = tpu.memref_squeeze %dma_wait3A_1507 : memref<1x32xf32, #tpu.memory_space<vmem>> -> memref<32xf32, #tpu.memory_space<vmem>>
      %dma_wait3A_1509 = arith.constant 0 : i32
      %dma_wait3A_1510 = tpu.memref_slice %arg3[%squeeze3A_553, %dma_wait3A_1509] : memref<1000000x32xf32, #tpu.memory_space<hbm>> -> memref<1x32xf32, #tpu.memory_space<hbm>>
      %dma_wait3A_1511 = tpu.memref_squeeze %dma_wait3A_1510 : memref<1x32xf32, #tpu.memory_space<hbm>> -> memref<32xf32, #tpu.memory_space<hbm>>
      tpu.wait_dma2 semaphore(%arg12 : memref<!tpu.dma_semaphore, #tpu.memory_space<semaphore_mem>>) src(%dma_wait3A_1511 : memref<32xf32, #tpu.memory_space<hbm>>) dst(%dma_wait3A_1508 : memref<32xf32, #tpu.memory_space<vmem>>)
      %dma_wait3A_1512 = arith.constant 5 : i32
      %dma_wait3A_1513 = arith.constant 0 : i32
      %dma_wait3A_1514 = tpu.memref_slice %arg10[%dma_wait3A_1512, %dma_wait3A_1513] : memref<32x32xf32, #tpu.memory_space<vmem>> -> memref<1x32xf32, #tpu.memory_space<vmem>>
      %dma_wait3A_1515 = tpu.memref_squeeze %dma_wait3A_1514 : memref<1x32xf32, #tpu.memory_space<vmem>> -> memref<32xf32, #tpu.memory_space<vmem>>
      %dma_wait3A_1516 = arith.constant 0 : i32
      %dma_wait3A_1517 = tpu.memref_slice %arg4[%squeeze3A_568, %dma_wait3A_1516] : memref<1000000x32xf32, #tpu.memory_space<hbm>> -> memref<1x32xf32, #tpu.memory_space<hbm>>
      %dma_wait3A_1518 = tpu.memref_squeeze %dma_wait3A_1517 : memref<1x32xf32, #tpu.memory_space<hbm>> -> memref<32xf32, #tpu.memory_space<hbm>>
      %dma_wait3A_1519 = arith.constant 0 : i32
      %dma_wait3A_1520 = tpu.memref_slice %arg10[%dma_wait3A_1512, %dma_wait3A_1519] : memref<32x32xf32, #tpu.memory_space<vmem>> -> memref<1x32xf32, #tpu.memory_space<vmem>>
      %dma_wait3A_1521 = tpu.memref_squeeze %dma_wait3A_1520 : memref<1x32xf32, #tpu.memory_space<vmem>> -> memref<32xf32, #tpu.memory_space<vmem>>
      %dma_wait3A_1522 = arith.constant 0 : i32
      %dma_wait3A_1523 = tpu.memref_slice %arg4[%squeeze3A_568, %dma_wait3A_1522] : memref<1000000x32xf32, #tpu.memory_space<hbm>> -> memref<1x32xf32, #tpu.memory_space<hbm>>
      %dma_wait3A_1524 = tpu.memref_squeeze %dma_wait3A_1523 : memref<1x32xf32, #tpu.memory_space<hbm>> -> memref<32xf32, #tpu.memory_space<hbm>>
      tpu.wait_dma2 semaphore(%arg12 : memref<!tpu.dma_semaphore, #tpu.memory_space<semaphore_mem>>) src(%dma_wait3A_1524 : memref<32xf32, #tpu.memory_space<hbm>>) dst(%dma_wait3A_1521 : memref<32xf32, #tpu.memory_space<vmem>>)
      %dma_wait3A_1525 = arith.constant 6 : i32
      %dma_wait3A_1526 = arith.constant 0 : i32
      %dma_wait3A_1527 = tpu.memref_slice %arg9[%dma_wait3A_1525, %dma_wait3A_1526] : memref<32x32xf32, #tpu.memory_space<vmem>> -> memref<1x32xf32, #tpu.memory_space<vmem>>
      %dma_wait3A_1528 = tpu.memref_squeeze %dma_wait3A_1527 : memref<1x32xf32, #tpu.memory_space<vmem>> -> memref<32xf32, #tpu.memory_space<vmem>>
      %dma_wait3A_1529 = arith.constant 0 : i32
      %dma_wait3A_1530 = tpu.memref_slice %arg3[%squeeze3A_583, %dma_wait3A_1529] : memref<1000000x32xf32, #tpu.memory_space<hbm>> -> memref<1x32xf32, #tpu.memory_space<hbm>>
      %dma_wait3A_1531 = tpu.memref_squeeze %dma_wait3A_1530 : memref<1x32xf32, #tpu.memory_space<hbm>> -> memref<32xf32, #tpu.memory_space<hbm>>
      %dma_wait3A_1532 = arith.constant 0 : i32
      %dma_wait3A_1533 = tpu.memref_slice %arg9[%dma_wait3A_1525, %dma_wait3A_1532] : memref<32x32xf32, #tpu.memory_space<vmem>> -> memref<1x32xf32, #tpu.memory_space<vmem>>
      %dma_wait3A_1534 = tpu.memref_squeeze %dma_wait3A_1533 : memref<1x32xf32, #tpu.memory_space<vmem>> -> memref<32xf32, #tpu.memory_space<vmem>>
      %dma_wait3A_1535 = arith.constant 0 : i32
      %dma_wait3A_1536 = tpu.memref_slice %arg3[%squeeze3A_583, %dma_wait3A_1535] : memref<1000000x32xf32, #tpu.memory_space<hbm>> -> memref<1x32xf32, #tpu.memory_space<hbm>>
      %dma_wait3A_1537 = tpu.memref_squeeze %dma_wait3A_1536 : memref<1x32xf32, #tpu.memory_space<hbm>> -> memref<32xf32, #tpu.memory_space<hbm>>
      tpu.wait_dma2 semaphore(%arg12 : memref<!tpu.dma_semaphore, #tpu.memory_space<semaphore_mem>>) src(%dma_wait3A_1537 : memref<32xf32, #tpu.memory_space<hbm>>) dst(%dma_wait3A_1534 : memref<32xf32, #tpu.memory_space<vmem>>)
      %dma_wait3A_1538 = arith.constant 6 : i32
      %dma_wait3A_1539 = arith.constant 0 : i32
      %dma_wait3A_1540 = tpu.memref_slice %arg10[%dma_wait3A_1538, %dma_wait3A_1539] : memref<32x32xf32, #tpu.memory_space<vmem>> -> memref<1x32xf32, #tpu.memory_space<vmem>>
      %dma_wait3A_1541 = tpu.memref_squeeze %dma_wait3A_1540 : memref<1x32xf32, #tpu.memory_space<vmem>> -> memref<32xf32, #tpu.memory_space<vmem>>
      %dma_wait3A_1542 = arith.constant 0 : i32
      %dma_wait3A_1543 = tpu.memref_slice %arg4[%squeeze3A_598, %dma_wait3A_1542] : memref<1000000x32xf32, #tpu.memory_space<hbm>> -> memref<1x32xf32, #tpu.memory_space<hbm>>
      %dma_wait3A_1544 = tpu.memref_squeeze %dma_wait3A_1543 : memref<1x32xf32, #tpu.memory_space<hbm>> -> memref<32xf32, #tpu.memory_space<hbm>>
      %dma_wait3A_1545 = arith.constant 0 : i32
      %dma_wait3A_1546 = tpu.memref_slice %arg10[%dma_wait3A_1538, %dma_wait3A_1545] : memref<32x32xf32, #tpu.memory_space<vmem>> -> memref<1x32xf32, #tpu.memory_space<vmem>>
      %dma_wait3A_1547 = tpu.memref_squeeze %dma_wait3A_1546 : memref<1x32xf32, #tpu.memory_space<vmem>> -> memref<32xf32, #tpu.memory_space<vmem>>
      %dma_wait3A_1548 = arith.constant 0 : i32
      %dma_wait3A_1549 = tpu.memref_slice %arg4[%squeeze3A_598, %dma_wait3A_1548] : memref<1000000x32xf32, #tpu.memory_space<hbm>> -> memref<1x32xf32, #tpu.memory_space<hbm>>
      %dma_wait3A_1550 = tpu.memref_squeeze %dma_wait3A_1549 : memref<1x32xf32, #tpu.memory_space<hbm>> -> memref<32xf32, #tpu.memory_space<hbm>>
      tpu.wait_dma2 semaphore(%arg12 : memref<!tpu.dma_semaphore, #tpu.memory_space<semaphore_mem>>) src(%dma_wait3A_1550 : memref<32xf32, #tpu.memory_space<hbm>>) dst(%dma_wait3A_1547 : memref<32xf32, #tpu.memory_space<vmem>>)
      %dma_wait3A_1551 = arith.constant 7 : i32
      %dma_wait3A_1552 = arith.constant 0 : i32
      %dma_wait3A_1553 = tpu.memref_slice %arg9[%dma_wait3A_1551, %dma_wait3A_1552] : memref<32x32xf32, #tpu.memory_space<vmem>> -> memref<1x32xf32, #tpu.memory_space<vmem>>
      %dma_wait3A_1554 = tpu.memref_squeeze %dma_wait3A_1553 : memref<1x32xf32, #tpu.memory_space<vmem>> -> memref<32xf32, #tpu.memory_space<vmem>>
      %dma_wait3A_1555 = arith.constant 0 : i32
      %dma_wait3A_1556 = tpu.memref_slice %arg3[%squeeze3A_613, %dma_wait3A_1555] : memref<1000000x32xf32, #tpu.memory_space<hbm>> -> memref<1x32xf32, #tpu.memory_space<hbm>>
      %dma_wait3A_1557 = tpu.memref_squeeze %dma_wait3A_1556 : memref<1x32xf32, #tpu.memory_space<hbm>> -> memref<32xf32, #tpu.memory_space<hbm>>
      %dma_wait3A_1558 = arith.constant 0 : i32
      %dma_wait3A_1559 = tpu.memref_slice %arg9[%dma_wait3A_1551, %dma_wait3A_1558] : memref<32x32xf32, #tpu.memory_space<vmem>> -> memref<1x32xf32, #tpu.memory_space<vmem>>
      %dma_wait3A_1560 = tpu.memref_squeeze %dma_wait3A_1559 : memref<1x32xf32, #tpu.memory_space<vmem>> -> memref<32xf32, #tpu.memory_space<vmem>>
      %dma_wait3A_1561 = arith.constant 0 : i32
      %dma_wait3A_1562 = tpu.memref_slice %arg3[%squeeze3A_613, %dma_wait3A_1561] : memref<1000000x32xf32, #tpu.memory_space<hbm>> -> memref<1x32xf32, #tpu.memory_space<hbm>>
      %dma_wait3A_1563 = tpu.memref_squeeze %dma_wait3A_1562 : memref<1x32xf32, #tpu.memory_space<hbm>> -> memref<32xf32, #tpu.memory_space<hbm>>
      tpu.wait_dma2 semaphore(%arg12 : memref<!tpu.dma_semaphore, #tpu.memory_space<semaphore_mem>>) src(%dma_wait3A_1563 : memref<32xf32, #tpu.memory_space<hbm>>) dst(%dma_wait3A_1560 : memref<32xf32, #tpu.memory_space<vmem>>)
      %dma_wait3A_1564 = arith.constant 7 : i32
      %dma_wait3A_1565 = arith.constant 0 : i32
      %dma_wait3A_1566 = tpu.memref_slice %arg10[%dma_wait3A_1564, %dma_wait3A_1565] : memref<32x32xf32, #tpu.memory_space<vmem>> -> memref<1x32xf32, #tpu.memory_space<vmem>>
      %dma_wait3A_1567 = tpu.memref_squeeze %dma_wait3A_1566 : memref<1x32xf32, #tpu.memory_space<vmem>> -> memref<32xf32, #tpu.memory_space<vmem>>
      %dma_wait3A_1568 = arith.constant 0 : i32
      %dma_wait3A_1569 = tpu.memref_slice %arg4[%squeeze3A_628, %dma_wait3A_1568] : memref<1000000x32xf32, #tpu.memory_space<hbm>> -> memref<1x32xf32, #tpu.memory_space<hbm>>
      %dma_wait3A_1570 = tpu.memref_squeeze %dma_wait3A_1569 : memref<1x32xf32, #tpu.memory_space<hbm>> -> memref<32xf32, #tpu.memory_space<hbm>>
      %dma_wait3A_1571 = arith.constant 0 : i32
      %dma_wait3A_1572 = tpu.memref_slice %arg10[%dma_wait3A_1564, %dma_wait3A_1571] : memref<32x32xf32, #tpu.memory_space<vmem>> -> memref<1x32xf32, #tpu.memory_space<vmem>>
      %dma_wait3A_1573 = tpu.memref_squeeze %dma_wait3A_1572 : memref<1x32xf32, #tpu.memory_space<vmem>> -> memref<32xf32, #tpu.memory_space<vmem>>
      %dma_wait3A_1574 = arith.constant 0 : i32
      %dma_wait3A_1575 = tpu.memref_slice %arg4[%squeeze3A_628, %dma_wait3A_1574] : memref<1000000x32xf32, #tpu.memory_space<hbm>> -> memref<1x32xf32, #tpu.memory_space<hbm>>
      %dma_wait3A_1576 = tpu.memref_squeeze %dma_wait3A_1575 : memref<1x32xf32, #tpu.memory_space<hbm>> -> memref<32xf32, #tpu.memory_space<hbm>>
      tpu.wait_dma2 semaphore(%arg12 : memref<!tpu.dma_semaphore, #tpu.memory_space<semaphore_mem>>) src(%dma_wait3A_1576 : memref<32xf32, #tpu.memory_space<hbm>>) dst(%dma_wait3A_1573 : memref<32xf32, #tpu.memory_space<vmem>>)
      %dma_wait3A_1577 = arith.constant 8 : i32
      %dma_wait3A_1578 = arith.constant 0 : i32
      %dma_wait3A_1579 = tpu.memref_slice %arg9[%dma_wait3A_1577, %dma_wait3A_1578] : memref<32x32xf32, #tpu.memory_space<vmem>> -> memref<1x32xf32, #tpu.memory_space<vmem>>
      %dma_wait3A_1580 = tpu.memref_squeeze %dma_wait3A_1579 : memref<1x32xf32, #tpu.memory_space<vmem>> -> memref<32xf32, #tpu.memory_space<vmem>>
      %dma_wait3A_1581 = arith.constant 0 : i32
      %dma_wait3A_1582 = tpu.memref_slice %arg3[%squeeze3A_643, %dma_wait3A_1581] : memref<1000000x32xf32, #tpu.memory_space<hbm>> -> memref<1x32xf32, #tpu.memory_space<hbm>>
      %dma_wait3A_1583 = tpu.memref_squeeze %dma_wait3A_1582 : memref<1x32xf32, #tpu.memory_space<hbm>> -> memref<32xf32, #tpu.memory_space<hbm>>
      %dma_wait3A_1584 = arith.constant 0 : i32
      %dma_wait3A_1585 = tpu.memref_slice %arg9[%dma_wait3A_1577, %dma_wait3A_1584] : memref<32x32xf32, #tpu.memory_space<vmem>> -> memref<1x32xf32, #tpu.memory_space<vmem>>
      %dma_wait3A_1586 = tpu.memref_squeeze %dma_wait3A_1585 : memref<1x32xf32, #tpu.memory_space<vmem>> -> memref<32xf32, #tpu.memory_space<vmem>>
      %dma_wait3A_1587 = arith.constant 0 : i32
      %dma_wait3A_1588 = tpu.memref_slice %arg3[%squeeze3A_643, %dma_wait3A_1587] : memref<1000000x32xf32, #tpu.memory_space<hbm>> -> memref<1x32xf32, #tpu.memory_space<hbm>>
      %dma_wait3A_1589 = tpu.memref_squeeze %dma_wait3A_1588 : memref<1x32xf32, #tpu.memory_space<hbm>> -> memref<32xf32, #tpu.memory_space<hbm>>
      tpu.wait_dma2 semaphore(%arg12 : memref<!tpu.dma_semaphore, #tpu.memory_space<semaphore_mem>>) src(%dma_wait3A_1589 : memref<32xf32, #tpu.memory_space<hbm>>) dst(%dma_wait3A_1586 : memref<32xf32, #tpu.memory_space<vmem>>)
      %dma_wait3A_1590 = arith.constant 8 : i32
      %dma_wait3A_1591 = arith.constant 0 : i32
      %dma_wait3A_1592 = tpu.memref_slice %arg10[%dma_wait3A_1590, %dma_wait3A_1591] : memref<32x32xf32, #tpu.memory_space<vmem>> -> memref<1x32xf32, #tpu.memory_space<vmem>>
      %dma_wait3A_1593 = tpu.memref_squeeze %dma_wait3A_1592 : memref<1x32xf32, #tpu.memory_space<vmem>> -> memref<32xf32, #tpu.memory_space<vmem>>
      %dma_wait3A_1594 = arith.constant 0 : i32
      %dma_wait3A_1595 = tpu.memref_slice %arg4[%squeeze3A_658, %dma_wait3A_1594] : memref<1000000x32xf32, #tpu.memory_space<hbm>> -> memref<1x32xf32, #tpu.memory_space<hbm>>
      %dma_wait3A_1596 = tpu.memref_squeeze %dma_wait3A_1595 : memref<1x32xf32, #tpu.memory_space<hbm>> -> memref<32xf32, #tpu.memory_space<hbm>>
      %dma_wait3A_1597 = arith.constant 0 : i32
      %dma_wait3A_1598 = tpu.memref_slice %arg10[%dma_wait3A_1590, %dma_wait3A_1597] : memref<32x32xf32, #tpu.memory_space<vmem>> -> memref<1x32xf32, #tpu.memory_space<vmem>>
      %dma_wait3A_1599 = tpu.memref_squeeze %dma_wait3A_1598 : memref<1x32xf32, #tpu.memory_space<vmem>> -> memref<32xf32, #tpu.memory_space<vmem>>
      %dma_wait3A_1600 = arith.constant 0 : i32
      %dma_wait3A_1601 = tpu.memref_slice %arg4[%squeeze3A_658, %dma_wait3A_1600] : memref<1000000x32xf32, #tpu.memory_space<hbm>> -> memref<1x32xf32, #tpu.memory_space<hbm>>
      %dma_wait3A_1602 = tpu.memref_squeeze %dma_wait3A_1601 : memref<1x32xf32, #tpu.memory_space<hbm>> -> memref<32xf32, #tpu.memory_space<hbm>>
      tpu.wait_dma2 semaphore(%arg12 : memref<!tpu.dma_semaphore, #tpu.memory_space<semaphore_mem>>) src(%dma_wait3A_1602 : memref<32xf32, #tpu.memory_space<hbm>>) dst(%dma_wait3A_1599 : memref<32xf32, #tpu.memory_space<vmem>>)
      %dma_wait3A_1603 = arith.constant 9 : i32
      %dma_wait3A_1604 = arith.constant 0 : i32
      %dma_wait3A_1605 = tpu.memref_slice %arg9[%dma_wait3A_1603, %dma_wait3A_1604] : memref<32x32xf32, #tpu.memory_space<vmem>> -> memref<1x32xf32, #tpu.memory_space<vmem>>
      %dma_wait3A_1606 = tpu.memref_squeeze %dma_wait3A_1605 : memref<1x32xf32, #tpu.memory_space<vmem>> -> memref<32xf32, #tpu.memory_space<vmem>>
      %dma_wait3A_1607 = arith.constant 0 : i32
      %dma_wait3A_1608 = tpu.memref_slice %arg3[%squeeze3A_673, %dma_wait3A_1607] : memref<1000000x32xf32, #tpu.memory_space<hbm>> -> memref<1x32xf32, #tpu.memory_space<hbm>>
      %dma_wait3A_1609 = tpu.memref_squeeze %dma_wait3A_1608 : memref<1x32xf32, #tpu.memory_space<hbm>> -> memref<32xf32, #tpu.memory_space<hbm>>
      %dma_wait3A_1610 = arith.constant 0 : i32
      %dma_wait3A_1611 = tpu.memref_slice %arg9[%dma_wait3A_1603, %dma_wait3A_1610] : memref<32x32xf32, #tpu.memory_space<vmem>> -> memref<1x32xf32, #tpu.memory_space<vmem>>
      %dma_wait3A_1612 = tpu.memref_squeeze %dma_wait3A_1611 : memref<1x32xf32, #tpu.memory_space<vmem>> -> memref<32xf32, #tpu.memory_space<vmem>>
      %dma_wait3A_1613 = arith.constant 0 : i32
      %dma_wait3A_1614 = tpu.memref_slice %arg3[%squeeze3A_673, %dma_wait3A_1613] : memref<1000000x32xf32, #tpu.memory_space<hbm>> -> memref<1x32xf32, #tpu.memory_space<hbm>>
      %dma_wait3A_1615 = tpu.memref_squeeze %dma_wait3A_1614 : memref<1x32xf32, #tpu.memory_space<hbm>> -> memref<32xf32, #tpu.memory_space<hbm>>
      tpu.wait_dma2 semaphore(%arg12 : memref<!tpu.dma_semaphore, #tpu.memory_space<semaphore_mem>>) src(%dma_wait3A_1615 : memref<32xf32, #tpu.memory_space<hbm>>) dst(%dma_wait3A_1612 : memref<32xf32, #tpu.memory_space<vmem>>)
      %dma_wait3A_1616 = arith.constant 9 : i32
      %dma_wait3A_1617 = arith.constant 0 : i32
      %dma_wait3A_1618 = tpu.memref_slice %arg10[%dma_wait3A_1616, %dma_wait3A_1617] : memref<32x32xf32, #tpu.memory_space<vmem>> -> memref<1x32xf32, #tpu.memory_space<vmem>>
      %dma_wait3A_1619 = tpu.memref_squeeze %dma_wait3A_1618 : memref<1x32xf32, #tpu.memory_space<vmem>> -> memref<32xf32, #tpu.memory_space<vmem>>
      %dma_wait3A_1620 = arith.constant 0 : i32
      %dma_wait3A_1621 = tpu.memref_slice %arg4[%squeeze3A_688, %dma_wait3A_1620] : memref<1000000x32xf32, #tpu.memory_space<hbm>> -> memref<1x32xf32, #tpu.memory_space<hbm>>
      %dma_wait3A_1622 = tpu.memref_squeeze %dma_wait3A_1621 : memref<1x32xf32, #tpu.memory_space<hbm>> -> memref<32xf32, #tpu.memory_space<hbm>>
      %dma_wait3A_1623 = arith.constant 0 : i32
      %dma_wait3A_1624 = tpu.memref_slice %arg10[%dma_wait3A_1616, %dma_wait3A_1623] : memref<32x32xf32, #tpu.memory_space<vmem>> -> memref<1x32xf32, #tpu.memory_space<vmem>>
      %dma_wait3A_1625 = tpu.memref_squeeze %dma_wait3A_1624 : memref<1x32xf32, #tpu.memory_space<vmem>> -> memref<32xf32, #tpu.memory_space<vmem>>
      %dma_wait3A_1626 = arith.constant 0 : i32
      %dma_wait3A_1627 = tpu.memref_slice %arg4[%squeeze3A_688, %dma_wait3A_1626] : memref<1000000x32xf32, #tpu.memory_space<hbm>> -> memref<1x32xf32, #tpu.memory_space<hbm>>
      %dma_wait3A_1628 = tpu.memref_squeeze %dma_wait3A_1627 : memref<1x32xf32, #tpu.memory_space<hbm>> -> memref<32xf32, #tpu.memory_space<hbm>>
      tpu.wait_dma2 semaphore(%arg12 : memref<!tpu.dma_semaphore, #tpu.memory_space<semaphore_mem>>) src(%dma_wait3A_1628 : memref<32xf32, #tpu.memory_space<hbm>>) dst(%dma_wait3A_1625 : memref<32xf32, #tpu.memory_space<vmem>>)
      %dma_wait3A_1629 = arith.constant 10 : i32
      %dma_wait3A_1630 = arith.constant 0 : i32
      %dma_wait3A_1631 = tpu.memref_slice %arg9[%dma_wait3A_1629, %dma_wait3A_1630] : memref<32x32xf32, #tpu.memory_space<vmem>> -> memref<1x32xf32, #tpu.memory_space<vmem>>
      %dma_wait3A_1632 = tpu.memref_squeeze %dma_wait3A_1631 : memref<1x32xf32, #tpu.memory_space<vmem>> -> memref<32xf32, #tpu.memory_space<vmem>>
      %dma_wait3A_1633 = arith.constant 0 : i32
      %dma_wait3A_1634 = tpu.memref_slice %arg3[%squeeze3A_703, %dma_wait3A_1633] : memref<1000000x32xf32, #tpu.memory_space<hbm>> -> memref<1x32xf32, #tpu.memory_space<hbm>>
      %dma_wait3A_1635 = tpu.memref_squeeze %dma_wait3A_1634 : memref<1x32xf32, #tpu.memory_space<hbm>> -> memref<32xf32, #tpu.memory_space<hbm>>
      %dma_wait3A_1636 = arith.constant 0 : i32
      %dma_wait3A_1637 = tpu.memref_slice %arg9[%dma_wait3A_1629, %dma_wait3A_1636] : memref<32x32xf32, #tpu.memory_space<vmem>> -> memref<1x32xf32, #tpu.memory_space<vmem>>
      %dma_wait3A_1638 = tpu.memref_squeeze %dma_wait3A_1637 : memref<1x32xf32, #tpu.memory_space<vmem>> -> memref<32xf32, #tpu.memory_space<vmem>>
      %dma_wait3A_1639 = arith.constant 0 : i32
      %dma_wait3A_1640 = tpu.memref_slice %arg3[%squeeze3A_703, %dma_wait3A_1639] : memref<1000000x32xf32, #tpu.memory_space<hbm>> -> memref<1x32xf32, #tpu.memory_space<hbm>>
      %dma_wait3A_1641 = tpu.memref_squeeze %dma_wait3A_1640 : memref<1x32xf32, #tpu.memory_space<hbm>> -> memref<32xf32, #tpu.memory_space<hbm>>
      tpu.wait_dma2 semaphore(%arg12 : memref<!tpu.dma_semaphore, #tpu.memory_space<semaphore_mem>>) src(%dma_wait3A_1641 : memref<32xf32, #tpu.memory_space<hbm>>) dst(%dma_wait3A_1638 : memref<32xf32, #tpu.memory_space<vmem>>)
      %dma_wait3A_1642 = arith.constant 10 : i32
      %dma_wait3A_1643 = arith.constant 0 : i32
      %dma_wait3A_1644 = tpu.memref_slice %arg10[%dma_wait3A_1642, %dma_wait3A_1643] : memref<32x32xf32, #tpu.memory_space<vmem>> -> memref<1x32xf32, #tpu.memory_space<vmem>>
      %dma_wait3A_1645 = tpu.memref_squeeze %dma_wait3A_1644 : memref<1x32xf32, #tpu.memory_space<vmem>> -> memref<32xf32, #tpu.memory_space<vmem>>
      %dma_wait3A_1646 = arith.constant 0 : i32
      %dma_wait3A_1647 = tpu.memref_slice %arg4[%squeeze3A_718, %dma_wait3A_1646] : memref<1000000x32xf32, #tpu.memory_space<hbm>> -> memref<1x32xf32, #tpu.memory_space<hbm>>
      %dma_wait3A_1648 = tpu.memref_squeeze %dma_wait3A_1647 : memref<1x32xf32, #tpu.memory_space<hbm>> -> memref<32xf32, #tpu.memory_space<hbm>>
      %dma_wait3A_1649 = arith.constant 0 : i32
      %dma_wait3A_1650 = tpu.memref_slice %arg10[%dma_wait3A_1642, %dma_wait3A_1649] : memref<32x32xf32, #tpu.memory_space<vmem>> -> memref<1x32xf32, #tpu.memory_space<vmem>>
      %dma_wait3A_1651 = tpu.memref_squeeze %dma_wait3A_1650 : memref<1x32xf32, #tpu.memory_space<vmem>> -> memref<32xf32, #tpu.memory_space<vmem>>
      %dma_wait3A_1652 = arith.constant 0 : i32
      %dma_wait3A_1653 = tpu.memref_slice %arg4[%squeeze3A_718, %dma_wait3A_1652] : memref<1000000x32xf32, #tpu.memory_space<hbm>> -> memref<1x32xf32, #tpu.memory_space<hbm>>
      %dma_wait3A_1654 = tpu.memref_squeeze %dma_wait3A_1653 : memref<1x32xf32, #tpu.memory_space<hbm>> -> memref<32xf32, #tpu.memory_space<hbm>>
      tpu.wait_dma2 semaphore(%arg12 : memref<!tpu.dma_semaphore, #tpu.memory_space<semaphore_mem>>) src(%dma_wait3A_1654 : memref<32xf32, #tpu.memory_space<hbm>>) dst(%dma_wait3A_1651 : memref<32xf32, #tpu.memory_space<vmem>>)
      %dma_wait3A_1655 = arith.constant 11 : i32
      %dma_wait3A_1656 = arith.constant 0 : i32
      %dma_wait3A_1657 = tpu.memref_slice %arg9[%dma_wait3A_1655, %dma_wait3A_1656] : memref<32x32xf32, #tpu.memory_space<vmem>> -> memref<1x32xf32, #tpu.memory_space<vmem>>
      %dma_wait3A_1658 = tpu.memref_squeeze %dma_wait3A_1657 : memref<1x32xf32, #tpu.memory_space<vmem>> -> memref<32xf32, #tpu.memory_space<vmem>>
      %dma_wait3A_1659 = arith.constant 0 : i32
      %dma_wait3A_1660 = tpu.memref_slice %arg3[%squeeze3A_733, %dma_wait3A_1659] : memref<1000000x32xf32, #tpu.memory_space<hbm>> -> memref<1x32xf32, #tpu.memory_space<hbm>>
      %dma_wait3A_1661 = tpu.memref_squeeze %dma_wait3A_1660 : memref<1x32xf32, #tpu.memory_space<hbm>> -> memref<32xf32, #tpu.memory_space<hbm>>
      %dma_wait3A_1662 = arith.constant 0 : i32
      %dma_wait3A_1663 = tpu.memref_slice %arg9[%dma_wait3A_1655, %dma_wait3A_1662] : memref<32x32xf32, #tpu.memory_space<vmem>> -> memref<1x32xf32, #tpu.memory_space<vmem>>
      %dma_wait3A_1664 = tpu.memref_squeeze %dma_wait3A_1663 : memref<1x32xf32, #tpu.memory_space<vmem>> -> memref<32xf32, #tpu.memory_space<vmem>>
      %dma_wait3A_1665 = arith.constant 0 : i32
      %dma_wait3A_1666 = tpu.memref_slice %arg3[%squeeze3A_733, %dma_wait3A_1665] : memref<1000000x32xf32, #tpu.memory_space<hbm>> -> memref<1x32xf32, #tpu.memory_space<hbm>>
      %dma_wait3A_1667 = tpu.memref_squeeze %dma_wait3A_1666 : memref<1x32xf32, #tpu.memory_space<hbm>> -> memref<32xf32, #tpu.memory_space<hbm>>
      tpu.wait_dma2 semaphore(%arg12 : memref<!tpu.dma_semaphore, #tpu.memory_space<semaphore_mem>>) src(%dma_wait3A_1667 : memref<32xf32, #tpu.memory_space<hbm>>) dst(%dma_wait3A_1664 : memref<32xf32, #tpu.memory_space<vmem>>)
      %dma_wait3A_1668 = arith.constant 11 : i32
      %dma_wait3A_1669 = arith.constant 0 : i32
      %dma_wait3A_1670 = tpu.memref_slice %arg10[%dma_wait3A_1668, %dma_wait3A_1669] : memref<32x32xf32, #tpu.memory_space<vmem>> -> memref<1x32xf32, #tpu.memory_space<vmem>>
      %dma_wait3A_1671 = tpu.memref_squeeze %dma_wait3A_1670 : memref<1x32xf32, #tpu.memory_space<vmem>> -> memref<32xf32, #tpu.memory_space<vmem>>
      %dma_wait3A_1672 = arith.constant 0 : i32
      %dma_wait3A_1673 = tpu.memref_slice %arg4[%squeeze3A_748, %dma_wait3A_1672] : memref<1000000x32xf32, #tpu.memory_space<hbm>> -> memref<1x32xf32, #tpu.memory_space<hbm>>
      %dma_wait3A_1674 = tpu.memref_squeeze %dma_wait3A_1673 : memref<1x32xf32, #tpu.memory_space<hbm>> -> memref<32xf32, #tpu.memory_space<hbm>>
      %dma_wait3A_1675 = arith.constant 0 : i32
      %dma_wait3A_1676 = tpu.memref_slice %arg10[%dma_wait3A_1668, %dma_wait3A_1675] : memref<32x32xf32, #tpu.memory_space<vmem>> -> memref<1x32xf32, #tpu.memory_space<vmem>>
      %dma_wait3A_1677 = tpu.memref_squeeze %dma_wait3A_1676 : memref<1x32xf32, #tpu.memory_space<vmem>> -> memref<32xf32, #tpu.memory_space<vmem>>
      %dma_wait3A_1678 = arith.constant 0 : i32
      %dma_wait3A_1679 = tpu.memref_slice %arg4[%squeeze3A_748, %dma_wait3A_1678] : memref<1000000x32xf32, #tpu.memory_space<hbm>> -> memref<1x32xf32, #tpu.memory_space<hbm>>
      %dma_wait3A_1680 = tpu.memref_squeeze %dma_wait3A_1679 : memref<1x32xf32, #tpu.memory_space<hbm>> -> memref<32xf32, #tpu.memory_space<hbm>>
      tpu.wait_dma2 semaphore(%arg12 : memref<!tpu.dma_semaphore, #tpu.memory_space<semaphore_mem>>) src(%dma_wait3A_1680 : memref<32xf32, #tpu.memory_space<hbm>>) dst(%dma_wait3A_1677 : memref<32xf32, #tpu.memory_space<vmem>>)
      %dma_wait3A_1681 = arith.constant 12 : i32
      %dma_wait3A_1682 = arith.constant 0 : i32
      %dma_wait3A_1683 = tpu.memref_slice %arg9[%dma_wait3A_1681, %dma_wait3A_1682] : memref<32x32xf32, #tpu.memory_space<vmem>> -> memref<1x32xf32, #tpu.memory_space<vmem>>
      %dma_wait3A_1684 = tpu.memref_squeeze %dma_wait3A_1683 : memref<1x32xf32, #tpu.memory_space<vmem>> -> memref<32xf32, #tpu.memory_space<vmem>>
      %dma_wait3A_1685 = arith.constant 0 : i32
      %dma_wait3A_1686 = tpu.memref_slice %arg3[%squeeze3A_763, %dma_wait3A_1685] : memref<1000000x32xf32, #tpu.memory_space<hbm>> -> memref<1x32xf32, #tpu.memory_space<hbm>>
      %dma_wait3A_1687 = tpu.memref_squeeze %dma_wait3A_1686 : memref<1x32xf32, #tpu.memory_space<hbm>> -> memref<32xf32, #tpu.memory_space<hbm>>
      %dma_wait3A_1688 = arith.constant 0 : i32
      %dma_wait3A_1689 = tpu.memref_slice %arg9[%dma_wait3A_1681, %dma_wait3A_1688] : memref<32x32xf32, #tpu.memory_space<vmem>> -> memref<1x32xf32, #tpu.memory_space<vmem>>
      %dma_wait3A_1690 = tpu.memref_squeeze %dma_wait3A_1689 : memref<1x32xf32, #tpu.memory_space<vmem>> -> memref<32xf32, #tpu.memory_space<vmem>>
      %dma_wait3A_1691 = arith.constant 0 : i32
      %dma_wait3A_1692 = tpu.memref_slice %arg3[%squeeze3A_763, %dma_wait3A_1691] : memref<1000000x32xf32, #tpu.memory_space<hbm>> -> memref<1x32xf32, #tpu.memory_space<hbm>>
      %dma_wait3A_1693 = tpu.memref_squeeze %dma_wait3A_1692 : memref<1x32xf32, #tpu.memory_space<hbm>> -> memref<32xf32, #tpu.memory_space<hbm>>
      tpu.wait_dma2 semaphore(%arg12 : memref<!tpu.dma_semaphore, #tpu.memory_space<semaphore_mem>>) src(%dma_wait3A_1693 : memref<32xf32, #tpu.memory_space<hbm>>) dst(%dma_wait3A_1690 : memref<32xf32, #tpu.memory_space<vmem>>)
      %dma_wait3A_1694 = arith.constant 12 : i32
      %dma_wait3A_1695 = arith.constant 0 : i32
      %dma_wait3A_1696 = tpu.memref_slice %arg10[%dma_wait3A_1694, %dma_wait3A_1695] : memref<32x32xf32, #tpu.memory_space<vmem>> -> memref<1x32xf32, #tpu.memory_space<vmem>>
      %dma_wait3A_1697 = tpu.memref_squeeze %dma_wait3A_1696 : memref<1x32xf32, #tpu.memory_space<vmem>> -> memref<32xf32, #tpu.memory_space<vmem>>
      %dma_wait3A_1698 = arith.constant 0 : i32
      %dma_wait3A_1699 = tpu.memref_slice %arg4[%squeeze3A_778, %dma_wait3A_1698] : memref<1000000x32xf32, #tpu.memory_space<hbm>> -> memref<1x32xf32, #tpu.memory_space<hbm>>
      %dma_wait3A_1700 = tpu.memref_squeeze %dma_wait3A_1699 : memref<1x32xf32, #tpu.memory_space<hbm>> -> memref<32xf32, #tpu.memory_space<hbm>>
      %dma_wait3A_1701 = arith.constant 0 : i32
      %dma_wait3A_1702 = tpu.memref_slice %arg10[%dma_wait3A_1694, %dma_wait3A_1701] : memref<32x32xf32, #tpu.memory_space<vmem>> -> memref<1x32xf32, #tpu.memory_space<vmem>>
      %dma_wait3A_1703 = tpu.memref_squeeze %dma_wait3A_1702 : memref<1x32xf32, #tpu.memory_space<vmem>> -> memref<32xf32, #tpu.memory_space<vmem>>
      %dma_wait3A_1704 = arith.constant 0 : i32
      %dma_wait3A_1705 = tpu.memref_slice %arg4[%squeeze3A_778, %dma_wait3A_1704] : memref<1000000x32xf32, #tpu.memory_space<hbm>> -> memref<1x32xf32, #tpu.memory_space<hbm>>
      %dma_wait3A_1706 = tpu.memref_squeeze %dma_wait3A_1705 : memref<1x32xf32, #tpu.memory_space<hbm>> -> memref<32xf32, #tpu.memory_space<hbm>>
      tpu.wait_dma2 semaphore(%arg12 : memref<!tpu.dma_semaphore, #tpu.memory_space<semaphore_mem>>) src(%dma_wait3A_1706 : memref<32xf32, #tpu.memory_space<hbm>>) dst(%dma_wait3A_1703 : memref<32xf32, #tpu.memory_space<vmem>>)
      %dma_wait3A_1707 = arith.constant 13 : i32
      %dma_wait3A_1708 = arith.constant 0 : i32
      %dma_wait3A_1709 = tpu.memref_slice %arg9[%dma_wait3A_1707, %dma_wait3A_1708] : memref<32x32xf32, #tpu.memory_space<vmem>> -> memref<1x32xf32, #tpu.memory_space<vmem>>
      %dma_wait3A_1710 = tpu.memref_squeeze %dma_wait3A_1709 : memref<1x32xf32, #tpu.memory_space<vmem>> -> memref<32xf32, #tpu.memory_space<vmem>>
      %dma_wait3A_1711 = arith.constant 0 : i32
      %dma_wait3A_1712 = tpu.memref_slice %arg3[%squeeze3A_793, %dma_wait3A_1711] : memref<1000000x32xf32, #tpu.memory_space<hbm>> -> memref<1x32xf32, #tpu.memory_space<hbm>>
      %dma_wait3A_1713 = tpu.memref_squeeze %dma_wait3A_1712 : memref<1x32xf32, #tpu.memory_space<hbm>> -> memref<32xf32, #tpu.memory_space<hbm>>
      %dma_wait3A_1714 = arith.constant 0 : i32
      %dma_wait3A_1715 = tpu.memref_slice %arg9[%dma_wait3A_1707, %dma_wait3A_1714] : memref<32x32xf32, #tpu.memory_space<vmem>> -> memref<1x32xf32, #tpu.memory_space<vmem>>
      %dma_wait3A_1716 = tpu.memref_squeeze %dma_wait3A_1715 : memref<1x32xf32, #tpu.memory_space<vmem>> -> memref<32xf32, #tpu.memory_space<vmem>>
      %dma_wait3A_1717 = arith.constant 0 : i32
      %dma_wait3A_1718 = tpu.memref_slice %arg3[%squeeze3A_793, %dma_wait3A_1717] : memref<1000000x32xf32, #tpu.memory_space<hbm>> -> memref<1x32xf32, #tpu.memory_space<hbm>>
      %dma_wait3A_1719 = tpu.memref_squeeze %dma_wait3A_1718 : memref<1x32xf32, #tpu.memory_space<hbm>> -> memref<32xf32, #tpu.memory_space<hbm>>
      tpu.wait_dma2 semaphore(%arg12 : memref<!tpu.dma_semaphore, #tpu.memory_space<semaphore_mem>>) src(%dma_wait3A_1719 : memref<32xf32, #tpu.memory_space<hbm>>) dst(%dma_wait3A_1716 : memref<32xf32, #tpu.memory_space<vmem>>)
      %dma_wait3A_1720 = arith.constant 13 : i32
      %dma_wait3A_1721 = arith.constant 0 : i32
      %dma_wait3A_1722 = tpu.memref_slice %arg10[%dma_wait3A_1720, %dma_wait3A_1721] : memref<32x32xf32, #tpu.memory_space<vmem>> -> memref<1x32xf32, #tpu.memory_space<vmem>>
      %dma_wait3A_1723 = tpu.memref_squeeze %dma_wait3A_1722 : memref<1x32xf32, #tpu.memory_space<vmem>> -> memref<32xf32, #tpu.memory_space<vmem>>
      %dma_wait3A_1724 = arith.constant 0 : i32
      %dma_wait3A_1725 = tpu.memref_slice %arg4[%squeeze3A_808, %dma_wait3A_1724] : memref<1000000x32xf32, #tpu.memory_space<hbm>> -> memref<1x32xf32, #tpu.memory_space<hbm>>
      %dma_wait3A_1726 = tpu.memref_squeeze %dma_wait3A_1725 : memref<1x32xf32, #tpu.memory_space<hbm>> -> memref<32xf32, #tpu.memory_space<hbm>>
      %dma_wait3A_1727 = arith.constant 0 : i32
      %dma_wait3A_1728 = tpu.memref_slice %arg10[%dma_wait3A_1720, %dma_wait3A_1727] : memref<32x32xf32, #tpu.memory_space<vmem>> -> memref<1x32xf32, #tpu.memory_space<vmem>>
      %dma_wait3A_1729 = tpu.memref_squeeze %dma_wait3A_1728 : memref<1x32xf32, #tpu.memory_space<vmem>> -> memref<32xf32, #tpu.memory_space<vmem>>
      %dma_wait3A_1730 = arith.constant 0 : i32
      %dma_wait3A_1731 = tpu.memref_slice %arg4[%squeeze3A_808, %dma_wait3A_1730] : memref<1000000x32xf32, #tpu.memory_space<hbm>> -> memref<1x32xf32, #tpu.memory_space<hbm>>
      %dma_wait3A_1732 = tpu.memref_squeeze %dma_wait3A_1731 : memref<1x32xf32, #tpu.memory_space<hbm>> -> memref<32xf32, #tpu.memory_space<hbm>>
      tpu.wait_dma2 semaphore(%arg12 : memref<!tpu.dma_semaphore, #tpu.memory_space<semaphore_mem>>) src(%dma_wait3A_1732 : memref<32xf32, #tpu.memory_space<hbm>>) dst(%dma_wait3A_1729 : memref<32xf32, #tpu.memory_space<vmem>>)
      %dma_wait3A_1733 = arith.constant 14 : i32
      %dma_wait3A_1734 = arith.constant 0 : i32
      %dma_wait3A_1735 = tpu.memref_slice %arg9[%dma_wait3A_1733, %dma_wait3A_1734] : memref<32x32xf32, #tpu.memory_space<vmem>> -> memref<1x32xf32, #tpu.memory_space<vmem>>
      %dma_wait3A_1736 = tpu.memref_squeeze %dma_wait3A_1735 : memref<1x32xf32, #tpu.memory_space<vmem>> -> memref<32xf32, #tpu.memory_space<vmem>>
      %dma_wait3A_1737 = arith.constant 0 : i32
      %dma_wait3A_1738 = tpu.memref_slice %arg3[%squeeze3A_823, %dma_wait3A_1737] : memref<1000000x32xf32, #tpu.memory_space<hbm>> -> memref<1x32xf32, #tpu.memory_space<hbm>>
      %dma_wait3A_1739 = tpu.memref_squeeze %dma_wait3A_1738 : memref<1x32xf32, #tpu.memory_space<hbm>> -> memref<32xf32, #tpu.memory_space<hbm>>
      %dma_wait3A_1740 = arith.constant 0 : i32
      %dma_wait3A_1741 = tpu.memref_slice %arg9[%dma_wait3A_1733, %dma_wait3A_1740] : memref<32x32xf32, #tpu.memory_space<vmem>> -> memref<1x32xf32, #tpu.memory_space<vmem>>
      %dma_wait3A_1742 = tpu.memref_squeeze %dma_wait3A_1741 : memref<1x32xf32, #tpu.memory_space<vmem>> -> memref<32xf32, #tpu.memory_space<vmem>>
      %dma_wait3A_1743 = arith.constant 0 : i32
      %dma_wait3A_1744 = tpu.memref_slice %arg3[%squeeze3A_823, %dma_wait3A_1743] : memref<1000000x32xf32, #tpu.memory_space<hbm>> -> memref<1x32xf32, #tpu.memory_space<hbm>>
      %dma_wait3A_1745 = tpu.memref_squeeze %dma_wait3A_1744 : memref<1x32xf32, #tpu.memory_space<hbm>> -> memref<32xf32, #tpu.memory_space<hbm>>
      tpu.wait_dma2 semaphore(%arg12 : memref<!tpu.dma_semaphore, #tpu.memory_space<semaphore_mem>>) src(%dma_wait3A_1745 : memref<32xf32, #tpu.memory_space<hbm>>) dst(%dma_wait3A_1742 : memref<32xf32, #tpu.memory_space<vmem>>)
      %dma_wait3A_1746 = arith.constant 14 : i32
      %dma_wait3A_1747 = arith.constant 0 : i32
      %dma_wait3A_1748 = tpu.memref_slice %arg10[%dma_wait3A_1746, %dma_wait3A_1747] : memref<32x32xf32, #tpu.memory_space<vmem>> -> memref<1x32xf32, #tpu.memory_space<vmem>>
      %dma_wait3A_1749 = tpu.memref_squeeze %dma_wait3A_1748 : memref<1x32xf32, #tpu.memory_space<vmem>> -> memref<32xf32, #tpu.memory_space<vmem>>
      %dma_wait3A_1750 = arith.constant 0 : i32
      %dma_wait3A_1751 = tpu.memref_slice %arg4[%squeeze3A_838, %dma_wait3A_1750] : memref<1000000x32xf32, #tpu.memory_space<hbm>> -> memref<1x32xf32, #tpu.memory_space<hbm>>
      %dma_wait3A_1752 = tpu.memref_squeeze %dma_wait3A_1751 : memref<1x32xf32, #tpu.memory_space<hbm>> -> memref<32xf32, #tpu.memory_space<hbm>>
      %dma_wait3A_1753 = arith.constant 0 : i32
      %dma_wait3A_1754 = tpu.memref_slice %arg10[%dma_wait3A_1746, %dma_wait3A_1753] : memref<32x32xf32, #tpu.memory_space<vmem>> -> memref<1x32xf32, #tpu.memory_space<vmem>>
      %dma_wait3A_1755 = tpu.memref_squeeze %dma_wait3A_1754 : memref<1x32xf32, #tpu.memory_space<vmem>> -> memref<32xf32, #tpu.memory_space<vmem>>
      %dma_wait3A_1756 = arith.constant 0 : i32
      %dma_wait3A_1757 = tpu.memref_slice %arg4[%squeeze3A_838, %dma_wait3A_1756] : memref<1000000x32xf32, #tpu.memory_space<hbm>> -> memref<1x32xf32, #tpu.memory_space<hbm>>
      %dma_wait3A_1758 = tpu.memref_squeeze %dma_wait3A_1757 : memref<1x32xf32, #tpu.memory_space<hbm>> -> memref<32xf32, #tpu.memory_space<hbm>>
      tpu.wait_dma2 semaphore(%arg12 : memref<!tpu.dma_semaphore, #tpu.memory_space<semaphore_mem>>) src(%dma_wait3A_1758 : memref<32xf32, #tpu.memory_space<hbm>>) dst(%dma_wait3A_1755 : memref<32xf32, #tpu.memory_space<vmem>>)
      %dma_wait3A_1759 = arith.constant 15 : i32
      %dma_wait3A_1760 = arith.constant 0 : i32
      %dma_wait3A_1761 = tpu.memref_slice %arg9[%dma_wait3A_1759, %dma_wait3A_1760] : memref<32x32xf32, #tpu.memory_space<vmem>> -> memref<1x32xf32, #tpu.memory_space<vmem>>
      %dma_wait3A_1762 = tpu.memref_squeeze %dma_wait3A_1761 : memref<1x32xf32, #tpu.memory_space<vmem>> -> memref<32xf32, #tpu.memory_space<vmem>>
      %dma_wait3A_1763 = arith.constant 0 : i32
      %dma_wait3A_1764 = tpu.memref_slice %arg3[%squeeze3A_853, %dma_wait3A_1763] : memref<1000000x32xf32, #tpu.memory_space<hbm>> -> memref<1x32xf32, #tpu.memory_space<hbm>>
      %dma_wait3A_1765 = tpu.memref_squeeze %dma_wait3A_1764 : memref<1x32xf32, #tpu.memory_space<hbm>> -> memref<32xf32, #tpu.memory_space<hbm>>
      %dma_wait3A_1766 = arith.constant 0 : i32
      %dma_wait3A_1767 = tpu.memref_slice %arg9[%dma_wait3A_1759, %dma_wait3A_1766] : memref<32x32xf32, #tpu.memory_space<vmem>> -> memref<1x32xf32, #tpu.memory_space<vmem>>
      %dma_wait3A_1768 = tpu.memref_squeeze %dma_wait3A_1767 : memref<1x32xf32, #tpu.memory_space<vmem>> -> memref<32xf32, #tpu.memory_space<vmem>>
      %dma_wait3A_1769 = arith.constant 0 : i32
      %dma_wait3A_1770 = tpu.memref_slice %arg3[%squeeze3A_853, %dma_wait3A_1769] : memref<1000000x32xf32, #tpu.memory_space<hbm>> -> memref<1x32xf32, #tpu.memory_space<hbm>>
      %dma_wait3A_1771 = tpu.memref_squeeze %dma_wait3A_1770 : memref<1x32xf32, #tpu.memory_space<hbm>> -> memref<32xf32, #tpu.memory_space<hbm>>
      tpu.wait_dma2 semaphore(%arg12 : memref<!tpu.dma_semaphore, #tpu.memory_space<semaphore_mem>>) src(%dma_wait3A_1771 : memref<32xf32, #tpu.memory_space<hbm>>) dst(%dma_wait3A_1768 : memref<32xf32, #tpu.memory_space<vmem>>)
      %dma_wait3A_1772 = arith.constant 15 : i32
      %dma_wait3A_1773 = arith.constant 0 : i32
      %dma_wait3A_1774 = tpu.memref_slice %arg10[%dma_wait3A_1772, %dma_wait3A_1773] : memref<32x32xf32, #tpu.memory_space<vmem>> -> memref<1x32xf32, #tpu.memory_space<vmem>>
      %dma_wait3A_1775 = tpu.memref_squeeze %dma_wait3A_1774 : memref<1x32xf32, #tpu.memory_space<vmem>> -> memref<32xf32, #tpu.memory_space<vmem>>
      %dma_wait3A_1776 = arith.constant 0 : i32
      %dma_wait3A_1777 = tpu.memref_slice %arg4[%squeeze3A_868, %dma_wait3A_1776] : memref<1000000x32xf32, #tpu.memory_space<hbm>> -> memref<1x32xf32, #tpu.memory_space<hbm>>
      %dma_wait3A_1778 = tpu.memref_squeeze %dma_wait3A_1777 : memref<1x32xf32, #tpu.memory_space<hbm>> -> memref<32xf32, #tpu.memory_space<hbm>>
      %dma_wait3A_1779 = arith.constant 0 : i32
      %dma_wait3A_1780 = tpu.memref_slice %arg10[%dma_wait3A_1772, %dma_wait3A_1779] : memref<32x32xf32, #tpu.memory_space<vmem>> -> memref<1x32xf32, #tpu.memory_space<vmem>>
      %dma_wait3A_1781 = tpu.memref_squeeze %dma_wait3A_1780 : memref<1x32xf32, #tpu.memory_space<vmem>> -> memref<32xf32, #tpu.memory_space<vmem>>
      %dma_wait3A_1782 = arith.constant 0 : i32
      %dma_wait3A_1783 = tpu.memref_slice %arg4[%squeeze3A_868, %dma_wait3A_1782] : memref<1000000x32xf32, #tpu.memory_space<hbm>> -> memref<1x32xf32, #tpu.memory_space<hbm>>
      %dma_wait3A_1784 = tpu.memref_squeeze %dma_wait3A_1783 : memref<1x32xf32, #tpu.memory_space<hbm>> -> memref<32xf32, #tpu.memory_space<hbm>>
      tpu.wait_dma2 semaphore(%arg12 : memref<!tpu.dma_semaphore, #tpu.memory_space<semaphore_mem>>) src(%dma_wait3A_1784 : memref<32xf32, #tpu.memory_space<hbm>>) dst(%dma_wait3A_1781 : memref<32xf32, #tpu.memory_space<vmem>>)
      %dma_wait3A_1785 = arith.constant 16 : i32
      %dma_wait3A_1786 = arith.constant 0 : i32
      %dma_wait3A_1787 = tpu.memref_slice %arg9[%dma_wait3A_1785, %dma_wait3A_1786] : memref<32x32xf32, #tpu.memory_space<vmem>> -> memref<1x32xf32, #tpu.memory_space<vmem>>
      %dma_wait3A_1788 = tpu.memref_squeeze %dma_wait3A_1787 : memref<1x32xf32, #tpu.memory_space<vmem>> -> memref<32xf32, #tpu.memory_space<vmem>>
      %dma_wait3A_1789 = arith.constant 0 : i32
      %dma_wait3A_1790 = tpu.memref_slice %arg3[%squeeze3A_891, %dma_wait3A_1789] : memref<1000000x32xf32, #tpu.memory_space<hbm>> -> memref<1x32xf32, #tpu.memory_space<hbm>>
      %dma_wait3A_1791 = tpu.memref_squeeze %dma_wait3A_1790 : memref<1x32xf32, #tpu.memory_space<hbm>> -> memref<32xf32, #tpu.memory_space<hbm>>
      %dma_wait3A_1792 = arith.constant 0 : i32
      %dma_wait3A_1793 = tpu.memref_slice %arg9[%dma_wait3A_1785, %dma_wait3A_1792] : memref<32x32xf32, #tpu.memory_space<vmem>> -> memref<1x32xf32, #tpu.memory_space<vmem>>
      %dma_wait3A_1794 = tpu.memref_squeeze %dma_wait3A_1793 : memref<1x32xf32, #tpu.memory_space<vmem>> -> memref<32xf32, #tpu.memory_space<vmem>>
      %dma_wait3A_1795 = arith.constant 0 : i32
      %dma_wait3A_1796 = tpu.memref_slice %arg3[%squeeze3A_891, %dma_wait3A_1795] : memref<1000000x32xf32, #tpu.memory_space<hbm>> -> memref<1x32xf32, #tpu.memory_space<hbm>>
      %dma_wait3A_1797 = tpu.memref_squeeze %dma_wait3A_1796 : memref<1x32xf32, #tpu.memory_space<hbm>> -> memref<32xf32, #tpu.memory_space<hbm>>
      tpu.wait_dma2 semaphore(%arg12 : memref<!tpu.dma_semaphore, #tpu.memory_space<semaphore_mem>>) src(%dma_wait3A_1797 : memref<32xf32, #tpu.memory_space<hbm>>) dst(%dma_wait3A_1794 : memref<32xf32, #tpu.memory_space<vmem>>)
      %dma_wait3A_1798 = arith.constant 16 : i32
      %dma_wait3A_1799 = arith.constant 0 : i32
      %dma_wait3A_1800 = tpu.memref_slice %arg10[%dma_wait3A_1798, %dma_wait3A_1799] : memref<32x32xf32, #tpu.memory_space<vmem>> -> memref<1x32xf32, #tpu.memory_space<vmem>>
      %dma_wait3A_1801 = tpu.memref_squeeze %dma_wait3A_1800 : memref<1x32xf32, #tpu.memory_space<vmem>> -> memref<32xf32, #tpu.memory_space<vmem>>
      %dma_wait3A_1802 = arith.constant 0 : i32
      %dma_wait3A_1803 = tpu.memref_slice %arg4[%squeeze3A_906, %dma_wait3A_1802] : memref<1000000x32xf32, #tpu.memory_space<hbm>> -> memref<1x32xf32, #tpu.memory_space<hbm>>
      %dma_wait3A_1804 = tpu.memref_squeeze %dma_wait3A_1803 : memref<1x32xf32, #tpu.memory_space<hbm>> -> memref<32xf32, #tpu.memory_space<hbm>>
      %dma_wait3A_1805 = arith.constant 0 : i32
      %dma_wait3A_1806 = tpu.memref_slice %arg10[%dma_wait3A_1798, %dma_wait3A_1805] : memref<32x32xf32, #tpu.memory_space<vmem>> -> memref<1x32xf32, #tpu.memory_space<vmem>>
      %dma_wait3A_1807 = tpu.memref_squeeze %dma_wait3A_1806 : memref<1x32xf32, #tpu.memory_space<vmem>> -> memref<32xf32, #tpu.memory_space<vmem>>
      %dma_wait3A_1808 = arith.constant 0 : i32
      %dma_wait3A_1809 = tpu.memref_slice %arg4[%squeeze3A_906, %dma_wait3A_1808] : memref<1000000x32xf32, #tpu.memory_space<hbm>> -> memref<1x32xf32, #tpu.memory_space<hbm>>
      %dma_wait3A_1810 = tpu.memref_squeeze %dma_wait3A_1809 : memref<1x32xf32, #tpu.memory_space<hbm>> -> memref<32xf32, #tpu.memory_space<hbm>>
      tpu.wait_dma2 semaphore(%arg12 : memref<!tpu.dma_semaphore, #tpu.memory_space<semaphore_mem>>) src(%dma_wait3A_1810 : memref<32xf32, #tpu.memory_space<hbm>>) dst(%dma_wait3A_1807 : memref<32xf32, #tpu.memory_space<vmem>>)
      %dma_wait3A_1811 = arith.constant 17 : i32
      %dma_wait3A_1812 = arith.constant 0 : i32
      %dma_wait3A_1813 = tpu.memref_slice %arg9[%dma_wait3A_1811, %dma_wait3A_1812] : memref<32x32xf32, #tpu.memory_space<vmem>> -> memref<1x32xf32, #tpu.memory_space<vmem>>
      %dma_wait3A_1814 = tpu.memref_squeeze %dma_wait3A_1813 : memref<1x32xf32, #tpu.memory_space<vmem>> -> memref<32xf32, #tpu.memory_space<vmem>>
      %dma_wait3A_1815 = arith.constant 0 : i32
      %dma_wait3A_1816 = tpu.memref_slice %arg3[%squeeze3A_921, %dma_wait3A_1815] : memref<1000000x32xf32, #tpu.memory_space<hbm>> -> memref<1x32xf32, #tpu.memory_space<hbm>>
      %dma_wait3A_1817 = tpu.memref_squeeze %dma_wait3A_1816 : memref<1x32xf32, #tpu.memory_space<hbm>> -> memref<32xf32, #tpu.memory_space<hbm>>
      %dma_wait3A_1818 = arith.constant 0 : i32
      %dma_wait3A_1819 = tpu.memref_slice %arg9[%dma_wait3A_1811, %dma_wait3A_1818] : memref<32x32xf32, #tpu.memory_space<vmem>> -> memref<1x32xf32, #tpu.memory_space<vmem>>
      %dma_wait3A_1820 = tpu.memref_squeeze %dma_wait3A_1819 : memref<1x32xf32, #tpu.memory_space<vmem>> -> memref<32xf32, #tpu.memory_space<vmem>>
      %dma_wait3A_1821 = arith.constant 0 : i32
      %dma_wait3A_1822 = tpu.memref_slice %arg3[%squeeze3A_921, %dma_wait3A_1821] : memref<1000000x32xf32, #tpu.memory_space<hbm>> -> memref<1x32xf32, #tpu.memory_space<hbm>>
      %dma_wait3A_1823 = tpu.memref_squeeze %dma_wait3A_1822 : memref<1x32xf32, #tpu.memory_space<hbm>> -> memref<32xf32, #tpu.memory_space<hbm>>
      tpu.wait_dma2 semaphore(%arg12 : memref<!tpu.dma_semaphore, #tpu.memory_space<semaphore_mem>>) src(%dma_wait3A_1823 : memref<32xf32, #tpu.memory_space<hbm>>) dst(%dma_wait3A_1820 : memref<32xf32, #tpu.memory_space<vmem>>)
      %dma_wait3A_1824 = arith.constant 17 : i32
      %dma_wait3A_1825 = arith.constant 0 : i32
      %dma_wait3A_1826 = tpu.memref_slice %arg10[%dma_wait3A_1824, %dma_wait3A_1825] : memref<32x32xf32, #tpu.memory_space<vmem>> -> memref<1x32xf32, #tpu.memory_space<vmem>>
      %dma_wait3A_1827 = tpu.memref_squeeze %dma_wait3A_1826 : memref<1x32xf32, #tpu.memory_space<vmem>> -> memref<32xf32, #tpu.memory_space<vmem>>
      %dma_wait3A_1828 = arith.constant 0 : i32
      %dma_wait3A_1829 = tpu.memref_slice %arg4[%squeeze3A_936, %dma_wait3A_1828] : memref<1000000x32xf32, #tpu.memory_space<hbm>> -> memref<1x32xf32, #tpu.memory_space<hbm>>
      %dma_wait3A_1830 = tpu.memref_squeeze %dma_wait3A_1829 : memref<1x32xf32, #tpu.memory_space<hbm>> -> memref<32xf32, #tpu.memory_space<hbm>>
      %dma_wait3A_1831 = arith.constant 0 : i32
      %dma_wait3A_1832 = tpu.memref_slice %arg10[%dma_wait3A_1824, %dma_wait3A_1831] : memref<32x32xf32, #tpu.memory_space<vmem>> -> memref<1x32xf32, #tpu.memory_space<vmem>>
      %dma_wait3A_1833 = tpu.memref_squeeze %dma_wait3A_1832 : memref<1x32xf32, #tpu.memory_space<vmem>> -> memref<32xf32, #tpu.memory_space<vmem>>
      %dma_wait3A_1834 = arith.constant 0 : i32
      %dma_wait3A_1835 = tpu.memref_slice %arg4[%squeeze3A_936, %dma_wait3A_1834] : memref<1000000x32xf32, #tpu.memory_space<hbm>> -> memref<1x32xf32, #tpu.memory_space<hbm>>
      %dma_wait3A_1836 = tpu.memref_squeeze %dma_wait3A_1835 : memref<1x32xf32, #tpu.memory_space<hbm>> -> memref<32xf32, #tpu.memory_space<hbm>>
      tpu.wait_dma2 semaphore(%arg12 : memref<!tpu.dma_semaphore, #tpu.memory_space<semaphore_mem>>) src(%dma_wait3A_1836 : memref<32xf32, #tpu.memory_space<hbm>>) dst(%dma_wait3A_1833 : memref<32xf32, #tpu.memory_space<vmem>>)
      %dma_wait3A_1837 = arith.constant 18 : i32
      %dma_wait3A_1838 = arith.constant 0 : i32
      %dma_wait3A_1839 = tpu.memref_slice %arg9[%dma_wait3A_1837, %dma_wait3A_1838] : memref<32x32xf32, #tpu.memory_space<vmem>> -> memref<1x32xf32, #tpu.memory_space<vmem>>
      %dma_wait3A_1840 = tpu.memref_squeeze %dma_wait3A_1839 : memref<1x32xf32, #tpu.memory_space<vmem>> -> memref<32xf32, #tpu.memory_space<vmem>>
      %dma_wait3A_1841 = arith.constant 0 : i32
      %dma_wait3A_1842 = tpu.memref_slice %arg3[%squeeze3A_951, %dma_wait3A_1841] : memref<1000000x32xf32, #tpu.memory_space<hbm>> -> memref<1x32xf32, #tpu.memory_space<hbm>>
      %dma_wait3A_1843 = tpu.memref_squeeze %dma_wait3A_1842 : memref<1x32xf32, #tpu.memory_space<hbm>> -> memref<32xf32, #tpu.memory_space<hbm>>
      %dma_wait3A_1844 = arith.constant 0 : i32
      %dma_wait3A_1845 = tpu.memref_slice %arg9[%dma_wait3A_1837, %dma_wait3A_1844] : memref<32x32xf32, #tpu.memory_space<vmem>> -> memref<1x32xf32, #tpu.memory_space<vmem>>
      %dma_wait3A_1846 = tpu.memref_squeeze %dma_wait3A_1845 : memref<1x32xf32, #tpu.memory_space<vmem>> -> memref<32xf32, #tpu.memory_space<vmem>>
      %dma_wait3A_1847 = arith.constant 0 : i32
      %dma_wait3A_1848 = tpu.memref_slice %arg3[%squeeze3A_951, %dma_wait3A_1847] : memref<1000000x32xf32, #tpu.memory_space<hbm>> -> memref<1x32xf32, #tpu.memory_space<hbm>>
      %dma_wait3A_1849 = tpu.memref_squeeze %dma_wait3A_1848 : memref<1x32xf32, #tpu.memory_space<hbm>> -> memref<32xf32, #tpu.memory_space<hbm>>
      tpu.wait_dma2 semaphore(%arg12 : memref<!tpu.dma_semaphore, #tpu.memory_space<semaphore_mem>>) src(%dma_wait3A_1849 : memref<32xf32, #tpu.memory_space<hbm>>) dst(%dma_wait3A_1846 : memref<32xf32, #tpu.memory_space<vmem>>)
      %dma_wait3A_1850 = arith.constant 18 : i32
      %dma_wait3A_1851 = arith.constant 0 : i32
      %dma_wait3A_1852 = tpu.memref_slice %arg10[%dma_wait3A_1850, %dma_wait3A_1851] : memref<32x32xf32, #tpu.memory_space<vmem>> -> memref<1x32xf32, #tpu.memory_space<vmem>>
      %dma_wait3A_1853 = tpu.memref_squeeze %dma_wait3A_1852 : memref<1x32xf32, #tpu.memory_space<vmem>> -> memref<32xf32, #tpu.memory_space<vmem>>
      %dma_wait3A_1854 = arith.constant 0 : i32
      %dma_wait3A_1855 = tpu.memref_slice %arg4[%squeeze3A_966, %dma_wait3A_1854] : memref<1000000x32xf32, #tpu.memory_space<hbm>> -> memref<1x32xf32, #tpu.memory_space<hbm>>
      %dma_wait3A_1856 = tpu.memref_squeeze %dma_wait3A_1855 : memref<1x32xf32, #tpu.memory_space<hbm>> -> memref<32xf32, #tpu.memory_space<hbm>>
      %dma_wait3A_1857 = arith.constant 0 : i32
      %dma_wait3A_1858 = tpu.memref_slice %arg10[%dma_wait3A_1850, %dma_wait3A_1857] : memref<32x32xf32, #tpu.memory_space<vmem>> -> memref<1x32xf32, #tpu.memory_space<vmem>>
      %dma_wait3A_1859 = tpu.memref_squeeze %dma_wait3A_1858 : memref<1x32xf32, #tpu.memory_space<vmem>> -> memref<32xf32, #tpu.memory_space<vmem>>
      %dma_wait3A_1860 = arith.constant 0 : i32
      %dma_wait3A_1861 = tpu.memref_slice %arg4[%squeeze3A_966, %dma_wait3A_1860] : memref<1000000x32xf32, #tpu.memory_space<hbm>> -> memref<1x32xf32, #tpu.memory_space<hbm>>
      %dma_wait3A_1862 = tpu.memref_squeeze %dma_wait3A_1861 : memref<1x32xf32, #tpu.memory_space<hbm>> -> memref<32xf32, #tpu.memory_space<hbm>>
      tpu.wait_dma2 semaphore(%arg12 : memref<!tpu.dma_semaphore, #tpu.memory_space<semaphore_mem>>) src(%dma_wait3A_1862 : memref<32xf32, #tpu.memory_space<hbm>>) dst(%dma_wait3A_1859 : memref<32xf32, #tpu.memory_space<vmem>>)
      %dma_wait3A_1863 = arith.constant 19 : i32
      %dma_wait3A_1864 = arith.constant 0 : i32
      %dma_wait3A_1865 = tpu.memref_slice %arg9[%dma_wait3A_1863, %dma_wait3A_1864] : memref<32x32xf32, #tpu.memory_space<vmem>> -> memref<1x32xf32, #tpu.memory_space<vmem>>
      %dma_wait3A_1866 = tpu.memref_squeeze %dma_wait3A_1865 : memref<1x32xf32, #tpu.memory_space<vmem>> -> memref<32xf32, #tpu.memory_space<vmem>>
      %dma_wait3A_1867 = arith.constant 0 : i32
      %dma_wait3A_1868 = tpu.memref_slice %arg3[%squeeze3A_981, %dma_wait3A_1867] : memref<1000000x32xf32, #tpu.memory_space<hbm>> -> memref<1x32xf32, #tpu.memory_space<hbm>>
      %dma_wait3A_1869 = tpu.memref_squeeze %dma_wait3A_1868 : memref<1x32xf32, #tpu.memory_space<hbm>> -> memref<32xf32, #tpu.memory_space<hbm>>
      %dma_wait3A_1870 = arith.constant 0 : i32
      %dma_wait3A_1871 = tpu.memref_slice %arg9[%dma_wait3A_1863, %dma_wait3A_1870] : memref<32x32xf32, #tpu.memory_space<vmem>> -> memref<1x32xf32, #tpu.memory_space<vmem>>
      %dma_wait3A_1872 = tpu.memref_squeeze %dma_wait3A_1871 : memref<1x32xf32, #tpu.memory_space<vmem>> -> memref<32xf32, #tpu.memory_space<vmem>>
      %dma_wait3A_1873 = arith.constant 0 : i32
      %dma_wait3A_1874 = tpu.memref_slice %arg3[%squeeze3A_981, %dma_wait3A_1873] : memref<1000000x32xf32, #tpu.memory_space<hbm>> -> memref<1x32xf32, #tpu.memory_space<hbm>>
      %dma_wait3A_1875 = tpu.memref_squeeze %dma_wait3A_1874 : memref<1x32xf32, #tpu.memory_space<hbm>> -> memref<32xf32, #tpu.memory_space<hbm>>
      tpu.wait_dma2 semaphore(%arg12 : memref<!tpu.dma_semaphore, #tpu.memory_space<semaphore_mem>>) src(%dma_wait3A_1875 : memref<32xf32, #tpu.memory_space<hbm>>) dst(%dma_wait3A_1872 : memref<32xf32, #tpu.memory_space<vmem>>)
      %dma_wait3A_1876 = arith.constant 19 : i32
      %dma_wait3A_1877 = arith.constant 0 : i32
      %dma_wait3A_1878 = tpu.memref_slice %arg10[%dma_wait3A_1876, %dma_wait3A_1877] : memref<32x32xf32, #tpu.memory_space<vmem>> -> memref<1x32xf32, #tpu.memory_space<vmem>>
      %dma_wait3A_1879 = tpu.memref_squeeze %dma_wait3A_1878 : memref<1x32xf32, #tpu.memory_space<vmem>> -> memref<32xf32, #tpu.memory_space<vmem>>
      %dma_wait3A_1880 = arith.constant 0 : i32
      %dma_wait3A_1881 = tpu.memref_slice %arg4[%squeeze3A_996, %dma_wait3A_1880] : memref<1000000x32xf32, #tpu.memory_space<hbm>> -> memref<1x32xf32, #tpu.memory_space<hbm>>
      %dma_wait3A_1882 = tpu.memref_squeeze %dma_wait3A_1881 : memref<1x32xf32, #tpu.memory_space<hbm>> -> memref<32xf32, #tpu.memory_space<hbm>>
      %dma_wait3A_1883 = arith.constant 0 : i32
      %dma_wait3A_1884 = tpu.memref_slice %arg10[%dma_wait3A_1876, %dma_wait3A_1883] : memref<32x32xf32, #tpu.memory_space<vmem>> -> memref<1x32xf32, #tpu.memory_space<vmem>>
      %dma_wait3A_1885 = tpu.memref_squeeze %dma_wait3A_1884 : memref<1x32xf32, #tpu.memory_space<vmem>> -> memref<32xf32, #tpu.memory_space<vmem>>
      %dma_wait3A_1886 = arith.constant 0 : i32
      %dma_wait3A_1887 = tpu.memref_slice %arg4[%squeeze3A_996, %dma_wait3A_1886] : memref<1000000x32xf32, #tpu.memory_space<hbm>> -> memref<1x32xf32, #tpu.memory_space<hbm>>
      %dma_wait3A_1888 = tpu.memref_squeeze %dma_wait3A_1887 : memref<1x32xf32, #tpu.memory_space<hbm>> -> memref<32xf32, #tpu.memory_space<hbm>>
      tpu.wait_dma2 semaphore(%arg12 : memref<!tpu.dma_semaphore, #tpu.memory_space<semaphore_mem>>) src(%dma_wait3A_1888 : memref<32xf32, #tpu.memory_space<hbm>>) dst(%dma_wait3A_1885 : memref<32xf32, #tpu.memory_space<vmem>>)
      %dma_wait3A_1889 = arith.constant 20 : i32
      %dma_wait3A_1890 = arith.constant 0 : i32
      %dma_wait3A_1891 = tpu.memref_slice %arg9[%dma_wait3A_1889, %dma_wait3A_1890] : memref<32x32xf32, #tpu.memory_space<vmem>> -> memref<1x32xf32, #tpu.memory_space<vmem>>
      %dma_wait3A_1892 = tpu.memref_squeeze %dma_wait3A_1891 : memref<1x32xf32, #tpu.memory_space<vmem>> -> memref<32xf32, #tpu.memory_space<vmem>>
      %dma_wait3A_1893 = arith.constant 0 : i32
      %dma_wait3A_1894 = tpu.memref_slice %arg3[%squeeze3A_1011, %dma_wait3A_1893] : memref<1000000x32xf32, #tpu.memory_space<hbm>> -> memref<1x32xf32, #tpu.memory_space<hbm>>
      %dma_wait3A_1895 = tpu.memref_squeeze %dma_wait3A_1894 : memref<1x32xf32, #tpu.memory_space<hbm>> -> memref<32xf32, #tpu.memory_space<hbm>>
      %dma_wait3A_1896 = arith.constant 0 : i32
      %dma_wait3A_1897 = tpu.memref_slice %arg9[%dma_wait3A_1889, %dma_wait3A_1896] : memref<32x32xf32, #tpu.memory_space<vmem>> -> memref<1x32xf32, #tpu.memory_space<vmem>>
      %dma_wait3A_1898 = tpu.memref_squeeze %dma_wait3A_1897 : memref<1x32xf32, #tpu.memory_space<vmem>> -> memref<32xf32, #tpu.memory_space<vmem>>
      %dma_wait3A_1899 = arith.constant 0 : i32
      %dma_wait3A_1900 = tpu.memref_slice %arg3[%squeeze3A_1011, %dma_wait3A_1899] : memref<1000000x32xf32, #tpu.memory_space<hbm>> -> memref<1x32xf32, #tpu.memory_space<hbm>>
      %dma_wait3A_1901 = tpu.memref_squeeze %dma_wait3A_1900 : memref<1x32xf32, #tpu.memory_space<hbm>> -> memref<32xf32, #tpu.memory_space<hbm>>
      tpu.wait_dma2 semaphore(%arg12 : memref<!tpu.dma_semaphore, #tpu.memory_space<semaphore_mem>>) src(%dma_wait3A_1901 : memref<32xf32, #tpu.memory_space<hbm>>) dst(%dma_wait3A_1898 : memref<32xf32, #tpu.memory_space<vmem>>)
      %dma_wait3A_1902 = arith.constant 20 : i32
      %dma_wait3A_1903 = arith.constant 0 : i32
      %dma_wait3A_1904 = tpu.memref_slice %arg10[%dma_wait3A_1902, %dma_wait3A_1903] : memref<32x32xf32, #tpu.memory_space<vmem>> -> memref<1x32xf32, #tpu.memory_space<vmem>>
      %dma_wait3A_1905 = tpu.memref_squeeze %dma_wait3A_1904 : memref<1x32xf32, #tpu.memory_space<vmem>> -> memref<32xf32, #tpu.memory_space<vmem>>
      %dma_wait3A_1906 = arith.constant 0 : i32
      %dma_wait3A_1907 = tpu.memref_slice %arg4[%squeeze3A_1026, %dma_wait3A_1906] : memref<1000000x32xf32, #tpu.memory_space<hbm>> -> memref<1x32xf32, #tpu.memory_space<hbm>>
      %dma_wait3A_1908 = tpu.memref_squeeze %dma_wait3A_1907 : memref<1x32xf32, #tpu.memory_space<hbm>> -> memref<32xf32, #tpu.memory_space<hbm>>
      %dma_wait3A_1909 = arith.constant 0 : i32
      %dma_wait3A_1910 = tpu.memref_slice %arg10[%dma_wait3A_1902, %dma_wait3A_1909] : memref<32x32xf32, #tpu.memory_space<vmem>> -> memref<1x32xf32, #tpu.memory_space<vmem>>
      %dma_wait3A_1911 = tpu.memref_squeeze %dma_wait3A_1910 : memref<1x32xf32, #tpu.memory_space<vmem>> -> memref<32xf32, #tpu.memory_space<vmem>>
      %dma_wait3A_1912 = arith.constant 0 : i32
      %dma_wait3A_1913 = tpu.memref_slice %arg4[%squeeze3A_1026, %dma_wait3A_1912] : memref<1000000x32xf32, #tpu.memory_space<hbm>> -> memref<1x32xf32, #tpu.memory_space<hbm>>
      %dma_wait3A_1914 = tpu.memref_squeeze %dma_wait3A_1913 : memref<1x32xf32, #tpu.memory_space<hbm>> -> memref<32xf32, #tpu.memory_space<hbm>>
      tpu.wait_dma2 semaphore(%arg12 : memref<!tpu.dma_semaphore, #tpu.memory_space<semaphore_mem>>) src(%dma_wait3A_1914 : memref<32xf32, #tpu.memory_space<hbm>>) dst(%dma_wait3A_1911 : memref<32xf32, #tpu.memory_space<vmem>>)
      %dma_wait3A_1915 = arith.constant 21 : i32
      %dma_wait3A_1916 = arith.constant 0 : i32
      %dma_wait3A_1917 = tpu.memref_slice %arg9[%dma_wait3A_1915, %dma_wait3A_1916] : memref<32x32xf32, #tpu.memory_space<vmem>> -> memref<1x32xf32, #tpu.memory_space<vmem>>
      %dma_wait3A_1918 = tpu.memref_squeeze %dma_wait3A_1917 : memref<1x32xf32, #tpu.memory_space<vmem>> -> memref<32xf32, #tpu.memory_space<vmem>>
      %dma_wait3A_1919 = arith.constant 0 : i32
      %dma_wait3A_1920 = tpu.memref_slice %arg3[%squeeze3A_1041, %dma_wait3A_1919] : memref<1000000x32xf32, #tpu.memory_space<hbm>> -> memref<1x32xf32, #tpu.memory_space<hbm>>
      %dma_wait3A_1921 = tpu.memref_squeeze %dma_wait3A_1920 : memref<1x32xf32, #tpu.memory_space<hbm>> -> memref<32xf32, #tpu.memory_space<hbm>>
      %dma_wait3A_1922 = arith.constant 0 : i32
      %dma_wait3A_1923 = tpu.memref_slice %arg9[%dma_wait3A_1915, %dma_wait3A_1922] : memref<32x32xf32, #tpu.memory_space<vmem>> -> memref<1x32xf32, #tpu.memory_space<vmem>>
      %dma_wait3A_1924 = tpu.memref_squeeze %dma_wait3A_1923 : memref<1x32xf32, #tpu.memory_space<vmem>> -> memref<32xf32, #tpu.memory_space<vmem>>
      %dma_wait3A_1925 = arith.constant 0 : i32
      %dma_wait3A_1926 = tpu.memref_slice %arg3[%squeeze3A_1041, %dma_wait3A_1925] : memref<1000000x32xf32, #tpu.memory_space<hbm>> -> memref<1x32xf32, #tpu.memory_space<hbm>>
      %dma_wait3A_1927 = tpu.memref_squeeze %dma_wait3A_1926 : memref<1x32xf32, #tpu.memory_space<hbm>> -> memref<32xf32, #tpu.memory_space<hbm>>
      tpu.wait_dma2 semaphore(%arg12 : memref<!tpu.dma_semaphore, #tpu.memory_space<semaphore_mem>>) src(%dma_wait3A_1927 : memref<32xf32, #tpu.memory_space<hbm>>) dst(%dma_wait3A_1924 : memref<32xf32, #tpu.memory_space<vmem>>)
      %dma_wait3A_1928 = arith.constant 21 : i32
      %dma_wait3A_1929 = arith.constant 0 : i32
      %dma_wait3A_1930 = tpu.memref_slice %arg10[%dma_wait3A_1928, %dma_wait3A_1929] : memref<32x32xf32, #tpu.memory_space<vmem>> -> memref<1x32xf32, #tpu.memory_space<vmem>>
      %dma_wait3A_1931 = tpu.memref_squeeze %dma_wait3A_1930 : memref<1x32xf32, #tpu.memory_space<vmem>> -> memref<32xf32, #tpu.memory_space<vmem>>
      %dma_wait3A_1932 = arith.constant 0 : i32
      %dma_wait3A_1933 = tpu.memref_slice %arg4[%squeeze3A_1056, %dma_wait3A_1932] : memref<1000000x32xf32, #tpu.memory_space<hbm>> -> memref<1x32xf32, #tpu.memory_space<hbm>>
      %dma_wait3A_1934 = tpu.memref_squeeze %dma_wait3A_1933 : memref<1x32xf32, #tpu.memory_space<hbm>> -> memref<32xf32, #tpu.memory_space<hbm>>
      %dma_wait3A_1935 = arith.constant 0 : i32
      %dma_wait3A_1936 = tpu.memref_slice %arg10[%dma_wait3A_1928, %dma_wait3A_1935] : memref<32x32xf32, #tpu.memory_space<vmem>> -> memref<1x32xf32, #tpu.memory_space<vmem>>
      %dma_wait3A_1937 = tpu.memref_squeeze %dma_wait3A_1936 : memref<1x32xf32, #tpu.memory_space<vmem>> -> memref<32xf32, #tpu.memory_space<vmem>>
      %dma_wait3A_1938 = arith.constant 0 : i32
      %dma_wait3A_1939 = tpu.memref_slice %arg4[%squeeze3A_1056, %dma_wait3A_1938] : memref<1000000x32xf32, #tpu.memory_space<hbm>> -> memref<1x32xf32, #tpu.memory_space<hbm>>
      %dma_wait3A_1940 = tpu.memref_squeeze %dma_wait3A_1939 : memref<1x32xf32, #tpu.memory_space<hbm>> -> memref<32xf32, #tpu.memory_space<hbm>>
      tpu.wait_dma2 semaphore(%arg12 : memref<!tpu.dma_semaphore, #tpu.memory_space<semaphore_mem>>) src(%dma_wait3A_1940 : memref<32xf32, #tpu.memory_space<hbm>>) dst(%dma_wait3A_1937 : memref<32xf32, #tpu.memory_space<vmem>>)
      %dma_wait3A_1941 = arith.constant 22 : i32
      %dma_wait3A_1942 = arith.constant 0 : i32
      %dma_wait3A_1943 = tpu.memref_slice %arg9[%dma_wait3A_1941, %dma_wait3A_1942] : memref<32x32xf32, #tpu.memory_space<vmem>> -> memref<1x32xf32, #tpu.memory_space<vmem>>
      %dma_wait3A_1944 = tpu.memref_squeeze %dma_wait3A_1943 : memref<1x32xf32, #tpu.memory_space<vmem>> -> memref<32xf32, #tpu.memory_space<vmem>>
      %dma_wait3A_1945 = arith.constant 0 : i32
      %dma_wait3A_1946 = tpu.memref_slice %arg3[%squeeze3A_1071, %dma_wait3A_1945] : memref<1000000x32xf32, #tpu.memory_space<hbm>> -> memref<1x32xf32, #tpu.memory_space<hbm>>
      %dma_wait3A_1947 = tpu.memref_squeeze %dma_wait3A_1946 : memref<1x32xf32, #tpu.memory_space<hbm>> -> memref<32xf32, #tpu.memory_space<hbm>>
      %dma_wait3A_1948 = arith.constant 0 : i32
      %dma_wait3A_1949 = tpu.memref_slice %arg9[%dma_wait3A_1941, %dma_wait3A_1948] : memref<32x32xf32, #tpu.memory_space<vmem>> -> memref<1x32xf32, #tpu.memory_space<vmem>>
      %dma_wait3A_1950 = tpu.memref_squeeze %dma_wait3A_1949 : memref<1x32xf32, #tpu.memory_space<vmem>> -> memref<32xf32, #tpu.memory_space<vmem>>
      %dma_wait3A_1951 = arith.constant 0 : i32
      %dma_wait3A_1952 = tpu.memref_slice %arg3[%squeeze3A_1071, %dma_wait3A_1951] : memref<1000000x32xf32, #tpu.memory_space<hbm>> -> memref<1x32xf32, #tpu.memory_space<hbm>>
      %dma_wait3A_1953 = tpu.memref_squeeze %dma_wait3A_1952 : memref<1x32xf32, #tpu.memory_space<hbm>> -> memref<32xf32, #tpu.memory_space<hbm>>
      tpu.wait_dma2 semaphore(%arg12 : memref<!tpu.dma_semaphore, #tpu.memory_space<semaphore_mem>>) src(%dma_wait3A_1953 : memref<32xf32, #tpu.memory_space<hbm>>) dst(%dma_wait3A_1950 : memref<32xf32, #tpu.memory_space<vmem>>)
      %dma_wait3A_1954 = arith.constant 22 : i32
      %dma_wait3A_1955 = arith.constant 0 : i32
      %dma_wait3A_1956 = tpu.memref_slice %arg10[%dma_wait3A_1954, %dma_wait3A_1955] : memref<32x32xf32, #tpu.memory_space<vmem>> -> memref<1x32xf32, #tpu.memory_space<vmem>>
      %dma_wait3A_1957 = tpu.memref_squeeze %dma_wait3A_1956 : memref<1x32xf32, #tpu.memory_space<vmem>> -> memref<32xf32, #tpu.memory_space<vmem>>
      %dma_wait3A_1958 = arith.constant 0 : i32
      %dma_wait3A_1959 = tpu.memref_slice %arg4[%squeeze3A_1086, %dma_wait3A_1958] : memref<1000000x32xf32, #tpu.memory_space<hbm>> -> memref<1x32xf32, #tpu.memory_space<hbm>>
      %dma_wait3A_1960 = tpu.memref_squeeze %dma_wait3A_1959 : memref<1x32xf32, #tpu.memory_space<hbm>> -> memref<32xf32, #tpu.memory_space<hbm>>
      %dma_wait3A_1961 = arith.constant 0 : i32
      %dma_wait3A_1962 = tpu.memref_slice %arg10[%dma_wait3A_1954, %dma_wait3A_1961] : memref<32x32xf32, #tpu.memory_space<vmem>> -> memref<1x32xf32, #tpu.memory_space<vmem>>
      %dma_wait3A_1963 = tpu.memref_squeeze %dma_wait3A_1962 : memref<1x32xf32, #tpu.memory_space<vmem>> -> memref<32xf32, #tpu.memory_space<vmem>>
      %dma_wait3A_1964 = arith.constant 0 : i32
      %dma_wait3A_1965 = tpu.memref_slice %arg4[%squeeze3A_1086, %dma_wait3A_1964] : memref<1000000x32xf32, #tpu.memory_space<hbm>> -> memref<1x32xf32, #tpu.memory_space<hbm>>
      %dma_wait3A_1966 = tpu.memref_squeeze %dma_wait3A_1965 : memref<1x32xf32, #tpu.memory_space<hbm>> -> memref<32xf32, #tpu.memory_space<hbm>>
      tpu.wait_dma2 semaphore(%arg12 : memref<!tpu.dma_semaphore, #tpu.memory_space<semaphore_mem>>) src(%dma_wait3A_1966 : memref<32xf32, #tpu.memory_space<hbm>>) dst(%dma_wait3A_1963 : memref<32xf32, #tpu.memory_space<vmem>>)
      %dma_wait3A_1967 = arith.constant 23 : i32
      %dma_wait3A_1968 = arith.constant 0 : i32
      %dma_wait3A_1969 = tpu.memref_slice %arg9[%dma_wait3A_1967, %dma_wait3A_1968] : memref<32x32xf32, #tpu.memory_space<vmem>> -> memref<1x32xf32, #tpu.memory_space<vmem>>
      %dma_wait3A_1970 = tpu.memref_squeeze %dma_wait3A_1969 : memref<1x32xf32, #tpu.memory_space<vmem>> -> memref<32xf32, #tpu.memory_space<vmem>>
      %dma_wait3A_1971 = arith.constant 0 : i32
      %dma_wait3A_1972 = tpu.memref_slice %arg3[%squeeze3A_1101, %dma_wait3A_1971] : memref<1000000x32xf32, #tpu.memory_space<hbm>> -> memref<1x32xf32, #tpu.memory_space<hbm>>
      %dma_wait3A_1973 = tpu.memref_squeeze %dma_wait3A_1972 : memref<1x32xf32, #tpu.memory_space<hbm>> -> memref<32xf32, #tpu.memory_space<hbm>>
      %dma_wait3A_1974 = arith.constant 0 : i32
      %dma_wait3A_1975 = tpu.memref_slice %arg9[%dma_wait3A_1967, %dma_wait3A_1974] : memref<32x32xf32, #tpu.memory_space<vmem>> -> memref<1x32xf32, #tpu.memory_space<vmem>>
      %dma_wait3A_1976 = tpu.memref_squeeze %dma_wait3A_1975 : memref<1x32xf32, #tpu.memory_space<vmem>> -> memref<32xf32, #tpu.memory_space<vmem>>
      %dma_wait3A_1977 = arith.constant 0 : i32
      %dma_wait3A_1978 = tpu.memref_slice %arg3[%squeeze3A_1101, %dma_wait3A_1977] : memref<1000000x32xf32, #tpu.memory_space<hbm>> -> memref<1x32xf32, #tpu.memory_space<hbm>>
      %dma_wait3A_1979 = tpu.memref_squeeze %dma_wait3A_1978 : memref<1x32xf32, #tpu.memory_space<hbm>> -> memref<32xf32, #tpu.memory_space<hbm>>
      tpu.wait_dma2 semaphore(%arg12 : memref<!tpu.dma_semaphore, #tpu.memory_space<semaphore_mem>>) src(%dma_wait3A_1979 : memref<32xf32, #tpu.memory_space<hbm>>) dst(%dma_wait3A_1976 : memref<32xf32, #tpu.memory_space<vmem>>)
      %dma_wait3A_1980 = arith.constant 23 : i32
      %dma_wait3A_1981 = arith.constant 0 : i32
      %dma_wait3A_1982 = tpu.memref_slice %arg10[%dma_wait3A_1980, %dma_wait3A_1981] : memref<32x32xf32, #tpu.memory_space<vmem>> -> memref<1x32xf32, #tpu.memory_space<vmem>>
      %dma_wait3A_1983 = tpu.memref_squeeze %dma_wait3A_1982 : memref<1x32xf32, #tpu.memory_space<vmem>> -> memref<32xf32, #tpu.memory_space<vmem>>
      %dma_wait3A_1984 = arith.constant 0 : i32
      %dma_wait3A_1985 = tpu.memref_slice %arg4[%squeeze3A_1116, %dma_wait3A_1984] : memref<1000000x32xf32, #tpu.memory_space<hbm>> -> memref<1x32xf32, #tpu.memory_space<hbm>>
      %dma_wait3A_1986 = tpu.memref_squeeze %dma_wait3A_1985 : memref<1x32xf32, #tpu.memory_space<hbm>> -> memref<32xf32, #tpu.memory_space<hbm>>
      %dma_wait3A_1987 = arith.constant 0 : i32
      %dma_wait3A_1988 = tpu.memref_slice %arg10[%dma_wait3A_1980, %dma_wait3A_1987] : memref<32x32xf32, #tpu.memory_space<vmem>> -> memref<1x32xf32, #tpu.memory_space<vmem>>
      %dma_wait3A_1989 = tpu.memref_squeeze %dma_wait3A_1988 : memref<1x32xf32, #tpu.memory_space<vmem>> -> memref<32xf32, #tpu.memory_space<vmem>>
      %dma_wait3A_1990 = arith.constant 0 : i32
      %dma_wait3A_1991 = tpu.memref_slice %arg4[%squeeze3A_1116, %dma_wait3A_1990] : memref<1000000x32xf32, #tpu.memory_space<hbm>> -> memref<1x32xf32, #tpu.memory_space<hbm>>
      %dma_wait3A_1992 = tpu.memref_squeeze %dma_wait3A_1991 : memref<1x32xf32, #tpu.memory_space<hbm>> -> memref<32xf32, #tpu.memory_space<hbm>>
      tpu.wait_dma2 semaphore(%arg12 : memref<!tpu.dma_semaphore, #tpu.memory_space<semaphore_mem>>) src(%dma_wait3A_1992 : memref<32xf32, #tpu.memory_space<hbm>>) dst(%dma_wait3A_1989 : memref<32xf32, #tpu.memory_space<vmem>>)
      %dma_wait3A_1993 = arith.constant 24 : i32
      %dma_wait3A_1994 = arith.constant 0 : i32
      %dma_wait3A_1995 = tpu.memref_slice %arg9[%dma_wait3A_1993, %dma_wait3A_1994] : memref<32x32xf32, #tpu.memory_space<vmem>> -> memref<1x32xf32, #tpu.memory_space<vmem>>
      %dma_wait3A_1996 = tpu.memref_squeeze %dma_wait3A_1995 : memref<1x32xf32, #tpu.memory_space<vmem>> -> memref<32xf32, #tpu.memory_space<vmem>>
      %dma_wait3A_1997 = arith.constant 0 : i32
      %dma_wait3A_1998 = tpu.memref_slice %arg3[%squeeze3A_1131, %dma_wait3A_1997] : memref<1000000x32xf32, #tpu.memory_space<hbm>> -> memref<1x32xf32, #tpu.memory_space<hbm>>
      %dma_wait3A_1999 = tpu.memref_squeeze %dma_wait3A_1998 : memref<1x32xf32, #tpu.memory_space<hbm>> -> memref<32xf32, #tpu.memory_space<hbm>>
      %dma_wait3A_2000 = arith.constant 0 : i32
      %dma_wait3A_2001 = tpu.memref_slice %arg9[%dma_wait3A_1993, %dma_wait3A_2000] : memref<32x32xf32, #tpu.memory_space<vmem>> -> memref<1x32xf32, #tpu.memory_space<vmem>>
      %dma_wait3A_2002 = tpu.memref_squeeze %dma_wait3A_2001 : memref<1x32xf32, #tpu.memory_space<vmem>> -> memref<32xf32, #tpu.memory_space<vmem>>
      %dma_wait3A_2003 = arith.constant 0 : i32
      %dma_wait3A_2004 = tpu.memref_slice %arg3[%squeeze3A_1131, %dma_wait3A_2003] : memref<1000000x32xf32, #tpu.memory_space<hbm>> -> memref<1x32xf32, #tpu.memory_space<hbm>>
      %dma_wait3A_2005 = tpu.memref_squeeze %dma_wait3A_2004 : memref<1x32xf32, #tpu.memory_space<hbm>> -> memref<32xf32, #tpu.memory_space<hbm>>
      tpu.wait_dma2 semaphore(%arg12 : memref<!tpu.dma_semaphore, #tpu.memory_space<semaphore_mem>>) src(%dma_wait3A_2005 : memref<32xf32, #tpu.memory_space<hbm>>) dst(%dma_wait3A_2002 : memref<32xf32, #tpu.memory_space<vmem>>)
      %dma_wait3A_2006 = arith.constant 24 : i32
      %dma_wait3A_2007 = arith.constant 0 : i32
      %dma_wait3A_2008 = tpu.memref_slice %arg10[%dma_wait3A_2006, %dma_wait3A_2007] : memref<32x32xf32, #tpu.memory_space<vmem>> -> memref<1x32xf32, #tpu.memory_space<vmem>>
      %dma_wait3A_2009 = tpu.memref_squeeze %dma_wait3A_2008 : memref<1x32xf32, #tpu.memory_space<vmem>> -> memref<32xf32, #tpu.memory_space<vmem>>
      %dma_wait3A_2010 = arith.constant 0 : i32
      %dma_wait3A_2011 = tpu.memref_slice %arg4[%squeeze3A_1146, %dma_wait3A_2010] : memref<1000000x32xf32, #tpu.memory_space<hbm>> -> memref<1x32xf32, #tpu.memory_space<hbm>>
      %dma_wait3A_2012 = tpu.memref_squeeze %dma_wait3A_2011 : memref<1x32xf32, #tpu.memory_space<hbm>> -> memref<32xf32, #tpu.memory_space<hbm>>
      %dma_wait3A_2013 = arith.constant 0 : i32
      %dma_wait3A_2014 = tpu.memref_slice %arg10[%dma_wait3A_2006, %dma_wait3A_2013] : memref<32x32xf32, #tpu.memory_space<vmem>> -> memref<1x32xf32, #tpu.memory_space<vmem>>
      %dma_wait3A_2015 = tpu.memref_squeeze %dma_wait3A_2014 : memref<1x32xf32, #tpu.memory_space<vmem>> -> memref<32xf32, #tpu.memory_space<vmem>>
      %dma_wait3A_2016 = arith.constant 0 : i32
      %dma_wait3A_2017 = tpu.memref_slice %arg4[%squeeze3A_1146, %dma_wait3A_2016] : memref<1000000x32xf32, #tpu.memory_space<hbm>> -> memref<1x32xf32, #tpu.memory_space<hbm>>
      %dma_wait3A_2018 = tpu.memref_squeeze %dma_wait3A_2017 : memref<1x32xf32, #tpu.memory_space<hbm>> -> memref<32xf32, #tpu.memory_space<hbm>>
      tpu.wait_dma2 semaphore(%arg12 : memref<!tpu.dma_semaphore, #tpu.memory_space<semaphore_mem>>) src(%dma_wait3A_2018 : memref<32xf32, #tpu.memory_space<hbm>>) dst(%dma_wait3A_2015 : memref<32xf32, #tpu.memory_space<vmem>>)
      %dma_wait3A_2019 = arith.constant 25 : i32
      %dma_wait3A_2020 = arith.constant 0 : i32
      %dma_wait3A_2021 = tpu.memref_slice %arg9[%dma_wait3A_2019, %dma_wait3A_2020] : memref<32x32xf32, #tpu.memory_space<vmem>> -> memref<1x32xf32, #tpu.memory_space<vmem>>
      %dma_wait3A_2022 = tpu.memref_squeeze %dma_wait3A_2021 : memref<1x32xf32, #tpu.memory_space<vmem>> -> memref<32xf32, #tpu.memory_space<vmem>>
      %dma_wait3A_2023 = arith.constant 0 : i32
      %dma_wait3A_2024 = tpu.memref_slice %arg3[%squeeze3A_1161, %dma_wait3A_2023] : memref<1000000x32xf32, #tpu.memory_space<hbm>> -> memref<1x32xf32, #tpu.memory_space<hbm>>
      %dma_wait3A_2025 = tpu.memref_squeeze %dma_wait3A_2024 : memref<1x32xf32, #tpu.memory_space<hbm>> -> memref<32xf32, #tpu.memory_space<hbm>>
      %dma_wait3A_2026 = arith.constant 0 : i32
      %dma_wait3A_2027 = tpu.memref_slice %arg9[%dma_wait3A_2019, %dma_wait3A_2026] : memref<32x32xf32, #tpu.memory_space<vmem>> -> memref<1x32xf32, #tpu.memory_space<vmem>>
      %dma_wait3A_2028 = tpu.memref_squeeze %dma_wait3A_2027 : memref<1x32xf32, #tpu.memory_space<vmem>> -> memref<32xf32, #tpu.memory_space<vmem>>
      %dma_wait3A_2029 = arith.constant 0 : i32
      %dma_wait3A_2030 = tpu.memref_slice %arg3[%squeeze3A_1161, %dma_wait3A_2029] : memref<1000000x32xf32, #tpu.memory_space<hbm>> -> memref<1x32xf32, #tpu.memory_space<hbm>>
      %dma_wait3A_2031 = tpu.memref_squeeze %dma_wait3A_2030 : memref<1x32xf32, #tpu.memory_space<hbm>> -> memref<32xf32, #tpu.memory_space<hbm>>
      tpu.wait_dma2 semaphore(%arg12 : memref<!tpu.dma_semaphore, #tpu.memory_space<semaphore_mem>>) src(%dma_wait3A_2031 : memref<32xf32, #tpu.memory_space<hbm>>) dst(%dma_wait3A_2028 : memref<32xf32, #tpu.memory_space<vmem>>)
      %dma_wait3A_2032 = arith.constant 25 : i32
      %dma_wait3A_2033 = arith.constant 0 : i32
      %dma_wait3A_2034 = tpu.memref_slice %arg10[%dma_wait3A_2032, %dma_wait3A_2033] : memref<32x32xf32, #tpu.memory_space<vmem>> -> memref<1x32xf32, #tpu.memory_space<vmem>>
      %dma_wait3A_2035 = tpu.memref_squeeze %dma_wait3A_2034 : memref<1x32xf32, #tpu.memory_space<vmem>> -> memref<32xf32, #tpu.memory_space<vmem>>
      %dma_wait3A_2036 = arith.constant 0 : i32
      %dma_wait3A_2037 = tpu.memref_slice %arg4[%squeeze3A_1176, %dma_wait3A_2036] : memref<1000000x32xf32, #tpu.memory_space<hbm>> -> memref<1x32xf32, #tpu.memory_space<hbm>>
      %dma_wait3A_2038 = tpu.memref_squeeze %dma_wait3A_2037 : memref<1x32xf32, #tpu.memory_space<hbm>> -> memref<32xf32, #tpu.memory_space<hbm>>
      %dma_wait3A_2039 = arith.constant 0 : i32
      %dma_wait3A_2040 = tpu.memref_slice %arg10[%dma_wait3A_2032, %dma_wait3A_2039] : memref<32x32xf32, #tpu.memory_space<vmem>> -> memref<1x32xf32, #tpu.memory_space<vmem>>
      %dma_wait3A_2041 = tpu.memref_squeeze %dma_wait3A_2040 : memref<1x32xf32, #tpu.memory_space<vmem>> -> memref<32xf32, #tpu.memory_space<vmem>>
      %dma_wait3A_2042 = arith.constant 0 : i32
      %dma_wait3A_2043 = tpu.memref_slice %arg4[%squeeze3A_1176, %dma_wait3A_2042] : memref<1000000x32xf32, #tpu.memory_space<hbm>> -> memref<1x32xf32, #tpu.memory_space<hbm>>
      %dma_wait3A_2044 = tpu.memref_squeeze %dma_wait3A_2043 : memref<1x32xf32, #tpu.memory_space<hbm>> -> memref<32xf32, #tpu.memory_space<hbm>>
      tpu.wait_dma2 semaphore(%arg12 : memref<!tpu.dma_semaphore, #tpu.memory_space<semaphore_mem>>) src(%dma_wait3A_2044 : memref<32xf32, #tpu.memory_space<hbm>>) dst(%dma_wait3A_2041 : memref<32xf32, #tpu.memory_space<vmem>>)
      %dma_wait3A_2045 = arith.constant 26 : i32
      %dma_wait3A_2046 = arith.constant 0 : i32
      %dma_wait3A_2047 = tpu.memref_slice %arg9[%dma_wait3A_2045, %dma_wait3A_2046] : memref<32x32xf32, #tpu.memory_space<vmem>> -> memref<1x32xf32, #tpu.memory_space<vmem>>
      %dma_wait3A_2048 = tpu.memref_squeeze %dma_wait3A_2047 : memref<1x32xf32, #tpu.memory_space<vmem>> -> memref<32xf32, #tpu.memory_space<vmem>>
      %dma_wait3A_2049 = arith.constant 0 : i32
      %dma_wait3A_2050 = tpu.memref_slice %arg3[%squeeze3A_1191, %dma_wait3A_2049] : memref<1000000x32xf32, #tpu.memory_space<hbm>> -> memref<1x32xf32, #tpu.memory_space<hbm>>
      %dma_wait3A_2051 = tpu.memref_squeeze %dma_wait3A_2050 : memref<1x32xf32, #tpu.memory_space<hbm>> -> memref<32xf32, #tpu.memory_space<hbm>>
      %dma_wait3A_2052 = arith.constant 0 : i32
      %dma_wait3A_2053 = tpu.memref_slice %arg9[%dma_wait3A_2045, %dma_wait3A_2052] : memref<32x32xf32, #tpu.memory_space<vmem>> -> memref<1x32xf32, #tpu.memory_space<vmem>>
      %dma_wait3A_2054 = tpu.memref_squeeze %dma_wait3A_2053 : memref<1x32xf32, #tpu.memory_space<vmem>> -> memref<32xf32, #tpu.memory_space<vmem>>
      %dma_wait3A_2055 = arith.constant 0 : i32
      %dma_wait3A_2056 = tpu.memref_slice %arg3[%squeeze3A_1191, %dma_wait3A_2055] : memref<1000000x32xf32, #tpu.memory_space<hbm>> -> memref<1x32xf32, #tpu.memory_space<hbm>>
      %dma_wait3A_2057 = tpu.memref_squeeze %dma_wait3A_2056 : memref<1x32xf32, #tpu.memory_space<hbm>> -> memref<32xf32, #tpu.memory_space<hbm>>
      tpu.wait_dma2 semaphore(%arg12 : memref<!tpu.dma_semaphore, #tpu.memory_space<semaphore_mem>>) src(%dma_wait3A_2057 : memref<32xf32, #tpu.memory_space<hbm>>) dst(%dma_wait3A_2054 : memref<32xf32, #tpu.memory_space<vmem>>)
      %dma_wait3A_2058 = arith.constant 26 : i32
      %dma_wait3A_2059 = arith.constant 0 : i32
      %dma_wait3A_2060 = tpu.memref_slice %arg10[%dma_wait3A_2058, %dma_wait3A_2059] : memref<32x32xf32, #tpu.memory_space<vmem>> -> memref<1x32xf32, #tpu.memory_space<vmem>>
      %dma_wait3A_2061 = tpu.memref_squeeze %dma_wait3A_2060 : memref<1x32xf32, #tpu.memory_space<vmem>> -> memref<32xf32, #tpu.memory_space<vmem>>
      %dma_wait3A_2062 = arith.constant 0 : i32
      %dma_wait3A_2063 = tpu.memref_slice %arg4[%squeeze3A_1206, %dma_wait3A_2062] : memref<1000000x32xf32, #tpu.memory_space<hbm>> -> memref<1x32xf32, #tpu.memory_space<hbm>>
      %dma_wait3A_2064 = tpu.memref_squeeze %dma_wait3A_2063 : memref<1x32xf32, #tpu.memory_space<hbm>> -> memref<32xf32, #tpu.memory_space<hbm>>
      %dma_wait3A_2065 = arith.constant 0 : i32
      %dma_wait3A_2066 = tpu.memref_slice %arg10[%dma_wait3A_2058, %dma_wait3A_2065] : memref<32x32xf32, #tpu.memory_space<vmem>> -> memref<1x32xf32, #tpu.memory_space<vmem>>
      %dma_wait3A_2067 = tpu.memref_squeeze %dma_wait3A_2066 : memref<1x32xf32, #tpu.memory_space<vmem>> -> memref<32xf32, #tpu.memory_space<vmem>>
      %dma_wait3A_2068 = arith.constant 0 : i32
      %dma_wait3A_2069 = tpu.memref_slice %arg4[%squeeze3A_1206, %dma_wait3A_2068] : memref<1000000x32xf32, #tpu.memory_space<hbm>> -> memref<1x32xf32, #tpu.memory_space<hbm>>
      %dma_wait3A_2070 = tpu.memref_squeeze %dma_wait3A_2069 : memref<1x32xf32, #tpu.memory_space<hbm>> -> memref<32xf32, #tpu.memory_space<hbm>>
      tpu.wait_dma2 semaphore(%arg12 : memref<!tpu.dma_semaphore, #tpu.memory_space<semaphore_mem>>) src(%dma_wait3A_2070 : memref<32xf32, #tpu.memory_space<hbm>>) dst(%dma_wait3A_2067 : memref<32xf32, #tpu.memory_space<vmem>>)
      %dma_wait3A_2071 = arith.constant 27 : i32
      %dma_wait3A_2072 = arith.constant 0 : i32
      %dma_wait3A_2073 = tpu.memref_slice %arg9[%dma_wait3A_2071, %dma_wait3A_2072] : memref<32x32xf32, #tpu.memory_space<vmem>> -> memref<1x32xf32, #tpu.memory_space<vmem>>
      %dma_wait3A_2074 = tpu.memref_squeeze %dma_wait3A_2073 : memref<1x32xf32, #tpu.memory_space<vmem>> -> memref<32xf32, #tpu.memory_space<vmem>>
      %dma_wait3A_2075 = arith.constant 0 : i32
      %dma_wait3A_2076 = tpu.memref_slice %arg3[%squeeze3A_1221, %dma_wait3A_2075] : memref<1000000x32xf32, #tpu.memory_space<hbm>> -> memref<1x32xf32, #tpu.memory_space<hbm>>
      %dma_wait3A_2077 = tpu.memref_squeeze %dma_wait3A_2076 : memref<1x32xf32, #tpu.memory_space<hbm>> -> memref<32xf32, #tpu.memory_space<hbm>>
      %dma_wait3A_2078 = arith.constant 0 : i32
      %dma_wait3A_2079 = tpu.memref_slice %arg9[%dma_wait3A_2071, %dma_wait3A_2078] : memref<32x32xf32, #tpu.memory_space<vmem>> -> memref<1x32xf32, #tpu.memory_space<vmem>>
      %dma_wait3A_2080 = tpu.memref_squeeze %dma_wait3A_2079 : memref<1x32xf32, #tpu.memory_space<vmem>> -> memref<32xf32, #tpu.memory_space<vmem>>
      %dma_wait3A_2081 = arith.constant 0 : i32
      %dma_wait3A_2082 = tpu.memref_slice %arg3[%squeeze3A_1221, %dma_wait3A_2081] : memref<1000000x32xf32, #tpu.memory_space<hbm>> -> memref<1x32xf32, #tpu.memory_space<hbm>>
      %dma_wait3A_2083 = tpu.memref_squeeze %dma_wait3A_2082 : memref<1x32xf32, #tpu.memory_space<hbm>> -> memref<32xf32, #tpu.memory_space<hbm>>
      tpu.wait_dma2 semaphore(%arg12 : memref<!tpu.dma_semaphore, #tpu.memory_space<semaphore_mem>>) src(%dma_wait3A_2083 : memref<32xf32, #tpu.memory_space<hbm>>) dst(%dma_wait3A_2080 : memref<32xf32, #tpu.memory_space<vmem>>)
      %dma_wait3A_2084 = arith.constant 27 : i32
      %dma_wait3A_2085 = arith.constant 0 : i32
      %dma_wait3A_2086 = tpu.memref_slice %arg10[%dma_wait3A_2084, %dma_wait3A_2085] : memref<32x32xf32, #tpu.memory_space<vmem>> -> memref<1x32xf32, #tpu.memory_space<vmem>>
      %dma_wait3A_2087 = tpu.memref_squeeze %dma_wait3A_2086 : memref<1x32xf32, #tpu.memory_space<vmem>> -> memref<32xf32, #tpu.memory_space<vmem>>
      %dma_wait3A_2088 = arith.constant 0 : i32
      %dma_wait3A_2089 = tpu.memref_slice %arg4[%squeeze3A_1236, %dma_wait3A_2088] : memref<1000000x32xf32, #tpu.memory_space<hbm>> -> memref<1x32xf32, #tpu.memory_space<hbm>>
      %dma_wait3A_2090 = tpu.memref_squeeze %dma_wait3A_2089 : memref<1x32xf32, #tpu.memory_space<hbm>> -> memref<32xf32, #tpu.memory_space<hbm>>
      %dma_wait3A_2091 = arith.constant 0 : i32
      %dma_wait3A_2092 = tpu.memref_slice %arg10[%dma_wait3A_2084, %dma_wait3A_2091] : memref<32x32xf32, #tpu.memory_space<vmem>> -> memref<1x32xf32, #tpu.memory_space<vmem>>
      %dma_wait3A_2093 = tpu.memref_squeeze %dma_wait3A_2092 : memref<1x32xf32, #tpu.memory_space<vmem>> -> memref<32xf32, #tpu.memory_space<vmem>>
      %dma_wait3A_2094 = arith.constant 0 : i32
      %dma_wait3A_2095 = tpu.memref_slice %arg4[%squeeze3A_1236, %dma_wait3A_2094] : memref<1000000x32xf32, #tpu.memory_space<hbm>> -> memref<1x32xf32, #tpu.memory_space<hbm>>
      %dma_wait3A_2096 = tpu.memref_squeeze %dma_wait3A_2095 : memref<1x32xf32, #tpu.memory_space<hbm>> -> memref<32xf32, #tpu.memory_space<hbm>>
      tpu.wait_dma2 semaphore(%arg12 : memref<!tpu.dma_semaphore, #tpu.memory_space<semaphore_mem>>) src(%dma_wait3A_2096 : memref<32xf32, #tpu.memory_space<hbm>>) dst(%dma_wait3A_2093 : memref<32xf32, #tpu.memory_space<vmem>>)
      %dma_wait3A_2097 = arith.constant 28 : i32
      %dma_wait3A_2098 = arith.constant 0 : i32
      %dma_wait3A_2099 = tpu.memref_slice %arg9[%dma_wait3A_2097, %dma_wait3A_2098] : memref<32x32xf32, #tpu.memory_space<vmem>> -> memref<1x32xf32, #tpu.memory_space<vmem>>
      %dma_wait3A_2100 = tpu.memref_squeeze %dma_wait3A_2099 : memref<1x32xf32, #tpu.memory_space<vmem>> -> memref<32xf32, #tpu.memory_space<vmem>>
      %dma_wait3A_2101 = arith.constant 0 : i32
      %dma_wait3A_2102 = tpu.memref_slice %arg3[%squeeze3A_1251, %dma_wait3A_2101] : memref<1000000x32xf32, #tpu.memory_space<hbm>> -> memref<1x32xf32, #tpu.memory_space<hbm>>
      %dma_wait3A_2103 = tpu.memref_squeeze %dma_wait3A_2102 : memref<1x32xf32, #tpu.memory_space<hbm>> -> memref<32xf32, #tpu.memory_space<hbm>>
      %dma_wait3A_2104 = arith.constant 0 : i32
      %dma_wait3A_2105 = tpu.memref_slice %arg9[%dma_wait3A_2097, %dma_wait3A_2104] : memref<32x32xf32, #tpu.memory_space<vmem>> -> memref<1x32xf32, #tpu.memory_space<vmem>>
      %dma_wait3A_2106 = tpu.memref_squeeze %dma_wait3A_2105 : memref<1x32xf32, #tpu.memory_space<vmem>> -> memref<32xf32, #tpu.memory_space<vmem>>
      %dma_wait3A_2107 = arith.constant 0 : i32
      %dma_wait3A_2108 = tpu.memref_slice %arg3[%squeeze3A_1251, %dma_wait3A_2107] : memref<1000000x32xf32, #tpu.memory_space<hbm>> -> memref<1x32xf32, #tpu.memory_space<hbm>>
      %dma_wait3A_2109 = tpu.memref_squeeze %dma_wait3A_2108 : memref<1x32xf32, #tpu.memory_space<hbm>> -> memref<32xf32, #tpu.memory_space<hbm>>
      tpu.wait_dma2 semaphore(%arg12 : memref<!tpu.dma_semaphore, #tpu.memory_space<semaphore_mem>>) src(%dma_wait3A_2109 : memref<32xf32, #tpu.memory_space<hbm>>) dst(%dma_wait3A_2106 : memref<32xf32, #tpu.memory_space<vmem>>)
      %dma_wait3A_2110 = arith.constant 28 : i32
      %dma_wait3A_2111 = arith.constant 0 : i32
      %dma_wait3A_2112 = tpu.memref_slice %arg10[%dma_wait3A_2110, %dma_wait3A_2111] : memref<32x32xf32, #tpu.memory_space<vmem>> -> memref<1x32xf32, #tpu.memory_space<vmem>>
      %dma_wait3A_2113 = tpu.memref_squeeze %dma_wait3A_2112 : memref<1x32xf32, #tpu.memory_space<vmem>> -> memref<32xf32, #tpu.memory_space<vmem>>
      %dma_wait3A_2114 = arith.constant 0 : i32
      %dma_wait3A_2115 = tpu.memref_slice %arg4[%squeeze3A_1266, %dma_wait3A_2114] : memref<1000000x32xf32, #tpu.memory_space<hbm>> -> memref<1x32xf32, #tpu.memory_space<hbm>>
      %dma_wait3A_2116 = tpu.memref_squeeze %dma_wait3A_2115 : memref<1x32xf32, #tpu.memory_space<hbm>> -> memref<32xf32, #tpu.memory_space<hbm>>
      %dma_wait3A_2117 = arith.constant 0 : i32
      %dma_wait3A_2118 = tpu.memref_slice %arg10[%dma_wait3A_2110, %dma_wait3A_2117] : memref<32x32xf32, #tpu.memory_space<vmem>> -> memref<1x32xf32, #tpu.memory_space<vmem>>
      %dma_wait3A_2119 = tpu.memref_squeeze %dma_wait3A_2118 : memref<1x32xf32, #tpu.memory_space<vmem>> -> memref<32xf32, #tpu.memory_space<vmem>>
      %dma_wait3A_2120 = arith.constant 0 : i32
      %dma_wait3A_2121 = tpu.memref_slice %arg4[%squeeze3A_1266, %dma_wait3A_2120] : memref<1000000x32xf32, #tpu.memory_space<hbm>> -> memref<1x32xf32, #tpu.memory_space<hbm>>
      %dma_wait3A_2122 = tpu.memref_squeeze %dma_wait3A_2121 : memref<1x32xf32, #tpu.memory_space<hbm>> -> memref<32xf32, #tpu.memory_space<hbm>>
      tpu.wait_dma2 semaphore(%arg12 : memref<!tpu.dma_semaphore, #tpu.memory_space<semaphore_mem>>) src(%dma_wait3A_2122 : memref<32xf32, #tpu.memory_space<hbm>>) dst(%dma_wait3A_2119 : memref<32xf32, #tpu.memory_space<vmem>>)
      %dma_wait3A_2123 = arith.constant 29 : i32
      %dma_wait3A_2124 = arith.constant 0 : i32
      %dma_wait3A_2125 = tpu.memref_slice %arg9[%dma_wait3A_2123, %dma_wait3A_2124] : memref<32x32xf32, #tpu.memory_space<vmem>> -> memref<1x32xf32, #tpu.memory_space<vmem>>
      %dma_wait3A_2126 = tpu.memref_squeeze %dma_wait3A_2125 : memref<1x32xf32, #tpu.memory_space<vmem>> -> memref<32xf32, #tpu.memory_space<vmem>>
      %dma_wait3A_2127 = arith.constant 0 : i32
      %dma_wait3A_2128 = tpu.memref_slice %arg3[%squeeze3A_1281, %dma_wait3A_2127] : memref<1000000x32xf32, #tpu.memory_space<hbm>> -> memref<1x32xf32, #tpu.memory_space<hbm>>
      %dma_wait3A_2129 = tpu.memref_squeeze %dma_wait3A_2128 : memref<1x32xf32, #tpu.memory_space<hbm>> -> memref<32xf32, #tpu.memory_space<hbm>>
      %dma_wait3A_2130 = arith.constant 0 : i32
      %dma_wait3A_2131 = tpu.memref_slice %arg9[%dma_wait3A_2123, %dma_wait3A_2130] : memref<32x32xf32, #tpu.memory_space<vmem>> -> memref<1x32xf32, #tpu.memory_space<vmem>>
      %dma_wait3A_2132 = tpu.memref_squeeze %dma_wait3A_2131 : memref<1x32xf32, #tpu.memory_space<vmem>> -> memref<32xf32, #tpu.memory_space<vmem>>
      %dma_wait3A_2133 = arith.constant 0 : i32
      %dma_wait3A_2134 = tpu.memref_slice %arg3[%squeeze3A_1281, %dma_wait3A_2133] : memref<1000000x32xf32, #tpu.memory_space<hbm>> -> memref<1x32xf32, #tpu.memory_space<hbm>>
      %dma_wait3A_2135 = tpu.memref_squeeze %dma_wait3A_2134 : memref<1x32xf32, #tpu.memory_space<hbm>> -> memref<32xf32, #tpu.memory_space<hbm>>
      tpu.wait_dma2 semaphore(%arg12 : memref<!tpu.dma_semaphore, #tpu.memory_space<semaphore_mem>>) src(%dma_wait3A_2135 : memref<32xf32, #tpu.memory_space<hbm>>) dst(%dma_wait3A_2132 : memref<32xf32, #tpu.memory_space<vmem>>)
      %dma_wait3A_2136 = arith.constant 29 : i32
      %dma_wait3A_2137 = arith.constant 0 : i32
      %dma_wait3A_2138 = tpu.memref_slice %arg10[%dma_wait3A_2136, %dma_wait3A_2137] : memref<32x32xf32, #tpu.memory_space<vmem>> -> memref<1x32xf32, #tpu.memory_space<vmem>>
      %dma_wait3A_2139 = tpu.memref_squeeze %dma_wait3A_2138 : memref<1x32xf32, #tpu.memory_space<vmem>> -> memref<32xf32, #tpu.memory_space<vmem>>
      %dma_wait3A_2140 = arith.constant 0 : i32
      %dma_wait3A_2141 = tpu.memref_slice %arg4[%squeeze3A_1296, %dma_wait3A_2140] : memref<1000000x32xf32, #tpu.memory_space<hbm>> -> memref<1x32xf32, #tpu.memory_space<hbm>>
      %dma_wait3A_2142 = tpu.memref_squeeze %dma_wait3A_2141 : memref<1x32xf32, #tpu.memory_space<hbm>> -> memref<32xf32, #tpu.memory_space<hbm>>
      %dma_wait3A_2143 = arith.constant 0 : i32
      %dma_wait3A_2144 = tpu.memref_slice %arg10[%dma_wait3A_2136, %dma_wait3A_2143] : memref<32x32xf32, #tpu.memory_space<vmem>> -> memref<1x32xf32, #tpu.memory_space<vmem>>
      %dma_wait3A_2145 = tpu.memref_squeeze %dma_wait3A_2144 : memref<1x32xf32, #tpu.memory_space<vmem>> -> memref<32xf32, #tpu.memory_space<vmem>>
      %dma_wait3A_2146 = arith.constant 0 : i32
      %dma_wait3A_2147 = tpu.memref_slice %arg4[%squeeze3A_1296, %dma_wait3A_2146] : memref<1000000x32xf32, #tpu.memory_space<hbm>> -> memref<1x32xf32, #tpu.memory_space<hbm>>
      %dma_wait3A_2148 = tpu.memref_squeeze %dma_wait3A_2147 : memref<1x32xf32, #tpu.memory_space<hbm>> -> memref<32xf32, #tpu.memory_space<hbm>>
      tpu.wait_dma2 semaphore(%arg12 : memref<!tpu.dma_semaphore, #tpu.memory_space<semaphore_mem>>) src(%dma_wait3A_2148 : memref<32xf32, #tpu.memory_space<hbm>>) dst(%dma_wait3A_2145 : memref<32xf32, #tpu.memory_space<vmem>>)
      %dma_wait3A_2149 = arith.constant 30 : i32
      %dma_wait3A_2150 = arith.constant 0 : i32
      %dma_wait3A_2151 = tpu.memref_slice %arg9[%dma_wait3A_2149, %dma_wait3A_2150] : memref<32x32xf32, #tpu.memory_space<vmem>> -> memref<1x32xf32, #tpu.memory_space<vmem>>
      %dma_wait3A_2152 = tpu.memref_squeeze %dma_wait3A_2151 : memref<1x32xf32, #tpu.memory_space<vmem>> -> memref<32xf32, #tpu.memory_space<vmem>>
      %dma_wait3A_2153 = arith.constant 0 : i32
      %dma_wait3A_2154 = tpu.memref_slice %arg3[%squeeze3A_1311, %dma_wait3A_2153] : memref<1000000x32xf32, #tpu.memory_space<hbm>> -> memref<1x32xf32, #tpu.memory_space<hbm>>
      %dma_wait3A_2155 = tpu.memref_squeeze %dma_wait3A_2154 : memref<1x32xf32, #tpu.memory_space<hbm>> -> memref<32xf32, #tpu.memory_space<hbm>>
      %dma_wait3A_2156 = arith.constant 0 : i32
      %dma_wait3A_2157 = tpu.memref_slice %arg9[%dma_wait3A_2149, %dma_wait3A_2156] : memref<32x32xf32, #tpu.memory_space<vmem>> -> memref<1x32xf32, #tpu.memory_space<vmem>>
      %dma_wait3A_2158 = tpu.memref_squeeze %dma_wait3A_2157 : memref<1x32xf32, #tpu.memory_space<vmem>> -> memref<32xf32, #tpu.memory_space<vmem>>
      %dma_wait3A_2159 = arith.constant 0 : i32
      %dma_wait3A_2160 = tpu.memref_slice %arg3[%squeeze3A_1311, %dma_wait3A_2159] : memref<1000000x32xf32, #tpu.memory_space<hbm>> -> memref<1x32xf32, #tpu.memory_space<hbm>>
      %dma_wait3A_2161 = tpu.memref_squeeze %dma_wait3A_2160 : memref<1x32xf32, #tpu.memory_space<hbm>> -> memref<32xf32, #tpu.memory_space<hbm>>
      tpu.wait_dma2 semaphore(%arg12 : memref<!tpu.dma_semaphore, #tpu.memory_space<semaphore_mem>>) src(%dma_wait3A_2161 : memref<32xf32, #tpu.memory_space<hbm>>) dst(%dma_wait3A_2158 : memref<32xf32, #tpu.memory_space<vmem>>)
      %dma_wait3A_2162 = arith.constant 30 : i32
      %dma_wait3A_2163 = arith.constant 0 : i32
      %dma_wait3A_2164 = tpu.memref_slice %arg10[%dma_wait3A_2162, %dma_wait3A_2163] : memref<32x32xf32, #tpu.memory_space<vmem>> -> memref<1x32xf32, #tpu.memory_space<vmem>>
      %dma_wait3A_2165 = tpu.memref_squeeze %dma_wait3A_2164 : memref<1x32xf32, #tpu.memory_space<vmem>> -> memref<32xf32, #tpu.memory_space<vmem>>
      %dma_wait3A_2166 = arith.constant 0 : i32
      %dma_wait3A_2167 = tpu.memref_slice %arg4[%squeeze3A_1326, %dma_wait3A_2166] : memref<1000000x32xf32, #tpu.memory_space<hbm>> -> memref<1x32xf32, #tpu.memory_space<hbm>>
      %dma_wait3A_2168 = tpu.memref_squeeze %dma_wait3A_2167 : memref<1x32xf32, #tpu.memory_space<hbm>> -> memref<32xf32, #tpu.memory_space<hbm>>
      %dma_wait3A_2169 = arith.constant 0 : i32
      %dma_wait3A_2170 = tpu.memref_slice %arg10[%dma_wait3A_2162, %dma_wait3A_2169] : memref<32x32xf32, #tpu.memory_space<vmem>> -> memref<1x32xf32, #tpu.memory_space<vmem>>
      %dma_wait3A_2171 = tpu.memref_squeeze %dma_wait3A_2170 : memref<1x32xf32, #tpu.memory_space<vmem>> -> memref<32xf32, #tpu.memory_space<vmem>>
      %dma_wait3A_2172 = arith.constant 0 : i32
      %dma_wait3A_2173 = tpu.memref_slice %arg4[%squeeze3A_1326, %dma_wait3A_2172] : memref<1000000x32xf32, #tpu.memory_space<hbm>> -> memref<1x32xf32, #tpu.memory_space<hbm>>
      %dma_wait3A_2174 = tpu.memref_squeeze %dma_wait3A_2173 : memref<1x32xf32, #tpu.memory_space<hbm>> -> memref<32xf32, #tpu.memory_space<hbm>>
      tpu.wait_dma2 semaphore(%arg12 : memref<!tpu.dma_semaphore, #tpu.memory_space<semaphore_mem>>) src(%dma_wait3A_2174 : memref<32xf32, #tpu.memory_space<hbm>>) dst(%dma_wait3A_2171 : memref<32xf32, #tpu.memory_space<vmem>>)
      %dma_wait3A_2175 = arith.constant 31 : i32
      %dma_wait3A_2176 = arith.constant 0 : i32
      %dma_wait3A_2177 = tpu.memref_slice %arg9[%dma_wait3A_2175, %dma_wait3A_2176] : memref<32x32xf32, #tpu.memory_space<vmem>> -> memref<1x32xf32, #tpu.memory_space<vmem>>
      %dma_wait3A_2178 = tpu.memref_squeeze %dma_wait3A_2177 : memref<1x32xf32, #tpu.memory_space<vmem>> -> memref<32xf32, #tpu.memory_space<vmem>>
      %dma_wait3A_2179 = arith.constant 0 : i32
      %dma_wait3A_2180 = tpu.memref_slice %arg3[%squeeze3A_1341, %dma_wait3A_2179] : memref<1000000x32xf32, #tpu.memory_space<hbm>> -> memref<1x32xf32, #tpu.memory_space<hbm>>
      %dma_wait3A_2181 = tpu.memref_squeeze %dma_wait3A_2180 : memref<1x32xf32, #tpu.memory_space<hbm>> -> memref<32xf32, #tpu.memory_space<hbm>>
      %dma_wait3A_2182 = arith.constant 0 : i32
      %dma_wait3A_2183 = tpu.memref_slice %arg9[%dma_wait3A_2175, %dma_wait3A_2182] : memref<32x32xf32, #tpu.memory_space<vmem>> -> memref<1x32xf32, #tpu.memory_space<vmem>>
      %dma_wait3A_2184 = tpu.memref_squeeze %dma_wait3A_2183 : memref<1x32xf32, #tpu.memory_space<vmem>> -> memref<32xf32, #tpu.memory_space<vmem>>
      %dma_wait3A_2185 = arith.constant 0 : i32
      %dma_wait3A_2186 = tpu.memref_slice %arg3[%squeeze3A_1341, %dma_wait3A_2185] : memref<1000000x32xf32, #tpu.memory_space<hbm>> -> memref<1x32xf32, #tpu.memory_space<hbm>>
      %dma_wait3A_2187 = tpu.memref_squeeze %dma_wait3A_2186 : memref<1x32xf32, #tpu.memory_space<hbm>> -> memref<32xf32, #tpu.memory_space<hbm>>
      tpu.wait_dma2 semaphore(%arg12 : memref<!tpu.dma_semaphore, #tpu.memory_space<semaphore_mem>>) src(%dma_wait3A_2187 : memref<32xf32, #tpu.memory_space<hbm>>) dst(%dma_wait3A_2184 : memref<32xf32, #tpu.memory_space<vmem>>)
      %dma_wait3A_2188 = arith.constant 31 : i32
      %dma_wait3A_2189 = arith.constant 0 : i32
      %dma_wait3A_2190 = tpu.memref_slice %arg10[%dma_wait3A_2188, %dma_wait3A_2189] : memref<32x32xf32, #tpu.memory_space<vmem>> -> memref<1x32xf32, #tpu.memory_space<vmem>>
      %dma_wait3A_2191 = tpu.memref_squeeze %dma_wait3A_2190 : memref<1x32xf32, #tpu.memory_space<vmem>> -> memref<32xf32, #tpu.memory_space<vmem>>
      %dma_wait3A_2192 = arith.constant 0 : i32
      %dma_wait3A_2193 = tpu.memref_slice %arg4[%squeeze3A_1356, %dma_wait3A_2192] : memref<1000000x32xf32, #tpu.memory_space<hbm>> -> memref<1x32xf32, #tpu.memory_space<hbm>>
      %dma_wait3A_2194 = tpu.memref_squeeze %dma_wait3A_2193 : memref<1x32xf32, #tpu.memory_space<hbm>> -> memref<32xf32, #tpu.memory_space<hbm>>
      %dma_wait3A_2195 = arith.constant 0 : i32
      %dma_wait3A_2196 = tpu.memref_slice %arg10[%dma_wait3A_2188, %dma_wait3A_2195] : memref<32x32xf32, #tpu.memory_space<vmem>> -> memref<1x32xf32, #tpu.memory_space<vmem>>
      %dma_wait3A_2197 = tpu.memref_squeeze %dma_wait3A_2196 : memref<1x32xf32, #tpu.memory_space<vmem>> -> memref<32xf32, #tpu.memory_space<vmem>>
      %dma_wait3A_2198 = arith.constant 0 : i32
      %dma_wait3A_2199 = tpu.memref_slice %arg4[%squeeze3A_1356, %dma_wait3A_2198] : memref<1000000x32xf32, #tpu.memory_space<hbm>> -> memref<1x32xf32, #tpu.memory_space<hbm>>
      %dma_wait3A_2200 = tpu.memref_squeeze %dma_wait3A_2199 : memref<1x32xf32, #tpu.memory_space<hbm>> -> memref<32xf32, #tpu.memory_space<hbm>>
      tpu.wait_dma2 semaphore(%arg12 : memref<!tpu.dma_semaphore, #tpu.memory_space<semaphore_mem>>) src(%dma_wait3A_2200 : memref<32xf32, #tpu.memory_space<hbm>>) dst(%dma_wait3A_2197 : memref<32xf32, #tpu.memory_space<vmem>>)
      %get3A_2201 = arith.constant 0 : i32
      %get3A_2202 = arith.index_cast %get3A_2201 : i32 to index
      %get3A_2203 = arith.constant 0 : index
      %get3A_2204 = tpu.vector_load %arg9[%get3A_2202, %get3A_2203] {strides = array<i32>} : memref<32x32xf32, #tpu.memory_space<vmem>>, vector<16xf32>,
      %get3A_2205 = arith.constant 0 : i32
      %get3A_2206 = arith.index_cast %get3A_2205 : i32 to index
      %get3A_2207 = arith.constant 0 : index
      %get3A_2208 = tpu.vector_load %arg10[%get3A_2206, %get3A_2207] {strides = array<i32>} : memref<32x32xf32, #tpu.memory_space<vmem>>, vector<16xf32>,
      %mul3A_2209 = arith.mulf %get3A_2204, %get3A_2208 : vector<16xf32>
      %get3A_2210 = arith.constant 0 : i32
      %get3A_2211 = arith.index_cast %get3A_2210 : i32 to index
      %get3A_2212 = arith.constant 16 : index
      %get3A_2213 = tpu.vector_load %arg9[%get3A_2211, %get3A_2212] {strides = array<i32>} : memref<32x32xf32, #tpu.memory_space<vmem>>, vector<16xf32>,
      %get3A_2214 = arith.constant 0 : i32
      %get3A_2215 = arith.index_cast %get3A_2214 : i32 to index
      %get3A_2216 = arith.constant 16 : index
      %get3A_2217 = tpu.vector_load %arg10[%get3A_2215, %get3A_2216] {strides = array<i32>} : memref<32x32xf32, #tpu.memory_space<vmem>>, vector<16xf32>,
      %mul3A_2218 = arith.mulf %get3A_2213, %get3A_2217 : vector<16xf32>
      %add3A_2219 = arith.addf %mul3A_2209, %mul3A_2218 : vector<16xf32>
      %get3A_2220 = arith.constant 1 : i32
      %get3A_2221 = arith.index_cast %get3A_2220 : i32 to index
      %get3A_2222 = arith.constant 0 : index
      %get3A_2223 = tpu.vector_load %arg9[%get3A_2221, %get3A_2222] {strides = array<i32>} : memref<32x32xf32, #tpu.memory_space<vmem>>, vector<16xf32>,
      %get3A_2224 = arith.constant 1 : i32
      %get3A_2225 = arith.index_cast %get3A_2224 : i32 to index
      %get3A_2226 = arith.constant 0 : index
      %get3A_2227 = tpu.vector_load %arg10[%get3A_2225, %get3A_2226] {strides = array<i32>} : memref<32x32xf32, #tpu.memory_space<vmem>>, vector<16xf32>,
      %mul3A_2228 = arith.mulf %get3A_2223, %get3A_2227 : vector<16xf32>
      %get3A_2229 = arith.constant 1 : i32
      %get3A_2230 = arith.index_cast %get3A_2229 : i32 to index
      %get3A_2231 = arith.constant 16 : index
      %get3A_2232 = tpu.vector_load %arg9[%get3A_2230, %get3A_2231] {strides = array<i32>} : memref<32x32xf32, #tpu.memory_space<vmem>>, vector<16xf32>,
      %get3A_2233 = arith.constant 1 : i32
      %get3A_2234 = arith.index_cast %get3A_2233 : i32 to index
      %get3A_2235 = arith.constant 16 : index
      %get3A_2236 = tpu.vector_load %arg10[%get3A_2234, %get3A_2235] {strides = array<i32>} : memref<32x32xf32, #tpu.memory_space<vmem>>, vector<16xf32>,
      %mul3A_2237 = arith.mulf %get3A_2232, %get3A_2236 : vector<16xf32>
      %add3A_2238 = arith.addf %mul3A_2228, %mul3A_2237 : vector<16xf32>
      %get3A_2239 = arith.constant 2 : i32
      %get3A_2240 = arith.index_cast %get3A_2239 : i32 to index
      %get3A_2241 = arith.constant 0 : index
      %get3A_2242 = tpu.vector_load %arg9[%get3A_2240, %get3A_2241] {strides = array<i32>} : memref<32x32xf32, #tpu.memory_space<vmem>>, vector<16xf32>,
      %get3A_2243 = arith.constant 2 : i32
      %get3A_2244 = arith.index_cast %get3A_2243 : i32 to index
      %get3A_2245 = arith.constant 0 : index
      %get3A_2246 = tpu.vector_load %arg10[%get3A_2244, %get3A_2245] {strides = array<i32>} : memref<32x32xf32, #tpu.memory_space<vmem>>, vector<16xf32>,
      %mul3A_2247 = arith.mulf %get3A_2242, %get3A_2246 : vector<16xf32>
      %get3A_2248 = arith.constant 2 : i32
      %get3A_2249 = arith.index_cast %get3A_2248 : i32 to index
      %get3A_2250 = arith.constant 16 : index
      %get3A_2251 = tpu.vector_load %arg9[%get3A_2249, %get3A_2250] {strides = array<i32>} : memref<32x32xf32, #tpu.memory_space<vmem>>, vector<16xf32>,
      %get3A_2252 = arith.constant 2 : i32
      %get3A_2253 = arith.index_cast %get3A_2252 : i32 to index
      %get3A_2254 = arith.constant 16 : index
      %get3A_2255 = tpu.vector_load %arg10[%get3A_2253, %get3A_2254] {strides = array<i32>} : memref<32x32xf32, #tpu.memory_space<vmem>>, vector<16xf32>,
      %mul3A_2256 = arith.mulf %get3A_2251, %get3A_2255 : vector<16xf32>
      %add3A_2257 = arith.addf %mul3A_2247, %mul3A_2256 : vector<16xf32>
      %get3A_2258 = arith.constant 3 : i32
      %get3A_2259 = arith.index_cast %get3A_2258 : i32 to index
      %get3A_2260 = arith.constant 0 : index
      %get3A_2261 = tpu.vector_load %arg9[%get3A_2259, %get3A_2260] {strides = array<i32>} : memref<32x32xf32, #tpu.memory_space<vmem>>, vector<16xf32>,
      %get3A_2262 = arith.constant 3 : i32
      %get3A_2263 = arith.index_cast %get3A_2262 : i32 to index
      %get3A_2264 = arith.constant 0 : index
      %get3A_2265 = tpu.vector_load %arg10[%get3A_2263, %get3A_2264] {strides = array<i32>} : memref<32x32xf32, #tpu.memory_space<vmem>>, vector<16xf32>,
      %mul3A_2266 = arith.mulf %get3A_2261, %get3A_2265 : vector<16xf32>
      %get3A_2267 = arith.constant 3 : i32
      %get3A_2268 = arith.index_cast %get3A_2267 : i32 to index
      %get3A_2269 = arith.constant 16 : index
      %get3A_2270 = tpu.vector_load %arg9[%get3A_2268, %get3A_2269] {strides = array<i32>} : memref<32x32xf32, #tpu.memory_space<vmem>>, vector<16xf32>,
      %get3A_2271 = arith.constant 3 : i32
      %get3A_2272 = arith.index_cast %get3A_2271 : i32 to index
      %get3A_2273 = arith.constant 16 : index
      %get3A_2274 = tpu.vector_load %arg10[%get3A_2272, %get3A_2273] {strides = array<i32>} : memref<32x32xf32, #tpu.memory_space<vmem>>, vector<16xf32>,
      %mul3A_2275 = arith.mulf %get3A_2270, %get3A_2274 : vector<16xf32>
      %add3A_2276 = arith.addf %mul3A_2266, %mul3A_2275 : vector<16xf32>
      %get3A_2277 = arith.constant 4 : i32
      %get3A_2278 = arith.index_cast %get3A_2277 : i32 to index
      %get3A_2279 = arith.constant 0 : index
      %get3A_2280 = tpu.vector_load %arg9[%get3A_2278, %get3A_2279] {strides = array<i32>} : memref<32x32xf32, #tpu.memory_space<vmem>>, vector<16xf32>,
      %get3A_2281 = arith.constant 4 : i32
      %get3A_2282 = arith.index_cast %get3A_2281 : i32 to index
      %get3A_2283 = arith.constant 0 : index
      %get3A_2284 = tpu.vector_load %arg10[%get3A_2282, %get3A_2283] {strides = array<i32>} : memref<32x32xf32, #tpu.memory_space<vmem>>, vector<16xf32>,
      %mul3A_2285 = arith.mulf %get3A_2280, %get3A_2284 : vector<16xf32>
      %get3A_2286 = arith.constant 4 : i32
      %get3A_2287 = arith.index_cast %get3A_2286 : i32 to index
      %get3A_2288 = arith.constant 16 : index
      %get3A_2289 = tpu.vector_load %arg9[%get3A_2287, %get3A_2288] {strides = array<i32>} : memref<32x32xf32, #tpu.memory_space<vmem>>, vector<16xf32>,
      %get3A_2290 = arith.constant 4 : i32
      %get3A_2291 = arith.index_cast %get3A_2290 : i32 to index
      %get3A_2292 = arith.constant 16 : index
      %get3A_2293 = tpu.vector_load %arg10[%get3A_2291, %get3A_2292] {strides = array<i32>} : memref<32x32xf32, #tpu.memory_space<vmem>>, vector<16xf32>,
      %mul3A_2294 = arith.mulf %get3A_2289, %get3A_2293 : vector<16xf32>
      %add3A_2295 = arith.addf %mul3A_2285, %mul3A_2294 : vector<16xf32>
      %get3A_2296 = arith.constant 5 : i32
      %get3A_2297 = arith.index_cast %get3A_2296 : i32 to index
      %get3A_2298 = arith.constant 0 : index
      %get3A_2299 = tpu.vector_load %arg9[%get3A_2297, %get3A_2298] {strides = array<i32>} : memref<32x32xf32, #tpu.memory_space<vmem>>, vector<16xf32>,
      %get3A_2300 = arith.constant 5 : i32
      %get3A_2301 = arith.index_cast %get3A_2300 : i32 to index
      %get3A_2302 = arith.constant 0 : index
      %get3A_2303 = tpu.vector_load %arg10[%get3A_2301, %get3A_2302] {strides = array<i32>} : memref<32x32xf32, #tpu.memory_space<vmem>>, vector<16xf32>,
      %mul3A_2304 = arith.mulf %get3A_2299, %get3A_2303 : vector<16xf32>
      %get3A_2305 = arith.constant 5 : i32
      %get3A_2306 = arith.index_cast %get3A_2305 : i32 to index
      %get3A_2307 = arith.constant 16 : index
      %get3A_2308 = tpu.vector_load %arg9[%get3A_2306, %get3A_2307] {strides = array<i32>} : memref<32x32xf32, #tpu.memory_space<vmem>>, vector<16xf32>,
      %get3A_2309 = arith.constant 5 : i32
      %get3A_2310 = arith.index_cast %get3A_2309 : i32 to index
      %get3A_2311 = arith.constant 16 : index
      %get3A_2312 = tpu.vector_load %arg10[%get3A_2310, %get3A_2311] {strides = array<i32>} : memref<32x32xf32, #tpu.memory_space<vmem>>, vector<16xf32>,
      %mul3A_2313 = arith.mulf %get3A_2308, %get3A_2312 : vector<16xf32>
      %add3A_2314 = arith.addf %mul3A_2304, %mul3A_2313 : vector<16xf32>
      %get3A_2315 = arith.constant 6 : i32
      %get3A_2316 = arith.index_cast %get3A_2315 : i32 to index
      %get3A_2317 = arith.constant 0 : index
      %get3A_2318 = tpu.vector_load %arg9[%get3A_2316, %get3A_2317] {strides = array<i32>} : memref<32x32xf32, #tpu.memory_space<vmem>>, vector<16xf32>,
      %get3A_2319 = arith.constant 6 : i32
      %get3A_2320 = arith.index_cast %get3A_2319 : i32 to index
      %get3A_2321 = arith.constant 0 : index
      %get3A_2322 = tpu.vector_load %arg10[%get3A_2320, %get3A_2321] {strides = array<i32>} : memref<32x32xf32, #tpu.memory_space<vmem>>, vector<16xf32>,
      %mul3A_2323 = arith.mulf %get3A_2318, %get3A_2322 : vector<16xf32>
      %get3A_2324 = arith.constant 6 : i32
      %get3A_2325 = arith.index_cast %get3A_2324 : i32 to index
      %get3A_2326 = arith.constant 16 : index
      %get3A_2327 = tpu.vector_load %arg9[%get3A_2325, %get3A_2326] {strides = array<i32>} : memref<32x32xf32, #tpu.memory_space<vmem>>, vector<16xf32>,
      %get3A_2328 = arith.constant 6 : i32
      %get3A_2329 = arith.index_cast %get3A_2328 : i32 to index
      %get3A_2330 = arith.constant 16 : index
      %get3A_2331 = tpu.vector_load %arg10[%get3A_2329, %get3A_2330] {strides = array<i32>} : memref<32x32xf32, #tpu.memory_space<vmem>>, vector<16xf32>,
      %mul3A_2332 = arith.mulf %get3A_2327, %get3A_2331 : vector<16xf32>
      %add3A_2333 = arith.addf %mul3A_2323, %mul3A_2332 : vector<16xf32>
      %get3A_2334 = arith.constant 7 : i32
      %get3A_2335 = arith.index_cast %get3A_2334 : i32 to index
      %get3A_2336 = arith.constant 0 : index
      %get3A_2337 = tpu.vector_load %arg9[%get3A_2335, %get3A_2336] {strides = array<i32>} : memref<32x32xf32, #tpu.memory_space<vmem>>, vector<16xf32>,
      %get3A_2338 = arith.constant 7 : i32
      %get3A_2339 = arith.index_cast %get3A_2338 : i32 to index
      %get3A_2340 = arith.constant 0 : index
      %get3A_2341 = tpu.vector_load %arg10[%get3A_2339, %get3A_2340] {strides = array<i32>} : memref<32x32xf32, #tpu.memory_space<vmem>>, vector<16xf32>,
      %mul3A_2342 = arith.mulf %get3A_2337, %get3A_2341 : vector<16xf32>
      %get3A_2343 = arith.constant 7 : i32
      %get3A_2344 = arith.index_cast %get3A_2343 : i32 to index
      %get3A_2345 = arith.constant 16 : index
      %get3A_2346 = tpu.vector_load %arg9[%get3A_2344, %get3A_2345] {strides = array<i32>} : memref<32x32xf32, #tpu.memory_space<vmem>>, vector<16xf32>,
      %get3A_2347 = arith.constant 7 : i32
      %get3A_2348 = arith.index_cast %get3A_2347 : i32 to index
      %get3A_2349 = arith.constant 16 : index
      %get3A_2350 = tpu.vector_load %arg10[%get3A_2348, %get3A_2349] {strides = array<i32>} : memref<32x32xf32, #tpu.memory_space<vmem>>, vector<16xf32>,
      %mul3A_2351 = arith.mulf %get3A_2346, %get3A_2350 : vector<16xf32>
      %add3A_2352 = arith.addf %mul3A_2342, %mul3A_2351 : vector<16xf32>
      %get3A_2353 = arith.constant 8 : i32
      %get3A_2354 = arith.index_cast %get3A_2353 : i32 to index
      %get3A_2355 = arith.constant 0 : index
      %get3A_2356 = tpu.vector_load %arg9[%get3A_2354, %get3A_2355] {strides = array<i32>} : memref<32x32xf32, #tpu.memory_space<vmem>>, vector<16xf32>,
      %get3A_2357 = arith.constant 8 : i32
      %get3A_2358 = arith.index_cast %get3A_2357 : i32 to index
      %get3A_2359 = arith.constant 0 : index
      %get3A_2360 = tpu.vector_load %arg10[%get3A_2358, %get3A_2359] {strides = array<i32>} : memref<32x32xf32, #tpu.memory_space<vmem>>, vector<16xf32>,
      %mul3A_2361 = arith.mulf %get3A_2356, %get3A_2360 : vector<16xf32>
      %get3A_2362 = arith.constant 8 : i32
      %get3A_2363 = arith.index_cast %get3A_2362 : i32 to index
      %get3A_2364 = arith.constant 16 : index
      %get3A_2365 = tpu.vector_load %arg9[%get3A_2363, %get3A_2364] {strides = array<i32>} : memref<32x32xf32, #tpu.memory_space<vmem>>, vector<16xf32>,
      %get3A_2366 = arith.constant 8 : i32
      %get3A_2367 = arith.index_cast %get3A_2366 : i32 to index
      %get3A_2368 = arith.constant 16 : index
      %get3A_2369 = tpu.vector_load %arg10[%get3A_2367, %get3A_2368] {strides = array<i32>} : memref<32x32xf32, #tpu.memory_space<vmem>>, vector<16xf32>,
      %mul3A_2370 = arith.mulf %get3A_2365, %get3A_2369 : vector<16xf32>
      %add3A_2371 = arith.addf %mul3A_2361, %mul3A_2370 : vector<16xf32>
      %get3A_2372 = arith.constant 9 : i32
      %get3A_2373 = arith.index_cast %get3A_2372 : i32 to index
      %get3A_2374 = arith.constant 0 : index
      %get3A_2375 = tpu.vector_load %arg9[%get3A_2373, %get3A_2374] {strides = array<i32>} : memref<32x32xf32, #tpu.memory_space<vmem>>, vector<16xf32>,
      %get3A_2376 = arith.constant 9 : i32
      %get3A_2377 = arith.index_cast %get3A_2376 : i32 to index
      %get3A_2378 = arith.constant 0 : index
      %get3A_2379 = tpu.vector_load %arg10[%get3A_2377, %get3A_2378] {strides = array<i32>} : memref<32x32xf32, #tpu.memory_space<vmem>>, vector<16xf32>,
      %mul3A_2380 = arith.mulf %get3A_2375, %get3A_2379 : vector<16xf32>
      %get3A_2381 = arith.constant 9 : i32
      %get3A_2382 = arith.index_cast %get3A_2381 : i32 to index
      %get3A_2383 = arith.constant 16 : index
      %get3A_2384 = tpu.vector_load %arg9[%get3A_2382, %get3A_2383] {strides = array<i32>} : memref<32x32xf32, #tpu.memory_space<vmem>>, vector<16xf32>,
      %get3A_2385 = arith.constant 9 : i32
      %get3A_2386 = arith.index_cast %get3A_2385 : i32 to index
      %get3A_2387 = arith.constant 16 : index
      %get3A_2388 = tpu.vector_load %arg10[%get3A_2386, %get3A_2387] {strides = array<i32>} : memref<32x32xf32, #tpu.memory_space<vmem>>, vector<16xf32>,
      %mul3A_2389 = arith.mulf %get3A_2384, %get3A_2388 : vector<16xf32>
      %add3A_2390 = arith.addf %mul3A_2380, %mul3A_2389 : vector<16xf32>
      %get3A_2391 = arith.constant 10 : i32
      %get3A_2392 = arith.index_cast %get3A_2391 : i32 to index
      %get3A_2393 = arith.constant 0 : index
      %get3A_2394 = tpu.vector_load %arg9[%get3A_2392, %get3A_2393] {strides = array<i32>} : memref<32x32xf32, #tpu.memory_space<vmem>>, vector<16xf32>,
      %get3A_2395 = arith.constant 10 : i32
      %get3A_2396 = arith.index_cast %get3A_2395 : i32 to index
      %get3A_2397 = arith.constant 0 : index
      %get3A_2398 = tpu.vector_load %arg10[%get3A_2396, %get3A_2397] {strides = array<i32>} : memref<32x32xf32, #tpu.memory_space<vmem>>, vector<16xf32>,
      %mul3A_2399 = arith.mulf %get3A_2394, %get3A_2398 : vector<16xf32>
      %get3A_2400 = arith.constant 10 : i32
      %get3A_2401 = arith.index_cast %get3A_2400 : i32 to index
      %get3A_2402 = arith.constant 16 : index
      %get3A_2403 = tpu.vector_load %arg9[%get3A_2401, %get3A_2402] {strides = array<i32>} : memref<32x32xf32, #tpu.memory_space<vmem>>, vector<16xf32>,
      %get3A_2404 = arith.constant 10 : i32
      %get3A_2405 = arith.index_cast %get3A_2404 : i32 to index
      %get3A_2406 = arith.constant 16 : index
      %get3A_2407 = tpu.vector_load %arg10[%get3A_2405, %get3A_2406] {strides = array<i32>} : memref<32x32xf32, #tpu.memory_space<vmem>>, vector<16xf32>,
      %mul3A_2408 = arith.mulf %get3A_2403, %get3A_2407 : vector<16xf32>
      %add3A_2409 = arith.addf %mul3A_2399, %mul3A_2408 : vector<16xf32>
      %get3A_2410 = arith.constant 11 : i32
      %get3A_2411 = arith.index_cast %get3A_2410 : i32 to index
      %get3A_2412 = arith.constant 0 : index
      %get3A_2413 = tpu.vector_load %arg9[%get3A_2411, %get3A_2412] {strides = array<i32>} : memref<32x32xf32, #tpu.memory_space<vmem>>, vector<16xf32>,
      %get3A_2414 = arith.constant 11 : i32
      %get3A_2415 = arith.index_cast %get3A_2414 : i32 to index
      %get3A_2416 = arith.constant 0 : index
      %get3A_2417 = tpu.vector_load %arg10[%get3A_2415, %get3A_2416] {strides = array<i32>} : memref<32x32xf32, #tpu.memory_space<vmem>>, vector<16xf32>,
      %mul3A_2418 = arith.mulf %get3A_2413, %get3A_2417 : vector<16xf32>
      %get3A_2419 = arith.constant 11 : i32
      %get3A_2420 = arith.index_cast %get3A_2419 : i32 to index
      %get3A_2421 = arith.constant 16 : index
      %get3A_2422 = tpu.vector_load %arg9[%get3A_2420, %get3A_2421] {strides = array<i32>} : memref<32x32xf32, #tpu.memory_space<vmem>>, vector<16xf32>,
      %get3A_2423 = arith.constant 11 : i32
      %get3A_2424 = arith.index_cast %get3A_2423 : i32 to index
      %get3A_2425 = arith.constant 16 : index
      %get3A_2426 = tpu.vector_load %arg10[%get3A_2424, %get3A_2425] {strides = array<i32>} : memref<32x32xf32, #tpu.memory_space<vmem>>, vector<16xf32>,
      %mul3A_2427 = arith.mulf %get3A_2422, %get3A_2426 : vector<16xf32>
      %add3A_2428 = arith.addf %mul3A_2418, %mul3A_2427 : vector<16xf32>
      %get3A_2429 = arith.constant 12 : i32
      %get3A_2430 = arith.index_cast %get3A_2429 : i32 to index
      %get3A_2431 = arith.constant 0 : index
      %get3A_2432 = tpu.vector_load %arg9[%get3A_2430, %get3A_2431] {strides = array<i32>} : memref<32x32xf32, #tpu.memory_space<vmem>>, vector<16xf32>,
      %get3A_2433 = arith.constant 12 : i32
      %get3A_2434 = arith.index_cast %get3A_2433 : i32 to index
      %get3A_2435 = arith.constant 0 : index
      %get3A_2436 = tpu.vector_load %arg10[%get3A_2434, %get3A_2435] {strides = array<i32>} : memref<32x32xf32, #tpu.memory_space<vmem>>, vector<16xf32>,
      %mul3A_2437 = arith.mulf %get3A_2432, %get3A_2436 : vector<16xf32>
      %get3A_2438 = arith.constant 12 : i32
      %get3A_2439 = arith.index_cast %get3A_2438 : i32 to index
      %get3A_2440 = arith.constant 16 : index
      %get3A_2441 = tpu.vector_load %arg9[%get3A_2439, %get3A_2440] {strides = array<i32>} : memref<32x32xf32, #tpu.memory_space<vmem>>, vector<16xf32>,
      %get3A_2442 = arith.constant 12 : i32
      %get3A_2443 = arith.index_cast %get3A_2442 : i32 to index
      %get3A_2444 = arith.constant 16 : index
      %get3A_2445 = tpu.vector_load %arg10[%get3A_2443, %get3A_2444] {strides = array<i32>} : memref<32x32xf32, #tpu.memory_space<vmem>>, vector<16xf32>,
      %mul3A_2446 = arith.mulf %get3A_2441, %get3A_2445 : vector<16xf32>
      %add3A_2447 = arith.addf %mul3A_2437, %mul3A_2446 : vector<16xf32>
      %get3A_2448 = arith.constant 13 : i32
      %get3A_2449 = arith.index_cast %get3A_2448 : i32 to index
      %get3A_2450 = arith.constant 0 : index
      %get3A_2451 = tpu.vector_load %arg9[%get3A_2449, %get3A_2450] {strides = array<i32>} : memref<32x32xf32, #tpu.memory_space<vmem>>, vector<16xf32>,
      %get3A_2452 = arith.constant 13 : i32
      %get3A_2453 = arith.index_cast %get3A_2452 : i32 to index
      %get3A_2454 = arith.constant 0 : index
      %get3A_2455 = tpu.vector_load %arg10[%get3A_2453, %get3A_2454] {strides = array<i32>} : memref<32x32xf32, #tpu.memory_space<vmem>>, vector<16xf32>,
      %mul3A_2456 = arith.mulf %get3A_2451, %get3A_2455 : vector<16xf32>
      %get3A_2457 = arith.constant 13 : i32
      %get3A_2458 = arith.index_cast %get3A_2457 : i32 to index
      %get3A_2459 = arith.constant 16 : index
      %get3A_2460 = tpu.vector_load %arg9[%get3A_2458, %get3A_2459] {strides = array<i32>} : memref<32x32xf32, #tpu.memory_space<vmem>>, vector<16xf32>,
      %get3A_2461 = arith.constant 13 : i32
      %get3A_2462 = arith.index_cast %get3A_2461 : i32 to index
      %get3A_2463 = arith.constant 16 : index
      %get3A_2464 = tpu.vector_load %arg10[%get3A_2462, %get3A_2463] {strides = array<i32>} : memref<32x32xf32, #tpu.memory_space<vmem>>, vector<16xf32>,
      %mul3A_2465 = arith.mulf %get3A_2460, %get3A_2464 : vector<16xf32>
      %add3A_2466 = arith.addf %mul3A_2456, %mul3A_2465 : vector<16xf32>
      %get3A_2467 = arith.constant 14 : i32
      %get3A_2468 = arith.index_cast %get3A_2467 : i32 to index
      %get3A_2469 = arith.constant 0 : index
      %get3A_2470 = tpu.vector_load %arg9[%get3A_2468, %get3A_2469] {strides = array<i32>} : memref<32x32xf32, #tpu.memory_space<vmem>>, vector<16xf32>,
      %get3A_2471 = arith.constant 14 : i32
      %get3A_2472 = arith.index_cast %get3A_2471 : i32 to index
      %get3A_2473 = arith.constant 0 : index
      %get3A_2474 = tpu.vector_load %arg10[%get3A_2472, %get3A_2473] {strides = array<i32>} : memref<32x32xf32, #tpu.memory_space<vmem>>, vector<16xf32>,
      %mul3A_2475 = arith.mulf %get3A_2470, %get3A_2474 : vector<16xf32>
      %get3A_2476 = arith.constant 14 : i32
      %get3A_2477 = arith.index_cast %get3A_2476 : i32 to index
      %get3A_2478 = arith.constant 16 : index
      %get3A_2479 = tpu.vector_load %arg9[%get3A_2477, %get3A_2478] {strides = array<i32>} : memref<32x32xf32, #tpu.memory_space<vmem>>, vector<16xf32>,
      %get3A_2480 = arith.constant 14 : i32
      %get3A_2481 = arith.index_cast %get3A_2480 : i32 to index
      %get3A_2482 = arith.constant 16 : index
      %get3A_2483 = tpu.vector_load %arg10[%get3A_2481, %get3A_2482] {strides = array<i32>} : memref<32x32xf32, #tpu.memory_space<vmem>>, vector<16xf32>,
      %mul3A_2484 = arith.mulf %get3A_2479, %get3A_2483 : vector<16xf32>
      %add3A_2485 = arith.addf %mul3A_2475, %mul3A_2484 : vector<16xf32>
      %get3A_2486 = arith.constant 15 : i32
      %get3A_2487 = arith.index_cast %get3A_2486 : i32 to index
      %get3A_2488 = arith.constant 0 : index
      %get3A_2489 = tpu.vector_load %arg9[%get3A_2487, %get3A_2488] {strides = array<i32>} : memref<32x32xf32, #tpu.memory_space<vmem>>, vector<16xf32>,
      %get3A_2490 = arith.constant 15 : i32
      %get3A_2491 = arith.index_cast %get3A_2490 : i32 to index
      %get3A_2492 = arith.constant 0 : index
      %get3A_2493 = tpu.vector_load %arg10[%get3A_2491, %get3A_2492] {strides = array<i32>} : memref<32x32xf32, #tpu.memory_space<vmem>>, vector<16xf32>,
      %mul3A_2494 = arith.mulf %get3A_2489, %get3A_2493 : vector<16xf32>
      %get3A_2495 = arith.constant 15 : i32
      %get3A_2496 = arith.index_cast %get3A_2495 : i32 to index
      %get3A_2497 = arith.constant 16 : index
      %get3A_2498 = tpu.vector_load %arg9[%get3A_2496, %get3A_2497] {strides = array<i32>} : memref<32x32xf32, #tpu.memory_space<vmem>>, vector<16xf32>,
      %get3A_2499 = arith.constant 15 : i32
      %get3A_2500 = arith.index_cast %get3A_2499 : i32 to index
      %get3A_2501 = arith.constant 16 : index
      %get3A_2502 = tpu.vector_load %arg10[%get3A_2500, %get3A_2501] {strides = array<i32>} : memref<32x32xf32, #tpu.memory_space<vmem>>, vector<16xf32>,
      %mul3A_2503 = arith.mulf %get3A_2498, %get3A_2502 : vector<16xf32>
      %add3A_2504 = arith.addf %mul3A_2494, %mul3A_2503 : vector<16xf32>
      %broadcast_in_dim3A = arith.constant 8 : i32
      %broadcast_in_dim3A_2505 = vector.broadcast %broadcast_in_dim3A : i32 to vector<16xi32>
      %xor3A = arith.xori %iota3A, %broadcast_in_dim3A_2505 : vector<16xi32>
      %and3A = arith.andi %iota3A, %broadcast_in_dim3A_2505 : vector<16xi32>
      %broadcast_in_dim3A_2506 = arith.constant 0 : i32
      %broadcast_in_dim3A_2507 = vector.broadcast %broadcast_in_dim3A_2506 : i32 to vector<16xi32>
      %eq3A = arith.cmpi eq, %and3A, %broadcast_in_dim3A_2507 : vector<16xi32>
      %broadcast_in_dim3A_2508 = vector.shape_cast %xor3A : vector<16xi32> to vector<16x1xi32>
      %gather3A_2509 = vector.shape_cast %broadcast_in_dim3A_2508 : vector<16x1xi32> to vector<16xi32>
      %gather3A_2510 = tpu.dynamic_gather %add3A_2219[%gather3A_2509] in [0] : vector<16xf32>, vector<16xi32> -> vector<16xf32>
      %add3A_2511 = arith.addf %add3A_2219, %gather3A_2510 : vector<16xf32>
      %broadcast_in_dim3A_2512 = vector.shape_cast %xor3A : vector<16xi32> to vector<16x1xi32>
      %gather3A_2513 = vector.shape_cast %broadcast_in_dim3A_2512 : vector<16x1xi32> to vector<16xi32>
      %gather3A_2514 = tpu.dynamic_gather %add3A_2371[%gather3A_2513] in [0] : vector<16xf32>, vector<16xi32> -> vector<16xf32>
      %add3A_2515 = arith.addf %add3A_2371, %gather3A_2514 : vector<16xf32>
      %select_n3A = arith.select %eq3A, %add3A_2511, %add3A_2515 : vector<16xi1>, vector<16xf32>
      %broadcast_in_dim3A_2516 = vector.shape_cast %xor3A : vector<16xi32> to vector<16x1xi32>
      %gather3A_2517 = vector.shape_cast %broadcast_in_dim3A_2516 : vector<16x1xi32> to vector<16xi32>
      %gather3A_2518 = tpu.dynamic_gather %add3A_2295[%gather3A_2517] in [0] : vector<16xf32>, vector<16xi32> -> vector<16xf32>
      %add3A_2519 = arith.addf %add3A_2295, %gather3A_2518 : vector<16xf32>
      %broadcast_in_dim3A_2520 = vector.shape_cast %xor3A : vector<16xi32> to vector<16x1xi32>
      %gather3A_2521 = vector.shape_cast %broadcast_in_dim3A_2520 : vector<16x1xi32> to vector<16xi32>
      %gather3A_2522 = tpu.dynamic_gather %add3A_2447[%gather3A_2521] in [0] : vector<16xf32>, vector<16xi32> -> vector<16xf32>
      %add3A_2523 = arith.addf %add3A_2447, %gather3A_2522 : vector<16xf32>
      %select_n3A_2524 = arith.select %eq3A, %add3A_2519, %add3A_2523 : vector<16xi1>, vector<16xf32>
      %broadcast_in_dim3A_2525 = vector.shape_cast %xor3A : vector<16xi32> to vector<16x1xi32>
      %gather3A_2526 = vector.shape_cast %broadcast_in_dim3A_2525 : vector<16x1xi32> to vector<16xi32>
      %gather3A_2527 = tpu.dynamic_gather %add3A_2257[%gather3A_2526] in [0] : vector<16xf32>, vector<16xi32> -> vector<16xf32>
      %add3A_2528 = arith.addf %add3A_2257, %gather3A_2527 : vector<16xf32>
      %broadcast_in_dim3A_2529 = vector.shape_cast %xor3A : vector<16xi32> to vector<16x1xi32>
      %gather3A_2530 = vector.shape_cast %broadcast_in_dim3A_2529 : vector<16x1xi32> to vector<16xi32>
      %gather3A_2531 = tpu.dynamic_gather %add3A_2409[%gather3A_2530] in [0] : vector<16xf32>, vector<16xi32> -> vector<16xf32>
      %add3A_2532 = arith.addf %add3A_2409, %gather3A_2531 : vector<16xf32>
      %select_n3A_2533 = arith.select %eq3A, %add3A_2528, %add3A_2532 : vector<16xi1>, vector<16xf32>
      %broadcast_in_dim3A_2534 = vector.shape_cast %xor3A : vector<16xi32> to vector<16x1xi32>
      %gather3A_2535 = vector.shape_cast %broadcast_in_dim3A_2534 : vector<16x1xi32> to vector<16xi32>
      %gather3A_2536 = tpu.dynamic_gather %add3A_2333[%gather3A_2535] in [0] : vector<16xf32>, vector<16xi32> -> vector<16xf32>
      %add3A_2537 = arith.addf %add3A_2333, %gather3A_2536 : vector<16xf32>
      %broadcast_in_dim3A_2538 = vector.shape_cast %xor3A : vector<16xi32> to vector<16x1xi32>
      %gather3A_2539 = vector.shape_cast %broadcast_in_dim3A_2538 : vector<16x1xi32> to vector<16xi32>
      %gather3A_2540 = tpu.dynamic_gather %add3A_2485[%gather3A_2539] in [0] : vector<16xf32>, vector<16xi32> -> vector<16xf32>
      %add3A_2541 = arith.addf %add3A_2485, %gather3A_2540 : vector<16xf32>
      %select_n3A_2542 = arith.select %eq3A, %add3A_2537, %add3A_2541 : vector<16xi1>, vector<16xf32>
      %broadcast_in_dim3A_2543 = vector.shape_cast %xor3A : vector<16xi32> to vector<16x1xi32>
      %gather3A_2544 = vector.shape_cast %broadcast_in_dim3A_2543 : vector<16x1xi32> to vector<16xi32>
      %gather3A_2545 = tpu.dynamic_gather %add3A_2238[%gather3A_2544] in [0] : vector<16xf32>, vector<16xi32> -> vector<16xf32>
      %add3A_2546 = arith.addf %add3A_2238, %gather3A_2545 : vector<16xf32>
      %broadcast_in_dim3A_2547 = vector.shape_cast %xor3A : vector<16xi32> to vector<16x1xi32>
      %gather3A_2548 = vector.shape_cast %broadcast_in_dim3A_2547 : vector<16x1xi32> to vector<16xi32>
      %gather3A_2549 = tpu.dynamic_gather %add3A_2390[%gather3A_2548] in [0] : vector<16xf32>, vector<16xi32> -> vector<16xf32>
      %add3A_2550 = arith.addf %add3A_2390, %gather3A_2549 : vector<16xf32>
      %select_n3A_2551 = arith.select %eq3A, %add3A_2546, %add3A_2550 : vector<16xi1>, vector<16xf32>
      %broadcast_in_dim3A_2552 = vector.shape_cast %xor3A : vector<16xi32> to vector<16x1xi32>
      %gather3A_2553 = vector.shape_cast %broadcast_in_dim3A_2552 : vector<16x1xi32> to vector<16xi32>
      %gather3A_2554 = tpu.dynamic_gather %add3A_2314[%gather3A_2553] in [0] : vector<16xf32>, vector<16xi32> -> vector<16xf32>
      %add3A_2555 = arith.addf %add3A_2314, %gather3A_2554 : vector<16xf32>
      %broadcast_in_dim3A_2556 = vector.shape_cast %xor3A : vector<16xi32> to vector<16x1xi32>
      %gather3A_2557 = vector.shape_cast %broadcast_in_dim3A_2556 : vector<16x1xi32> to vector<16xi32>
      %gather3A_2558 = tpu.dynamic_gather %add3A_2466[%gather3A_2557] in [0] : vector<16xf32>, vector<16xi32> -> vector<16xf32>
      %add3A_2559 = arith.addf %add3A_2466, %gather3A_2558 : vector<16xf32>
      %select_n3A_2560 = arith.select %eq3A, %add3A_2555, %add3A_2559 : vector<16xi1>, vector<16xf32>
      %broadcast_in_dim3A_2561 = vector.shape_cast %xor3A : vector<16xi32> to vector<16x1xi32>
      %gather3A_2562 = vector.shape_cast %broadcast_in_dim3A_2561 : vector<16x1xi32> to vector<16xi32>
      %gather3A_2563 = tpu.dynamic_gather %add3A_2276[%gather3A_2562] in [0] : vector<16xf32>, vector<16xi32> -> vector<16xf32>
      %add3A_2564 = arith.addf %add3A_2276, %gather3A_2563 : vector<16xf32>
      %broadcast_in_dim3A_2565 = vector.shape_cast %xor3A : vector<16xi32> to vector<16x1xi32>
      %gather3A_2566 = vector.shape_cast %broadcast_in_dim3A_2565 : vector<16x1xi32> to vector<16xi32>
      %gather3A_2567 = tpu.dynamic_gather %add3A_2428[%gather3A_2566] in [0] : vector<16xf32>, vector<16xi32> -> vector<16xf32>
      %add3A_2568 = arith.addf %add3A_2428, %gather3A_2567 : vector<16xf32>
      %select_n3A_2569 = arith.select %eq3A, %add3A_2564, %add3A_2568 : vector<16xi1>, vector<16xf32>
      %broadcast_in_dim3A_2570 = vector.shape_cast %xor3A : vector<16xi32> to vector<16x1xi32>
      %gather3A_2571 = vector.shape_cast %broadcast_in_dim3A_2570 : vector<16x1xi32> to vector<16xi32>
      %gather3A_2572 = tpu.dynamic_gather %add3A_2352[%gather3A_2571] in [0] : vector<16xf32>, vector<16xi32> -> vector<16xf32>
      %add3A_2573 = arith.addf %add3A_2352, %gather3A_2572 : vector<16xf32>
      %broadcast_in_dim3A_2574 = vector.shape_cast %xor3A : vector<16xi32> to vector<16x1xi32>
      %gather3A_2575 = vector.shape_cast %broadcast_in_dim3A_2574 : vector<16x1xi32> to vector<16xi32>
      %gather3A_2576 = tpu.dynamic_gather %add3A_2504[%gather3A_2575] in [0] : vector<16xf32>, vector<16xi32> -> vector<16xf32>
      %add3A_2577 = arith.addf %add3A_2504, %gather3A_2576 : vector<16xf32>
      %select_n3A_2578 = arith.select %eq3A, %add3A_2573, %add3A_2577 : vector<16xi1>, vector<16xf32>
      %broadcast_in_dim3A_2579 = arith.constant 4 : i32
      %broadcast_in_dim3A_2580 = vector.broadcast %broadcast_in_dim3A_2579 : i32 to vector<16xi32>
      %xor3A_2581 = arith.xori %iota3A, %broadcast_in_dim3A_2580 : vector<16xi32>
      %and3A_2582 = arith.andi %iota3A, %broadcast_in_dim3A_2580 : vector<16xi32>
      %broadcast_in_dim3A_2583 = arith.constant 0 : i32
      %broadcast_in_dim3A_2584 = vector.broadcast %broadcast_in_dim3A_2583 : i32 to vector<16xi32>
      %eq3A_2585 = arith.cmpi eq, %and3A_2582, %broadcast_in_dim3A_2584 : vector<16xi32>
      %broadcast_in_dim3A_2586 = vector.shape_cast %xor3A_2581 : vector<16xi32> to vector<16x1xi32>
      %gather3A_2587 = vector.shape_cast %broadcast_in_dim3A_2586 : vector<16x1xi32> to vector<16xi32>
      %gather3A_2588 = tpu.dynamic_gather %select_n3A[%gather3A_2587] in [0] : vector<16xf32>, vector<16xi32> -> vector<16xf32>
      %add3A_2589 = arith.addf %select_n3A, %gather3A_2588 : vector<16xf32>
      %broadcast_in_dim3A_2590 = vector.shape_cast %xor3A_2581 : vector<16xi32> to vector<16x1xi32>
      %gather3A_2591 = vector.shape_cast %broadcast_in_dim3A_2590 : vector<16x1xi32> to vector<16xi32>
      %gather3A_2592 = tpu.dynamic_gather %select_n3A_2524[%gather3A_2591] in [0] : vector<16xf32>, vector<16xi32> -> vector<16xf32>
      %add3A_2593 = arith.addf %select_n3A_2524, %gather3A_2592 : vector<16xf32>
      %select_n3A_2594 = arith.select %eq3A_2585, %add3A_2589, %add3A_2593 : vector<16xi1>, vector<16xf32>
      %broadcast_in_dim3A_2595 = vector.shape_cast %xor3A_2581 : vector<16xi32> to vector<16x1xi32>
      %gather3A_2596 = vector.shape_cast %broadcast_in_dim3A_2595 : vector<16x1xi32> to vector<16xi32>
      %gather3A_2597 = tpu.dynamic_gather %select_n3A_2533[%gather3A_2596] in [0] : vector<16xf32>, vector<16xi32> -> vector<16xf32>
      %add3A_2598 = arith.addf %select_n3A_2533, %gather3A_2597 : vector<16xf32>
      %broadcast_in_dim3A_2599 = vector.shape_cast %xor3A_2581 : vector<16xi32> to vector<16x1xi32>
      %gather3A_2600 = vector.shape_cast %broadcast_in_dim3A_2599 : vector<16x1xi32> to vector<16xi32>
      %gather3A_2601 = tpu.dynamic_gather %select_n3A_2542[%gather3A_2600] in [0] : vector<16xf32>, vector<16xi32> -> vector<16xf32>
      %add3A_2602 = arith.addf %select_n3A_2542, %gather3A_2601 : vector<16xf32>
      %select_n3A_2603 = arith.select %eq3A_2585, %add3A_2598, %add3A_2602 : vector<16xi1>, vector<16xf32>
      %broadcast_in_dim3A_2604 = vector.shape_cast %xor3A_2581 : vector<16xi32> to vector<16x1xi32>
      %gather3A_2605 = vector.shape_cast %broadcast_in_dim3A_2604 : vector<16x1xi32> to vector<16xi32>
      %gather3A_2606 = tpu.dynamic_gather %select_n3A_2551[%gather3A_2605] in [0] : vector<16xf32>, vector<16xi32> -> vector<16xf32>
      %add3A_2607 = arith.addf %select_n3A_2551, %gather3A_2606 : vector<16xf32>
      %broadcast_in_dim3A_2608 = vector.shape_cast %xor3A_2581 : vector<16xi32> to vector<16x1xi32>
      %gather3A_2609 = vector.shape_cast %broadcast_in_dim3A_2608 : vector<16x1xi32> to vector<16xi32>
      %gather3A_2610 = tpu.dynamic_gather %select_n3A_2560[%gather3A_2609] in [0] : vector<16xf32>, vector<16xi32> -> vector<16xf32>
      %add3A_2611 = arith.addf %select_n3A_2560, %gather3A_2610 : vector<16xf32>
      %select_n3A_2612 = arith.select %eq3A_2585, %add3A_2607, %add3A_2611 : vector<16xi1>, vector<16xf32>
      %broadcast_in_dim3A_2613 = vector.shape_cast %xor3A_2581 : vector<16xi32> to vector<16x1xi32>
      %gather3A_2614 = vector.shape_cast %broadcast_in_dim3A_2613 : vector<16x1xi32> to vector<16xi32>
      %gather3A_2615 = tpu.dynamic_gather %select_n3A_2569[%gather3A_2614] in [0] : vector<16xf32>, vector<16xi32> -> vector<16xf32>
      %add3A_2616 = arith.addf %select_n3A_2569, %gather3A_2615 : vector<16xf32>
      %broadcast_in_dim3A_2617 = vector.shape_cast %xor3A_2581 : vector<16xi32> to vector<16x1xi32>
      %gather3A_2618 = vector.shape_cast %broadcast_in_dim3A_2617 : vector<16x1xi32> to vector<16xi32>
      %gather3A_2619 = tpu.dynamic_gather %select_n3A_2578[%gather3A_2618] in [0] : vector<16xf32>, vector<16xi32> -> vector<16xf32>
      %add3A_2620 = arith.addf %select_n3A_2578, %gather3A_2619 : vector<16xf32>
      %select_n3A_2621 = arith.select %eq3A_2585, %add3A_2616, %add3A_2620 : vector<16xi1>, vector<16xf32>
      %broadcast_in_dim3A_2622 = arith.constant 2 : i32
      %broadcast_in_dim3A_2623 = vector.broadcast %broadcast_in_dim3A_2622 : i32 to vector<16xi32>
      %xor3A_2624 = arith.xori %iota3A, %broadcast_in_dim3A_2623 : vector<16xi32>
      %and3A_2625 = arith.andi %iota3A, %broadcast_in_dim3A_2623 : vector<16xi32>
      %broadcast_in_dim3A_2626 = arith.constant 0 : i32
      %broadcast_in_dim3A_2627 = vector.broadcast %broadcast_in_dim3A_2626 : i32 to vector<16xi32>
      %eq3A_2628 = arith.cmpi eq, %and3A_2625, %broadcast_in_dim3A_2627 : vector<16xi32>
      %broadcast_in_dim3A_2629 = vector.shape_cast %xor3A_2624 : vector<16xi32> to vector<16x1xi32>
      %gather3A_2630 = vector.shape_cast %broadcast_in_dim3A_2629 : vector<16x1xi32> to vector<16xi32>
      %gather3A_2631 = tpu.dynamic_gather %select_n3A_2594[%gather3A_2630] in [0] : vector<16xf32>, vector<16xi32> -> vector<16xf32>
      %add3A_2632 = arith.addf %select_n3A_2594, %gather3A_2631 : vector<16xf32>
      %broadcast_in_dim3A_2633 = vector.shape_cast %xor3A_2624 : vector<16xi32> to vector<16x1xi32>
      %gather3A_2634 = vector.shape_cast %broadcast_in_dim3A_2633 : vector<16x1xi32> to vector<16xi32>
      %gather3A_2635 = tpu.dynamic_gather %select_n3A_2603[%gather3A_2634] in [0] : vector<16xf32>, vector<16xi32> -> vector<16xf32>
      %add3A_2636 = arith.addf %select_n3A_2603, %gather3A_2635 : vector<16xf32>
      %select_n3A_2637 = arith.select %eq3A_2628, %add3A_2632, %add3A_2636 : vector<16xi1>, vector<16xf32>
      %broadcast_in_dim3A_2638 = vector.shape_cast %xor3A_2624 : vector<16xi32> to vector<16x1xi32>
      %gather3A_2639 = vector.shape_cast %broadcast_in_dim3A_2638 : vector<16x1xi32> to vector<16xi32>
      %gather3A_2640 = tpu.dynamic_gather %select_n3A_2612[%gather3A_2639] in [0] : vector<16xf32>, vector<16xi32> -> vector<16xf32>
      %add3A_2641 = arith.addf %select_n3A_2612, %gather3A_2640 : vector<16xf32>
      %broadcast_in_dim3A_2642 = vector.shape_cast %xor3A_2624 : vector<16xi32> to vector<16x1xi32>
      %gather3A_2643 = vector.shape_cast %broadcast_in_dim3A_2642 : vector<16x1xi32> to vector<16xi32>
      %gather3A_2644 = tpu.dynamic_gather %select_n3A_2621[%gather3A_2643] in [0] : vector<16xf32>, vector<16xi32> -> vector<16xf32>
      %add3A_2645 = arith.addf %select_n3A_2621, %gather3A_2644 : vector<16xf32>
      %select_n3A_2646 = arith.select %eq3A_2628, %add3A_2641, %add3A_2645 : vector<16xi1>, vector<16xf32>
      %broadcast_in_dim3A_2647 = arith.constant 1 : i32
      %broadcast_in_dim3A_2648 = vector.broadcast %broadcast_in_dim3A_2647 : i32 to vector<16xi32>
      %xor3A_2649 = arith.xori %iota3A, %broadcast_in_dim3A_2648 : vector<16xi32>
      %and3A_2650 = arith.andi %iota3A, %broadcast_in_dim3A_2648 : vector<16xi32>
      %broadcast_in_dim3A_2651 = arith.constant 0 : i32
      %broadcast_in_dim3A_2652 = vector.broadcast %broadcast_in_dim3A_2651 : i32 to vector<16xi32>
      %eq3A_2653 = arith.cmpi eq, %and3A_2650, %broadcast_in_dim3A_2652 : vector<16xi32>
      %broadcast_in_dim3A_2654 = vector.shape_cast %xor3A_2649 : vector<16xi32> to vector<16x1xi32>
      %gather3A_2655 = vector.shape_cast %broadcast_in_dim3A_2654 : vector<16x1xi32> to vector<16xi32>
      %gather3A_2656 = tpu.dynamic_gather %select_n3A_2637[%gather3A_2655] in [0] : vector<16xf32>, vector<16xi32> -> vector<16xf32>
      %add3A_2657 = arith.addf %select_n3A_2637, %gather3A_2656 : vector<16xf32>
      %broadcast_in_dim3A_2658 = vector.shape_cast %xor3A_2649 : vector<16xi32> to vector<16x1xi32>
      %gather3A_2659 = vector.shape_cast %broadcast_in_dim3A_2658 : vector<16x1xi32> to vector<16xi32>
      %gather3A_2660 = tpu.dynamic_gather %select_n3A_2646[%gather3A_2659] in [0] : vector<16xf32>, vector<16xi32> -> vector<16xf32>
      %add3A_2661 = arith.addf %select_n3A_2646, %gather3A_2660 : vector<16xf32>
      %select_n3A_2662 = arith.select %eq3A_2653, %add3A_2657, %add3A_2661 : vector<16xi1>, vector<16xf32>
      %add3A_2663 = arith.constant 0 : i32
      %add3A_2664 = arith.addi %mul3A_397, %add3A_2663 : i32
      %swap3A_2665 = arith.index_cast %add3A_2664 : i32 to index
      %swap3A_2666 = tpu.vector_load %arg11[%swap3A_2665] {strides = array<i32>} : memref<512xf32, #tpu.memory_space<vmem>>, vector<16xf32>,
      tpu.vector_store %arg11[%swap3A_2665], %select_n3A_2662 {strides = array<i32>} : memref<512xf32, #tpu.memory_space<vmem>>, vector<16xf32>,
      %get3A_2667 = arith.constant 16 : i32
      %get3A_2668 = arith.index_cast %get3A_2667 : i32 to index
      %get3A_2669 = arith.constant 0 : index
      %get3A_2670 = tpu.vector_load %arg9[%get3A_2668, %get3A_2669] {strides = array<i32>} : memref<32x32xf32, #tpu.memory_space<vmem>>, vector<16xf32>,
      %get3A_2671 = arith.constant 16 : i32
      %get3A_2672 = arith.index_cast %get3A_2671 : i32 to index
      %get3A_2673 = arith.constant 0 : index
      %get3A_2674 = tpu.vector_load %arg10[%get3A_2672, %get3A_2673] {strides = array<i32>} : memref<32x32xf32, #tpu.memory_space<vmem>>, vector<16xf32>,
      %mul3A_2675 = arith.mulf %get3A_2670, %get3A_2674 : vector<16xf32>
      %get3A_2676 = arith.constant 16 : i32
      %get3A_2677 = arith.index_cast %get3A_2676 : i32 to index
      %get3A_2678 = arith.constant 16 : index
      %get3A_2679 = tpu.vector_load %arg9[%get3A_2677, %get3A_2678] {strides = array<i32>} : memref<32x32xf32, #tpu.memory_space<vmem>>, vector<16xf32>,
      %get3A_2680 = arith.constant 16 : i32
      %get3A_2681 = arith.index_cast %get3A_2680 : i32 to index
      %get3A_2682 = arith.constant 16 : index
      %get3A_2683 = tpu.vector_load %arg10[%get3A_2681, %get3A_2682] {strides = array<i32>} : memref<32x32xf32, #tpu.memory_space<vmem>>, vector<16xf32>,
      %mul3A_2684 = arith.mulf %get3A_2679, %get3A_2683 : vector<16xf32>
      %add3A_2685 = arith.addf %mul3A_2675, %mul3A_2684 : vector<16xf32>
      %get3A_2686 = arith.constant 17 : i32
      %get3A_2687 = arith.index_cast %get3A_2686 : i32 to index
      %get3A_2688 = arith.constant 0 : index
      %get3A_2689 = tpu.vector_load %arg9[%get3A_2687, %get3A_2688] {strides = array<i32>} : memref<32x32xf32, #tpu.memory_space<vmem>>, vector<16xf32>,
      %get3A_2690 = arith.constant 17 : i32
      %get3A_2691 = arith.index_cast %get3A_2690 : i32 to index
      %get3A_2692 = arith.constant 0 : index
      %get3A_2693 = tpu.vector_load %arg10[%get3A_2691, %get3A_2692] {strides = array<i32>} : memref<32x32xf32, #tpu.memory_space<vmem>>, vector<16xf32>,
      %mul3A_2694 = arith.mulf %get3A_2689, %get3A_2693 : vector<16xf32>
      %get3A_2695 = arith.constant 17 : i32
      %get3A_2696 = arith.index_cast %get3A_2695 : i32 to index
      %get3A_2697 = arith.constant 16 : index
      %get3A_2698 = tpu.vector_load %arg9[%get3A_2696, %get3A_2697] {strides = array<i32>} : memref<32x32xf32, #tpu.memory_space<vmem>>, vector<16xf32>,
      %get3A_2699 = arith.constant 17 : i32
      %get3A_2700 = arith.index_cast %get3A_2699 : i32 to index
      %get3A_2701 = arith.constant 16 : index
      %get3A_2702 = tpu.vector_load %arg10[%get3A_2700, %get3A_2701] {strides = array<i32>} : memref<32x32xf32, #tpu.memory_space<vmem>>, vector<16xf32>,
      %mul3A_2703 = arith.mulf %get3A_2698, %get3A_2702 : vector<16xf32>
      %add3A_2704 = arith.addf %mul3A_2694, %mul3A_2703 : vector<16xf32>
      %get3A_2705 = arith.constant 18 : i32
      %get3A_2706 = arith.index_cast %get3A_2705 : i32 to index
      %get3A_2707 = arith.constant 0 : index
      %get3A_2708 = tpu.vector_load %arg9[%get3A_2706, %get3A_2707] {strides = array<i32>} : memref<32x32xf32, #tpu.memory_space<vmem>>, vector<16xf32>,
      %get3A_2709 = arith.constant 18 : i32
      %get3A_2710 = arith.index_cast %get3A_2709 : i32 to index
      %get3A_2711 = arith.constant 0 : index
      %get3A_2712 = tpu.vector_load %arg10[%get3A_2710, %get3A_2711] {strides = array<i32>} : memref<32x32xf32, #tpu.memory_space<vmem>>, vector<16xf32>,
      %mul3A_2713 = arith.mulf %get3A_2708, %get3A_2712 : vector<16xf32>
      %get3A_2714 = arith.constant 18 : i32
      %get3A_2715 = arith.index_cast %get3A_2714 : i32 to index
      %get3A_2716 = arith.constant 16 : index
      %get3A_2717 = tpu.vector_load %arg9[%get3A_2715, %get3A_2716] {strides = array<i32>} : memref<32x32xf32, #tpu.memory_space<vmem>>, vector<16xf32>,
      %get3A_2718 = arith.constant 18 : i32
      %get3A_2719 = arith.index_cast %get3A_2718 : i32 to index
      %get3A_2720 = arith.constant 16 : index
      %get3A_2721 = tpu.vector_load %arg10[%get3A_2719, %get3A_2720] {strides = array<i32>} : memref<32x32xf32, #tpu.memory_space<vmem>>, vector<16xf32>,
      %mul3A_2722 = arith.mulf %get3A_2717, %get3A_2721 : vector<16xf32>
      %add3A_2723 = arith.addf %mul3A_2713, %mul3A_2722 : vector<16xf32>
      %get3A_2724 = arith.constant 19 : i32
      %get3A_2725 = arith.index_cast %get3A_2724 : i32 to index
      %get3A_2726 = arith.constant 0 : index
      %get3A_2727 = tpu.vector_load %arg9[%get3A_2725, %get3A_2726] {strides = array<i32>} : memref<32x32xf32, #tpu.memory_space<vmem>>, vector<16xf32>,
      %get3A_2728 = arith.constant 19 : i32
      %get3A_2729 = arith.index_cast %get3A_2728 : i32 to index
      %get3A_2730 = arith.constant 0 : index
      %get3A_2731 = tpu.vector_load %arg10[%get3A_2729, %get3A_2730] {strides = array<i32>} : memref<32x32xf32, #tpu.memory_space<vmem>>, vector<16xf32>,
      %mul3A_2732 = arith.mulf %get3A_2727, %get3A_2731 : vector<16xf32>
      %get3A_2733 = arith.constant 19 : i32
      %get3A_2734 = arith.index_cast %get3A_2733 : i32 to index
      %get3A_2735 = arith.constant 16 : index
      %get3A_2736 = tpu.vector_load %arg9[%get3A_2734, %get3A_2735] {strides = array<i32>} : memref<32x32xf32, #tpu.memory_space<vmem>>, vector<16xf32>,
      %get3A_2737 = arith.constant 19 : i32
      %get3A_2738 = arith.index_cast %get3A_2737 : i32 to index
      %get3A_2739 = arith.constant 16 : index
      %get3A_2740 = tpu.vector_load %arg10[%get3A_2738, %get3A_2739] {strides = array<i32>} : memref<32x32xf32, #tpu.memory_space<vmem>>, vector<16xf32>,
      %mul3A_2741 = arith.mulf %get3A_2736, %get3A_2740 : vector<16xf32>
      %add3A_2742 = arith.addf %mul3A_2732, %mul3A_2741 : vector<16xf32>
      %get3A_2743 = arith.constant 20 : i32
      %get3A_2744 = arith.index_cast %get3A_2743 : i32 to index
      %get3A_2745 = arith.constant 0 : index
      %get3A_2746 = tpu.vector_load %arg9[%get3A_2744, %get3A_2745] {strides = array<i32>} : memref<32x32xf32, #tpu.memory_space<vmem>>, vector<16xf32>,
      %get3A_2747 = arith.constant 20 : i32
      %get3A_2748 = arith.index_cast %get3A_2747 : i32 to index
      %get3A_2749 = arith.constant 0 : index
      %get3A_2750 = tpu.vector_load %arg10[%get3A_2748, %get3A_2749] {strides = array<i32>} : memref<32x32xf32, #tpu.memory_space<vmem>>, vector<16xf32>,
      %mul3A_2751 = arith.mulf %get3A_2746, %get3A_2750 : vector<16xf32>
      %get3A_2752 = arith.constant 20 : i32
      %get3A_2753 = arith.index_cast %get3A_2752 : i32 to index
      %get3A_2754 = arith.constant 16 : index
      %get3A_2755 = tpu.vector_load %arg9[%get3A_2753, %get3A_2754] {strides = array<i32>} : memref<32x32xf32, #tpu.memory_space<vmem>>, vector<16xf32>,
      %get3A_2756 = arith.constant 20 : i32
      %get3A_2757 = arith.index_cast %get3A_2756 : i32 to index
      %get3A_2758 = arith.constant 16 : index
      %get3A_2759 = tpu.vector_load %arg10[%get3A_2757, %get3A_2758] {strides = array<i32>} : memref<32x32xf32, #tpu.memory_space<vmem>>, vector<16xf32>,
      %mul3A_2760 = arith.mulf %get3A_2755, %get3A_2759 : vector<16xf32>
      %add3A_2761 = arith.addf %mul3A_2751, %mul3A_2760 : vector<16xf32>
      %get3A_2762 = arith.constant 21 : i32
      %get3A_2763 = arith.index_cast %get3A_2762 : i32 to index
      %get3A_2764 = arith.constant 0 : index
      %get3A_2765 = tpu.vector_load %arg9[%get3A_2763, %get3A_2764] {strides = array<i32>} : memref<32x32xf32, #tpu.memory_space<vmem>>, vector<16xf32>,
      %get3A_2766 = arith.constant 21 : i32
      %get3A_2767 = arith.index_cast %get3A_2766 : i32 to index
      %get3A_2768 = arith.constant 0 : index
      %get3A_2769 = tpu.vector_load %arg10[%get3A_2767, %get3A_2768] {strides = array<i32>} : memref<32x32xf32, #tpu.memory_space<vmem>>, vector<16xf32>,
      %mul3A_2770 = arith.mulf %get3A_2765, %get3A_2769 : vector<16xf32>
      %get3A_2771 = arith.constant 21 : i32
      %get3A_2772 = arith.index_cast %get3A_2771 : i32 to index
      %get3A_2773 = arith.constant 16 : index
      %get3A_2774 = tpu.vector_load %arg9[%get3A_2772, %get3A_2773] {strides = array<i32>} : memref<32x32xf32, #tpu.memory_space<vmem>>, vector<16xf32>,
      %get3A_2775 = arith.constant 21 : i32
      %get3A_2776 = arith.index_cast %get3A_2775 : i32 to index
      %get3A_2777 = arith.constant 16 : index
      %get3A_2778 = tpu.vector_load %arg10[%get3A_2776, %get3A_2777] {strides = array<i32>} : memref<32x32xf32, #tpu.memory_space<vmem>>, vector<16xf32>,
      %mul3A_2779 = arith.mulf %get3A_2774, %get3A_2778 : vector<16xf32>
      %add3A_2780 = arith.addf %mul3A_2770, %mul3A_2779 : vector<16xf32>
      %get3A_2781 = arith.constant 22 : i32
      %get3A_2782 = arith.index_cast %get3A_2781 : i32 to index
      %get3A_2783 = arith.constant 0 : index
      %get3A_2784 = tpu.vector_load %arg9[%get3A_2782, %get3A_2783] {strides = array<i32>} : memref<32x32xf32, #tpu.memory_space<vmem>>, vector<16xf32>,
      %get3A_2785 = arith.constant 22 : i32
      %get3A_2786 = arith.index_cast %get3A_2785 : i32 to index
      %get3A_2787 = arith.constant 0 : index
      %get3A_2788 = tpu.vector_load %arg10[%get3A_2786, %get3A_2787] {strides = array<i32>} : memref<32x32xf32, #tpu.memory_space<vmem>>, vector<16xf32>,
      %mul3A_2789 = arith.mulf %get3A_2784, %get3A_2788 : vector<16xf32>
      %get3A_2790 = arith.constant 22 : i32
      %get3A_2791 = arith.index_cast %get3A_2790 : i32 to index
      %get3A_2792 = arith.constant 16 : index
      %get3A_2793 = tpu.vector_load %arg9[%get3A_2791, %get3A_2792] {strides = array<i32>} : memref<32x32xf32, #tpu.memory_space<vmem>>, vector<16xf32>,
      %get3A_2794 = arith.constant 22 : i32
      %get3A_2795 = arith.index_cast %get3A_2794 : i32 to index
      %get3A_2796 = arith.constant 16 : index
      %get3A_2797 = tpu.vector_load %arg10[%get3A_2795, %get3A_2796] {strides = array<i32>} : memref<32x32xf32, #tpu.memory_space<vmem>>, vector<16xf32>,
      %mul3A_2798 = arith.mulf %get3A_2793, %get3A_2797 : vector<16xf32>
      %add3A_2799 = arith.addf %mul3A_2789, %mul3A_2798 : vector<16xf32>
      %get3A_2800 = arith.constant 23 : i32
      %get3A_2801 = arith.index_cast %get3A_2800 : i32 to index
      %get3A_2802 = arith.constant 0 : index
      %get3A_2803 = tpu.vector_load %arg9[%get3A_2801, %get3A_2802] {strides = array<i32>} : memref<32x32xf32, #tpu.memory_space<vmem>>, vector<16xf32>,
      %get3A_2804 = arith.constant 23 : i32
      %get3A_2805 = arith.index_cast %get3A_2804 : i32 to index
      %get3A_2806 = arith.constant 0 : index
      %get3A_2807 = tpu.vector_load %arg10[%get3A_2805, %get3A_2806] {strides = array<i32>} : memref<32x32xf32, #tpu.memory_space<vmem>>, vector<16xf32>,
      %mul3A_2808 = arith.mulf %get3A_2803, %get3A_2807 : vector<16xf32>
      %get3A_2809 = arith.constant 23 : i32
      %get3A_2810 = arith.index_cast %get3A_2809 : i32 to index
      %get3A_2811 = arith.constant 16 : index
      %get3A_2812 = tpu.vector_load %arg9[%get3A_2810, %get3A_2811] {strides = array<i32>} : memref<32x32xf32, #tpu.memory_space<vmem>>, vector<16xf32>,
      %get3A_2813 = arith.constant 23 : i32
      %get3A_2814 = arith.index_cast %get3A_2813 : i32 to index
      %get3A_2815 = arith.constant 16 : index
      %get3A_2816 = tpu.vector_load %arg10[%get3A_2814, %get3A_2815] {strides = array<i32>} : memref<32x32xf32, #tpu.memory_space<vmem>>, vector<16xf32>,
      %mul3A_2817 = arith.mulf %get3A_2812, %get3A_2816 : vector<16xf32>
      %add3A_2818 = arith.addf %mul3A_2808, %mul3A_2817 : vector<16xf32>
      %get3A_2819 = arith.constant 24 : i32
      %get3A_2820 = arith.index_cast %get3A_2819 : i32 to index
      %get3A_2821 = arith.constant 0 : index
      %get3A_2822 = tpu.vector_load %arg9[%get3A_2820, %get3A_2821] {strides = array<i32>} : memref<32x32xf32, #tpu.memory_space<vmem>>, vector<16xf32>,
      %get3A_2823 = arith.constant 24 : i32
      %get3A_2824 = arith.index_cast %get3A_2823 : i32 to index
      %get3A_2825 = arith.constant 0 : index
      %get3A_2826 = tpu.vector_load %arg10[%get3A_2824, %get3A_2825] {strides = array<i32>} : memref<32x32xf32, #tpu.memory_space<vmem>>, vector<16xf32>,
      %mul3A_2827 = arith.mulf %get3A_2822, %get3A_2826 : vector<16xf32>
      %get3A_2828 = arith.constant 24 : i32
      %get3A_2829 = arith.index_cast %get3A_2828 : i32 to index
      %get3A_2830 = arith.constant 16 : index
      %get3A_2831 = tpu.vector_load %arg9[%get3A_2829, %get3A_2830] {strides = array<i32>} : memref<32x32xf32, #tpu.memory_space<vmem>>, vector<16xf32>,
      %get3A_2832 = arith.constant 24 : i32
      %get3A_2833 = arith.index_cast %get3A_2832 : i32 to index
      %get3A_2834 = arith.constant 16 : index
      %get3A_2835 = tpu.vector_load %arg10[%get3A_2833, %get3A_2834] {strides = array<i32>} : memref<32x32xf32, #tpu.memory_space<vmem>>, vector<16xf32>,
      %mul3A_2836 = arith.mulf %get3A_2831, %get3A_2835 : vector<16xf32>
      %add3A_2837 = arith.addf %mul3A_2827, %mul3A_2836 : vector<16xf32>
      %get3A_2838 = arith.constant 25 : i32
      %get3A_2839 = arith.index_cast %get3A_2838 : i32 to index
      %get3A_2840 = arith.constant 0 : index
      %get3A_2841 = tpu.vector_load %arg9[%get3A_2839, %get3A_2840] {strides = array<i32>} : memref<32x32xf32, #tpu.memory_space<vmem>>, vector<16xf32>,
      %get3A_2842 = arith.constant 25 : i32
      %get3A_2843 = arith.index_cast %get3A_2842 : i32 to index
      %get3A_2844 = arith.constant 0 : index
      %get3A_2845 = tpu.vector_load %arg10[%get3A_2843, %get3A_2844] {strides = array<i32>} : memref<32x32xf32, #tpu.memory_space<vmem>>, vector<16xf32>,
      %mul3A_2846 = arith.mulf %get3A_2841, %get3A_2845 : vector<16xf32>
      %get3A_2847 = arith.constant 25 : i32
      %get3A_2848 = arith.index_cast %get3A_2847 : i32 to index
      %get3A_2849 = arith.constant 16 : index
      %get3A_2850 = tpu.vector_load %arg9[%get3A_2848, %get3A_2849] {strides = array<i32>} : memref<32x32xf32, #tpu.memory_space<vmem>>, vector<16xf32>,
      %get3A_2851 = arith.constant 25 : i32
      %get3A_2852 = arith.index_cast %get3A_2851 : i32 to index
      %get3A_2853 = arith.constant 16 : index
      %get3A_2854 = tpu.vector_load %arg10[%get3A_2852, %get3A_2853] {strides = array<i32>} : memref<32x32xf32, #tpu.memory_space<vmem>>, vector<16xf32>,
      %mul3A_2855 = arith.mulf %get3A_2850, %get3A_2854 : vector<16xf32>
      %add3A_2856 = arith.addf %mul3A_2846, %mul3A_2855 : vector<16xf32>
      %get3A_2857 = arith.constant 26 : i32
      %get3A_2858 = arith.index_cast %get3A_2857 : i32 to index
      %get3A_2859 = arith.constant 0 : index
      %get3A_2860 = tpu.vector_load %arg9[%get3A_2858, %get3A_2859] {strides = array<i32>} : memref<32x32xf32, #tpu.memory_space<vmem>>, vector<16xf32>,
      %get3A_2861 = arith.constant 26 : i32
      %get3A_2862 = arith.index_cast %get3A_2861 : i32 to index
      %get3A_2863 = arith.constant 0 : index
      %get3A_2864 = tpu.vector_load %arg10[%get3A_2862, %get3A_2863] {strides = array<i32>} : memref<32x32xf32, #tpu.memory_space<vmem>>, vector<16xf32>,
      %mul3A_2865 = arith.mulf %get3A_2860, %get3A_2864 : vector<16xf32>
      %get3A_2866 = arith.constant 26 : i32
      %get3A_2867 = arith.index_cast %get3A_2866 : i32 to index
      %get3A_2868 = arith.constant 16 : index
      %get3A_2869 = tpu.vector_load %arg9[%get3A_2867, %get3A_2868] {strides = array<i32>} : memref<32x32xf32, #tpu.memory_space<vmem>>, vector<16xf32>,
      %get3A_2870 = arith.constant 26 : i32
      %get3A_2871 = arith.index_cast %get3A_2870 : i32 to index
      %get3A_2872 = arith.constant 16 : index
      %get3A_2873 = tpu.vector_load %arg10[%get3A_2871, %get3A_2872] {strides = array<i32>} : memref<32x32xf32, #tpu.memory_space<vmem>>, vector<16xf32>,
      %mul3A_2874 = arith.mulf %get3A_2869, %get3A_2873 : vector<16xf32>
      %add3A_2875 = arith.addf %mul3A_2865, %mul3A_2874 : vector<16xf32>
      %get3A_2876 = arith.constant 27 : i32
      %get3A_2877 = arith.index_cast %get3A_2876 : i32 to index
      %get3A_2878 = arith.constant 0 : index
      %get3A_2879 = tpu.vector_load %arg9[%get3A_2877, %get3A_2878] {strides = array<i32>} : memref<32x32xf32, #tpu.memory_space<vmem>>, vector<16xf32>,
      %get3A_2880 = arith.constant 27 : i32
      %get3A_2881 = arith.index_cast %get3A_2880 : i32 to index
      %get3A_2882 = arith.constant 0 : index
      %get3A_2883 = tpu.vector_load %arg10[%get3A_2881, %get3A_2882] {strides = array<i32>} : memref<32x32xf32, #tpu.memory_space<vmem>>, vector<16xf32>,
      %mul3A_2884 = arith.mulf %get3A_2879, %get3A_2883 : vector<16xf32>
      %get3A_2885 = arith.constant 27 : i32
      %get3A_2886 = arith.index_cast %get3A_2885 : i32 to index
      %get3A_2887 = arith.constant 16 : index
      %get3A_2888 = tpu.vector_load %arg9[%get3A_2886, %get3A_2887] {strides = array<i32>} : memref<32x32xf32, #tpu.memory_space<vmem>>, vector<16xf32>,
      %get3A_2889 = arith.constant 27 : i32
      %get3A_2890 = arith.index_cast %get3A_2889 : i32 to index
      %get3A_2891 = arith.constant 16 : index
      %get3A_2892 = tpu.vector_load %arg10[%get3A_2890, %get3A_2891] {strides = array<i32>} : memref<32x32xf32, #tpu.memory_space<vmem>>, vector<16xf32>,
      %mul3A_2893 = arith.mulf %get3A_2888, %get3A_2892 : vector<16xf32>
      %add3A_2894 = arith.addf %mul3A_2884, %mul3A_2893 : vector<16xf32>
      %get3A_2895 = arith.constant 28 : i32
      %get3A_2896 = arith.index_cast %get3A_2895 : i32 to index
      %get3A_2897 = arith.constant 0 : index
      %get3A_2898 = tpu.vector_load %arg9[%get3A_2896, %get3A_2897] {strides = array<i32>} : memref<32x32xf32, #tpu.memory_space<vmem>>, vector<16xf32>,
      %get3A_2899 = arith.constant 28 : i32
      %get3A_2900 = arith.index_cast %get3A_2899 : i32 to index
      %get3A_2901 = arith.constant 0 : index
      %get3A_2902 = tpu.vector_load %arg10[%get3A_2900, %get3A_2901] {strides = array<i32>} : memref<32x32xf32, #tpu.memory_space<vmem>>, vector<16xf32>,
      %mul3A_2903 = arith.mulf %get3A_2898, %get3A_2902 : vector<16xf32>
      %get3A_2904 = arith.constant 28 : i32
      %get3A_2905 = arith.index_cast %get3A_2904 : i32 to index
      %get3A_2906 = arith.constant 16 : index
      %get3A_2907 = tpu.vector_load %arg9[%get3A_2905, %get3A_2906] {strides = array<i32>} : memref<32x32xf32, #tpu.memory_space<vmem>>, vector<16xf32>,
      %get3A_2908 = arith.constant 28 : i32
      %get3A_2909 = arith.index_cast %get3A_2908 : i32 to index
      %get3A_2910 = arith.constant 16 : index
      %get3A_2911 = tpu.vector_load %arg10[%get3A_2909, %get3A_2910] {strides = array<i32>} : memref<32x32xf32, #tpu.memory_space<vmem>>, vector<16xf32>,
      %mul3A_2912 = arith.mulf %get3A_2907, %get3A_2911 : vector<16xf32>
      %add3A_2913 = arith.addf %mul3A_2903, %mul3A_2912 : vector<16xf32>
      %get3A_2914 = arith.constant 29 : i32
      %get3A_2915 = arith.index_cast %get3A_2914 : i32 to index
      %get3A_2916 = arith.constant 0 : index
      %get3A_2917 = tpu.vector_load %arg9[%get3A_2915, %get3A_2916] {strides = array<i32>} : memref<32x32xf32, #tpu.memory_space<vmem>>, vector<16xf32>,
      %get3A_2918 = arith.constant 29 : i32
      %get3A_2919 = arith.index_cast %get3A_2918 : i32 to index
      %get3A_2920 = arith.constant 0 : index
      %get3A_2921 = tpu.vector_load %arg10[%get3A_2919, %get3A_2920] {strides = array<i32>} : memref<32x32xf32, #tpu.memory_space<vmem>>, vector<16xf32>,
      %mul3A_2922 = arith.mulf %get3A_2917, %get3A_2921 : vector<16xf32>
      %get3A_2923 = arith.constant 29 : i32
      %get3A_2924 = arith.index_cast %get3A_2923 : i32 to index
      %get3A_2925 = arith.constant 16 : index
      %get3A_2926 = tpu.vector_load %arg9[%get3A_2924, %get3A_2925] {strides = array<i32>} : memref<32x32xf32, #tpu.memory_space<vmem>>, vector<16xf32>,
      %get3A_2927 = arith.constant 29 : i32
      %get3A_2928 = arith.index_cast %get3A_2927 : i32 to index
      %get3A_2929 = arith.constant 16 : index
      %get3A_2930 = tpu.vector_load %arg10[%get3A_2928, %get3A_2929] {strides = array<i32>} : memref<32x32xf32, #tpu.memory_space<vmem>>, vector<16xf32>,
      %mul3A_2931 = arith.mulf %get3A_2926, %get3A_2930 : vector<16xf32>
      %add3A_2932 = arith.addf %mul3A_2922, %mul3A_2931 : vector<16xf32>
      %get3A_2933 = arith.constant 30 : i32
      %get3A_2934 = arith.index_cast %get3A_2933 : i32 to index
      %get3A_2935 = arith.constant 0 : index
      %get3A_2936 = tpu.vector_load %arg9[%get3A_2934, %get3A_2935] {strides = array<i32>} : memref<32x32xf32, #tpu.memory_space<vmem>>, vector<16xf32>,
      %get3A_2937 = arith.constant 30 : i32
      %get3A_2938 = arith.index_cast %get3A_2937 : i32 to index
      %get3A_2939 = arith.constant 0 : index
      %get3A_2940 = tpu.vector_load %arg10[%get3A_2938, %get3A_2939] {strides = array<i32>} : memref<32x32xf32, #tpu.memory_space<vmem>>, vector<16xf32>,
      %mul3A_2941 = arith.mulf %get3A_2936, %get3A_2940 : vector<16xf32>
      %get3A_2942 = arith.constant 30 : i32
      %get3A_2943 = arith.index_cast %get3A_2942 : i32 to index
      %get3A_2944 = arith.constant 16 : index
      %get3A_2945 = tpu.vector_load %arg9[%get3A_2943, %get3A_2944] {strides = array<i32>} : memref<32x32xf32, #tpu.memory_space<vmem>>, vector<16xf32>,
      %get3A_2946 = arith.constant 30 : i32
      %get3A_2947 = arith.index_cast %get3A_2946 : i32 to index
      %get3A_2948 = arith.constant 16 : index
      %get3A_2949 = tpu.vector_load %arg10[%get3A_2947, %get3A_2948] {strides = array<i32>} : memref<32x32xf32, #tpu.memory_space<vmem>>, vector<16xf32>,
      %mul3A_2950 = arith.mulf %get3A_2945, %get3A_2949 : vector<16xf32>
      %add3A_2951 = arith.addf %mul3A_2941, %mul3A_2950 : vector<16xf32>
      %get3A_2952 = arith.constant 31 : i32
      %get3A_2953 = arith.index_cast %get3A_2952 : i32 to index
      %get3A_2954 = arith.constant 0 : index
      %get3A_2955 = tpu.vector_load %arg9[%get3A_2953, %get3A_2954] {strides = array<i32>} : memref<32x32xf32, #tpu.memory_space<vmem>>, vector<16xf32>,
      %get3A_2956 = arith.constant 31 : i32
      %get3A_2957 = arith.index_cast %get3A_2956 : i32 to index
      %get3A_2958 = arith.constant 0 : index
      %get3A_2959 = tpu.vector_load %arg10[%get3A_2957, %get3A_2958] {strides = array<i32>} : memref<32x32xf32, #tpu.memory_space<vmem>>, vector<16xf32>,
      %mul3A_2960 = arith.mulf %get3A_2955, %get3A_2959 : vector<16xf32>
      %get3A_2961 = arith.constant 31 : i32
      %get3A_2962 = arith.index_cast %get3A_2961 : i32 to index
      %get3A_2963 = arith.constant 16 : index
      %get3A_2964 = tpu.vector_load %arg9[%get3A_2962, %get3A_2963] {strides = array<i32>} : memref<32x32xf32, #tpu.memory_space<vmem>>, vector<16xf32>,
      %get3A_2965 = arith.constant 31 : i32
      %get3A_2966 = arith.index_cast %get3A_2965 : i32 to index
      %get3A_2967 = arith.constant 16 : index
      %get3A_2968 = tpu.vector_load %arg10[%get3A_2966, %get3A_2967] {strides = array<i32>} : memref<32x32xf32, #tpu.memory_space<vmem>>, vector<16xf32>,
      %mul3A_2969 = arith.mulf %get3A_2964, %get3A_2968 : vector<16xf32>
      %add3A_2970 = arith.addf %mul3A_2960, %mul3A_2969 : vector<16xf32>
      %broadcast_in_dim3A_2971 = arith.constant 8 : i32
      %broadcast_in_dim3A_2972 = vector.broadcast %broadcast_in_dim3A_2971 : i32 to vector<16xi32>
      %xor3A_2973 = arith.xori %iota3A, %broadcast_in_dim3A_2972 : vector<16xi32>
      %and3A_2974 = arith.andi %iota3A, %broadcast_in_dim3A_2972 : vector<16xi32>
      %broadcast_in_dim3A_2975 = arith.constant 0 : i32
      %broadcast_in_dim3A_2976 = vector.broadcast %broadcast_in_dim3A_2975 : i32 to vector<16xi32>
      %eq3A_2977 = arith.cmpi eq, %and3A_2974, %broadcast_in_dim3A_2976 : vector<16xi32>
      %broadcast_in_dim3A_2978 = vector.shape_cast %xor3A_2973 : vector<16xi32> to vector<16x1xi32>
      %gather3A_2979 = vector.shape_cast %broadcast_in_dim3A_2978 : vector<16x1xi32> to vector<16xi32>
      %gather3A_2980 = tpu.dynamic_gather %add3A_2685[%gather3A_2979] in [0] : vector<16xf32>, vector<16xi32> -> vector<16xf32>
      %add3A_2981 = arith.addf %add3A_2685, %gather3A_2980 : vector<16xf32>
      %broadcast_in_dim3A_2982 = vector.shape_cast %xor3A_2973 : vector<16xi32> to vector<16x1xi32>
      %gather3A_2983 = vector.shape_cast %broadcast_in_dim3A_2982 : vector<16x1xi32> to vector<16xi32>
      %gather3A_2984 = tpu.dynamic_gather %add3A_2837[%gather3A_2983] in [0] : vector<16xf32>, vector<16xi32> -> vector<16xf32>
      %add3A_2985 = arith.addf %add3A_2837, %gather3A_2984 : vector<16xf32>
      %select_n3A_2986 = arith.select %eq3A_2977, %add3A_2981, %add3A_2985 : vector<16xi1>, vector<16xf32>
      %broadcast_in_dim3A_2987 = vector.shape_cast %xor3A_2973 : vector<16xi32> to vector<16x1xi32>
      %gather3A_2988 = vector.shape_cast %broadcast_in_dim3A_2987 : vector<16x1xi32> to vector<16xi32>
      %gather3A_2989 = tpu.dynamic_gather %add3A_2761[%gather3A_2988] in [0] : vector<16xf32>, vector<16xi32> -> vector<16xf32>
      %add3A_2990 = arith.addf %add3A_2761, %gather3A_2989 : vector<16xf32>
      %broadcast_in_dim3A_2991 = vector.shape_cast %xor3A_2973 : vector<16xi32> to vector<16x1xi32>
      %gather3A_2992 = vector.shape_cast %broadcast_in_dim3A_2991 : vector<16x1xi32> to vector<16xi32>
      %gather3A_2993 = tpu.dynamic_gather %add3A_2913[%gather3A_2992] in [0] : vector<16xf32>, vector<16xi32> -> vector<16xf32>
      %add3A_2994 = arith.addf %add3A_2913, %gather3A_2993 : vector<16xf32>
      %select_n3A_2995 = arith.select %eq3A_2977, %add3A_2990, %add3A_2994 : vector<16xi1>, vector<16xf32>
      %broadcast_in_dim3A_2996 = vector.shape_cast %xor3A_2973 : vector<16xi32> to vector<16x1xi32>
      %gather3A_2997 = vector.shape_cast %broadcast_in_dim3A_2996 : vector<16x1xi32> to vector<16xi32>
      %gather3A_2998 = tpu.dynamic_gather %add3A_2723[%gather3A_2997] in [0] : vector<16xf32>, vector<16xi32> -> vector<16xf32>
      %add3A_2999 = arith.addf %add3A_2723, %gather3A_2998 : vector<16xf32>
      %broadcast_in_dim3A_3000 = vector.shape_cast %xor3A_2973 : vector<16xi32> to vector<16x1xi32>
      %gather3A_3001 = vector.shape_cast %broadcast_in_dim3A_3000 : vector<16x1xi32> to vector<16xi32>
      %gather3A_3002 = tpu.dynamic_gather %add3A_2875[%gather3A_3001] in [0] : vector<16xf32>, vector<16xi32> -> vector<16xf32>
      %add3A_3003 = arith.addf %add3A_2875, %gather3A_3002 : vector<16xf32>
      %select_n3A_3004 = arith.select %eq3A_2977, %add3A_2999, %add3A_3003 : vector<16xi1>, vector<16xf32>
      %broadcast_in_dim3A_3005 = vector.shape_cast %xor3A_2973 : vector<16xi32> to vector<16x1xi32>
      %gather3A_3006 = vector.shape_cast %broadcast_in_dim3A_3005 : vector<16x1xi32> to vector<16xi32>
      %gather3A_3007 = tpu.dynamic_gather %add3A_2799[%gather3A_3006] in [0] : vector<16xf32>, vector<16xi32> -> vector<16xf32>
      %add3A_3008 = arith.addf %add3A_2799, %gather3A_3007 : vector<16xf32>
      %broadcast_in_dim3A_3009 = vector.shape_cast %xor3A_2973 : vector<16xi32> to vector<16x1xi32>
      %gather3A_3010 = vector.shape_cast %broadcast_in_dim3A_3009 : vector<16x1xi32> to vector<16xi32>
      %gather3A_3011 = tpu.dynamic_gather %add3A_2951[%gather3A_3010] in [0] : vector<16xf32>, vector<16xi32> -> vector<16xf32>
      %add3A_3012 = arith.addf %add3A_2951, %gather3A_3011 : vector<16xf32>
      %select_n3A_3013 = arith.select %eq3A_2977, %add3A_3008, %add3A_3012 : vector<16xi1>, vector<16xf32>
      %broadcast_in_dim3A_3014 = vector.shape_cast %xor3A_2973 : vector<16xi32> to vector<16x1xi32>
      %gather3A_3015 = vector.shape_cast %broadcast_in_dim3A_3014 : vector<16x1xi32> to vector<16xi32>
      %gather3A_3016 = tpu.dynamic_gather %add3A_2704[%gather3A_3015] in [0] : vector<16xf32>, vector<16xi32> -> vector<16xf32>
      %add3A_3017 = arith.addf %add3A_2704, %gather3A_3016 : vector<16xf32>
      %broadcast_in_dim3A_3018 = vector.shape_cast %xor3A_2973 : vector<16xi32> to vector<16x1xi32>
      %gather3A_3019 = vector.shape_cast %broadcast_in_dim3A_3018 : vector<16x1xi32> to vector<16xi32>
      %gather3A_3020 = tpu.dynamic_gather %add3A_2856[%gather3A_3019] in [0] : vector<16xf32>, vector<16xi32> -> vector<16xf32>
      %add3A_3021 = arith.addf %add3A_2856, %gather3A_3020 : vector<16xf32>
      %select_n3A_3022 = arith.select %eq3A_2977, %add3A_3017, %add3A_3021 : vector<16xi1>, vector<16xf32>
      %broadcast_in_dim3A_3023 = vector.shape_cast %xor3A_2973 : vector<16xi32> to vector<16x1xi32>
      %gather3A_3024 = vector.shape_cast %broadcast_in_dim3A_3023 : vector<16x1xi32> to vector<16xi32>
      %gather3A_3025 = tpu.dynamic_gather %add3A_2780[%gather3A_3024] in [0] : vector<16xf32>, vector<16xi32> -> vector<16xf32>
      %add3A_3026 = arith.addf %add3A_2780, %gather3A_3025 : vector<16xf32>
      %broadcast_in_dim3A_3027 = vector.shape_cast %xor3A_2973 : vector<16xi32> to vector<16x1xi32>
      %gather3A_3028 = vector.shape_cast %broadcast_in_dim3A_3027 : vector<16x1xi32> to vector<16xi32>
      %gather3A_3029 = tpu.dynamic_gather %add3A_2932[%gather3A_3028] in [0] : vector<16xf32>, vector<16xi32> -> vector<16xf32>
      %add3A_3030 = arith.addf %add3A_2932, %gather3A_3029 : vector<16xf32>
      %select_n3A_3031 = arith.select %eq3A_2977, %add3A_3026, %add3A_3030 : vector<16xi1>, vector<16xf32>
      %broadcast_in_dim3A_3032 = vector.shape_cast %xor3A_2973 : vector<16xi32> to vector<16x1xi32>
      %gather3A_3033 = vector.shape_cast %broadcast_in_dim3A_3032 : vector<16x1xi32> to vector<16xi32>
      %gather3A_3034 = tpu.dynamic_gather %add3A_2742[%gather3A_3033] in [0] : vector<16xf32>, vector<16xi32> -> vector<16xf32>
      %add3A_3035 = arith.addf %add3A_2742, %gather3A_3034 : vector<16xf32>
      %broadcast_in_dim3A_3036 = vector.shape_cast %xor3A_2973 : vector<16xi32> to vector<16x1xi32>
      %gather3A_3037 = vector.shape_cast %broadcast_in_dim3A_3036 : vector<16x1xi32> to vector<16xi32>
      %gather3A_3038 = tpu.dynamic_gather %add3A_2894[%gather3A_3037] in [0] : vector<16xf32>, vector<16xi32> -> vector<16xf32>
      %add3A_3039 = arith.addf %add3A_2894, %gather3A_3038 : vector<16xf32>
      %select_n3A_3040 = arith.select %eq3A_2977, %add3A_3035, %add3A_3039 : vector<16xi1>, vector<16xf32>
      %broadcast_in_dim3A_3041 = vector.shape_cast %xor3A_2973 : vector<16xi32> to vector<16x1xi32>
      %gather3A_3042 = vector.shape_cast %broadcast_in_dim3A_3041 : vector<16x1xi32> to vector<16xi32>
      %gather3A_3043 = tpu.dynamic_gather %add3A_2818[%gather3A_3042] in [0] : vector<16xf32>, vector<16xi32> -> vector<16xf32>
      %add3A_3044 = arith.addf %add3A_2818, %gather3A_3043 : vector<16xf32>
      %broadcast_in_dim3A_3045 = vector.shape_cast %xor3A_2973 : vector<16xi32> to vector<16x1xi32>
      %gather3A_3046 = vector.shape_cast %broadcast_in_dim3A_3045 : vector<16x1xi32> to vector<16xi32>
      %gather3A_3047 = tpu.dynamic_gather %add3A_2970[%gather3A_3046] in [0] : vector<16xf32>, vector<16xi32> -> vector<16xf32>
      %add3A_3048 = arith.addf %add3A_2970, %gather3A_3047 : vector<16xf32>
      %select_n3A_3049 = arith.select %eq3A_2977, %add3A_3044, %add3A_3048 : vector<16xi1>, vector<16xf32>
      %broadcast_in_dim3A_3050 = arith.constant 4 : i32
      %broadcast_in_dim3A_3051 = vector.broadcast %broadcast_in_dim3A_3050 : i32 to vector<16xi32>
      %xor3A_3052 = arith.xori %iota3A, %broadcast_in_dim3A_3051 : vector<16xi32>
      %and3A_3053 = arith.andi %iota3A, %broadcast_in_dim3A_3051 : vector<16xi32>
      %broadcast_in_dim3A_3054 = arith.constant 0 : i32
      %broadcast_in_dim3A_3055 = vector.broadcast %broadcast_in_dim3A_3054 : i32 to vector<16xi32>
      %eq3A_3056 = arith.cmpi eq, %and3A_3053, %broadcast_in_dim3A_3055 : vector<16xi32>
      %broadcast_in_dim3A_3057 = vector.shape_cast %xor3A_3052 : vector<16xi32> to vector<16x1xi32>
      %gather3A_3058 = vector.shape_cast %broadcast_in_dim3A_3057 : vector<16x1xi32> to vector<16xi32>
      %gather3A_3059 = tpu.dynamic_gather %select_n3A_2986[%gather3A_3058] in [0] : vector<16xf32>, vector<16xi32> -> vector<16xf32>
      %add3A_3060 = arith.addf %select_n3A_2986, %gather3A_3059 : vector<16xf32>
      %broadcast_in_dim3A_3061 = vector.shape_cast %xor3A_3052 : vector<16xi32> to vector<16x1xi32>
      %gather3A_3062 = vector.shape_cast %broadcast_in_dim3A_3061 : vector<16x1xi32> to vector<16xi32>
      %gather3A_3063 = tpu.dynamic_gather %select_n3A_2995[%gather3A_3062] in [0] : vector<16xf32>, vector<16xi32> -> vector<16xf32>
      %add3A_3064 = arith.addf %select_n3A_2995, %gather3A_3063 : vector<16xf32>
      %select_n3A_3065 = arith.select %eq3A_3056, %add3A_3060, %add3A_3064 : vector<16xi1>, vector<16xf32>
      %broadcast_in_dim3A_3066 = vector.shape_cast %xor3A_3052 : vector<16xi32> to vector<16x1xi32>
      %gather3A_3067 = vector.shape_cast %broadcast_in_dim3A_3066 : vector<16x1xi32> to vector<16xi32>
      %gather3A_3068 = tpu.dynamic_gather %select_n3A_3004[%gather3A_3067] in [0] : vector<16xf32>, vector<16xi32> -> vector<16xf32>
      %add3A_3069 = arith.addf %select_n3A_3004, %gather3A_3068 : vector<16xf32>
      %broadcast_in_dim3A_3070 = vector.shape_cast %xor3A_3052 : vector<16xi32> to vector<16x1xi32>
      %gather3A_3071 = vector.shape_cast %broadcast_in_dim3A_3070 : vector<16x1xi32> to vector<16xi32>
      %gather3A_3072 = tpu.dynamic_gather %select_n3A_3013[%gather3A_3071] in [0] : vector<16xf32>, vector<16xi32> -> vector<16xf32>
      %add3A_3073 = arith.addf %select_n3A_3013, %gather3A_3072 : vector<16xf32>
      %select_n3A_3074 = arith.select %eq3A_3056, %add3A_3069, %add3A_3073 : vector<16xi1>, vector<16xf32>
      %broadcast_in_dim3A_3075 = vector.shape_cast %xor3A_3052 : vector<16xi32> to vector<16x1xi32>
      %gather3A_3076 = vector.shape_cast %broadcast_in_dim3A_3075 : vector<16x1xi32> to vector<16xi32>
      %gather3A_3077 = tpu.dynamic_gather %select_n3A_3022[%gather3A_3076] in [0] : vector<16xf32>, vector<16xi32> -> vector<16xf32>
      %add3A_3078 = arith.addf %select_n3A_3022, %gather3A_3077 : vector<16xf32>
      %broadcast_in_dim3A_3079 = vector.shape_cast %xor3A_3052 : vector<16xi32> to vector<16x1xi32>
      %gather3A_3080 = vector.shape_cast %broadcast_in_dim3A_3079 : vector<16x1xi32> to vector<16xi32>
      %gather3A_3081 = tpu.dynamic_gather %select_n3A_3031[%gather3A_3080] in [0] : vector<16xf32>, vector<16xi32> -> vector<16xf32>
      %add3A_3082 = arith.addf %select_n3A_3031, %gather3A_3081 : vector<16xf32>
      %select_n3A_3083 = arith.select %eq3A_3056, %add3A_3078, %add3A_3082 : vector<16xi1>, vector<16xf32>
      %broadcast_in_dim3A_3084 = vector.shape_cast %xor3A_3052 : vector<16xi32> to vector<16x1xi32>
      %gather3A_3085 = vector.shape_cast %broadcast_in_dim3A_3084 : vector<16x1xi32> to vector<16xi32>
      %gather3A_3086 = tpu.dynamic_gather %select_n3A_3040[%gather3A_3085] in [0] : vector<16xf32>, vector<16xi32> -> vector<16xf32>
      %add3A_3087 = arith.addf %select_n3A_3040, %gather3A_3086 : vector<16xf32>
      %broadcast_in_dim3A_3088 = vector.shape_cast %xor3A_3052 : vector<16xi32> to vector<16x1xi32>
      %gather3A_3089 = vector.shape_cast %broadcast_in_dim3A_3088 : vector<16x1xi32> to vector<16xi32>
      %gather3A_3090 = tpu.dynamic_gather %select_n3A_3049[%gather3A_3089] in [0] : vector<16xf32>, vector<16xi32> -> vector<16xf32>
      %add3A_3091 = arith.addf %select_n3A_3049, %gather3A_3090 : vector<16xf32>
      %select_n3A_3092 = arith.select %eq3A_3056, %add3A_3087, %add3A_3091 : vector<16xi1>, vector<16xf32>
      %broadcast_in_dim3A_3093 = arith.constant 2 : i32
      %broadcast_in_dim3A_3094 = vector.broadcast %broadcast_in_dim3A_3093 : i32 to vector<16xi32>
      %xor3A_3095 = arith.xori %iota3A, %broadcast_in_dim3A_3094 : vector<16xi32>
      %and3A_3096 = arith.andi %iota3A, %broadcast_in_dim3A_3094 : vector<16xi32>
      %broadcast_in_dim3A_3097 = arith.constant 0 : i32
      %broadcast_in_dim3A_3098 = vector.broadcast %broadcast_in_dim3A_3097 : i32 to vector<16xi32>
      %eq3A_3099 = arith.cmpi eq, %and3A_3096, %broadcast_in_dim3A_3098 : vector<16xi32>
      %broadcast_in_dim3A_3100 = vector.shape_cast %xor3A_3095 : vector<16xi32> to vector<16x1xi32>
      %gather3A_3101 = vector.shape_cast %broadcast_in_dim3A_3100 : vector<16x1xi32> to vector<16xi32>
      %gather3A_3102 = tpu.dynamic_gather %select_n3A_3065[%gather3A_3101] in [0] : vector<16xf32>, vector<16xi32> -> vector<16xf32>
      %add3A_3103 = arith.addf %select_n3A_3065, %gather3A_3102 : vector<16xf32>
      %broadcast_in_dim3A_3104 = vector.shape_cast %xor3A_3095 : vector<16xi32> to vector<16x1xi32>
      %gather3A_3105 = vector.shape_cast %broadcast_in_dim3A_3104 : vector<16x1xi32> to vector<16xi32>
      %gather3A_3106 = tpu.dynamic_gather %select_n3A_3074[%gather3A_3105] in [0] : vector<16xf32>, vector<16xi32> -> vector<16xf32>
      %add3A_3107 = arith.addf %select_n3A_3074, %gather3A_3106 : vector<16xf32>
      %select_n3A_3108 = arith.select %eq3A_3099, %add3A_3103, %add3A_3107 : vector<16xi1>, vector<16xf32>
      %broadcast_in_dim3A_3109 = vector.shape_cast %xor3A_3095 : vector<16xi32> to vector<16x1xi32>
      %gather3A_3110 = vector.shape_cast %broadcast_in_dim3A_3109 : vector<16x1xi32> to vector<16xi32>
      %gather3A_3111 = tpu.dynamic_gather %select_n3A_3083[%gather3A_3110] in [0] : vector<16xf32>, vector<16xi32> -> vector<16xf32>
      %add3A_3112 = arith.addf %select_n3A_3083, %gather3A_3111 : vector<16xf32>
      %broadcast_in_dim3A_3113 = vector.shape_cast %xor3A_3095 : vector<16xi32> to vector<16x1xi32>
      %gather3A_3114 = vector.shape_cast %broadcast_in_dim3A_3113 : vector<16x1xi32> to vector<16xi32>
      %gather3A_3115 = tpu.dynamic_gather %select_n3A_3092[%gather3A_3114] in [0] : vector<16xf32>, vector<16xi32> -> vector<16xf32>
      %add3A_3116 = arith.addf %select_n3A_3092, %gather3A_3115 : vector<16xf32>
      %select_n3A_3117 = arith.select %eq3A_3099, %add3A_3112, %add3A_3116 : vector<16xi1>, vector<16xf32>
      %broadcast_in_dim3A_3118 = arith.constant 1 : i32
      %broadcast_in_dim3A_3119 = vector.broadcast %broadcast_in_dim3A_3118 : i32 to vector<16xi32>
      %xor3A_3120 = arith.xori %iota3A, %broadcast_in_dim3A_3119 : vector<16xi32>
      %and3A_3121 = arith.andi %iota3A, %broadcast_in_dim3A_3119 : vector<16xi32>
      %broadcast_in_dim3A_3122 = arith.constant 0 : i32
      %broadcast_in_dim3A_3123 = vector.broadcast %broadcast_in_dim3A_3122 : i32 to vector<16xi32>
      %eq3A_3124 = arith.cmpi eq, %and3A_3121, %broadcast_in_dim3A_3123 : vector<16xi32>
      %broadcast_in_dim3A_3125 = vector.shape_cast %xor3A_3120 : vector<16xi32> to vector<16x1xi32>
      %gather3A_3126 = vector.shape_cast %broadcast_in_dim3A_3125 : vector<16x1xi32> to vector<16xi32>
      %gather3A_3127 = tpu.dynamic_gather %select_n3A_3108[%gather3A_3126] in [0] : vector<16xf32>, vector<16xi32> -> vector<16xf32>
      %add3A_3128 = arith.addf %select_n3A_3108, %gather3A_3127 : vector<16xf32>
      %broadcast_in_dim3A_3129 = vector.shape_cast %xor3A_3120 : vector<16xi32> to vector<16x1xi32>
      %gather3A_3130 = vector.shape_cast %broadcast_in_dim3A_3129 : vector<16x1xi32> to vector<16xi32>
      %gather3A_3131 = tpu.dynamic_gather %select_n3A_3117[%gather3A_3130] in [0] : vector<16xf32>, vector<16xi32> -> vector<16xf32>
      %add3A_3132 = arith.addf %select_n3A_3117, %gather3A_3131 : vector<16xf32>
      %select_n3A_3133 = arith.select %eq3A_3124, %add3A_3128, %add3A_3132 : vector<16xi1>, vector<16xf32>
      %add3A_3134 = arith.constant 16 : i32
      %add3A_3135 = arith.addi %mul3A_397, %add3A_3134 : i32
      %swap3A_3136 = arith.index_cast %add3A_3135 : i32 to index
      %swap3A_3137 = tpu.vector_load %arg11[%swap3A_3136] {strides = array<i32>} : memref<512xf32, #tpu.memory_space<vmem>>, vector<16xf32>,
      tpu.vector_store %arg11[%swap3A_3136], %select_n3A_3133 {strides = array<i32>} : memref<512xf32, #tpu.memory_space<vmem>>, vector<16xf32>,
    }
    %scan3A_394 = arith.constant 16 : i32
    "tpu.region"() ({
      %run_scoped3A = tpu.sem_alloc : memref<!tpu.dma_semaphore, #tpu.memory_space<semaphore_mem>>
      %dma_start3A = tpu.memref_slice %arg5[%mul3A_2] : memref<16384xf32, #tpu.memory_space<hbm>> -> memref<512xf32, #tpu.memory_space<hbm>>
      %dma_start3A_395 = tpu.memref_slice %arg5[%mul3A_2] : memref<16384xf32, #tpu.memory_space<hbm>> -> memref<512xf32, #tpu.memory_space<hbm>>
      tpu.enqueue_dma source(%arg11 : memref<512xf32, #tpu.memory_space<vmem>>) target(%dma_start3A_395 : memref<512xf32, #tpu.memory_space<hbm>>) target_semaphore(%run_scoped3A : memref<!tpu.dma_semaphore, #tpu.memory_space<semaphore_mem>>)
      %dma_wait3A = tpu.memref_slice %arg5[%mul3A_2] : memref<16384xf32, #tpu.memory_space<hbm>> -> memref<512xf32, #tpu.memory_space<hbm>>
      %dma_wait3A_396 = tpu.memref_slice %arg5[%mul3A_2] : memref<16384xf32, #tpu.memory_space<hbm>> -> memref<512xf32, #tpu.memory_space<hbm>>
      tpu.wait_dma2 semaphore(%run_scoped3A : memref<!tpu.dma_semaphore, #tpu.memory_space<semaphore_mem>>) src(%arg11 : memref<512xf32, #tpu.memory_space<vmem>>) dst(%dma_wait3A_396 : memref<512xf32, #tpu.memory_space<hbm>>)
      tpu.yield
    }) : () -> ()
    return
  }
}

</mosaic_0001>

<sc_bundles>
// kernel: kernel.3.cloned.1.call-start
scs
__scs_entry_jumppad:
0x0: {  	(pc) =	sbr.rel $0x88, $3  }
0x1: {  	(tag) =	ssettag $0x0;
	lr =	simm.s32 $0x1  }
0x2: {  	[smem:$0x3F9E] =	sst lr;
	_ =	strace $0xD0000000  }
0x3: {  	_ = 	snop  }
0x4: {  	_ = 	snop  }
0x5: {  	_ = 	snop  }
0x6: {  	_ = 	snop  }
0x7: {  	_ = 	snop  }
__scs_overlays_trampoline_lowered:
0x8: {  	[smem:$0x3FAD] =	sst s0  }
0x9: {  	[smem:$0x3FAE] =	sst s1  }
0xa: {  	[smem:$0x3FAF] =	sst s2  }
0xb: {  	[smem:$0x3FB0] =	sst s3  }
0xc: {  	[smem:$0x3FB1] =	sst s4  }
0xd: {  	[smem:$0x3FB2] =	sst s5  }
0xe: {  	[smem:$0x3FB3] =	sst s6  }
0xf: {  	[smem:$0x3FB4] =	sst s7  }
0x10: {  	[smem:$0x3FB5] =	sst s8  }
0x11: {  	[smem:$0x3FB6] =	sst s9;
	s0 =	simm.s32 @!p0 $0x0  }
0x12: {  	s1 =	sld [smem:$0x3F9C];
	s0 =	simm.s32 @p0 $0x1  }
0x13: {  	[smem:$0x3FB7] =	sst s0;
	s0 =	simm.s32 @!p1 $0x0  }
0x14: {  	s2 =	sld [smem:$0x3F9B];
	s0 =	simm.s32 @p1 $0x1  }
0x15: {  	[smem:$0x3FB8] =	sst s0;
	s0 =	simm.s32 @!p2 $0x0  }
0x16: {  	s3 =	sld [smem:$0x3FDB];
	s0 =	simm.s32 @p2 $0x1  }
0x17: {  	s4 =	simm.s32 $0x1BF5;
	[smem:$0x3FBA] =	sst s0  }
0x18: {  	s0 =	sld [smem:$0x3F9D];
	_ =	swait.ge [sflag:s4], $0x0  }
0x19: {  	s7 =	sld [smem:$0x3F9E]  }
0x1a: {  	s8 =	sadd.s32 $0xFFFFE003, lr  }
0x1b: {  	s9 =	sadd.s32 $0xFFFFFEF7, lr;
	s5 =	simm.s32 $0xFFFFFFFF;
	p2 =	slt.u32 s8, $0xFFFFF086  }
0x1c: {  	p1 =	slt.u32 s9, $0xF7A;
	s5 =	simm.s32 @!p2 $0x0  }
0x1d: {  	s5 =	simm.s32 @p1 $0x1;
	p0 =	seq.s32 s7, s2  }
0x1e: {  	s7 =	smul.u32 @!p0 $0xF7A, s2;
	p2 =	seq.s32 @!p0 s5, $0x0  }
0x1f: {  	s9 =	smul.u32 $0xF7A, s1;
	s8 =	simm.s32 @!p0 $0x1BF5;
	p2 =	por !p2, p0  }
0x20: {  	[sflag:s8] =	ssyncset.s32 @!p0 $0xFFFFF086;
	s6 =	sadd.s32 @!p0 s3, s7;
	s7 =	simm.s32 @!p0 $0x108  }
0x21: {  	s3 =	sadd.s32 s3, s9;
	s6 =	sadd.s32 @!p0 $0x88, s6;
	s7 =	simm.s32 @p2 $0x1082  }
0x22: {  	[simem:s7], [sflag:s8] =	dma.local @!p0 [hbm:s6], $0xF7A  }
0x23: {  	s9 =	sor.u32 $0xD0000000, s2;
	s6 =	simm.s32 $0x108;
	_ =	swait.ge @!p0 [sflag:s8], $0x0  }
0x24: {  	s3 =	sadd.s32 $0x88, s3;
	s6 =	simm.s32 @!p1 $0x1082;
	[sflag:s4] =	ssyncset.s32 $0xFFFFF086  }
0x25: {  	[simem:s6], [sflag:s4] =	dma.local [hbm:s3], $0xF7A  }
0x26: {  	[smem:$0x3F9E] =	sst s1;
	(tag) =	ssettag s2;
	_ =	strace s9  }
0x27: {  	s1 =	sld [smem:$0x3FAE]  }
0x28: {  	s2 =	sld [smem:$0x3FAF]  }
0x29: {  	s4 =	sld [smem:$0x3FB1]  }
0x2a: {  	p0 =	seq.s32 s5, $0x0;
	s5 =	sld [smem:$0x3FB2]  }
0x2b: {  	s6 =	sld [smem:$0x3FB3]  }
0x2c: {  	s7 =	sld [smem:$0x3FB4]  }
0x2d: {  	s3 =	simm.s32 $0x108;
	s8 =	sld [smem:$0x3FB5]  }
0x2e: {  	s3 =	simm.s32 @!p0 $0x1082;
	s9 =	sld [smem:$0x3FB6]  }
0x2f: {  	lr =	sadd.s32 s0, s3;
	s0 =	sld [smem:$0x3FAD]  }
0x30: {  	s3 =	sld [smem:$0x3FB0]  }
0x31: {  	[smem:$0x3FB9] =	sst s10  }
0x32: {  	s10 =	sld [smem:$0x3FB7];
	_ =	sdelay $0x3  }
0x33: {  	p0 =	seq.s32 s10, $0x1;
	s10 =	sld [smem:$0x3FB9];
	_ =	sdelay $0x3  }
0x34: {  	[smem:$0x3FB9] =	sst s10  }
0x35: {  	s10 =	sld [smem:$0x3FB8];
	_ =	sdelay $0x3  }
0x36: {  	p1 =	seq.s32 s10, $0x1;
	s10 =	sld [smem:$0x3FB9];
	_ =	sdelay $0x3  }
0x37: {  	[smem:$0x3FB9] =	sst s10  }
0x38: {  	s10 =	sld [smem:$0x3FBA]  }
0x39: {  	_ = 	snop;
	(pc) =	sbr.ind lr, $3  }
0x3a: {  	_ = 	snop  }
0x3b: {  	_ = 	snop  }
0x3c: {  	p2 =	seq.s32 s10, $0x1;
	s10 =	sld [smem:$0x3FB9]  }
0x3d: {  	_ =	shalt  }
0x3e: {  	_ =	shalt  }
0x3f: {  	_ =	shalt  }
0x40: {  	_ =	shalt  }
0x41: {  	_ =	shalt  }
0x42: {  	_ =	shalt  }
0x43: {  	_ =	shalt  }
0x44: {  	_ =	shalt  }
0x45: {  	_ =	shalt  }
0x46: {  	_ =	shalt  }
0x47: {  	_ =	shalt  }
0x48: {  	_ =	shalt  }
0x49: {  	_ =	shalt  }
0x4a: {  	_ =	shalt  }
0x4b: {  	_ =	shalt  }
0x4c: {  	_ =	shalt  }
0x4d: {  	_ =	shalt  }
0x4e: {  	_ =	shalt  }
0x4f: {  	_ =	shalt  }
0x50: {  	_ =	shalt  }
0x51: {  	_ =	shalt  }
0x52: {  	_ =	shalt  }
0x53: {  	_ =	shalt  }
0x54: {  	_ =	shalt  }
0x55: {  	_ =	shalt  }
0x56: {  	_ =	shalt  }
0x57: {  	_ =	shalt  }
0x58: {  	_ =	shalt  }
0x59: {  	_ =	shalt  }
0x5a: {  	_ =	shalt  }
0x5b: {  	_ =	shalt  }
0x5c: {  	_ =	shalt  }
0x5d: {  	_ =	shalt  }
0x5e: {  	_ =	shalt  }
0x5f: {  	_ =	shalt  }
0x60: {  	_ =	shalt  }
0x61: {  	_ =	shalt  }
0x62: {  	_ =	shalt  }
0x63: {  	_ =	shalt  }
0x64: {  	_ =	shalt  }
0x65: {  	_ =	shalt  }
0x66: {  	_ =	shalt  }
0x67: {  	_ =	shalt  }
0x68: {  	_ =	shalt  }
0x69: {  	_ =	shalt  }
0x6a: {  	_ =	shalt  }
0x6b: {  	_ =	shalt  }
0x6c: {  	_ =	shalt  }
0x6d: {  	_ =	shalt  }
0x6e: {  	_ =	shalt  }
0x6f: {  	_ =	shalt  }
0x70: {  	_ =	shalt  }
0x71: {  	_ =	shalt  }
0x72: {  	_ =	shalt  }
0x73: {  	_ =	shalt  }
0x74: {  	_ =	shalt  }
0x75: {  	_ =	shalt  }
0x76: {  	_ =	shalt  }
0x77: {  	_ =	shalt  }
0x78: {  	_ =	shalt  }
0x79: {  	_ =	shalt  }
0x7a: {  	_ =	shalt  }
0x7b: {  	_ =	shalt  }
0x7c: {  	_ =	shalt  }
0x7d: {  	_ =	shalt  }
0x7e: {  	_ =	shalt  }
0x7f: {  	_ =	shalt  }
0x80: {  	_ =	shalt  }
0x81: {  	_ =	shalt  }
0x82: {  	_ =	shalt  }
0x83: {  	_ =	shalt  }
0x84: {  	_ =	shalt  }
0x85: {  	_ =	shalt  }
0x86: {  	_ =	shalt  }
0x87: {  	_ =	shalt  }
.Lfunc_end0:
.L_simem_size_0:
called_computation_lowered:
.L_overlay_start_0:
0x88: {  	s2 =	sld [smem:$0x3FD9]  }
0x89: {  	s3 =	sld [smem:$0x3FFE];
	_ =	sdelay $0x1  }
0x8a: {  	s1 =	srdreg.scid  }
0x8b: {  	s0 =	sand.u32 $0x1, s1  }
0x8c: {  	s17 =	sshll.u32 s0, $0xA;
	s2 =	sadd.s32 s3, s2  }
0x8d: {  	s2 =	sadd.s32 s2, s17  }
0x8e: {  	[smem:$0x3FC5] =	sst s2  }
0x8f: {  	_ = 	snop  }
0x90: {  	s2 =	sld [smem:$0x3FD0];
	(tm) =	ssettm $0x1  }
0x91: {  	s18 =	sld [smem:$0x3FFB];
	_ =	sdelay $0x3  }
0x92: {  	_ =	strace s18  }
0x93: {  	s3 =	sld [smem:$0x3FFC];
	_ =	sdelay $0x3  }
0x94: {  	_ =	strace s3  }
0x95: {  	s3 =	sld [smem:$0x3FFD];
	_ =	sdelay $0x3  }
0x96: {  	_ =	strace s3  }
0x97: {  	_ =	strace $0x8FFFFFFF  }
0x98: {  	s19 =	sld [smem:$0x3FDB];
	_ =	sdelay $0x1  }
0x99: {  	s4 =	simm.s32 $_scs_section_size  }
0x9a: {  	s5 =	simm.s32 $_size__tile_overlayer_lowered;
	s6 =	simm.s32 $_tile_overlayer_lowered  }
0x9b: {  	s22 =	simm.s32 $0x1BFF;
	s21 =	sshll.u32 s6, $0x1;
	s3 =	sadd.s32 s4, s19  }
0x9c: {  	s7 =	simm.s32 $0x0;
	s20 =	sshll.u32 s5, $0x1;
	s5 =	sadd.s32 s21, s3  }
0x9d: {  	[timem:s7], [sflag:s22] =	dma.local [hbm:s5], s20  }
0x9e: {  	_ =	swait.ge [sflag:s22], s20  }
0x9f: {  	s4 =	ssub.s32 $0x0, s20;
	[sflag:s22] =	ssyncset.done $0x0  }
0xa0: {  	[sflag:s22] =	ssyncadd.s32 s4;
	_ =	sdelay $0x1  }
0xa1: {  	s23 =	simm.s32 $0x1B8B  }
0xa2: {  	_ =	swait.ge [sflag:s23], $0x1  }
0xa3: {  	[sflag:s23] =	ssyncset.done $0x0  }
0xa4: {  	s25 =	simm.s32 $0x1B8E;
	s24 =	sld [smem:$0x3FFE];
	[sflag:s23] =	ssyncadd.s32 $0xFFFFFFFF  }
0xa5: {  	s26 =	simm.s32 $execute0_lowered;
	[smem:$0x3FD2] =	sst s25  }
0xa6: {  	s5 =	sshll.u32 s26, $0x1;
	_ =	strace $0x80000046;
	[dreg:$0x1] =	wrdreg $0xFFFFFFFF  }
0xa7: {  	s28 =	simm.s32 $_size_execute0_lowered;
	s3 =	sadd.s32 s3, s5;
	[dreg:$0x0] =	wrdreg $0x0  }
0xa8: {  	s5 =	sshll.u32 s28, $0x1;
	[dreg:$0x2] =	wrdreg s3  }
0xa9: {  	[dreg:$0x3] =	wrdreg s5  }
0xaa: {  	[dreg:$0x4] =	wrdreg $0xC0  }
0xab: {  	_ =	task [dreg:s7], $0x5FFFF  }
0xac: {  	[dreg:$0x1] =	wrdreg $0xFFFFFFFF  }
0xad: {  	[dreg:$0x0] =	wrdreg $0x60  }
0xae: {  	[dreg:$0x2] =	wrdreg s24  }
0xaf: {  	[dreg:$0x3] =	wrdreg s2  }
0xb0: {  	[dreg:$0x4] =	wrdreg $0x9  }
0xb1: {  	_ =	task.clear_ibuf [dreg:s7], $0x5FFFF;
	_ =	strace $0x90000046  }
0xb2: {  	s29 =	simm.s32 $0x9;
	_ =	strace $0x80000048  }
0xb3: {  	_ =	swait.ge [sflag:s29], $0x1  }
0xb4: {  	[sflag:s29] =	ssyncadd.s32 $0xFFFFFFFF  }
0xb5: {  	_ =	strace $0x90000048  }
0xb6: {  	_ =	sfence  }
0xb7: {  	s30 =	sld [smem:$0x0];
	_ =	sdelay $0x2  }
0xb8: {  	s31 =	sshll.u32 s1, $0xD;
	s1 =	sshrl.u32 s1, $0x2  }
0xb9: {  	s3 =	sand.u32 $0x4000, s31;
	s1 =	sadd.s32 s1, s30  }
0xba: {  	s0 =	sor.u32 s3, s0;
	s1 =	sshll.u32 s1, $0x11  }
0xbb: {  	s0 =	sor.u32 s1, s0  }
0xbc: {  	s0 =	sadd.s32 $0x8F2B, s0  }
0xbd: {  	[sflag:s0] =	ssyncadd.remote.s32 $0x1  }
0xbe: {  	_ =	sfence.sel $0xFFFF  }
0xbf: {  	[dreg:$0x0] =	wrdreg $0xFFFFFFFF;
	(pc) =	sbr.abs _section_cstart, $3  }
0xc0: {  	[dreg:$0x1] =	wrdreg $0xFFFFFFFF  }
0xc1: {  	_ =	task.clear_ibuf [dreg:s7], $0x2FFFF;
	_ =	strace $0x9FFFFFFF  }
0xc2: {  	(tm) =	ssettm $0x7FFFFFFF  }
0xc3: {  	_ =	shalt  }
tec
execute0_lowered:
.L_overlay_start_1:
0x0: {  	(tag) =	ssettag $0x1  }
0x1: {  	s4 =	rddreg [dreg:$0x0]  }
0x2: {  	s6 =	rddreg [dreg:$0x1]  }
0x3: {  	s0 =	rddreg [dreg:$0x2];
	s1 =	simm.s32 $0x0  }
0x4: {  	s2 =	simm.s32 $0x800;
	v0 =	vlaneseq.u32;
	[smem:$0x7FF] =	sst s1  }
0x5: {  	s21 =	simm.s32 $0x1800;
	v0 =	vmul.u32 $0x2, v0;
	_ =	strace $0x80000047;
	[dreg:$0x3] =	wrdreg s2  }
0x6: {  	s22 =	simm.s32 $0x880;
	[dreg:$0x4] =	wrdreg s21  }
0x7: {  	s23 =	simm.s32 $0x1880;
	[dreg:$0x5] =	wrdreg s22;
	v1 =	vor.u32 $0x1, v0  }
0x8: {  	s24 =	simm.s32 $0x900;
	[dreg:$0x6] =	wrdreg s23;
	v2 =	vor.u32 $0x301, v0;
	[tilespmem:$0x1FC70] =	vst v1  }
0x9: {  	s25 =	simm.s32 $0x1900;
	[dreg:$0x7] =	wrdreg s24;
	v3 =	vor.u32 $0x320, v0;
	[tilespmem:$0x1FF70] =	vst v2  }
0xa: {  	s26 =	simm.s32 $0x980;
	[dreg:$0x8] =	wrdreg s25;
	v1 =	vor.u32 $0x20, v0;
	[tilespmem:$0x1FF80] =	vst v3  }
0xb: {  	s28 =	simm.s32 $0x1980;
	[dreg:$0x9] =	wrdreg s26;
	[tilespmem:$0x1FC80] =	vst v1;
	v1 =	vor.u32 $0x21, v0  }
0xc: {  	s29 =	simm.s32 $0xA00;
	[dreg:$0xa] =	wrdreg s28;
	[tilespmem:$0x1FC90] =	vst v1;
	v1 =	vor.u32 $0x40, v0  }
0xd: {  	s30 =	simm.s32 $0x1A00;
	[dreg:$0xb] =	wrdreg s29;
	[tilespmem:$0x1FCA0] =	vst v1;
	v1 =	vor.u32 $0x41, v0  }
0xe: {  	s31 =	simm.s32 $0xA80;
	[dreg:$0xc] =	wrdreg s30;
	[tilespmem:$0x1FCB0] =	vst v1;
	v1 =	vor.u32 $0x60, v0  }
0xf: {  	s3 =	simm.s32 $0x1A80;
	[dreg:$0xd] =	wrdreg s31;
	[tilespmem:$0x1FCC0] =	vst v1;
	v1 =	vor.u32 $0x61, v0  }
0x10: {  	s5 =	simm.s32 $0xB00;
	[dreg:$0xe] =	wrdreg s3;
	[tilespmem:$0x1FCD0] =	vst v1;
	v1 =	vor.u32 $0x80, v0  }
0x11: {  	s7 =	simm.s32 $0x1B00;
	[dreg:$0xf] =	wrdreg s5;
	[tilespmem:$0x1FCE0] =	vst v1;
	v1 =	vor.u32 $0x81, v0  }
0x12: {  	s8 =	simm.s32 $0xB80;
	[dreg:$0x10] =	wrdreg s7;
	[tilespmem:$0x1FCF0] =	vst v1;
	v1 =	vor.u32 $0xA0, v0  }
0x13: {  	s9 =	simm.s32 $0x1B80;
	[dreg:$0x11] =	wrdreg s8;
	[tilespmem:$0x1FD00] =	vst v1;
	v1 =	vor.u32 $0xA1, v0  }
0x14: {  	s10 =	simm.s32 $0xC00;
	[dreg:$0x12] =	wrdreg s9;
	[tilespmem:$0x1FD10] =	vst v1;
	v1 =	vor.u32 $0xC0, v0  }
0x15: {  	s11 =	simm.s32 $0x1C00;
	[dreg:$0x13] =	wrdreg s10;
	[tilespmem:$0x1FD20] =	vst v1;
	v1 =	vor.u32 $0xC1, v0  }
0x16: {  	s12 =	simm.s32 $0xC80;
	[dreg:$0x14] =	wrdreg s11;
	[tilespmem:$0x1FD30] =	vst v1;
	v1 =	vor.u32 $0xE0, v0  }
0x17: {  	s13 =	simm.s32 $0x1C80;
	[dreg:$0x15] =	wrdreg s12;
	[tilespmem:$0x1FD40] =	vst v1;
	v1 =	vor.u32 $0xE1, v0  }
0x18: {  	s14 =	simm.s32 $0xD00;
	[dreg:$0x16] =	wrdreg s13;
	[tilespmem:$0x1FD50] =	vst v1;
	v1 =	vor.u32 $0x100, v0  }
0x19: {  	s15 =	simm.s32 $0x1D00;
	[dreg:$0x17] =	wrdreg s14;
	[tilespmem:$0x1FD60] =	vst v1;
	v1 =	vor.u32 $0x101, v0  }
0x1a: {  	s16 =	simm.s32 $0xD80;
	[dreg:$0x18] =	wrdreg s15;
	[tilespmem:$0x1FD70] =	vst v1;
	v1 =	vor.u32 $0x120, v0  }
0x1b: {  	s17 =	simm.s32 $0x1D80;
	[dreg:$0x19] =	wrdreg s16;
	[tilespmem:$0x1FD80] =	vst v1;
	v1 =	vor.u32 $0x121, v0  }
0x1c: {  	s18 =	simm.s32 $0xE00;
	[dreg:$0x1a] =	wrdreg s17;
	[tilespmem:$0x1FD90] =	vst v1;
	v1 =	vor.u32 $0x140, v0  }
0x1d: {  	s19 =	simm.s32 $0x1E00;
	[dreg:$0x1b] =	wrdreg s18;
	[tilespmem:$0x1FDA0] =	vst v1;
	v1 =	vor.u32 $0x141, v0  }
0x1e: {  	s20 =	simm.s32 $0xE80;
	[dreg:$0x1c] =	wrdreg s19;
	[tilespmem:$0x1FDB0] =	vst v1;
	v1 =	vor.u32 $0x160, v0  }
0x1f: {  	[dreg:$0x1d] =	wrdreg s20;
	s21 =	simm.s32 $0x1E80;
	[tilespmem:$0x1FDC0] =	vst v1;
	v1 =	vor.u32 $0x161, v0  }
0x20: {  	s22 =	simm.s32 $0xF00;
	[dreg:$0x1e] =	wrdreg s21;
	[tilespmem:$0x1FDD0] =	vst v1;
	v1 =	vor.u32 $0x180, v0  }
0x21: {  	s23 =	simm.s32 $0x1F00;
	[dreg:$0x1f] =	wrdreg s22;
	[tilespmem:$0x1FDE0] =	vst v1;
	v1 =	vor.u32 $0x181, v0  }
0x22: {  	s24 =	simm.s32 $0xF80;
	[smem:$0x7DB] =	sst s23;
	[tilespmem:$0x1FDF0] =	vst v1;
	v1 =	vor.u32 $0x1A0, v0  }
0x23: {  	s25 =	simm.s32 $0x1F80;
	[smem:$0x7DC] =	sst s24;
	[tilespmem:$0x1FE00] =	vst v1;
	v1 =	vor.u32 $0x1A1, v0  }
0x24: {  	s26 =	simm.s32 $0x1000;
	[smem:$0x7DD] =	sst s25;
	[tilespmem:$0x1FE10] =	vst v1;
	v1 =	vor.u32 $0x1C0, v0  }
0x25: {  	s28 =	simm.s32 $0x2000;
	[smem:$0x7DE] =	sst s26;
	[tilespmem:$0x1FE20] =	vst v1;
	v1 =	vor.u32 $0x1C1, v0  }
0x26: {  	s29 =	simm.s32 $0x1080;
	[smem:$0x7DF] =	sst s28;
	[tilespmem:$0x1FE30] =	vst v1;
	v1 =	vor.u32 $0x1E0, v0  }
0x27: {  	s30 =	simm.s32 $0x2080;
	[smem:$0x7E0] =	sst s29;
	[tilespmem:$0x1FE40] =	vst v1;
	v1 =	vor.u32 $0x1E1, v0  }
0x28: {  	s31 =	simm.s32 $0x1100;
	[smem:$0x7E1] =	sst s30;
	[tilespmem:$0x1FE50] =	vst v1;
	v1 =	vor.u32 $0x200, v0  }
0x29: {  	s3 =	simm.s32 $0x2100;
	[smem:$0x7E2] =	sst s31;
	[tilespmem:$0x1FE60] =	vst v1;
	v1 =	vor.u32 $0x201, v0  }
0x2a: {  	s5 =	simm.s32 $0x1180;
	[smem:$0x7E3] =	sst s3;
	[tilespmem:$0x1FE70] =	vst v1;
	v1 =	vor.u32 $0x220, v0  }
0x2b: {  	s7 =	simm.s32 $0x2180;
	[smem:$0x7E4] =	sst s5;
	[tilespmem:$0x1FE80] =	vst v1;
	v1 =	vor.u32 $0x221, v0  }
0x2c: {  	v4 =	vimm.s32 $0x32107654;
	s8 =	simm.s32 $0x1200;
	[smem:$0x7E5] =	sst s7;
	[tilespmem:$0x1FE90] =	vst v1;
	v1 =	vor.u32 $0x240, v0  }
0x2d: {  	v5 =	vimm.s32 $0xDCFE98BA;
	s9 =	simm.s32 $0x2200;
	[smem:$0x7E6] =	sst s8;
	[tilespmem:$0x1FEA0] =	vst v1;
	v1 =	vor.u32 $0x241, v0  }
0x2e: {  	v6 =	vimm.s32 $0x67452301;
	s10 =	simm.s32 $0x1280;
	[smem:$0x7E7] =	sst s9;
	[tilespmem:$0x1FEB0] =	vst v1;
	v1 =	vor.u32 $0x260, v0  }
0x2f: {  	vm0 =	vcmask $0x2F20;
	vm1 =	vcmask $0xF00;
	s11 =	simm.s32 $0x2280;
	[smem:$0x7E8] =	sst s10;
	[tilespmem:$0x1FEC0] =	vst v1;
	v1 =	vor.u32 $0x261, v0  }
0x30: {  	vm2 =	vcmask $0x1710;
	vm3 =	vcmask $0x700;
	s12 =	simm.s32 $0x1300;
	[smem:$0x7E9] =	sst s11;
	[tilespmem:$0x1FED0] =	vst v1;
	v1 =	vor.u32 $0x280, v0  }
0x31: {  	vm4 =	vcmask $0x300;
	v4 =	vunpack.c.l.s4.s8 v4;
	s13 =	simm.s32 $0x2300;
	[smem:$0x7EA] =	sst s12;
	[tilespmem:$0x1FEE0] =	vst v1;
	v1 =	vor.u32 $0x281, v0  }
0x32: {  	v6 =	vunpack.c.l.s4.s8 v6;
	vm0 =	vmor vm1, vm0;
	s14 =	simm.s32 $0x1380;
	[smem:$0x7EB] =	sst s13;
	[tilespmem:$0x1FEF0] =	vst v1;
	v1 =	vor.u32 $0x2A0, v0  }
0x33: {  	vm1 =	vmor vm3, vm2;
	vm2 =	vcmask $0x2720;
	s15 =	simm.s32 $0x2380;
	[smem:$0x7EC] =	sst s14;
	[tilespmem:$0x1FF00] =	vst v1;
	v1 =	vor.u32 $0x2A1, v0  }
0x34: {  	vm3 =	vcmask $0xB08;
	s16 =	simm.s32 $0x1400;
	vm1 =	vmor vm1, vm2;
	[smem:$0x7ED] =	sst s15;
	[tilespmem:$0x1FF10] =	vst v1;
	v1 =	vor.u32 $0x2C0, v0  }
0x35: {  	s17 =	simm.s32 $0x1480;
	vm2 =	vmor vm4, vm3;
	vm3 =	vcmask $0x1310;
	[smem:$0x7EE] =	sst s16;
	[tilespmem:$0x1FF20] =	vst v1;
	v1 =	vor.u32 $0x2C1, v0  }
0x36: {  	s18 =	simm.s32 $0x2480;
	vm4 =	vcmask $0x3730;
	v4 =	vunpack.c.0.s8.s32 v4;
	[smem:$0x7F0] =	sst s17;
	[tilespmem:$0x1FF30] =	vst v1;
	v1 =	vor.u32 $0x2E0, v0  }
0x37: {  	s20 =	simm.s32 $0x1500;
	v7 =	vor.u32 $0x380, v0;
	[smem:$0x7F1] =	sst s18;
	v59 =	vor.u32 $0x3A0, v0;
	[tilespmem:$0x1FF40] =	vst v1;
	v1 =	vor.u32 $0x2E1, v0  }
0x38: {  	s5 =	simm.s32 $0x2400;
	[smem:$0x7F2] =	sst s20;
	s21 =	simm.s32 $0x2500;
	v60 =	vor.u32 $0x3A1, v0;
	vm2 =	vmor vm2, vm3;
	[tilespmem:$0x1FF50] =	vst v1;
	v1 =	vor.u32 $0x300, v0  }
0x39: {  	vm3 =	vcmask $0x1B18;
	v3 =	vor.u32 $0x321, v0;
	[smem:$0x7EF] =	sst s5;
	[tilespmem:$0x1FF60] =	vst v1;
	v1 =	vimm.s32 $0xFEDCBA98  }
0x3a: {  	s22 =	simm.s32 $0x1580;
	v2 =	vimm.s32 $0x76543210;
	[smem:$0x7F3] =	sst s21;
	[tilespmem:$0x1FF90] =	vst v3;
	v3 =	vor.u32 $0x340, v0;
	v1 =	vunpack.c.l.s4.s8 v1  }
0x3b: {  	s9 =	simm.s32 $0x2580;
	vm1 =	vmor vm1, vm4;
	[smem:$0x7F4] =	sst s22;
	v2 =	vunpack.c.l.s4.s8 v2;
	[tilespmem:$0x1FFA0] =	vst v3;
	v3 =	vor.u32 $0x341, v0  }
0x3c: {  	s23 =	simm.s32 $0x1600;
	vm4 =	vcmask $0x2320;
	[smem:$0x7F5] =	sst s9;
	[tilespmem:$0x1FFB0] =	vst v3;
	v3 =	vor.u32 $0x360, v0;
	v1 =	vunpack.c.0.s8.s32 v1  }
0x3d: {  	s24 =	simm.s32 $0x2600;
	[smem:$0x7F6] =	sst s23;
	vm3 =	vmor vm2, vm3;
	v2 =	vunpack.c.0.s8.s32 v2;
	[tilespmem:$0x1FFC0] =	vst v3;
	v3 =	vor.u32 $0x361, v0  }
0x3e: {  	s2 =	stileid.u32;
	s25 =	simm.s32 $0x1680;
	[smem:$0x7F7] =	sst s24;
	vm3 =	vmor vm3, vm4;
	[tilespmem:$0x1FFD0] =	vst v3;
	v3 =	vimm.s32 $0xBA98FEDC;
	v1 =	vand.u32 $0xF, v1  }
0x3f: {  	s3 =	srdreg.scid;
	s26 =	simm.s32 $0x2680;
	[smem:$0x7F8] =	sst s25;
	v3 =	vunpack.c.l.s4.s8 v3;
	v56 =	vcombine.low v1, v2;
	v2 =	vimm.s32 $0x54761032  }
0x40: {  	s19 =	sshll.u32 s2, $0x1;
	s28 =	simm.s32 $0x1700;
	[smem:$0x7F9] =	sst s26;
	vm4 =	vcmask $0x2B28;
	v1 =	vunpack.c.l.s4.s8 v5;
	v2 =	vunpack.c.l.s4.s8 v2  }
0x41: {  	s29 =	simm.s32 $0x2700;
	s30 =	simm.s32 $0x1780;
	[smem:$0x7FA] =	sst s28;
	vm3 =	vmor vm3, vm4;
	v3 =	vunpack.c.0.s8.s32 v3;
	v5 =	vimm.s32 $0xEFCDAB89  }
0x42: {  	s31 =	simm.s32 $0x2780;
	s11 =	simm.s32 $0x0;
	[smem:$0x7FB] =	sst s29;
	v5 =	vunpack.c.l.s4.s8 v5;
	v1 =	vunpack.c.0.s8.s32 v1;
	v2 =	vunpack.c.0.s8.s32 v2  }
0x43: {  	s7 =	sand.u32 $0x1, s3;
	s3 =	sadd.s32 $0x1400, s4;
	[smem:$0x7FC] =	sst s30;
	vm4 =	vcmask $0x3330;
	v3 =	vcombine.low v4, v3;
	v4 =	vor.u32 $0x381, v0  }
0x44: {  	[smem:$0x7FD] =	sst s31;
	s8 =	sor.u32 s7, s19;
	s7 =	ssub.s32 $0x2, s7;
	[tilespmem:$0x1FFF0] =	vst v4;
	v4 =	vunpack.c.0.s8.s32 v6;
	v1 =	vcombine.low v2, v1;
	v2 =	vunpack.c.0.s8.s32 v5  }
0x45: {  	vm2 =	vmmov $0xff;
	s9 =	simm.s32 $0x1;
	s5 =	sshll.u32 s8, $0x7;
	s10 =	sshrl.u32 s7, $0x1;
	vm3 =	vmor vm3, vm4;
	vm4 =	vcmask $0x3B38  }
0x46: {  	s8 =	sshll.u32 s8, $0x6;
	s5 =	sadd.s32 s5, s4;
	s4 =	sadd.s32 $0xF43800, s4;
	vm3 =	vmor vm3, vm4;
	v61 =	vand.u32 $0xF, v3;
	v2 =	vcombine.low v4, v2  }
0x47: {  	s7 =	ssub.s32 s7, s10;
	s6 =	sadd.s32 s6, s8;
	s8 =	simm.s32 $0x2;
	v3 =	vor.u32 $0x3E0, v0;
	v62 =	vand.u32 $0xF, v1;
	v1 =	vor.u32 $0x3C0, v0  }
0x48: {  	[tilespmem:$0x1FFE0] =	vst v7;
	s10 =	simm.s32 $0x2800;
	s5 =	sadd.s32 $0x400, s5;
	s7 =	smax.u32 s7, $0x1;
	v4 =	vor.u32 $0x3E1, v0;
	v63 =	vand.u32 $0xF, v2;
	v2 =	vor.u32 $0x3C1, v0  }
.LBB2_1:
0x49: {  	[tilespmem:s1], [sflag:$0x2] =	stream.linear.gather [hbm4b:s5+s1], $0x400, $0x38;
	[tilespmem:$0x2A00] =	vst v63  }
0x4a: {  	_ =	swait.ge [sflag:s8], $0x400  }
0x4b: {  	v6 =	vld [tilespmem:$0x1FC70];
	_ =	sdelay $0x4  }
0x4c: {  	[sflag:s8] =	ssyncset.done $0x0  }
0x4d: {  	[sflag:s8] =	ssyncadd.s32 $0xFFFFFC00  }
0x4e: {  	v5 =	vld.idx.msk [tilespmem:v0+s1+$0x0], $0xffff  }
0x4f: {  	v6 =	vld.idx.msk [tilespmem:v6+s1+$0x0], $0xffff;
	_ =	sdelay $0x3  }
0x50: {  	[tilespmem:$0x400] =	vst v5;
	v5 =	vld [tilespmem:$0x1FC80]  }
0x51: {  	[tilespmem:$0x600] =	vst v6;
	v6 =	vld [tilespmem:$0x1FC90];
	_ =	sdelay $0x6  }
0x52: {  	v5 =	vld.idx.msk [tilespmem:v5+s1+$0x0], $0xffff  }
0x53: {  	v6 =	vld.idx.msk [tilespmem:v6+s1+$0x0], $0xffff;
	_ =	sdelay $0x3  }
0x54: {  	[tilespmem:$0x410] =	vst v5;
	v5 =	vld [tilespmem:$0x1FCA0]  }
0x55: {  	[tilespmem:$0x610] =	vst v6;
	v6 =	vld [tilespmem:$0x1FCB0];
	_ =	sdelay $0x6  }
0x56: {  	v5 =	vld.idx.msk [tilespmem:v5+s1+$0x0], $0xffff  }
0x57: {  	v6 =	vld.idx.msk [tilespmem:v6+s1+$0x0], $0xffff;
	_ =	sdelay $0x3  }
0x58: {  	[tilespmem:$0x420] =	vst v5;
	v5 =	vld [tilespmem:$0x1FCC0]  }
0x59: {  	[tilespmem:$0x620] =	vst v6;
	v6 =	vld [tilespmem:$0x1FCD0];
	_ =	sdelay $0x6  }
0x5a: {  	v5 =	vld.idx.msk [tilespmem:v5+s1+$0x0], $0xffff  }
0x5b: {  	v6 =	vld.idx.msk [tilespmem:v6+s1+$0x0], $0xffff;
	_ =	sdelay $0x3  }
0x5c: {  	[tilespmem:$0x430] =	vst v5;
	v5 =	vld [tilespmem:$0x1FCE0]  }
0x5d: {  	[tilespmem:$0x630] =	vst v6;
	v6 =	vld [tilespmem:$0x1FCF0];
	_ =	sdelay $0x6  }
0x5e: {  	v5 =	vld.idx.msk [tilespmem:v5+s1+$0x0], $0xffff  }
0x5f: {  	v6 =	vld.idx.msk [tilespmem:v6+s1+$0x0], $0xffff;
	_ =	sdelay $0x3  }
0x60: {  	[tilespmem:$0x440] =	vst v5;
	v5 =	vld [tilespmem:$0x1FD00]  }
0x61: {  	[tilespmem:$0x640] =	vst v6;
	v6 =	vld [tilespmem:$0x1FD10];
	_ =	sdelay $0x6  }
0x62: {  	v5 =	vld.idx.msk [tilespmem:v5+s1+$0x0], $0xffff  }
0x63: {  	v6 =	vld.idx.msk [tilespmem:v6+s1+$0x0], $0xffff;
	_ =	sdelay $0x3  }
0x64: {  	[tilespmem:$0x450] =	vst v5;
	v5 =	vld [tilespmem:$0x1FD20]  }
0x65: {  	[tilespmem:$0x650] =	vst v6;
	v6 =	vld [tilespmem:$0x1FD30];
	_ =	sdelay $0x6  }
0x66: {  	v5 =	vld.idx.msk [tilespmem:v5+s1+$0x0], $0xffff  }
0x67: {  	v6 =	vld.idx.msk [tilespmem:v6+s1+$0x0], $0xffff;
	_ =	sdelay $0x3  }
0x68: {  	[tilespmem:$0x460] =	vst v5;
	v5 =	vld [tilespmem:$0x1FD40]  }
0x69: {  	[tilespmem:$0x660] =	vst v6;
	v6 =	vld [tilespmem:$0x1FD50];
	_ =	sdelay $0x6  }
0x6a: {  	v5 =	vld.idx.msk [tilespmem:v5+s1+$0x0], $0xffff  }
0x6b: {  	v6 =	vld.idx.msk [tilespmem:v6+s1+$0x0], $0xffff;
	_ =	sdelay $0x3  }
0x6c: {  	[tilespmem:$0x470] =	vst v5;
	v5 =	vld [tilespmem:$0x1FD60]  }
0x6d: {  	[tilespmem:$0x670] =	vst v6;
	v6 =	vld [tilespmem:$0x1FD70];
	_ =	sdelay $0x6  }
0x6e: {  	v5 =	vld.idx.msk [tilespmem:v5+s1+$0x0], $0xffff  }
0x6f: {  	v6 =	vld.idx.msk [tilespmem:v6+s1+$0x0], $0xffff;
	_ =	sdelay $0x3  }
0x70: {  	[tilespmem:$0x480] =	vst v5;
	v5 =	vld [tilespmem:$0x1FD80]  }
0x71: {  	[tilespmem:$0x680] =	vst v6;
	v6 =	vld [tilespmem:$0x1FD90];
	_ =	sdelay $0x6  }
0x72: {  	v5 =	vld.idx.msk [tilespmem:v5+s1+$0x0], $0xffff  }
0x73: {  	v6 =	vld.idx.msk [tilespmem:v6+s1+$0x0], $0xffff;
	_ =	sdelay $0x3  }
0x74: {  	[tilespmem:$0x490] =	vst v5;
	v5 =	vld [tilespmem:$0x1FDA0]  }
0x75: {  	[tilespmem:$0x690] =	vst v6;
	v6 =	vld [tilespmem:$0x1FDB0];
	_ =	sdelay $0x6  }
0x76: {  	v5 =	vld.idx.msk [tilespmem:v5+s1+$0x0], $0xffff  }
0x77: {  	v6 =	vld.idx.msk [tilespmem:v6+s1+$0x0], $0xffff;
	_ =	sdelay $0x3  }
0x78: {  	[tilespmem:$0x4A0] =	vst v5;
	v5 =	vld [tilespmem:$0x1FDC0]  }
0x79: {  	[tilespmem:$0x6A0] =	vst v6;
	v6 =	vld [tilespmem:$0x1FDD0];
	_ =	sdelay $0x6  }
0x7a: {  	v5 =	vld.idx.msk [tilespmem:v5+s1+$0x0], $0xffff  }
0x7b: {  	v6 =	vld.idx.msk [tilespmem:v6+s1+$0x0], $0xffff;
	_ =	sdelay $0x3  }
0x7c: {  	[tilespmem:$0x4B0] =	vst v5;
	v5 =	vld [tilespmem:$0x1FDE0]  }
0x7d: {  	[tilespmem:$0x6B0] =	vst v6;
	v6 =	vld [tilespmem:$0x1FDF0];
	_ =	sdelay $0x6  }
0x7e: {  	v5 =	vld.idx.msk [tilespmem:v5+s1+$0x0], $0xffff  }
0x7f: {  	v6 =	vld.idx.msk [tilespmem:v6+s1+$0x0], $0xffff;
	_ =	sdelay $0x3  }
0x80: {  	[tilespmem:$0x4C0] =	vst v5;
	v5 =	vld [tilespmem:$0x1FE00]  }
0x81: {  	[tilespmem:$0x6C0] =	vst v6;
	v6 =	vld [tilespmem:$0x1FE10];
	_ =	sdelay $0x6  }
0x82: {  	v5 =	vld.idx.msk [tilespmem:v5+s1+$0x0], $0xffff  }
0x83: {  	v6 =	vld.idx.msk [tilespmem:v6+s1+$0x0], $0xffff;
	_ =	sdelay $0x3  }
0x84: {  	[tilespmem:$0x4D0] =	vst v5;
	v5 =	vld [tilespmem:$0x1FE20]  }
0x85: {  	[tilespmem:$0x6D0] =	vst v6;
	v6 =	vld [tilespmem:$0x1FE30];
	_ =	sdelay $0x6  }
0x86: {  	v5 =	vld.idx.msk [tilespmem:v5+s1+$0x0], $0xffff  }
0x87: {  	v6 =	vld.idx.msk [tilespmem:v6+s1+$0x0], $0xffff;
	_ =	sdelay $0x3  }
0x88: {  	[tilespmem:$0x4E0] =	vst v5;
	v5 =	vld [tilespmem:$0x1FE40]  }
0x89: {  	[tilespmem:$0x6E0] =	vst v6;
	v6 =	vld [tilespmem:$0x1FE50];
	_ =	sdelay $0x6  }
0x8a: {  	v5 =	vld.idx.msk [tilespmem:v5+s1+$0x0], $0xffff  }
0x8b: {  	v6 =	vld.idx.msk [tilespmem:v6+s1+$0x0], $0xffff;
	_ =	sdelay $0x3  }
0x8c: {  	[tilespmem:$0x4F0] =	vst v5;
	v5 =	vld [tilespmem:$0x1FE60]  }
0x8d: {  	[tilespmem:$0x6F0] =	vst v6;
	v6 =	vld [tilespmem:$0x1FE70];
	_ =	sdelay $0x6  }
0x8e: {  	v5 =	vld.idx.msk [tilespmem:v5+s1+$0x0], $0xffff  }
0x8f: {  	v6 =	vld.idx.msk [tilespmem:v6+s1+$0x0], $0xffff;
	_ =	sdelay $0x3  }
0x90: {  	[tilespmem:$0x500] =	vst v5;
	v5 =	vld [tilespmem:$0x1FE80]  }
0x91: {  	[tilespmem:$0x700] =	vst v6;
	v6 =	vld [tilespmem:$0x1FE90];
	_ =	sdelay $0x6  }
0x92: {  	v5 =	vld.idx.msk [tilespmem:v5+s1+$0x0], $0xffff  }
0x93: {  	v6 =	vld.idx.msk [tilespmem:v6+s1+$0x0], $0xffff;
	_ =	sdelay $0x3  }
0x94: {  	[tilespmem:$0x510] =	vst v5;
	v5 =	vld [tilespmem:$0x1FEA0]  }
0x95: {  	[tilespmem:$0x710] =	vst v6;
	v6 =	vld [tilespmem:$0x1FEB0];
	_ =	sdelay $0x6  }
0x96: {  	v5 =	vld.idx.msk [tilespmem:v5+s1+$0x0], $0xffff  }
0x97: {  	v6 =	vld.idx.msk [tilespmem:v6+s1+$0x0], $0xffff;
	_ =	sdelay $0x3  }
0x98: {  	[tilespmem:$0x520] =	vst v5;
	v5 =	vld [tilespmem:$0x1FEC0]  }
0x99: {  	[tilespmem:$0x720] =	vst v6;
	v6 =	vld [tilespmem:$0x1FED0];
	_ =	sdelay $0x6  }
0x9a: {  	v5 =	vld.idx.msk [tilespmem:v5+s1+$0x0], $0xffff  }
0x9b: {  	v6 =	vld.idx.msk [tilespmem:v6+s1+$0x0], $0xffff;
	_ =	sdelay $0x3  }
0x9c: {  	[tilespmem:$0x530] =	vst v5;
	v5 =	vld [tilespmem:$0x1FEE0]  }
0x9d: {  	[tilespmem:$0x730] =	vst v6;
	v6 =	vld [tilespmem:$0x1FEF0];
	_ =	sdelay $0x6  }
0x9e: {  	v5 =	vld.idx.msk [tilespmem:v5+s1+$0x0], $0xffff  }
0x9f: {  	v6 =	vld.idx.msk [tilespmem:v6+s1+$0x0], $0xffff;
	_ =	sdelay $0x3  }
0xa0: {  	[tilespmem:$0x540] =	vst v5;
	v5 =	vld [tilespmem:$0x1FF00]  }
0xa1: {  	[tilespmem:$0x740] =	vst v6;
	v6 =	vld [tilespmem:$0x1FF10];
	_ =	sdelay $0x6  }
0xa2: {  	v5 =	vld.idx.msk [tilespmem:v5+s1+$0x0], $0xffff  }
0xa3: {  	v6 =	vld.idx.msk [tilespmem:v6+s1+$0x0], $0xffff;
	_ =	sdelay $0x3  }
0xa4: {  	[tilespmem:$0x550] =	vst v5;
	v5 =	vld [tilespmem:$0x1FF20]  }
0xa5: {  	[tilespmem:$0x750] =	vst v6;
	v6 =	vld [tilespmem:$0x1FF30];
	_ =	sdelay $0x6  }
0xa6: {  	v5 =	vld.idx.msk [tilespmem:v5+s1+$0x0], $0xffff  }
0xa7: {  	v6 =	vld.idx.msk [tilespmem:v6+s1+$0x0], $0xffff;
	_ =	sdelay $0x3  }
0xa8: {  	[tilespmem:$0x560] =	vst v5;
	v5 =	vld [tilespmem:$0x1FF40]  }
0xa9: {  	[tilespmem:$0x760] =	vst v6;
	v6 =	vld [tilespmem:$0x1FF50];
	_ =	sdelay $0x6  }
0xaa: {  	v5 =	vld.idx.msk [tilespmem:v5+s1+$0x0], $0xffff  }
0xab: {  	v6 =	vld.idx.msk [tilespmem:v6+s1+$0x0], $0xffff;
	_ =	sdelay $0x3  }
0xac: {  	[tilespmem:$0x570] =	vst v5;
	v5 =	vld [tilespmem:$0x1FF60]  }
0xad: {  	[tilespmem:$0x770] =	vst v6;
	v6 =	vld [tilespmem:$0x1FF70];
	_ =	sdelay $0x6  }
0xae: {  	v5 =	vld.idx.msk [tilespmem:v5+s1+$0x0], $0xffff  }
0xaf: {  	v6 =	vld.idx.msk [tilespmem:v6+s1+$0x0], $0xffff;
	_ =	sdelay $0x3  }
0xb0: {  	[tilespmem:$0x580] =	vst v5;
	v5 =	vld [tilespmem:$0x1FF80]  }
0xb1: {  	[tilespmem:$0x780] =	vst v6;
	v6 =	vld [tilespmem:$0x1FF90];
	_ =	sdelay $0x6  }
0xb2: {  	v5 =	vld.idx.msk [tilespmem:v5+s1+$0x0], $0xffff  }
0xb3: {  	v6 =	vld.idx.msk [tilespmem:v6+s1+$0x0], $0xffff;
	_ =	sdelay $0x3  }
0xb4: {  	[tilespmem:$0x590] =	vst v5;
	v5 =	vld [tilespmem:$0x1FFA0]  }
0xb5: {  	[tilespmem:$0x790] =	vst v6;
	v6 =	vld [tilespmem:$0x1FFB0];
	_ =	sdelay $0x6  }
0xb6: {  	v5 =	vld.idx.msk [tilespmem:v5+s1+$0x0], $0xffff  }
0xb7: {  	v6 =	vld.idx.msk [tilespmem:v6+s1+$0x0], $0xffff;
	_ =	sdelay $0x3  }
0xb8: {  	[tilespmem:$0x5A0] =	vst v5;
	v5 =	vld [tilespmem:$0x1FFC0]  }
0xb9: {  	[tilespmem:$0x7A0] =	vst v6;
	v6 =	vld [tilespmem:$0x1FFD0];
	_ =	sdelay $0x6  }
0xba: {  	v5 =	vld.idx.msk [tilespmem:v5+s1+$0x0], $0xffff  }
0xbb: {  	v6 =	vld.idx.msk [tilespmem:v6+s1+$0x0], $0xffff;
	_ =	sdelay $0x3  }
0xbc: {  	[tilespmem:$0x5B0] =	vst v5;
	v5 =	vld [tilespmem:$0x1FFE0]  }
0xbd: {  	[tilespmem:$0x7B0] =	vst v6;
	v6 =	vld [tilespmem:$0x1FFF0];
	_ =	sdelay $0x6  }
0xbe: {  	v5 =	vld.idx.msk [tilespmem:v5+s1+$0x0], $0xffff  }
0xbf: {  	v6 =	vld.idx.msk [tilespmem:v6+s1+$0x0], $0xffff;
	_ =	sdelay $0x3  }
0xc0: {  	[tilespmem:$0x5C0] =	vst v5  }
0xc1: {  	[tilespmem:$0x7C0] =	vst v6  }
0xc2: {  	v5 =	vld.idx.msk [tilespmem:v59+s1+$0x0], $0xffff  }
0xc3: {  	v6 =	vld.idx.msk [tilespmem:v60+s1+$0x0], $0xffff;
	_ =	sdelay $0x3  }
0xc4: {  	[tilespmem:$0x5D0] =	vst v5  }
0xc5: {  	[tilespmem:$0x7D0] =	vst v6  }
0xc6: {  	v5 =	vld.idx.msk [tilespmem:v1+s1+$0x0], $0xffff  }
0xc7: {  	v6 =	vld.idx.msk [tilespmem:v2+s1+$0x0], $0xffff;
	_ =	sdelay $0x3  }
0xc8: {  	[tilespmem:$0x5E0] =	vst v5  }
0xc9: {  	[tilespmem:$0x7E0] =	vst v6  }
0xca: {  	v5 =	vld.idx.msk [tilespmem:v3+s1+$0x0], $0xffff  }
0xcb: {  	v6 =	vld.idx.msk [tilespmem:v4+s1+$0x0], $0xffff;
	_ =	sdelay $0x3  }
0xcc: {  	[tilespmem:$0x5F0] =	vst v5  }
0xcd: {  	s12 =	simm.s32 $0x0;
	[tilespmem:$0x7F0] =	vst v6  }
.LBB2_2:
0xce: {  	s13 =	sshra.s32 s12, $0x2  }
0xcf: {  	v5 =	vld [tilespmem:s13+$0x400];
	_ =	sdelay $0x1  }
0xd0: {  	v7 =	vld [tilespmem:s13+$0x600];
	_ =	sdelay $0x2  }
0xd1: {  	v6 =	vshll.u32 v5, $0x4  }
0xd2: {  	(v2sf) =	vpush v6, $0x0  }
0xd3: {  	v5 =	vshll.u32 v7, $0x4  }
0xd4: {  	(v2sf) =	vpush v5, $0x0;
	_ =	sdelay $0x2  }
0xd5: {  	(v2sf) =	vpush v6, $0x1;
	_ =	sdelay $0x2  }
0xd6: {  	(v2sf) =	vpush v5, $0x1;
	_ =	sdelay $0x6  }
0xd7: {  	s14 =	spop (v2sf)  }
0xd8: {  	s14 =	sand.u32 $0x1FFFFFF0, s14  }
0xd9: {  	s15 =	rddreg [dreg:$0x3];
	s17 =	spop (v2sf);
	s14 =	sadd.s32 s3, s14  }
0xda: {  	[tilespmem:s15], [sflag:$0x1] =	stream.linear.gather [hbm4b:s14+s1], $0x80, $0x38;
	[tilespmem:$0x2A00] =	vst v63  }
0xdb: {  	s14 =	sand.u32 $0x1FFFFFF0, s17  }
0xdc: {  	s18 =	rddreg [dreg:$0x4];
	s19 =	spop (v2sf);
	s14 =	sadd.s32 s4, s14  }
0xdd: {  	[tilespmem:s18], [sflag:$0x1] =	stream.linear.gather [hbm4b:s14+s1], $0x80, $0x38;
	[tilespmem:$0x2A00] =	vst v63  }
0xde: {  	s14 =	sand.u32 $0x1FFFFFF0, s19  }
0xdf: {  	s20 =	rddreg [dreg:$0x5];
	s21 =	spop (v2sf);
	s14 =	sadd.s32 s3, s14  }
0xe0: {  	[tilespmem:s20], [sflag:$0x1] =	stream.linear.gather [hbm4b:s14+s1], $0x80, $0x38;
	[tilespmem:$0x2A00] =	vst v63  }
0xe1: {  	s14 =	sand.u32 $0x1FFFFFF0, s21  }
0xe2: {  	s22 =	rddreg [dreg:$0x6];
	s14 =	sadd.s32 s4, s14  }
0xe3: {  	[tilespmem:s22], [sflag:$0x1] =	stream.linear.gather [hbm4b:s14+s1], $0x80, $0x38;
	[tilespmem:$0x2A00] =	vst v63  }
0xe4: {  	(v2sf) =	vpush v6, $0x2;
	_ =	sdelay $0x1  }
0xe5: {  	(v2sf) =	vpush v5, $0x2;
	_ =	sdelay $0x1  }
0xe6: {  	(v2sf) =	vpush v6, $0x3;
	_ =	sdelay $0x2  }
0xe7: {  	(v2sf) =	vpush v5, $0x3;
	_ =	sdelay $0x7  }
0xe8: {  	s23 =	spop (v2sf);
	(v2sf) =	vpush v6, $0x4;
	_ =	sdelay $0x1  }
0xe9: {  	s25 =	spop (v2sf);
	(v2sf) =	vpush v5, $0x4;
	_ =	sdelay $0x1  }
0xea: {  	s28 =	spop (v2sf);
	(v2sf) =	vpush v6, $0x5;
	_ =	sdelay $0x2  }
0xeb: {  	s30 =	spop (v2sf);
	(v2sf) =	vpush v5, $0x5;
	_ =	sdelay $0x3  }
0xec: {  	s14 =	sand.u32 $0x1FFFFFF0, s23  }
0xed: {  	s24 =	rddreg [dreg:$0x7];
	s14 =	sadd.s32 s3, s14  }
0xee: {  	[tilespmem:s24], [sflag:$0x1] =	stream.linear.gather [hbm4b:s14+s1], $0x80, $0x38;
	[tilespmem:$0x2A00] =	vst v63  }
0xef: {  	s14 =	sand.u32 $0x1FFFFFF0, s25  }
0xf0: {  	s26 =	rddreg [dreg:$0x8];
	s14 =	sadd.s32 s4, s14;
	s15 =	spop (v2sf);
	(v2sf) =	vpush v6, $0x6  }
0xf1: {  	[tilespmem:s26], [sflag:$0x1] =	stream.linear.gather [hbm4b:s14+s1], $0x80, $0x38;
	[tilespmem:$0x2A00] =	vst v63  }
0xf2: {  	s17 =	spop (v2sf);
	(v2sf) =	vpush v5, $0x6  }
0xf3: {  	s14 =	sand.u32 $0x1FFFFFF0, s28  }
0xf4: {  	s29 =	rddreg [dreg:$0x9];
	s14 =	sadd.s32 s3, s14;
	s19 =	spop (v2sf);
	(v2sf) =	vpush v6, $0x7  }
0xf5: {  	[tilespmem:s29], [sflag:$0x1] =	stream.linear.gather [hbm4b:s14+s1], $0x80, $0x38;
	[tilespmem:$0x2A00] =	vst v63  }
0xf6: {  	s14 =	sand.u32 $0x1FFFFFF0, s30  }
0xf7: {  	s31 =	rddreg [dreg:$0xa];
	s14 =	sadd.s32 s4, s14;
	s21 =	spop (v2sf);
	(v2sf) =	vpush v5, $0x7  }
0xf8: {  	[tilespmem:s31], [sflag:$0x1] =	stream.linear.gather [hbm4b:s14+s1], $0x80, $0x38;
	[tilespmem:$0x2A00] =	vst v63  }
0xf9: {  	s14 =	sand.u32 $0x1FFFFFF0, s15  }
0xfa: {  	s16 =	rddreg [dreg:$0xb];
	s14 =	sadd.s32 s3, s14  }
0xfb: {  	[tilespmem:s16], [sflag:$0x1] =	stream.linear.gather [hbm4b:s14+s1], $0x80, $0x38;
	[tilespmem:$0x2A00] =	vst v63  }
0xfc: {  	s14 =	sand.u32 $0x1FFFFFF0, s17  }
0xfd: {  	s18 =	rddreg [dreg:$0xc];
	s14 =	sadd.s32 s4, s14  }
0xfe: {  	[tilespmem:s18], [sflag:$0x1] =	stream.linear.gather [hbm4b:s14+s1], $0x80, $0x38;
	[tilespmem:$0x2A00] =	vst v63  }
0xff: {  	s23 =	spop (v2sf);
	(v2sf) =	vpush v6, $0x8  }
0x100: {  	s14 =	sand.u32 $0x1FFFFFF0, s19  }
0x101: {  	s20 =	rddreg [dreg:$0xd];
	s14 =	sadd.s32 s3, s14;
	s25 =	spop (v2sf);
	(v2sf) =	vpush v5, $0x8  }
0x102: {  	[tilespmem:s20], [sflag:$0x1] =	stream.linear.gather [hbm4b:s14+s1], $0x80, $0x38;
	[tilespmem:$0x2A00] =	vst v63  }
0x103: {  	s14 =	sand.u32 $0x1FFFFFF0, s21;
	s28 =	spop (v2sf);
	(v2sf) =	vpush v6, $0x9  }
0x104: {  	s22 =	rddreg [dreg:$0xe];
	s14 =	sadd.s32 s4, s14  }
0x105: {  	[tilespmem:s22], [sflag:$0x1] =	stream.linear.gather [hbm4b:s14+s1], $0x80, $0x38;
	[tilespmem:$0x2A00] =	vst v63  }
0x106: {  	s30 =	spop (v2sf);
	(v2sf) =	vpush v5, $0x9  }
0x107: {  	s14 =	sand.u32 $0x1FFFFFF0, s23  }
0x108: {  	s24 =	rddreg [dreg:$0xf];
	s14 =	sadd.s32 s3, s14  }
0x109: {  	[tilespmem:s24], [sflag:$0x1] =	stream.linear.gather [hbm4b:s14+s1], $0x80, $0x38;
	[tilespmem:$0x2A00] =	vst v63  }
0x10a: {  	s14 =	sand.u32 $0x1FFFFFF0, s25  }
0x10b: {  	s26 =	rddreg [dreg:$0x10];
	s14 =	sadd.s32 s4, s14  }
0x10c: {  	[tilespmem:s26], [sflag:$0x1] =	stream.linear.gather [hbm4b:s14+s1], $0x80, $0x38;
	[tilespmem:$0x2A00] =	vst v63  }
0x10d: {  	s14 =	sand.u32 $0x1FFFFFF0, s28  }
0x10e: {  	s29 =	rddreg [dreg:$0x11];
	s14 =	sadd.s32 s3, s14;
	s15 =	spop (v2sf);
	(v2sf) =	vpush v6, $0xA  }
0x10f: {  	[tilespmem:s29], [sflag:$0x1] =	stream.linear.gather [hbm4b:s14+s1], $0x80, $0x38;
	[tilespmem:$0x2A00] =	vst v63  }
0x110: {  	s17 =	spop (v2sf);
	(v2sf) =	vpush v5, $0xA  }
0x111: {  	s14 =	sand.u32 $0x1FFFFFF0, s30  }
0x112: {  	s31 =	rddreg [dreg:$0x12];
	s14 =	sadd.s32 s4, s14;
	s19 =	spop (v2sf);
	(v2sf) =	vpush v6, $0xB  }
0x113: {  	[tilespmem:s31], [sflag:$0x1] =	stream.linear.gather [hbm4b:s14+s1], $0x80, $0x38;
	[tilespmem:$0x2A00] =	vst v63  }
0x114: {  	s14 =	sand.u32 $0x1FFFFFF0, s15  }
0x115: {  	s16 =	rddreg [dreg:$0x13];
	s14 =	sadd.s32 s3, s14;
	s21 =	spop (v2sf);
	(v2sf) =	vpush v5, $0xB  }
0x116: {  	[tilespmem:s16], [sflag:$0x1] =	stream.linear.gather [hbm4b:s14+s1], $0x80, $0x38;
	[tilespmem:$0x2A00] =	vst v63  }
0x117: {  	s14 =	sand.u32 $0x1FFFFFF0, s17  }
0x118: {  	s18 =	rddreg [dreg:$0x14];
	s14 =	sadd.s32 s4, s14  }
0x119: {  	[tilespmem:s18], [sflag:$0x1] =	stream.linear.gather [hbm4b:s14+s1], $0x80, $0x38;
	[tilespmem:$0x2A00] =	vst v63  }
0x11a: {  	s14 =	sand.u32 $0x1FFFFFF0, s19  }
0x11b: {  	s20 =	rddreg [dreg:$0x15];
	s14 =	sadd.s32 s3, s14  }
0x11c: {  	[tilespmem:s20], [sflag:$0x1] =	stream.linear.gather [hbm4b:s14+s1], $0x80, $0x38;
	[tilespmem:$0x2A00] =	vst v63  }
0x11d: {  	s23 =	spop (v2sf);
	(v2sf) =	vpush v6, $0xC  }
0x11e: {  	s14 =	sand.u32 $0x1FFFFFF0, s21  }
0x11f: {  	s22 =	rddreg [dreg:$0x16];
	s14 =	sadd.s32 s4, s14;
	s25 =	spop (v2sf);
	(v2sf) =	vpush v5, $0xC  }
0x120: {  	[tilespmem:s22], [sflag:$0x1] =	stream.linear.gather [hbm4b:s14+s1], $0x80, $0x38;
	[tilespmem:$0x2A00] =	vst v63  }
0x121: {  	s14 =	sand.u32 $0x1FFFFFF0, s23;
	s28 =	spop (v2sf);
	(v2sf) =	vpush v6, $0xD  }
0x122: {  	s24 =	rddreg [dreg:$0x17];
	s14 =	sadd.s32 s3, s14  }
0x123: {  	[tilespmem:s24], [sflag:$0x1] =	stream.linear.gather [hbm4b:s14+s1], $0x80, $0x38;
	[tilespmem:$0x2A00] =	vst v63  }
0x124: {  	s30 =	spop (v2sf);
	(v2sf) =	vpush v5, $0xD  }
0x125: {  	s14 =	sand.u32 $0x1FFFFFF0, s25  }
0x126: {  	s26 =	rddreg [dreg:$0x18];
	s14 =	sadd.s32 s4, s14  }
0x127: {  	[tilespmem:s26], [sflag:$0x1] =	stream.linear.gather [hbm4b:s14+s1], $0x80, $0x38;
	[tilespmem:$0x2A00] =	vst v63  }
0x128: {  	s14 =	sand.u32 $0x1FFFFFF0, s28  }
0x129: {  	s29 =	rddreg [dreg:$0x19];
	s14 =	sadd.s32 s3, s14  }
0x12a: {  	[tilespmem:s29], [sflag:$0x1] =	stream.linear.gather [hbm4b:s14+s1], $0x80, $0x38;
	[tilespmem:$0x2A00] =	vst v63  }
0x12b: {  	s14 =	sand.u32 $0x1FFFFFF0, s30  }
0x12c: {  	s31 =	rddreg [dreg:$0x1a];
	s14 =	sadd.s32 s4, s14;
	s15 =	spop (v2sf);
	(v2sf) =	vpush v6, $0xE  }
0x12d: {  	[tilespmem:s31], [sflag:$0x1] =	stream.linear.gather [hbm4b:s14+s1], $0x80, $0x38;
	[tilespmem:$0x2A00] =	vst v63  }
0x12e: {  	s17 =	spop (v2sf);
	(v2sf) =	vpush v5, $0xE  }
0x12f: {  	s14 =	sand.u32 $0x1FFFFFF0, s15  }
0x130: {  	s16 =	rddreg [dreg:$0x1b];
	s14 =	sadd.s32 s3, s14;
	s19 =	spop (v2sf)  }
0x131: {  	(v2sf) =	vpush v6, $0xF;
	[tilespmem:s16], [sflag:$0x1] =	stream.linear.gather [hbm4b:s14+s1], $0x80, $0x38;
	[tilespmem:$0x2A00] =	vst v63  }
0x132: {  	s14 =	sand.u32 $0x1FFFFFF0, s17  }
0x133: {  	s18 =	rddreg [dreg:$0x1c];
	s21 =	spop (v2sf);
	s14 =	sadd.s32 s4, s14  }
0x134: {  	(v2sf) =	vpush v5, $0xF;
	[tilespmem:s18], [sflag:$0x1] =	stream.linear.gather [hbm4b:s14+s1], $0x80, $0x38;
	[tilespmem:$0x2A00] =	vst v63  }
0x135: {  	s14 =	sand.u32 $0x1FFFFFF0, s19  }
0x136: {  	s20 =	rddreg [dreg:$0x1d];
	s14 =	sadd.s32 s3, s14  }
0x137: {  	[tilespmem:s20], [sflag:$0x1] =	stream.linear.gather [hbm4b:s14+s1], $0x80, $0x38;
	[tilespmem:$0x2A00] =	vst v63  }
0x138: {  	s14 =	sand.u32 $0x1FFFFFF0, s21  }
0x139: {  	s22 =	rddreg [dreg:$0x1e];
	s14 =	sadd.s32 s4, s14  }
0x13a: {  	[tilespmem:s22], [sflag:$0x1] =	stream.linear.gather [hbm4b:s14+s1], $0x80, $0x38;
	[tilespmem:$0x2A00] =	vst v63  }
0x13b: {  	s23 =	spop (v2sf)  }
0x13c: {  	s24 =	rddreg [dreg:$0x1f];
	s14 =	sand.u32 $0x1FFFFFF0, s23  }
0x13d: {  	s26 =	sld [smem:$0x7DB];
	s25 =	spop (v2sf);
	s14 =	sadd.s32 s3, s14  }
0x13e: {  	[tilespmem:s24], [sflag:$0x1] =	stream.linear.gather [hbm4b:s14+s1], $0x80, $0x38;
	[tilespmem:$0x2A00] =	vst v63  }
0x13f: {  	s14 =	sand.u32 $0x1FFFFFF0, s25  }
0x140: {  	s29 =	sld [smem:$0x7DC];
	s28 =	spop (v2sf);
	s14 =	sadd.s32 s4, s14  }
0x141: {  	[tilespmem:s26], [sflag:$0x1] =	stream.linear.gather [hbm4b:s14+s1], $0x80, $0x38;
	[tilespmem:$0x2A00] =	vst v63  }
0x142: {  	s14 =	sand.u32 $0x1FFFFFF0, s28  }
0x143: {  	s31 =	sld [smem:$0x7DD];
	s30 =	spop (v2sf);
	s14 =	sadd.s32 s3, s14  }
0x144: {  	[tilespmem:s29], [sflag:$0x1] =	stream.linear.gather [hbm4b:s14+s1], $0x80, $0x38;
	[tilespmem:$0x2A00] =	vst v63  }
0x145: {  	s14 =	sand.u32 $0x1FFFFFF0, s30  }
0x146: {  	s14 =	sadd.s32 s4, s14  }
0x147: {  	[tilespmem:s31], [sflag:$0x1] =	stream.linear.gather [hbm4b:s14+s1], $0x80, $0x38;
	[tilespmem:$0x2A00] =	vst v63  }
0x148: {  	v5 =	vld [tilespmem:s13+$0x410];
	_ =	sdelay $0x1  }
0x149: {  	v7 =	vld [tilespmem:s13+$0x610];
	_ =	sdelay $0x2  }
0x14a: {  	v6 =	vshll.u32 v5, $0x4  }
0x14b: {  	(v2sf) =	vpush v6, $0x0  }
0x14c: {  	v5 =	vshll.u32 v7, $0x4  }
0x14d: {  	(v2sf) =	vpush v5, $0x0;
	_ =	sdelay $0x1  }
0x14e: {  	(v2sf) =	vpush v6, $0x1;
	_ =	sdelay $0x2  }
0x14f: {  	(v2sf) =	vpush v5, $0x1;
	_ =	sdelay $0x7  }
0x150: {  	s15 =	spop (v2sf);
	(v2sf) =	vpush v6, $0x2;
	_ =	sdelay $0x1  }
0x151: {  	s17 =	spop (v2sf);
	(v2sf) =	vpush v5, $0x2;
	_ =	sdelay $0x1  }
0x152: {  	s19 =	spop (v2sf);
	(v2sf) =	vpush v6, $0x3;
	_ =	sdelay $0x2  }
0x153: {  	s21 =	spop (v2sf);
	(v2sf) =	vpush v5, $0x3;
	_ =	sdelay $0x3  }
0x154: {  	s16 =	sld [smem:$0x7DE]  }
0x155: {  	s14 =	sand.u32 $0x1FFFFFF0, s15  }
0x156: {  	s14 =	sadd.s32 s3, s14  }
0x157: {  	[tilespmem:s16], [sflag:$0x1] =	stream.linear.gather [hbm4b:s14+s1], $0x80, $0x38;
	[tilespmem:$0x2A00] =	vst v63  }
0x158: {  	s18 =	sld [smem:$0x7DF];
	s23 =	spop (v2sf);
	(v2sf) =	vpush v6, $0x4  }
0x159: {  	s14 =	sand.u32 $0x1FFFFFF0, s17  }
0x15a: {  	s20 =	sld [smem:$0x7E0];
	s14 =	sadd.s32 s4, s14;
	s25 =	spop (v2sf);
	(v2sf) =	vpush v5, $0x4  }
0x15b: {  	[tilespmem:s18], [sflag:$0x1] =	stream.linear.gather [hbm4b:s14+s1], $0x80, $0x38;
	[tilespmem:$0x2A00] =	vst v63  }
0x15c: {  	s14 =	sand.u32 $0x1FFFFFF0, s19;
	s28 =	spop (v2sf);
	(v2sf) =	vpush v6, $0x5  }
0x15d: {  	s14 =	sadd.s32 s3, s14  }
0x15e: {  	[tilespmem:s20], [sflag:$0x1] =	stream.linear.gather [hbm4b:s14+s1], $0x80, $0x38;
	[tilespmem:$0x2A00] =	vst v63  }
0x15f: {  	s22 =	sld [smem:$0x7E1];
	s30 =	spop (v2sf);
	(v2sf) =	vpush v5, $0x5  }
0x160: {  	s14 =	sand.u32 $0x1FFFFFF0, s21  }
0x161: {  	s24 =	sld [smem:$0x7E2];
	s14 =	sadd.s32 s4, s14  }
0x162: {  	[tilespmem:s22], [sflag:$0x1] =	stream.linear.gather [hbm4b:s14+s1], $0x80, $0x38;
	[tilespmem:$0x2A00] =	vst v63  }
0x163: {  	s14 =	sand.u32 $0x1FFFFFF0, s23  }
0x164: {  	s26 =	sld [smem:$0x7E3];
	s14 =	sadd.s32 s3, s14  }
0x165: {  	[tilespmem:s24], [sflag:$0x1] =	stream.linear.gather [hbm4b:s14+s1], $0x80, $0x38;
	[tilespmem:$0x2A00] =	vst v63  }
0x166: {  	s14 =	sand.u32 $0x1FFFFFF0, s25  }
0x167: {  	s14 =	sadd.s32 s4, s14;
	s15 =	spop (v2sf);
	(v2sf) =	vpush v6, $0x6  }
0x168: {  	[tilespmem:s26], [sflag:$0x1] =	stream.linear.gather [hbm4b:s14+s1], $0x80, $0x38;
	[tilespmem:$0x2A00] =	vst v63  }
0x169: {  	s29 =	sld [smem:$0x7E4];
	s17 =	spop (v2sf);
	(v2sf) =	vpush v5, $0x6  }
0x16a: {  	s14 =	sand.u32 $0x1FFFFFF0, s28  }
0x16b: {  	s31 =	sld [smem:$0x7E5];
	s14 =	sadd.s32 s3, s14;
	s19 =	spop (v2sf);
	(v2sf) =	vpush v6, $0x7  }
0x16c: {  	[tilespmem:s29], [sflag:$0x1] =	stream.linear.gather [hbm4b:s14+s1], $0x80, $0x38;
	[tilespmem:$0x2A00] =	vst v63  }
0x16d: {  	s14 =	sand.u32 $0x1FFFFFF0, s30  }
0x16e: {  	s16 =	sld [smem:$0x7E6];
	s14 =	sadd.s32 s4, s14;
	s21 =	spop (v2sf);
	(v2sf) =	vpush v5, $0x7  }
0x16f: {  	[tilespmem:s31], [sflag:$0x1] =	stream.linear.gather [hbm4b:s14+s1], $0x80, $0x38;
	[tilespmem:$0x2A00] =	vst v63  }
0x170: {  	s14 =	sand.u32 $0x1FFFFFF0, s15  }
0x171: {  	s18 =	sld [smem:$0x7E7];
	s14 =	sadd.s32 s3, s14  }
0x172: {  	[tilespmem:s16], [sflag:$0x1] =	stream.linear.gather [hbm4b:s14+s1], $0x80, $0x38;
	[tilespmem:$0x2A00] =	vst v63  }
0x173: {  	s14 =	sand.u32 $0x1FFFFFF0, s17  }
0x174: {  	s14 =	sadd.s32 s4, s14  }
0x175: {  	[tilespmem:s18], [sflag:$0x1] =	stream.linear.gather [hbm4b:s14+s1], $0x80, $0x38;
	[tilespmem:$0x2A00] =	vst v63  }
0x176: {  	s20 =	sld [smem:$0x7E8];
	s23 =	spop (v2sf);
	(v2sf) =	vpush v6, $0x8  }
0x177: {  	s14 =	sand.u32 $0x1FFFFFF0, s19  }
0x178: {  	s22 =	sld [smem:$0x7E9];
	s14 =	sadd.s32 s3, s14;
	s25 =	spop (v2sf);
	(v2sf) =	vpush v5, $0x8  }
0x179: {  	[tilespmem:s20], [sflag:$0x1] =	stream.linear.gather [hbm4b:s14+s1], $0x80, $0x38;
	[tilespmem:$0x2A00] =	vst v63  }
0x17a: {  	s14 =	sand.u32 $0x1FFFFFF0, s21;
	s28 =	spop (v2sf);
	(v2sf) =	vpush v6, $0x9  }
0x17b: {  	s14 =	sadd.s32 s4, s14  }
0x17c: {  	[tilespmem:s22], [sflag:$0x1] =	stream.linear.gather [hbm4b:s14+s1], $0x80, $0x38;
	[tilespmem:$0x2A00] =	vst v63  }
0x17d: {  	s24 =	sld [smem:$0x7EA];
	s30 =	spop (v2sf);
	(v2sf) =	vpush v5, $0x9  }
0x17e: {  	s14 =	sand.u32 $0x1FFFFFF0, s23  }
0x17f: {  	s26 =	sld [smem:$0x7EB];
	s14 =	sadd.s32 s3, s14  }
0x180: {  	[tilespmem:s24], [sflag:$0x1] =	stream.linear.gather [hbm4b:s14+s1], $0x80, $0x38;
	[tilespmem:$0x2A00] =	vst v63  }
0x181: {  	s14 =	sand.u32 $0x1FFFFFF0, s25  }
0x182: {  	s29 =	sld [smem:$0x7EC];
	s14 =	sadd.s32 s4, s14  }
0x183: {  	[tilespmem:s26], [sflag:$0x1] =	stream.linear.gather [hbm4b:s14+s1], $0x80, $0x38;
	[tilespmem:$0x2A00] =	vst v63  }
0x184: {  	s14 =	sand.u32 $0x1FFFFFF0, s28  }
0x185: {  	s14 =	sadd.s32 s3, s14;
	s15 =	spop (v2sf);
	(v2sf) =	vpush v6, $0xA  }
0x186: {  	[tilespmem:s29], [sflag:$0x1] =	stream.linear.gather [hbm4b:s14+s1], $0x80, $0x38;
	[tilespmem:$0x2A00] =	vst v63  }
0x187: {  	s31 =	sld [smem:$0x7ED];
	s17 =	spop (v2sf);
	(v2sf) =	vpush v5, $0xA  }
0x188: {  	s14 =	sand.u32 $0x1FFFFFF0, s30  }
0x189: {  	s16 =	sld [smem:$0x7EE];
	s14 =	sadd.s32 s4, s14;
	s19 =	spop (v2sf);
	(v2sf) =	vpush v6, $0xB  }
0x18a: {  	[tilespmem:s31], [sflag:$0x1] =	stream.linear.gather [hbm4b:s14+s1], $0x80, $0x38;
	[tilespmem:$0x2A00] =	vst v63  }
0x18b: {  	s14 =	sand.u32 $0x1FFFFFF0, s15  }
0x18c: {  	s18 =	sld [smem:$0x7EF];
	s14 =	sadd.s32 s3, s14;
	s21 =	spop (v2sf);
	(v2sf) =	vpush v5, $0xB  }
0x18d: {  	[tilespmem:s16], [sflag:$0x1] =	stream.linear.gather [hbm4b:s14+s1], $0x80, $0x38;
	[tilespmem:$0x2A00] =	vst v63  }
0x18e: {  	s14 =	sand.u32 $0x1FFFFFF0, s17  }
0x18f: {  	s20 =	sld [smem:$0x7F0];
	s14 =	sadd.s32 s4, s14  }
0x190: {  	[tilespmem:s18], [sflag:$0x1] =	stream.linear.gather [hbm4b:s14+s1], $0x80, $0x38;
	[tilespmem:$0x2A00] =	vst v63  }
0x191: {  	s14 =	sand.u32 $0x1FFFFFF0, s19  }
0x192: {  	s14 =	sadd.s32 s3, s14  }
0x193: {  	[tilespmem:s20], [sflag:$0x1] =	stream.linear.gather [hbm4b:s14+s1], $0x80, $0x38;
	[tilespmem:$0x2A00] =	vst v63  }
0x194: {  	s22 =	sld [smem:$0x7F1];
	s23 =	spop (v2sf);
	(v2sf) =	vpush v6, $0xC  }
0x195: {  	s14 =	sand.u32 $0x1FFFFFF0, s21  }
0x196: {  	s24 =	sld [smem:$0x7F2];
	s14 =	sadd.s32 s4, s14;
	s25 =	spop (v2sf);
	(v2sf) =	vpush v5, $0xC  }
0x197: {  	[tilespmem:s22], [sflag:$0x1] =	stream.linear.gather [hbm4b:s14+s1], $0x80, $0x38;
	[tilespmem:$0x2A00] =	vst v63  }
0x198: {  	s14 =	sand.u32 $0x1FFFFFF0, s23;
	s28 =	spop (v2sf);
	(v2sf) =	vpush v6, $0xD  }
0x199: {  	s14 =	sadd.s32 s3, s14  }
0x19a: {  	[tilespmem:s24], [sflag:$0x1] =	stream.linear.gather [hbm4b:s14+s1], $0x80, $0x38;
	[tilespmem:$0x2A00] =	vst v63  }
0x19b: {  	s26 =	sld [smem:$0x7F3];
	s30 =	spop (v2sf);
	(v2sf) =	vpush v5, $0xD  }
0x19c: {  	s14 =	sand.u32 $0x1FFFFFF0, s25  }
0x19d: {  	s29 =	sld [smem:$0x7F4];
	s14 =	sadd.s32 s4, s14  }
0x19e: {  	[tilespmem:s26], [sflag:$0x1] =	stream.linear.gather [hbm4b:s14+s1], $0x80, $0x38;
	[tilespmem:$0x2A00] =	vst v63  }
0x19f: {  	s14 =	sand.u32 $0x1FFFFFF0, s28  }
0x1a0: {  	s31 =	sld [smem:$0x7F5];
	s14 =	sadd.s32 s3, s14  }
0x1a1: {  	[tilespmem:s29], [sflag:$0x1] =	stream.linear.gather [hbm4b:s14+s1], $0x80, $0x38;
	[tilespmem:$0x2A00] =	vst v63  }
0x1a2: {  	s14 =	sand.u32 $0x1FFFFFF0, s30  }
0x1a3: {  	s14 =	sadd.s32 s4, s14;
	s15 =	spop (v2sf);
	(v2sf) =	vpush v6, $0xE  }
0x1a4: {  	[tilespmem:s31], [sflag:$0x1] =	stream.linear.gather [hbm4b:s14+s1], $0x80, $0x38;
	[tilespmem:$0x2A00] =	vst v63  }
0x1a5: {  	s16 =	sld [smem:$0x7F6];
	s17 =	spop (v2sf);
	(v2sf) =	vpush v5, $0xE  }
0x1a6: {  	s14 =	sand.u32 $0x1FFFFFF0, s15  }
0x1a7: {  	s18 =	sld [smem:$0x7F7];
	s14 =	sadd.s32 s3, s14;
	s19 =	spop (v2sf)  }
0x1a8: {  	(v2sf) =	vpush v6, $0xF;
	[tilespmem:s16], [sflag:$0x1] =	stream.linear.gather [hbm4b:s14+s1], $0x80, $0x38;
	[tilespmem:$0x2A00] =	vst v63  }
0x1a9: {  	s14 =	sand.u32 $0x1FFFFFF0, s17  }
0x1aa: {  	s20 =	sld [smem:$0x7F8];
	s21 =	spop (v2sf);
	s14 =	sadd.s32 s4, s14  }
0x1ab: {  	(v2sf) =	vpush v5, $0xF;
	[tilespmem:s18], [sflag:$0x1] =	stream.linear.gather [hbm4b:s14+s1], $0x80, $0x38;
	[tilespmem:$0x2A00] =	vst v63  }
0x1ac: {  	s14 =	sand.u32 $0x1FFFFFF0, s19  }
0x1ad: {  	s22 =	sld [smem:$0x7F9];
	s14 =	sadd.s32 s3, s14  }
0x1ae: {  	[tilespmem:s20], [sflag:$0x1] =	stream.linear.gather [hbm4b:s14+s1], $0x80, $0x38;
	[tilespmem:$0x2A00] =	vst v63  }
0x1af: {  	s14 =	sand.u32 $0x1FFFFFF0, s21  }
0x1b0: {  	s14 =	sadd.s32 s4, s14  }
0x1b1: {  	[tilespmem:s22], [sflag:$0x1] =	stream.linear.gather [hbm4b:s14+s1], $0x80, $0x38;
	[tilespmem:$0x2A00] =	vst v63  }
0x1b2: {  	s24 =	sld [smem:$0x7FA];
	s23 =	spop (v2sf)  }
0x1b3: {  	s14 =	sand.u32 $0x1FFFFFF0, s23  }
0x1b4: {  	s26 =	sld [smem:$0x7FB];
	s25 =	spop (v2sf);
	s14 =	sadd.s32 s3, s14  }
0x1b5: {  	[tilespmem:s24], [sflag:$0x1] =	stream.linear.gather [hbm4b:s14+s1], $0x80, $0x38;
	[tilespmem:$0x2A00] =	vst v63  }
0x1b6: {  	s14 =	sand.u32 $0x1FFFFFF0, s25  }
0x1b7: {  	s29 =	sld [smem:$0x7FC];
	s28 =	spop (v2sf);
	s14 =	sadd.s32 s4, s14  }
0x1b8: {  	[tilespmem:s26], [sflag:$0x1] =	stream.linear.gather [hbm4b:s14+s1], $0x80, $0x38;
	[tilespmem:$0x2A00] =	vst v63  }
0x1b9: {  	s14 =	sand.u32 $0x1FFFFFF0, s28  }
0x1ba: {  	s31 =	sld [smem:$0x7FD];
	s30 =	spop (v2sf);
	s14 =	sadd.s32 s3, s14  }
0x1bb: {  	[tilespmem:s29], [sflag:$0x1] =	stream.linear.gather [hbm4b:s14+s1], $0x80, $0x38;
	[tilespmem:$0x2A00] =	vst v63  }
0x1bc: {  	s14 =	sand.u32 $0x1FFFFFF0, s30  }
0x1bd: {  	s14 =	sadd.s32 s4, s14  }
0x1be: {  	[tilespmem:s31], [sflag:$0x1] =	stream.linear.gather [hbm4b:s14+s1], $0x80, $0x38;
	[tilespmem:$0x2A00] =	vst v63  }
0x1bf: {  	_ =	swait.ge [sflag:s9], $0x80  }
0x1c0: {  	[sflag:s9] =	ssyncset.done $0x0  }
0x1c1: {  	[sflag:s9] =	ssyncadd.s32 $0xFFFFFF80  }
0x1c2: {  	_ =	swait.ge [sflag:s9], $0x80  }
0x1c3: {  	[sflag:s9] =	ssyncset.done $0x0  }
0x1c4: {  	[sflag:s9] =	ssyncadd.s32 $0xFFFFFF80  }
0x1c5: {  	_ =	swait.ge [sflag:s9], $0x80  }
0x1c6: {  	[sflag:s9] =	ssyncset.done $0x0  }
0x1c7: {  	[sflag:s9] =	ssyncadd.s32 $0xFFFFFF80  }
0x1c8: {  	_ =	swait.ge [sflag:s9], $0x80  }
0x1c9: {  	[sflag:s9] =	ssyncset.done $0x0  }
0x1ca: {  	[sflag:s9] =	ssyncadd.s32 $0xFFFFFF80  }
0x1cb: {  	_ =	swait.ge [sflag:s9], $0x80  }
0x1cc: {  	[sflag:s9] =	ssyncset.done $0x0  }
0x1cd: {  	[sflag:s9] =	ssyncadd.s32 $0xFFFFFF80  }
0x1ce: {  	_ =	swait.ge [sflag:s9], $0x80  }
0x1cf: {  	[sflag:s9] =	ssyncset.done $0x0  }
0x1d0: {  	[sflag:s9] =	ssyncadd.s32 $0xFFFFFF80  }
0x1d1: {  	_ =	swait.ge [sflag:s9], $0x80  }
0x1d2: {  	[sflag:s9] =	ssyncset.done $0x0  }
0x1d3: {  	[sflag:s9] =	ssyncadd.s32 $0xFFFFFF80  }
0x1d4: {  	_ =	swait.ge [sflag:s9], $0x80  }
0x1d5: {  	[sflag:s9] =	ssyncset.done $0x0  }
0x1d6: {  	[sflag:s9] =	ssyncadd.s32 $0xFFFFFF80  }
0x1d7: {  	_ =	swait.ge [sflag:s9], $0x80  }
0x1d8: {  	[sflag:s9] =	ssyncset.done $0x0  }
0x1d9: {  	[sflag:s9] =	ssyncadd.s32 $0xFFFFFF80  }
0x1da: {  	_ =	swait.ge [sflag:s9], $0x80  }
0x1db: {  	[sflag:s9] =	ssyncset.done $0x0  }
0x1dc: {  	[sflag:s9] =	ssyncadd.s32 $0xFFFFFF80  }
0x1dd: {  	_ =	swait.ge [sflag:s9], $0x80  }
0x1de: {  	[sflag:s9] =	ssyncset.done $0x0  }
0x1df: {  	[sflag:s9] =	ssyncadd.s32 $0xFFFFFF80  }
0x1e0: {  	_ =	swait.ge [sflag:s9], $0x80  }
0x1e1: {  	[sflag:s9] =	ssyncset.done $0x0  }
0x1e2: {  	[sflag:s9] =	ssyncadd.s32 $0xFFFFFF80  }
0x1e3: {  	_ =	swait.ge [sflag:s9], $0x80  }
0x1e4: {  	[sflag:s9] =	ssyncset.done $0x0  }
0x1e5: {  	[sflag:s9] =	ssyncadd.s32 $0xFFFFFF80  }
0x1e6: {  	_ =	swait.ge [sflag:s9], $0x80  }
0x1e7: {  	[sflag:s9] =	ssyncset.done $0x0  }
0x1e8: {  	[sflag:s9] =	ssyncadd.s32 $0xFFFFFF80  }
0x1e9: {  	_ =	swait.ge [sflag:s9], $0x80  }
0x1ea: {  	[sflag:s9] =	ssyncset.done $0x0  }
0x1eb: {  	[sflag:s9] =	ssyncadd.s32 $0xFFFFFF80  }
0x1ec: {  	_ =	swait.ge [sflag:s9], $0x80  }
0x1ed: {  	[sflag:s9] =	ssyncset.done $0x0  }
0x1ee: {  	[sflag:s9] =	ssyncadd.s32 $0xFFFFFF80  }
0x1ef: {  	_ =	swait.ge [sflag:s9], $0x80  }
0x1f0: {  	[sflag:s9] =	ssyncset.done $0x0  }
0x1f1: {  	[sflag:s9] =	ssyncadd.s32 $0xFFFFFF80  }
0x1f2: {  	_ =	swait.ge [sflag:s9], $0x80  }
0x1f3: {  	[sflag:s9] =	ssyncset.done $0x0  }
0x1f4: {  	[sflag:s9] =	ssyncadd.s32 $0xFFFFFF80  }
0x1f5: {  	_ =	swait.ge [sflag:s9], $0x80  }
0x1f6: {  	[sflag:s9] =	ssyncset.done $0x0  }
0x1f7: {  	[sflag:s9] =	ssyncadd.s32 $0xFFFFFF80  }
0x1f8: {  	_ =	swait.ge [sflag:s9], $0x80  }
0x1f9: {  	[sflag:s9] =	ssyncset.done $0x0  }
0x1fa: {  	[sflag:s9] =	ssyncadd.s32 $0xFFFFFF80  }
0x1fb: {  	_ =	swait.ge [sflag:s9], $0x80  }
0x1fc: {  	[sflag:s9] =	ssyncset.done $0x0  }
0x1fd: {  	[sflag:s9] =	ssyncadd.s32 $0xFFFFFF80  }
0x1fe: {  	_ =	swait.ge [sflag:s9], $0x80  }
0x1ff: {  	[sflag:s9] =	ssyncset.done $0x0  }
0x200: {  	[sflag:s9] =	ssyncadd.s32 $0xFFFFFF80  }
0x201: {  	_ =	swait.ge [sflag:s9], $0x80  }
0x202: {  	[sflag:s9] =	ssyncset.done $0x0  }
0x203: {  	[sflag:s9] =	ssyncadd.s32 $0xFFFFFF80  }
0x204: {  	_ =	swait.ge [sflag:s9], $0x80  }
0x205: {  	[sflag:s9] =	ssyncset.done $0x0  }
0x206: {  	[sflag:s9] =	ssyncadd.s32 $0xFFFFFF80  }
0x207: {  	_ =	swait.ge [sflag:s9], $0x80  }
0x208: {  	[sflag:s9] =	ssyncset.done $0x0  }
0x209: {  	[sflag:s9] =	ssyncadd.s32 $0xFFFFFF80  }
0x20a: {  	_ =	swait.ge [sflag:s9], $0x80  }
0x20b: {  	[sflag:s9] =	ssyncset.done $0x0  }
0x20c: {  	[sflag:s9] =	ssyncadd.s32 $0xFFFFFF80  }
0x20d: {  	_ =	swait.ge [sflag:s9], $0x80  }
0x20e: {  	[sflag:s9] =	ssyncset.done $0x0  }
0x20f: {  	[sflag:s9] =	ssyncadd.s32 $0xFFFFFF80  }
0x210: {  	_ =	swait.ge [sflag:s9], $0x80  }
0x211: {  	[sflag:s9] =	ssyncset.done $0x0  }
0x212: {  	[sflag:s9] =	ssyncadd.s32 $0xFFFFFF80  }
0x213: {  	_ =	swait.ge [sflag:s9], $0x80  }
0x214: {  	[sflag:s9] =	ssyncset.done $0x0  }
0x215: {  	[sflag:s9] =	ssyncadd.s32 $0xFFFFFF80  }
0x216: {  	_ =	swait.ge [sflag:s9], $0x80  }
0x217: {  	[sflag:s9] =	ssyncset.done $0x0  }
0x218: {  	[sflag:s9] =	ssyncadd.s32 $0xFFFFFF80  }
0x219: {  	_ =	swait.ge [sflag:s9], $0x80  }
0x21a: {  	[sflag:s9] =	ssyncset.done $0x0  }
0x21b: {  	[sflag:s9] =	ssyncadd.s32 $0xFFFFFF80  }
0x21c: {  	_ =	swait.ge [sflag:s9], $0x80  }
0x21d: {  	[sflag:s9] =	ssyncset.done $0x0  }
0x21e: {  	[sflag:s9] =	ssyncadd.s32 $0xFFFFFF80  }
0x21f: {  	_ =	swait.ge [sflag:s9], $0x80  }
0x220: {  	[sflag:s9] =	ssyncset.done $0x0  }
0x221: {  	[sflag:s9] =	ssyncadd.s32 $0xFFFFFF80  }
0x222: {  	_ =	swait.ge [sflag:s9], $0x80  }
0x223: {  	[sflag:s9] =	ssyncset.done $0x0  }
0x224: {  	[sflag:s9] =	ssyncadd.s32 $0xFFFFFF80  }
0x225: {  	_ =	swait.ge [sflag:s9], $0x80  }
0x226: {  	[sflag:s9] =	ssyncset.done $0x0  }
0x227: {  	[sflag:s9] =	ssyncadd.s32 $0xFFFFFF80  }
0x228: {  	_ =	swait.ge [sflag:s9], $0x80  }
0x229: {  	[sflag:s9] =	ssyncset.done $0x0  }
0x22a: {  	[sflag:s9] =	ssyncadd.s32 $0xFFFFFF80  }
0x22b: {  	_ =	swait.ge [sflag:s9], $0x80  }
0x22c: {  	[sflag:s9] =	ssyncset.done $0x0  }
0x22d: {  	[sflag:s9] =	ssyncadd.s32 $0xFFFFFF80  }
0x22e: {  	_ =	swait.ge [sflag:s9], $0x80  }
0x22f: {  	[sflag:s9] =	ssyncset.done $0x0  }
0x230: {  	[sflag:s9] =	ssyncadd.s32 $0xFFFFFF80  }
0x231: {  	_ =	swait.ge [sflag:s9], $0x80  }
0x232: {  	[sflag:s9] =	ssyncset.done $0x0  }
0x233: {  	[sflag:s9] =	ssyncadd.s32 $0xFFFFFF80  }
0x234: {  	_ =	swait.ge [sflag:s9], $0x80  }
0x235: {  	[sflag:s9] =	ssyncset.done $0x0  }
0x236: {  	[sflag:s9] =	ssyncadd.s32 $0xFFFFFF80  }
0x237: {  	_ =	swait.ge [sflag:s9], $0x80  }
0x238: {  	[sflag:s9] =	ssyncset.done $0x0  }
0x239: {  	[sflag:s9] =	ssyncadd.s32 $0xFFFFFF80  }
0x23a: {  	_ =	swait.ge [sflag:s9], $0x80  }
0x23b: {  	[sflag:s9] =	ssyncset.done $0x0  }
0x23c: {  	[sflag:s9] =	ssyncadd.s32 $0xFFFFFF80  }
0x23d: {  	_ =	swait.ge [sflag:s9], $0x80  }
0x23e: {  	[sflag:s9] =	ssyncset.done $0x0  }
0x23f: {  	[sflag:s9] =	ssyncadd.s32 $0xFFFFFF80  }
0x240: {  	_ =	swait.ge [sflag:s9], $0x80  }
0x241: {  	[sflag:s9] =	ssyncset.done $0x0  }
0x242: {  	[sflag:s9] =	ssyncadd.s32 $0xFFFFFF80  }
0x243: {  	_ =	swait.ge [sflag:s9], $0x80  }
0x244: {  	[sflag:s9] =	ssyncset.done $0x0  }
0x245: {  	[sflag:s9] =	ssyncadd.s32 $0xFFFFFF80  }
0x246: {  	_ =	swait.ge [sflag:s9], $0x80  }
0x247: {  	[sflag:s9] =	ssyncset.done $0x0  }
0x248: {  	[sflag:s9] =	ssyncadd.s32 $0xFFFFFF80  }
0x249: {  	_ =	swait.ge [sflag:s9], $0x80  }
0x24a: {  	[sflag:s9] =	ssyncset.done $0x0  }
0x24b: {  	[sflag:s9] =	ssyncadd.s32 $0xFFFFFF80  }
0x24c: {  	_ =	swait.ge [sflag:s9], $0x80  }
0x24d: {  	[sflag:s9] =	ssyncset.done $0x0  }
0x24e: {  	[sflag:s9] =	ssyncadd.s32 $0xFFFFFF80  }
0x24f: {  	_ =	swait.ge [sflag:s9], $0x80  }
0x250: {  	[sflag:s9] =	ssyncset.done $0x0  }
0x251: {  	[sflag:s9] =	ssyncadd.s32 $0xFFFFFF80  }
0x252: {  	_ =	swait.ge [sflag:s9], $0x80  }
0x253: {  	[sflag:s9] =	ssyncset.done $0x0  }
0x254: {  	[sflag:s9] =	ssyncadd.s32 $0xFFFFFF80  }
0x255: {  	_ =	swait.ge [sflag:s9], $0x80  }
0x256: {  	[sflag:s9] =	ssyncset.done $0x0  }
0x257: {  	[sflag:s9] =	ssyncadd.s32 $0xFFFFFF80  }
0x258: {  	_ =	swait.ge [sflag:s9], $0x80  }
0x259: {  	[sflag:s9] =	ssyncset.done $0x0  }
0x25a: {  	[sflag:s9] =	ssyncadd.s32 $0xFFFFFF80  }
0x25b: {  	_ =	swait.ge [sflag:s9], $0x80  }
0x25c: {  	[sflag:s9] =	ssyncset.done $0x0  }
0x25d: {  	[sflag:s9] =	ssyncadd.s32 $0xFFFFFF80  }
0x25e: {  	_ =	swait.ge [sflag:s9], $0x80  }
0x25f: {  	[sflag:s9] =	ssyncset.done $0x0  }
0x260: {  	[sflag:s9] =	ssyncadd.s32 $0xFFFFFF80  }
0x261: {  	_ =	swait.ge [sflag:s9], $0x80  }
0x262: {  	[sflag:s9] =	ssyncset.done $0x0  }
0x263: {  	[sflag:s9] =	ssyncadd.s32 $0xFFFFFF80  }
0x264: {  	_ =	swait.ge [sflag:s9], $0x80  }
0x265: {  	[sflag:s9] =	ssyncset.done $0x0  }
0x266: {  	[sflag:s9] =	ssyncadd.s32 $0xFFFFFF80  }
0x267: {  	_ =	swait.ge [sflag:s9], $0x80  }
0x268: {  	[sflag:s9] =	ssyncset.done $0x0  }
0x269: {  	[sflag:s9] =	ssyncadd.s32 $0xFFFFFF80  }
0x26a: {  	_ =	swait.ge [sflag:s9], $0x80  }
0x26b: {  	[sflag:s9] =	ssyncset.done $0x0  }
0x26c: {  	[sflag:s9] =	ssyncadd.s32 $0xFFFFFF80  }
0x26d: {  	_ =	swait.ge [sflag:s9], $0x80  }
0x26e: {  	[sflag:s9] =	ssyncset.done $0x0  }
0x26f: {  	[sflag:s9] =	ssyncadd.s32 $0xFFFFFF80  }
0x270: {  	_ =	swait.ge [sflag:s9], $0x80  }
0x271: {  	[sflag:s9] =	ssyncset.done $0x0  }
0x272: {  	[sflag:s9] =	ssyncadd.s32 $0xFFFFFF80  }
0x273: {  	_ =	swait.ge [sflag:s9], $0x80  }
0x274: {  	[sflag:s9] =	ssyncset.done $0x0  }
0x275: {  	[sflag:s9] =	ssyncadd.s32 $0xFFFFFF80  }
0x276: {  	_ =	swait.ge [sflag:s9], $0x80  }
0x277: {  	[sflag:s9] =	ssyncset.done $0x0  }
0x278: {  	[sflag:s9] =	ssyncadd.s32 $0xFFFFFF80  }
0x279: {  	_ =	swait.ge [sflag:s9], $0x80  }
0x27a: {  	[sflag:s9] =	ssyncset.done $0x0  }
0x27b: {  	[sflag:s9] =	ssyncadd.s32 $0xFFFFFF80  }
0x27c: {  	_ =	swait.ge [sflag:s9], $0x80  }
0x27d: {  	[sflag:s9] =	ssyncset.done $0x0  }
0x27e: {  	[sflag:s9] =	ssyncadd.s32 $0xFFFFFF80  }
0x27f: {  	v5 =	vld [tilespmem:$0x800]  }
0x280: {  	v6 =	vld [tilespmem:$0x1800]  }
0x281: {  	v7 =	vld [tilespmem:$0x810]  }
0x282: {  	v8 =	vld [tilespmem:$0x1810]  }
0x283: {  	v9 =	vld [tilespmem:$0x880]  }
0x284: {  	v10 =	vld [tilespmem:$0x1880]  }
0x285: {  	v11 =	vld [tilespmem:$0x890]  }
0x286: {  	v12 =	vld [tilespmem:$0x1890]  }
0x287: {  	v13 =	vld [tilespmem:$0x900]  }
0x288: {  	v14 =	vld [tilespmem:$0x1900]  }
0x289: {  	v15 =	vld [tilespmem:$0x910]  }
0x28a: {  	v16 =	vld [tilespmem:$0x1910]  }
0x28b: {  	v17 =	vld [tilespmem:$0x980]  }
0x28c: {  	v18 =	vld [tilespmem:$0x1980]  }
0x28d: {  	v19 =	vld [tilespmem:$0x990]  }
0x28e: {  	v20 =	vld [tilespmem:$0x1990]  }
0x28f: {  	v21 =	vld [tilespmem:$0xA00]  }
0x290: {  	v22 =	vld [tilespmem:$0x1A00]  }
0x291: {  	v23 =	vld [tilespmem:$0xA10]  }
0x292: {  	v24 =	vld [tilespmem:$0x1A10]  }
0x293: {  	v25 =	vld [tilespmem:$0xA80]  }
0x294: {  	v26 =	vld [tilespmem:$0x1A80]  }
0x295: {  	v27 =	vld [tilespmem:$0xA90]  }
0x296: {  	v28 =	vld [tilespmem:$0x1A90]  }
0x297: {  	v29 =	vld [tilespmem:$0xB00]  }
0x298: {  	v30 =	vld [tilespmem:$0x1B00]  }
0x299: {  	v31 =	vld [tilespmem:$0xB10]  }
0x29a: {  	v32 =	vld [tilespmem:$0x1B10]  }
0x29b: {  	v33 =	vld [tilespmem:$0xB80]  }
0x29c: {  	v34 =	vld [tilespmem:$0x1B80]  }
0x29d: {  	v35 =	vld [tilespmem:$0xB90]  }
0x29e: {  	v36 =	vld [tilespmem:$0x1B90]  }
0x29f: {  	v37 =	vld [tilespmem:$0xC00]  }
0x2a0: {  	v38 =	vld [tilespmem:$0x1C00]  }
0x2a1: {  	v39 =	vld [tilespmem:$0xC10]  }
0x2a2: {  	v40 =	vld [tilespmem:$0x1C10]  }
0x2a3: {  	v41 =	vld [tilespmem:$0xC80]  }
0x2a4: {  	v42 =	vld [tilespmem:$0x1C80]  }
0x2a5: {  	v43 =	vld [tilespmem:$0xC90]  }
0x2a6: {  	v44 =	vld [tilespmem:$0x1C90]  }
0x2a7: {  	v45 =	vld [tilespmem:$0xD00]  }
0x2a8: {  	v46 =	vld [tilespmem:$0x1D00]  }
0x2a9: {  	v47 =	vld [tilespmem:$0xD10]  }
0x2aa: {  	v48 =	vld [tilespmem:$0x1D10]  }
0x2ab: {  	v49 =	vld [tilespmem:$0xD80]  }
0x2ac: {  	v50 =	vld [tilespmem:$0x1D80]  }
0x2ad: {  	v51 =	vld [tilespmem:$0xD90]  }
0x2ae: {  	v52 =	vld [tilespmem:$0x1D90];
	v5 =	vmul.f32 v6, v5;
	v6 =	vmul.f32 v8, v7  }
0x2af: {  	v53 =	vld [tilespmem:$0xE00];
	v8 =	vmul.f32 v10, v9;
	v9 =	vmul.f32 v12, v11  }
0x2b0: {  	v54 =	vld [tilespmem:$0x1E00];
	v11 =	vmul.f32 v14, v13;
	v12 =	vmul.f32 v16, v15  }
0x2b1: {  	v55 =	vld [tilespmem:$0xE10];
	v14 =	vmul.f32 v18, v17;
	v15 =	vmul.f32 v20, v19  }
0x2b2: {  	v57 =	vld [tilespmem:$0x1E10];
	v17 =	vmul.f32 v24, v23;
	v28 =	vmul.f32 v28, v27  }
0x2b3: {  	v58 =	vld [tilespmem:$0xE80];
	v32 =	vmul.f32 v32, v31;
	v34 =	vmul.f32 v34, v33  }
0x2b4: {  	v7 =	vld [tilespmem:$0x1E80];
	v35 =	vmul.f32 v36, v35;
	v38 =	vmul.f32 v38, v37  }
0x2b5: {  	v10 =	vld [tilespmem:$0xE90];
	v39 =	vmul.f32 v40, v39;
	v42 =	vmul.f32 v42, v41  }
0x2b6: {  	v13 =	vld [tilespmem:$0x1E90];
	v43 =	vmul.f32 v44, v43;
	v46 =	vmul.f32 v46, v45  }
0x2b7: {  	v16 =	vld [tilespmem:$0xF00];
	v47 =	vmul.f32 v48, v47;
	v50 =	vmul.f32 v50, v49  }
0x2b8: {  	v18 =	vld [tilespmem:$0x1F00];
	v52 =	vmul.f32 v52, v51;
	v53 =	vmul.f32 v54, v53  }
0x2b9: {  	v36 =	vld [tilespmem:$0xF80];
	v54 =	vmul.f32 v57, v55;
	v5 =	vadd.f32 v6, v5;
	v6 =	vmul.f32 v22, v21  }
0x2ba: {  	v40 =	vld [tilespmem:$0x1F80];
	v8 =	vadd.f32 v9, v8;
	v9 =	vmul.f32 v26, v25;
	v11 =	vadd.f32 v12, v11  }
0x2bb: {  	v44 =	vld [tilespmem:$0xF90];
	v12 =	vmul.f32 v30, v29;
	v14 =	vadd.f32 v15, v14;
	v55 =	vadd.f32 v47, v46  }
0x2bc: {  	v48 =	vld [tilespmem:$0x1F90];
	v15 =	vadd.f32 v35, v34;
	v19 =	vadd.f32 v43, v42;
	v29 =	vperm.xlane v5, v56  }
0x2bd: {  	v6 =	vadd.f32 v17, v6;
	v34 =	vperm.xlane v11, v56;
	v35 =	vperm.xlane v55, v56  }
0x2be: {  	v17 =	vadd.f32 v39, v38;
	v39 =	vperm.xlane v8, v56;
	v45 =	vperm.xlane v14, v56  }
0x2bf: {  	v9 =	vadd.f32 v28, v9;
	v47 =	vperm.xlane v15, v56;
	v7 =	vmul.f32 v7, v58  }
0x2c0: {  	v12 =	vadd.f32 v32, v12;
	v10 =	vmul.f32 v13, v10;
	v16 =	vmul.f32 v18, v16  }
0x2c1: {  	v20 =	vld [tilespmem:$0xF10];
	v28 =	vadd.f32 v54, v53;
	v26 =	vmul.f32 v40, v36;
	v27 =	vmul.f32 v48, v44  }
0x2c2: {  	v22 =	vld [tilespmem:$0x1F10];
	v58 =	vadd.f32 v52, v50;
	v40 =	vperm.xlane v19, v56;
	v31 =	vperm.xlane v17, v56  }
0x2c3: {  	v5 =	vadd.f32 v29, v5;
	v32 =	vperm.xlane v6, v56;
	v11 =	vadd.f32 v34, v11  }
0x2c4: {  	v33 =	vperm.xlane v28, v56;
	v13 =	vadd.f32 v35, v55;
	v8 =	vadd.f32 v39, v8  }
0x2c5: {  	v37 =	vperm.xlane v12, v56;
	v49 =	vadd.f32 v45, v14;
	v51 =	vadd.f32 v47, v15  }
0x2c6: {  	v42 =	vperm.xlane v9, v56;
	v7 =	vadd.f32 v10, v7;
	v30 =	vadd.f32 v27, v26  }
0x2c7: {  	v57 =	vmul.f32 v22, v20;
	v43 =	vadd.f32 v40, v19;
	v17 =	vadd.f32 v31, v17  }
0x2c8: {  	v46 =	vperm.xlane v58, v56;
	v6 =	vadd.f32 v32, v6;
	v36 =	vadd.f32 v33, v28  }
0x2c9: {  	v11 =	vsel vm2, v11, v13;
	v10 =	vadd.f32 v37, v12;
	v9 =	vadd.f32 v42, v9  }
0x2ca: {  	v16 =	vadd.f32 v57, v16;
	v44 =	vperm.xlane v7, v56;
	v48 =	vperm.xlane v30, v56  }
0x2cb: {  	v50 =	vadd.f32 v46, v58;
	v8 =	vsel vm2, v8, v43;
	v55 =	vperm.xlane v11, v61  }
0x2cc: {  	v5 =	vsel vm2, v5, v17;
	v6 =	vsel vm2, v6, v36;
	v58 =	vperm.xlane v8, v61  }
0x2cd: {  	v38 =	vperm.xlane v16, v56;
	v7 =	vadd.f32 v44, v7;
	v52 =	vadd.f32 v48, v30  }
0x2ce: {  	v53 =	vperm.xlane v5, v61;
	v54 =	vperm.xlane v6, v61;
	v12 =	vsel vm2, v49, v50  }
0x2cf: {  	v11 =	vadd.f32 v55, v11;
	v21 =	vperm.xlane v12, v61;
	v41 =	vadd.f32 v38, v16  }
0x2d0: {  	v8 =	vadd.f32 v58, v8;
	v7 =	vsel vm2, v9, v7;
	v13 =	vsel vm2, v51, v52  }
0x2d1: {  	v20 =	vperm.xlane v7, v61;
	v22 =	vperm.xlane v13, v61;
	v10 =	vsel vm2, v10, v41  }
0x2d2: {  	v5 =	vadd.f32 v53, v5;
	v6 =	vadd.f32 v54, v6;
	v57 =	vperm.xlane v10, v61  }
0x2d3: {  	v7 =	vadd.f32 v20, v7;
	v23 =	vadd.f32 v22, v13  }
0x2d4: {  	v5 =	vsel vm0, v5, v6;
	v9 =	vadd.f32 v57, v10;
	v10 =	vadd.f32 v21, v12  }
0x2d5: {  	v25 =	vperm.xlane v5, v62;
	v7 =	vsel vm0, v8, v7  }
0x2d6: {  	v27 =	vperm.xlane v7, v62;
	v6 =	vsel vm0, v11, v9;
	v24 =	vsel vm0, v10, v23  }
0x2d7: {  	v26 =	vperm.xlane v6, v62;
	v12 =	vperm.xlane v24, v62  }
0x2d8: {  	v5 =	vadd.f32 v25, v5;
	v7 =	vadd.f32 v27, v7  }
0x2d9: {  	v6 =	vadd.f32 v26, v6;
	v8 =	vadd.f32 v12, v24;
	_ =	sdelay $0x1  }
0x2da: {  	v5 =	vsel vm1, v5, v6;
	v6 =	vsel vm1, v7, v8  }
0x2db: {  	v7 =	vperm.xlane v5, v63;
	v8 =	vperm.xlane v6, v63;
	_ =	sdelay $0x1  }
0x2dc: {  	v5 =	vadd.f32 v7, v5;
	v6 =	vadd.f32 v8, v6;
	_ =	sdelay $0x1  }
0x2dd: {  	v5 =	vsel vm3, v5, v6  }
0x2de: {  	[tilespmem:s13+$0x2800] =	vst v5  }
0x2df: {  	v5 =	vld [tilespmem:$0x1000]  }
0x2e0: {  	v6 =	vld [tilespmem:$0x2000]  }
0x2e1: {  	v7 =	vld [tilespmem:$0x1010]  }
0x2e2: {  	v8 =	vld [tilespmem:$0x2010]  }
0x2e3: {  	v9 =	vld [tilespmem:$0x1080]  }
0x2e4: {  	v10 =	vld [tilespmem:$0x2080]  }
0x2e5: {  	v11 =	vld [tilespmem:$0x1090]  }
0x2e6: {  	v12 =	vld [tilespmem:$0x2090]  }
0x2e7: {  	v13 =	vld [tilespmem:$0x1100]  }
0x2e8: {  	v14 =	vld [tilespmem:$0x2100]  }
0x2e9: {  	v15 =	vld [tilespmem:$0x1110]  }
0x2ea: {  	v16 =	vld [tilespmem:$0x2110]  }
0x2eb: {  	v17 =	vld [tilespmem:$0x1180]  }
0x2ec: {  	v18 =	vld [tilespmem:$0x2180]  }
0x2ed: {  	v19 =	vld [tilespmem:$0x1190]  }
0x2ee: {  	v20 =	vld [tilespmem:$0x2190]  }
0x2ef: {  	v21 =	vld [tilespmem:$0x1200]  }
0x2f0: {  	v22 =	vld [tilespmem:$0x2200]  }
0x2f1: {  	v23 =	vld [tilespmem:$0x1210]  }
0x2f2: {  	v24 =	vld [tilespmem:$0x2210]  }
0x2f3: {  	v25 =	vld [tilespmem:$0x1280]  }
0x2f4: {  	v26 =	vld [tilespmem:$0x2280]  }
0x2f5: {  	v27 =	vld [tilespmem:$0x1290]  }
0x2f6: {  	v28 =	vld [tilespmem:$0x2290]  }
0x2f7: {  	v29 =	vld [tilespmem:$0x1300]  }
0x2f8: {  	v30 =	vld [tilespmem:$0x2300]  }
0x2f9: {  	v31 =	vld [tilespmem:$0x1310]  }
0x2fa: {  	v32 =	vld [tilespmem:$0x2310]  }
0x2fb: {  	v33 =	vld [tilespmem:$0x1380]  }
0x2fc: {  	v34 =	vld [tilespmem:$0x2380]  }
0x2fd: {  	v35 =	vld [tilespmem:$0x1390]  }
0x2fe: {  	v36 =	vld [tilespmem:$0x2390]  }
0x2ff: {  	v37 =	vld [tilespmem:$0x1400]  }
0x300: {  	v38 =	vld [tilespmem:$0x2400]  }
0x301: {  	v39 =	vld [tilespmem:$0x1410]  }
0x302: {  	v40 =	vld [tilespmem:$0x2410]  }
0x303: {  	v41 =	vld [tilespmem:$0x1480]  }
0x304: {  	v42 =	vld [tilespmem:$0x2480]  }
0x305: {  	v43 =	vld [tilespmem:$0x1490]  }
0x306: {  	v44 =	vld [tilespmem:$0x2490]  }
0x307: {  	v45 =	vld [tilespmem:$0x1500]  }
0x308: {  	v46 =	vld [tilespmem:$0x2500]  }
0x309: {  	v47 =	vld [tilespmem:$0x1510]  }
0x30a: {  	v49 =	vld [tilespmem:$0x1580]  }
0x30b: {  	v50 =	vld [tilespmem:$0x2580];
	v5 =	vmul.f32 v6, v5  }
0x30c: {  	v51 =	vld [tilespmem:$0x1590];
	v6 =	vmul.f32 v8, v7;
	v8 =	vmul.f32 v10, v9  }
0x30d: {  	v52 =	vld [tilespmem:$0x2590];
	v9 =	vmul.f32 v12, v11;
	v11 =	vmul.f32 v14, v13  }
0x30e: {  	v48 =	vld [tilespmem:$0x2510];
	v12 =	vmul.f32 v16, v15;
	v14 =	vmul.f32 v18, v17  }
0x30f: {  	v53 =	vld [tilespmem:$0x1600];
	v15 =	vmul.f32 v20, v19;
	v17 =	vmul.f32 v24, v23  }
0x310: {  	v54 =	vld [tilespmem:$0x2600];
	v28 =	vmul.f32 v28, v27;
	v32 =	vmul.f32 v32, v31  }
0x311: {  	v55 =	vld [tilespmem:$0x1610];
	v19 =	vmul.f32 v42, v41;
	v41 =	vmul.f32 v50, v49  }
0x312: {  	v57 =	vld [tilespmem:$0x2610];
	v42 =	vmul.f32 v52, v51;
	v5 =	vadd.f32 v6, v5;
	v6 =	vmul.f32 v22, v21  }
0x313: {  	v58 =	vld [tilespmem:$0x1680];
	v8 =	vadd.f32 v9, v8;
	v9 =	vmul.f32 v26, v25;
	v11 =	vadd.f32 v12, v11  }
0x314: {  	v7 =	vld [tilespmem:$0x2680];
	v12 =	vmul.f32 v30, v29;
	v14 =	vadd.f32 v15, v14;
	v15 =	vmul.f32 v34, v33  }
0x315: {  	v10 =	vld [tilespmem:$0x1690];
	v33 =	vmul.f32 v36, v35;
	v34 =	vmul.f32 v38, v37  }
0x316: {  	v13 =	vld [tilespmem:$0x2690];
	v35 =	vmul.f32 v40, v39;
	v36 =	vmul.f32 v44, v43  }
0x317: {  	v16 =	vld [tilespmem:$0x1700];
	v38 =	vmul.f32 v46, v45;
	v39 =	vmul.f32 v48, v47;
	v47 =	vadd.f32 v42, v41  }
0x318: {  	v18 =	vld [tilespmem:$0x2700];
	v43 =	vmul.f32 v54, v53;
	v6 =	vadd.f32 v17, v6;
	v9 =	vadd.f32 v28, v9  }
0x319: {  	v44 =	vmul.f32 v57, v55;
	v12 =	vadd.f32 v32, v12;
	v15 =	vadd.f32 v33, v15  }
0x31a: {  	v20 =	vld [tilespmem:$0x1710];
	v17 =	vadd.f32 v35, v34;
	v51 =	vperm.xlane v5, v56;
	v57 =	vperm.xlane v11, v56  }
0x31b: {  	v24 =	vld [tilespmem:$0x1780];
	v45 =	vadd.f32 v39, v38;
	v31 =	vperm.xlane v8, v56;
	v38 =	vperm.xlane v47, v56  }
0x31c: {  	v22 =	vld [tilespmem:$0x2710];
	v50 =	vadd.f32 v44, v43;
	v7 =	vmul.f32 v7, v58;
	v10 =	vmul.f32 v13, v10  }
0x31d: {  	v26 =	vld [tilespmem:$0x2780];
	v19 =	vadd.f32 v36, v19;
	v16 =	vmul.f32 v18, v16;
	v53 =	vperm.xlane v17, v56  }
0x31e: {  	v37 =	vld [tilespmem:$0x1790];
	v5 =	vadd.f32 v51, v5;
	v54 =	vperm.xlane v6, v56;
	v55 =	vperm.xlane v50, v56  }
0x31f: {  	v40 =	vld [tilespmem:$0x2790];
	v58 =	vperm.xlane v45, v56;
	v11 =	vadd.f32 v57, v11;
	v29 =	vperm.xlane v12, v56  }
0x320: {  	v32 =	vperm.xlane v19, v56;
	v34 =	vperm.xlane v9, v56;
	v8 =	vadd.f32 v31, v8  }
0x321: {  	v39 =	vperm.xlane v15, v56;
	v42 =	vadd.f32 v38, v47;
	v7 =	vadd.f32 v10, v7  }
0x322: {  	v46 =	vmul.f32 v22, v20;
	v17 =	vadd.f32 v53, v17;
	v6 =	vadd.f32 v54, v6  }
0x323: {  	v48 =	vmul.f32 v26, v24;
	v28 =	vadd.f32 v55, v50;
	v13 =	vadd.f32 v58, v45  }
0x324: {  	v49 =	vmul.f32 v40, v37;
	v10 =	vadd.f32 v29, v12;
	v35 =	vadd.f32 v32, v19  }
0x325: {  	v37 =	vperm.xlane v14, v56;
	v9 =	vadd.f32 v34, v9;
	v43 =	vadd.f32 v39, v15  }
0x326: {  	v16 =	vadd.f32 v46, v16;
	v52 =	vadd.f32 v49, v48  }
0x327: {  	v36 =	vperm.xlane v7, v56;
	v41 =	vadd.f32 v37, v14;
	v5 =	vsel vm2, v5, v17  }
0x328: {  	v6 =	vsel vm2, v6, v28;
	v11 =	vsel vm2, v11, v13;
	v8 =	vsel vm2, v8, v35  }
0x329: {  	v30 =	vperm.xlane v16, v56;
	v7 =	vadd.f32 v36, v7;
	v40 =	vperm.xlane v52, v56  }
0x32a: {  	v45 =	vperm.xlane v5, v61;
	v46 =	vperm.xlane v6, v61;
	v12 =	vsel vm2, v41, v42  }
0x32b: {  	v47 =	vperm.xlane v11, v61;
	v49 =	vperm.xlane v8, v61;
	v33 =	vadd.f32 v30, v16  }
0x32c: {  	v51 =	vperm.xlane v12, v61;
	v44 =	vadd.f32 v40, v52;
	v7 =	vsel vm2, v9, v7  }
0x32d: {  	v5 =	vadd.f32 v45, v5;
	v6 =	vadd.f32 v46, v6;
	v10 =	vsel vm2, v10, v33  }
0x32e: {  	v50 =	vperm.xlane v7, v61;
	v13 =	vsel vm2, v43, v44;
	v48 =	vperm.xlane v10, v61  }
0x32f: {  	v11 =	vadd.f32 v47, v11;
	v8 =	vadd.f32 v49, v8;
	v52 =	vperm.xlane v13, v61  }
0x330: {  	v7 =	vadd.f32 v50, v7;
	v9 =	vadd.f32 v48, v10  }
0x331: {  	v5 =	vsel vm0, v5, v6;
	v10 =	vadd.f32 v51, v12;
	v53 =	vadd.f32 v52, v13  }
0x332: {  	v55 =	vperm.xlane v5, v62;
	v7 =	vsel vm0, v8, v7  }
0x333: {  	v58 =	vperm.xlane v7, v62;
	v6 =	vsel vm0, v11, v9;
	v54 =	vsel vm0, v10, v53  }
0x334: {  	v57 =	vperm.xlane v6, v62;
	v12 =	vperm.xlane v54, v62  }
0x335: {  	v5 =	vadd.f32 v55, v5;
	v7 =	vadd.f32 v58, v7  }
0x336: {  	v6 =	vadd.f32 v57, v6;
	v8 =	vadd.f32 v12, v54;
	_ =	sdelay $0x1  }
0x337: {  	v5 =	vsel vm1, v5, v6;
	v6 =	vsel vm1, v7, v8  }
0x338: {  	p0 =	sne.s32 s12, $0x780;
	v7 =	vperm.xlane v5, v63;
	v8 =	vperm.xlane v6, v63  }
.Ltmp0:
0x339: {  	_ = 	snop;
	(pc) =	sbr.rel @p0 .LBB2_2-.Ltmp0, $3  }
0x33a: {  	v5 =	vadd.f32 v7, v5;
	v6 =	vadd.f32 v8, v6;
	_ =	sdelay $0x1  }
0x33b: {  	v5 =	vsel vm3, v5, v6  }
0x33c: {  	s12 =	sadd.s32 $0x80, s12;
	[tilespmem:s13+$0x2810] =	vst v5  }
0x33d: {  	s11 =	sadd.s32 $0x1, s11  }
0x33e: {  	p0 =	sne.s32 s11, s7  }
.Ltmp1:
0x33f: {  	_ = 	snop;
	(pc) =	sbr.rel @p0 .LBB2_1-.Ltmp1, $4  }
0x340: {  	[hbm4b:s6+s1] =	stream.linear.scatter [tilespmem:s10], [sflag:$0x2], $0x200, $0x38;
	[tilespmem:$0x2A00] =	vst v63  }
0x341: {  	_ =	swait.ge [sflag:s8], $0x200  }
0x342: {  	[sflag:s8] =	ssyncset.done $0x0  }
0x343: {  	[sflag:s8] =	ssyncadd.s32 $0xFFFFFE00  }
0x344: {  	_ =	sfence.sel $0x180000  }
0x345: {  	[bflag:$0x0] =	sbarrier.arrive $0xFFFF  }
0x346: {  	p0 =	sne.s32 s2, $0x0;
	_ =	strace $0x90000047  }
0x347: {  	s0 =	sadd.s32 @!p0 $0x100000, s0;
	[bflag:$0x2] =	sbarrier.arrive $0xFFFF  }
0x348: {  	[sflag:s0] =	ssyncadd.tile.s32 @!p0 $0x1;
	_ =	shalt  }
.Lfunc_end2:
_tile_overlayer_lowered:
.L_overlay_start_2:
0x349: {  	(tag) =	ssettag $0x2  }
0x34a: {  	s0 =	rddreg [dreg:$0x0];
	s2 =	stileid.u32  }
0x34b: {  	s1 =	rddreg [dreg:$0x1];
	p0 =	sne.s32 s2, $0x0  }
0x34c: {  	s3 =	rddreg [dreg:$0x2];
	[bflag:$0x3] =	sbarrier.arrive $0xFFFF;
	s2 =	simm.s32 @!p0 $0x1C02  }
0x34d: {  	[timem:s3], [sflag:s2] =	dma.local @!p0 [hbm:s0], s1  }
0x34e: {  	s0 =	simm.s32 @!p0 $0x2  }
0x34f: {  	_ =	swait.ge @!p0 [sflag:s0], s1  }
0x350: {  	s1 =	ssub.s32 @!p0 $0x0, s1;
	[sflag:s0] =	ssyncset.done @!p0 $0x0  }
0x351: {  	[sflag:s0] =	ssyncadd.s32 @!p0 s1  }
0x352: {  	[bflag:$0x3] =	sbarrier.arrive $0xFFFF  }
0x353: {  	_ =	shalt  }

</sc_bundles>
